<compile_context>
chip_gen: v7x
topology: tpu7x:2x2x1
jax: 0.10.2.dev20260603
libtpu: 0.0.44.dev20260713+nightly
codegen_flags: <defaults>
</compile_context>

<pallas_src>
import functools

import jax
import jax.numpy as jnp
from jax.experimental import pallas as pl
from jax.experimental.pallas import tpu as pltpu

_N = 50000
_T = 14
_IN = 16
_LH = 64
_HEADS = 4
_CH = 16

_BN = 2000


def _lstm_body(x_ref, wih_ref, whh_ref, b_ref, h_ref):
    x = x_ref[...]
    wih = wih_ref[...]
    whh = whh_ref[...]
    b = b_ref[...]
    h = jnp.zeros((_BN, _LH), jnp.float32)
    c = jnp.zeros((_BN, _LH), jnp.float32)
    for t in range(_T):
        xt = x[:, t * _IN:(t + 1) * _IN]
        gates = (jnp.dot(xt, wih, preferred_element_type=jnp.float32)
                 + jnp.dot(h, whh, preferred_element_type=jnp.float32) + b)
        i = jax.nn.sigmoid(gates[:, :_LH])
        f = jax.nn.sigmoid(gates[:, _LH:2 * _LH])
        g = jnp.tanh(gates[:, 2 * _LH:3 * _LH])
        o = jax.nn.sigmoid(gates[:, 3 * _LH:])
        c = f * c + i * g
        h = o * jnp.tanh(c)
    h_ref[...] = h


def _lstm(x2d, wih_t, whh_t, b):
    return pl.pallas_call(
        _lstm_body,
        grid=(_N // _BN,),
        in_specs=[
            pl.BlockSpec((_BN, _T * _IN), lambda i: (i, 0)),
            pl.BlockSpec((_IN, 4 * _LH), lambda i: (0, 0)),
            pl.BlockSpec((_LH, 4 * _LH), lambda i: (0, 0)),
            pl.BlockSpec((1, 4 * _LH), lambda i: (0, 0)),
        ],
        out_specs=pl.BlockSpec((_BN, _LH), lambda i: (i, 0)),
        out_shape=jax.ShapeDtypeStruct((_N, _LH), jnp.float32),
    )(x2d, wih_t, whh_t, b)


def _gat_xla(x, src, dst, W, att_src, att_dst, bias):
    n = x.shape[0]
    xp = (x @ W).reshape(n, _HEADS, _CH)
    a_src = jnp.sum(xp * att_src[None], axis=-1)
    a_dst = jnp.sum(xp * att_dst[None], axis=-1)
    alpha = a_src[src] + a_dst[dst]
    alpha = jax.nn.leaky_relu(alpha, negative_slope=0.2)
    amax = jax.ops.segment_max(alpha, dst, num_segments=n)
    amax = jnp.where(jnp.isfinite(amax), amax, 0.0)
    ex = jnp.exp(alpha - amax[dst])
    denom = jax.ops.segment_sum(ex, dst, num_segments=n)
    coef = ex / (denom[dst] + 1e-16)
    msg = xp[src] * coef[:, :, None]
    out = jax.ops.segment_sum(msg, dst, num_segments=n)
    return out.reshape(n, _HEADS * _CH) + bias


def kernel(x_win, edge_index, W_ih, W_hh, b_ih, b_hh, W1, att_src1,
           att_dst1, b1, W2, att_src2, att_dst2, b2, W_head, b_head):
    x2d = x_win.reshape(_N, _T * _IN)
    b = (b_ih + b_hh).reshape(1, 4 * _LH)
    node_embed = _lstm(x2d, W_ih.T, W_hh.T, b)
    loop = jnp.arange(_N, dtype=edge_index.dtype)
    src = jnp.concatenate([edge_index[0], loop])
    dst = jnp.concatenate([edge_index[1], loop])
    h = jax.nn.elu(_gat_xla(node_embed, src, dst, W1, att_src1, att_dst1, b1))
    h = jax.nn.elu(_gat_xla(h, src, dst, W2, att_src2, att_dst2, b2))
    return h @ W_head.T + b_head

# --- scband reference (transcript-rebuilt; emitter-appended) ---
"""Pipeline reference for scband-graph-lstm-mtl-70007966925239 (READ-ONLY COPY).

The authoritative reference and input builder live on the scoring server;
editing this copy changes nothing except your own understanding.
"""

import jax, jax.numpy as jnp
import numpy as np

N = 50000
T = 14
IN_DIM = 16
LH = 64
GH = 64
HEADS = 4
CH = GH // HEADS
OUT = 2
E = 800000


def setup_inputs(seed: int = 0):
    key = jax.random.key(seed)
    ks = jax.random.split(key, 16)
    s = 0.1
    inp = {}
    inp["x_win"] = jax.random.normal(ks[0], (N, T, IN_DIM), dtype=jnp.float32)
    inp["edge_index"] = jax.random.randint(ks[1], (2, E), 0, N, dtype=jnp.int32)
    inp["W_ih"] = jax.random.normal(ks[2], (4 * LH, IN_DIM), dtype=jnp.float32) * s
    inp["W_hh"] = jax.random.normal(ks[3], (4 * LH, LH), dtype=jnp.float32) * s
    inp["b_ih"] = jnp.zeros((4 * LH,), dtype=jnp.float32)
    inp["b_hh"] = jnp.zeros((4 * LH,), dtype=jnp.float32)
    inp["W1"] = jax.random.normal(ks[4], (LH, HEADS * CH), dtype=jnp.float32) * s
    inp["att_src1"] = jax.random.normal(ks[5], (HEADS, CH), dtype=jnp.float32) * s
    inp["att_dst1"] = jax.random.normal(ks[6], (HEADS, CH), dtype=jnp.float32) * s
    inp["b1"] = jnp.zeros((HEADS * CH,), dtype=jnp.float32)
    inp["W2"] = jax.random.normal(ks[7], (GH, HEADS * CH), dtype=jnp.float32) * s
    inp["att_src2"] = jax.random.normal(ks[8], (HEADS, CH), dtype=jnp.float32) * s
    inp["att_dst2"] = jax.random.normal(ks[9], (HEADS, CH), dtype=jnp.float32) * s
    inp["b2"] = jnp.zeros((HEADS * CH,), dtype=jnp.float32)
    inp["W_head"] = jax.random.normal(ks[10], (OUT, GH), dtype=jnp.float32) * s
    inp["b_head"] = jnp.zeros((OUT,), dtype=jnp.float32)
    return inp


def _lstm_last(x, W_ih, W_hh, b_ih, b_hh):
    n = x.shape[0]
    h0 = jnp.zeros((n, LH), dtype=x.dtype)
    c0 = jnp.zeros((n, LH), dtype=x.dtype)

    def step(carry, xt):
        h, c = carry
        gates = xt @ W_ih.T + h @ W_hh.T + b_ih + b_hh
        i, f, g, o = jnp.split(gates, 4, axis=-1)
        i = jax.nn.sigmoid(i)
        f = jax.nn.sigmoid(f)
        g = jnp.tanh(g)
        o = jax.nn.sigmoid(o)
        c = f * c + i * g
        h = o * jnp.tanh(c)
        return (h, c), None

    (h, c), _ = jax.lax.scan(step, (h0, c0), jnp.swapaxes(x, 0, 1))
    return h


def _gat(x, src, dst, W, att_src, att_dst, bias):
    n = x.shape[0]
    xp = (x @ W).reshape(n, HEADS, CH)
    a_src = jnp.sum(xp * att_src[None], axis=-1)
    a_dst = jnp.sum(xp * att_dst[None], axis=-1)
    alpha = a_src[src] + a_dst[dst]
    alpha = jax.nn.leaky_relu(alpha, negative_slope=0.2)
    amax = jax.ops.segment_max(alpha, dst, num_segments=n)
    amax = jnp.where(jnp.isfinite(amax), amax, 0.0)
    ex = jnp.exp(alpha - amax[dst])
    denom = jax.ops.segment_sum(ex, dst, num_segments=n)
    coef = ex / (denom[dst] + 1e-16)
    msg = xp[src] * coef[:, :, None]
    out = jax.ops.segment_sum(msg, dst, num_segments=n)
    return out.reshape(n, HEADS * CH) + bias


def reference(x_win, edge_index, W_ih, W_hh, b_ih, b_hh, W1, att_src1, att_dst1, b1, W2, att_src2, att_dst2, b2, W_head, b_head):
    n = x_win.shape[0]
    loop = jnp.arange(n, dtype=edge_index.dtype)
    src = jnp.concatenate([edge_index[0], loop])
    dst = jnp.concatenate([edge_index[1], loop])
    node_embed = _lstm_last(x_win, W_ih, W_hh, b_ih, b_hh)
    h = jax.nn.elu(_gat(node_embed, src, dst, W1, att_src1, att_dst1, b1))
    h = jax.nn.elu(_gat(h, src, dst, W2, att_src2, att_dst2, b2))
    yhat = h @ W_head.T + b_head
    return yhat

if __name__ == "__main__":
    import jax
    _d = setup_inputs()
    print(jax.jit(kernel)(*tuple(_d.values())))

</pallas_src>

<mosaic_0001>
module attributes {stable_mosaic.version = 14 : i64} {
  func.func @_lstm_body(%arg0: i32, %arg1: memref<2000x224xf32, #tpu.memory_space<vmem>>, %arg2: memref<16x256xf32, #tpu.memory_space<vmem>>, %arg3: memref<64x256xf32, #tpu.memory_space<vmem>>, %arg4: memref<1x256xf32, #tpu.memory_space<vmem>>, %arg5: memref<2000x64xf32, #tpu.memory_space<vmem>>) attributes {dimension_semantics = [#tpu.dimension_semantics<arbitrary>], iteration_bounds = array<i64: 25>, scalar_prefetch = 0 : i64, scratch_operands = 0 : i64, tpu.core_type = #tpu.core_type<tc>, window_params = [{transform_indices = @transform_0, window_bounds = array<i64: 2000, 224>}, {pipeline_mode = #tpu.pipeline_mode<synchronous>, transform_indices = @transform_1, window_bounds = array<i64: 16, 256>}, {pipeline_mode = #tpu.pipeline_mode<synchronous>, transform_indices = @transform_2, window_bounds = array<i64: 64, 256>}, {pipeline_mode = #tpu.pipeline_mode<synchronous>, transform_indices = @transform_3, window_bounds = array<i64: 1, 256>}, {transform_indices = @transform_4, window_bounds = array<i64: 2000, 64>}]} {
    %get3A = arith.constant 0 : index
    %get3A_0 = arith.constant 0 : index
    %get3A_1 = vector.load %arg1[%get3A, %get3A_0] : memref<2000x224xf32, #tpu.memory_space<vmem>>, vector<2000x224xf32>
    %get3A_2 = arith.constant 0 : index
    %get3A_3 = arith.constant 0 : index
    %get3A_4 = vector.load %arg2[%get3A_2, %get3A_3] : memref<16x256xf32, #tpu.memory_space<vmem>>, vector<16x256xf32>
    %get3A_5 = arith.constant 0 : index
    %get3A_6 = arith.constant 0 : index
    %get3A_7 = vector.load %arg3[%get3A_5, %get3A_6] : memref<64x256xf32, #tpu.memory_space<vmem>>, vector<64x256xf32>
    %get3A_8 = arith.constant 0 : index
    %get3A_9 = arith.constant 0 : index
    %get3A_10 = vector.load %arg4[%get3A_8, %get3A_9] : memref<1x256xf32, #tpu.memory_space<vmem>>, vector<1x256xf32>
    %broadcast_in_dim3A = arith.constant 0.000000e+00 : f32
    %broadcast_in_dim3A_11 = vector.broadcast %broadcast_in_dim3A : f32 to vector<2000x64xf32>
    %broadcast_in_dim3A_12 = arith.constant 0.000000e+00 : f32
    %broadcast_in_dim3A_13 = vector.broadcast %broadcast_in_dim3A_12 : f32 to vector<2000x64xf32>
    %slice3A = vector.extract_strided_slice %get3A_1 {offsets = [0, 0], sizes = [2000, 16], strides = [1, 1]} : vector<2000x224xf32> to vector<2000x16xf32>
    %dot_general3A = arith.constant dense<0.000000e+00> : vector<2000x256xf32>
    %dot_general3A_14 = tpu.matmul %slice3A, %get3A_4, %dot_general3A {dimension_numbers = #tpu.dot_dimension_numbers<[1], [0], [0], [1], [0, 0, 1, 1], [], []>, transpose_lhs_hint = false} : vector<2000x16xf32>, vector<16x256xf32>, vector<2000x256xf32> -> vector<2000x256xf32>
    %dot_general3A_15 = arith.constant dense<0.000000e+00> : vector<2000x256xf32>
    %dot_general3A_16 = tpu.matmul %broadcast_in_dim3A_11, %get3A_7, %dot_general3A_15 {dimension_numbers = #tpu.dot_dimension_numbers<[1], [0], [0], [1], [0, 0, 1, 1], [], []>, transpose_lhs_hint = false} : vector<2000x64xf32>, vector<64x256xf32>, vector<2000x256xf32> -> vector<2000x256xf32>
    %add3A = arith.addf %dot_general3A_14, %dot_general3A_16 : vector<2000x256xf32>
    %add3A_17 = vector.broadcast %get3A_10 : vector<1x256xf32> to vector<2000x256xf32>
    %add3A_18 = arith.addf %add3A, %add3A_17 : vector<2000x256xf32>
    %slice3A_19 = vector.extract_strided_slice %add3A_18 {offsets = [0, 0], sizes = [2000, 64], strides = [1, 1]} : vector<2000x256xf32> to vector<2000x64xf32>
    %logistic3A = arith.negf %slice3A_19 : vector<2000x64xf32>
    %logistic3A_20 = math.exp %logistic3A : vector<2000x64xf32>
    %logistic3A_21 = arith.constant 1.000000e+00 : f32
    %logistic3A_22 = vector.broadcast %logistic3A_21 : f32 to vector<2000x64xf32>
    %logistic3A_23 = arith.addf %logistic3A_22, %logistic3A_20 : vector<2000x64xf32>
    %logistic3A_24 = arith.divf %logistic3A_22, %logistic3A_23 : vector<2000x64xf32>
    %slice3A_25 = vector.extract_strided_slice %add3A_18 {offsets = [0, 64], sizes = [2000, 64], strides = [1, 1]} : vector<2000x256xf32> to vector<2000x64xf32>
    %logistic3A_26 = arith.negf %slice3A_25 : vector<2000x64xf32>
    %logistic3A_27 = math.exp %logistic3A_26 : vector<2000x64xf32>
    %logistic3A_28 = arith.constant 1.000000e+00 : f32
    %logistic3A_29 = vector.broadcast %logistic3A_28 : f32 to vector<2000x64xf32>
    %logistic3A_30 = arith.addf %logistic3A_29, %logistic3A_27 : vector<2000x64xf32>
    %logistic3A_31 = arith.divf %logistic3A_29, %logistic3A_30 : vector<2000x64xf32>
    %slice3A_32 = vector.extract_strided_slice %add3A_18 {offsets = [0, 128], sizes = [2000, 64], strides = [1, 1]} : vector<2000x256xf32> to vector<2000x64xf32>
    %tanh3A = math.tanh %slice3A_32 : vector<2000x64xf32>
    %slice3A_33 = vector.extract_strided_slice %add3A_18 {offsets = [0, 192], sizes = [2000, 64], strides = [1, 1]} : vector<2000x256xf32> to vector<2000x64xf32>
    %logistic3A_34 = arith.negf %slice3A_33 : vector<2000x64xf32>
    %logistic3A_35 = math.exp %logistic3A_34 : vector<2000x64xf32>
    %logistic3A_36 = arith.constant 1.000000e+00 : f32
    %logistic3A_37 = vector.broadcast %logistic3A_36 : f32 to vector<2000x64xf32>
    %logistic3A_38 = arith.addf %logistic3A_37, %logistic3A_35 : vector<2000x64xf32>
    %logistic3A_39 = arith.divf %logistic3A_37, %logistic3A_38 : vector<2000x64xf32>
    %mul3A = arith.mulf %logistic3A_31, %broadcast_in_dim3A_13 : vector<2000x64xf32>
    %mul3A_40 = arith.mulf %logistic3A_24, %tanh3A : vector<2000x64xf32>
    %add3A_41 = arith.addf %mul3A, %mul3A_40 : vector<2000x64xf32>
    %tanh3A_42 = math.tanh %add3A_41 : vector<2000x64xf32>
    %mul3A_43 = arith.mulf %logistic3A_39, %tanh3A_42 : vector<2000x64xf32>
    %slice3A_44 = vector.extract_strided_slice %get3A_1 {offsets = [0, 16], sizes = [2000, 16], strides = [1, 1]} : vector<2000x224xf32> to vector<2000x16xf32>
    %dot_general3A_45 = arith.constant dense<0.000000e+00> : vector<2000x256xf32>
    %dot_general3A_46 = tpu.matmul %slice3A_44, %get3A_4, %dot_general3A_45 {dimension_numbers = #tpu.dot_dimension_numbers<[1], [0], [0], [1], [0, 0, 1, 1], [], []>, transpose_lhs_hint = false} : vector<2000x16xf32>, vector<16x256xf32>, vector<2000x256xf32> -> vector<2000x256xf32>
    %dot_general3A_47 = arith.constant dense<0.000000e+00> : vector<2000x256xf32>
    %dot_general3A_48 = tpu.matmul %mul3A_43, %get3A_7, %dot_general3A_47 {dimension_numbers = #tpu.dot_dimension_numbers<[1], [0], [0], [1], [0, 0, 1, 1], [], []>, transpose_lhs_hint = false} : vector<2000x64xf32>, vector<64x256xf32>, vector<2000x256xf32> -> vector<2000x256xf32>
    %add3A_49 = arith.addf %dot_general3A_46, %dot_general3A_48 : vector<2000x256xf32>
    %add3A_50 = vector.broadcast %get3A_10 : vector<1x256xf32> to vector<2000x256xf32>
    %add3A_51 = arith.addf %add3A_49, %add3A_50 : vector<2000x256xf32>
    %slice3A_52 = vector.extract_strided_slice %add3A_51 {offsets = [0, 0], sizes = [2000, 64], strides = [1, 1]} : vector<2000x256xf32> to vector<2000x64xf32>
    %logistic3A_53 = arith.negf %slice3A_52 : vector<2000x64xf32>
    %logistic3A_54 = math.exp %logistic3A_53 : vector<2000x64xf32>
    %logistic3A_55 = arith.constant 1.000000e+00 : f32
    %logistic3A_56 = vector.broadcast %logistic3A_55 : f32 to vector<2000x64xf32>
    %logistic3A_57 = arith.addf %logistic3A_56, %logistic3A_54 : vector<2000x64xf32>
    %logistic3A_58 = arith.divf %logistic3A_56, %logistic3A_57 : vector<2000x64xf32>
    %slice3A_59 = vector.extract_strided_slice %add3A_51 {offsets = [0, 64], sizes = [2000, 64], strides = [1, 1]} : vector<2000x256xf32> to vector<2000x64xf32>
    %logistic3A_60 = arith.negf %slice3A_59 : vector<2000x64xf32>
    %logistic3A_61 = math.exp %logistic3A_60 : vector<2000x64xf32>
    %logistic3A_62 = arith.constant 1.000000e+00 : f32
    %logistic3A_63 = vector.broadcast %logistic3A_62 : f32 to vector<2000x64xf32>
    %logistic3A_64 = arith.addf %logistic3A_63, %logistic3A_61 : vector<2000x64xf32>
    %logistic3A_65 = arith.divf %logistic3A_63, %logistic3A_64 : vector<2000x64xf32>
    %slice3A_66 = vector.extract_strided_slice %add3A_51 {offsets = [0, 128], sizes = [2000, 64], strides = [1, 1]} : vector<2000x256xf32> to vector<2000x64xf32>
    %tanh3A_67 = math.tanh %slice3A_66 : vector<2000x64xf32>
    %slice3A_68 = vector.extract_strided_slice %add3A_51 {offsets = [0, 192], sizes = [2000, 64], strides = [1, 1]} : vector<2000x256xf32> to vector<2000x64xf32>
    %logistic3A_69 = arith.negf %slice3A_68 : vector<2000x64xf32>
    %logistic3A_70 = math.exp %logistic3A_69 : vector<2000x64xf32>
    %logistic3A_71 = arith.constant 1.000000e+00 : f32
    %logistic3A_72 = vector.broadcast %logistic3A_71 : f32 to vector<2000x64xf32>
    %logistic3A_73 = arith.addf %logistic3A_72, %logistic3A_70 : vector<2000x64xf32>
    %logistic3A_74 = arith.divf %logistic3A_72, %logistic3A_73 : vector<2000x64xf32>
    %mul3A_75 = arith.mulf %logistic3A_65, %add3A_41 : vector<2000x64xf32>
    %mul3A_76 = arith.mulf %logistic3A_58, %tanh3A_67 : vector<2000x64xf32>
    %add3A_77 = arith.addf %mul3A_75, %mul3A_76 : vector<2000x64xf32>
    %tanh3A_78 = math.tanh %add3A_77 : vector<2000x64xf32>
    %mul3A_79 = arith.mulf %logistic3A_74, %tanh3A_78 : vector<2000x64xf32>
    %slice3A_80 = vector.extract_strided_slice %get3A_1 {offsets = [0, 32], sizes = [2000, 16], strides = [1, 1]} : vector<2000x224xf32> to vector<2000x16xf32>
    %dot_general3A_81 = arith.constant dense<0.000000e+00> : vector<2000x256xf32>
    %dot_general3A_82 = tpu.matmul %slice3A_80, %get3A_4, %dot_general3A_81 {dimension_numbers = #tpu.dot_dimension_numbers<[1], [0], [0], [1], [0, 0, 1, 1], [], []>, transpose_lhs_hint = false} : vector<2000x16xf32>, vector<16x256xf32>, vector<2000x256xf32> -> vector<2000x256xf32>
    %dot_general3A_83 = arith.constant dense<0.000000e+00> : vector<2000x256xf32>
    %dot_general3A_84 = tpu.matmul %mul3A_79, %get3A_7, %dot_general3A_83 {dimension_numbers = #tpu.dot_dimension_numbers<[1], [0], [0], [1], [0, 0, 1, 1], [], []>, transpose_lhs_hint = false} : vector<2000x64xf32>, vector<64x256xf32>, vector<2000x256xf32> -> vector<2000x256xf32>
    %add3A_85 = arith.addf %dot_general3A_82, %dot_general3A_84 : vector<2000x256xf32>
    %add3A_86 = vector.broadcast %get3A_10 : vector<1x256xf32> to vector<2000x256xf32>
    %add3A_87 = arith.addf %add3A_85, %add3A_86 : vector<2000x256xf32>
    %slice3A_88 = vector.extract_strided_slice %add3A_87 {offsets = [0, 0], sizes = [2000, 64], strides = [1, 1]} : vector<2000x256xf32> to vector<2000x64xf32>
    %logistic3A_89 = arith.negf %slice3A_88 : vector<2000x64xf32>
    %logistic3A_90 = math.exp %logistic3A_89 : vector<2000x64xf32>
    %logistic3A_91 = arith.constant 1.000000e+00 : f32
    %logistic3A_92 = vector.broadcast %logistic3A_91 : f32 to vector<2000x64xf32>
    %logistic3A_93 = arith.addf %logistic3A_92, %logistic3A_90 : vector<2000x64xf32>
    %logistic3A_94 = arith.divf %logistic3A_92, %logistic3A_93 : vector<2000x64xf32>
    %slice3A_95 = vector.extract_strided_slice %add3A_87 {offsets = [0, 64], sizes = [2000, 64], strides = [1, 1]} : vector<2000x256xf32> to vector<2000x64xf32>
    %logistic3A_96 = arith.negf %slice3A_95 : vector<2000x64xf32>
    %logistic3A_97 = math.exp %logistic3A_96 : vector<2000x64xf32>
    %logistic3A_98 = arith.constant 1.000000e+00 : f32
    %logistic3A_99 = vector.broadcast %logistic3A_98 : f32 to vector<2000x64xf32>
    %logistic3A_100 = arith.addf %logistic3A_99, %logistic3A_97 : vector<2000x64xf32>
    %logistic3A_101 = arith.divf %logistic3A_99, %logistic3A_100 : vector<2000x64xf32>
    %slice3A_102 = vector.extract_strided_slice %add3A_87 {offsets = [0, 128], sizes = [2000, 64], strides = [1, 1]} : vector<2000x256xf32> to vector<2000x64xf32>
    %tanh3A_103 = math.tanh %slice3A_102 : vector<2000x64xf32>
    %slice3A_104 = vector.extract_strided_slice %add3A_87 {offsets = [0, 192], sizes = [2000, 64], strides = [1, 1]} : vector<2000x256xf32> to vector<2000x64xf32>
    %logistic3A_105 = arith.negf %slice3A_104 : vector<2000x64xf32>
    %logistic3A_106 = math.exp %logistic3A_105 : vector<2000x64xf32>
    %logistic3A_107 = arith.constant 1.000000e+00 : f32
    %logistic3A_108 = vector.broadcast %logistic3A_107 : f32 to vector<2000x64xf32>
    %logistic3A_109 = arith.addf %logistic3A_108, %logistic3A_106 : vector<2000x64xf32>
    %logistic3A_110 = arith.divf %logistic3A_108, %logistic3A_109 : vector<2000x64xf32>
    %mul3A_111 = arith.mulf %logistic3A_101, %add3A_77 : vector<2000x64xf32>
    %mul3A_112 = arith.mulf %logistic3A_94, %tanh3A_103 : vector<2000x64xf32>
    %add3A_113 = arith.addf %mul3A_111, %mul3A_112 : vector<2000x64xf32>
    %tanh3A_114 = math.tanh %add3A_113 : vector<2000x64xf32>
    %mul3A_115 = arith.mulf %logistic3A_110, %tanh3A_114 : vector<2000x64xf32>
    %slice3A_116 = vector.extract_strided_slice %get3A_1 {offsets = [0, 48], sizes = [2000, 16], strides = [1, 1]} : vector<2000x224xf32> to vector<2000x16xf32>
    %dot_general3A_117 = arith.constant dense<0.000000e+00> : vector<2000x256xf32>
    %dot_general3A_118 = tpu.matmul %slice3A_116, %get3A_4, %dot_general3A_117 {dimension_numbers = #tpu.dot_dimension_numbers<[1], [0], [0], [1], [0, 0, 1, 1], [], []>, transpose_lhs_hint = false} : vector<2000x16xf32>, vector<16x256xf32>, vector<2000x256xf32> -> vector<2000x256xf32>
    %dot_general3A_119 = arith.constant dense<0.000000e+00> : vector<2000x256xf32>
    %dot_general3A_120 = tpu.matmul %mul3A_115, %get3A_7, %dot_general3A_119 {dimension_numbers = #tpu.dot_dimension_numbers<[1], [0], [0], [1], [0, 0, 1, 1], [], []>, transpose_lhs_hint = false} : vector<2000x64xf32>, vector<64x256xf32>, vector<2000x256xf32> -> vector<2000x256xf32>
    %add3A_121 = arith.addf %dot_general3A_118, %dot_general3A_120 : vector<2000x256xf32>
    %add3A_122 = vector.broadcast %get3A_10 : vector<1x256xf32> to vector<2000x256xf32>
    %add3A_123 = arith.addf %add3A_121, %add3A_122 : vector<2000x256xf32>
    %slice3A_124 = vector.extract_strided_slice %add3A_123 {offsets = [0, 0], sizes = [2000, 64], strides = [1, 1]} : vector<2000x256xf32> to vector<2000x64xf32>
    %logistic3A_125 = arith.negf %slice3A_124 : vector<2000x64xf32>
    %logistic3A_126 = math.exp %logistic3A_125 : vector<2000x64xf32>
    %logistic3A_127 = arith.constant 1.000000e+00 : f32
    %logistic3A_128 = vector.broadcast %logistic3A_127 : f32 to vector<2000x64xf32>
    %logistic3A_129 = arith.addf %logistic3A_128, %logistic3A_126 : vector<2000x64xf32>
    %logistic3A_130 = arith.divf %logistic3A_128, %logistic3A_129 : vector<2000x64xf32>
    %slice3A_131 = vector.extract_strided_slice %add3A_123 {offsets = [0, 64], sizes = [2000, 64], strides = [1, 1]} : vector<2000x256xf32> to vector<2000x64xf32>
    %logistic3A_132 = arith.negf %slice3A_131 : vector<2000x64xf32>
    %logistic3A_133 = math.exp %logistic3A_132 : vector<2000x64xf32>
    %logistic3A_134 = arith.constant 1.000000e+00 : f32
    %logistic3A_135 = vector.broadcast %logistic3A_134 : f32 to vector<2000x64xf32>
    %logistic3A_136 = arith.addf %logistic3A_135, %logistic3A_133 : vector<2000x64xf32>
    %logistic3A_137 = arith.divf %logistic3A_135, %logistic3A_136 : vector<2000x64xf32>
    %slice3A_138 = vector.extract_strided_slice %add3A_123 {offsets = [0, 128], sizes = [2000, 64], strides = [1, 1]} : vector<2000x256xf32> to vector<2000x64xf32>
    %tanh3A_139 = math.tanh %slice3A_138 : vector<2000x64xf32>
    %slice3A_140 = vector.extract_strided_slice %add3A_123 {offsets = [0, 192], sizes = [2000, 64], strides = [1, 1]} : vector<2000x256xf32> to vector<2000x64xf32>
    %logistic3A_141 = arith.negf %slice3A_140 : vector<2000x64xf32>
    %logistic3A_142 = math.exp %logistic3A_141 : vector<2000x64xf32>
    %logistic3A_143 = arith.constant 1.000000e+00 : f32
    %logistic3A_144 = vector.broadcast %logistic3A_143 : f32 to vector<2000x64xf32>
    %logistic3A_145 = arith.addf %logistic3A_144, %logistic3A_142 : vector<2000x64xf32>
    %logistic3A_146 = arith.divf %logistic3A_144, %logistic3A_145 : vector<2000x64xf32>
    %mul3A_147 = arith.mulf %logistic3A_137, %add3A_113 : vector<2000x64xf32>
    %mul3A_148 = arith.mulf %logistic3A_130, %tanh3A_139 : vector<2000x64xf32>
    %add3A_149 = arith.addf %mul3A_147, %mul3A_148 : vector<2000x64xf32>
    %tanh3A_150 = math.tanh %add3A_149 : vector<2000x64xf32>
    %mul3A_151 = arith.mulf %logistic3A_146, %tanh3A_150 : vector<2000x64xf32>
    %slice3A_152 = vector.extract_strided_slice %get3A_1 {offsets = [0, 64], sizes = [2000, 16], strides = [1, 1]} : vector<2000x224xf32> to vector<2000x16xf32>
    %dot_general3A_153 = arith.constant dense<0.000000e+00> : vector<2000x256xf32>
    %dot_general3A_154 = tpu.matmul %slice3A_152, %get3A_4, %dot_general3A_153 {dimension_numbers = #tpu.dot_dimension_numbers<[1], [0], [0], [1], [0, 0, 1, 1], [], []>, transpose_lhs_hint = false} : vector<2000x16xf32>, vector<16x256xf32>, vector<2000x256xf32> -> vector<2000x256xf32>
    %dot_general3A_155 = arith.constant dense<0.000000e+00> : vector<2000x256xf32>
    %dot_general3A_156 = tpu.matmul %mul3A_151, %get3A_7, %dot_general3A_155 {dimension_numbers = #tpu.dot_dimension_numbers<[1], [0], [0], [1], [0, 0, 1, 1], [], []>, transpose_lhs_hint = false} : vector<2000x64xf32>, vector<64x256xf32>, vector<2000x256xf32> -> vector<2000x256xf32>
    %add3A_157 = arith.addf %dot_general3A_154, %dot_general3A_156 : vector<2000x256xf32>
    %add3A_158 = vector.broadcast %get3A_10 : vector<1x256xf32> to vector<2000x256xf32>
    %add3A_159 = arith.addf %add3A_157, %add3A_158 : vector<2000x256xf32>
    %slice3A_160 = vector.extract_strided_slice %add3A_159 {offsets = [0, 0], sizes = [2000, 64], strides = [1, 1]} : vector<2000x256xf32> to vector<2000x64xf32>
    %logistic3A_161 = arith.negf %slice3A_160 : vector<2000x64xf32>
    %logistic3A_162 = math.exp %logistic3A_161 : vector<2000x64xf32>
    %logistic3A_163 = arith.constant 1.000000e+00 : f32
    %logistic3A_164 = vector.broadcast %logistic3A_163 : f32 to vector<2000x64xf32>
    %logistic3A_165 = arith.addf %logistic3A_164, %logistic3A_162 : vector<2000x64xf32>
    %logistic3A_166 = arith.divf %logistic3A_164, %logistic3A_165 : vector<2000x64xf32>
    %slice3A_167 = vector.extract_strided_slice %add3A_159 {offsets = [0, 64], sizes = [2000, 64], strides = [1, 1]} : vector<2000x256xf32> to vector<2000x64xf32>
    %logistic3A_168 = arith.negf %slice3A_167 : vector<2000x64xf32>
    %logistic3A_169 = math.exp %logistic3A_168 : vector<2000x64xf32>
    %logistic3A_170 = arith.constant 1.000000e+00 : f32
    %logistic3A_171 = vector.broadcast %logistic3A_170 : f32 to vector<2000x64xf32>
    %logistic3A_172 = arith.addf %logistic3A_171, %logistic3A_169 : vector<2000x64xf32>
    %logistic3A_173 = arith.divf %logistic3A_171, %logistic3A_172 : vector<2000x64xf32>
    %slice3A_174 = vector.extract_strided_slice %add3A_159 {offsets = [0, 128], sizes = [2000, 64], strides = [1, 1]} : vector<2000x256xf32> to vector<2000x64xf32>
    %tanh3A_175 = math.tanh %slice3A_174 : vector<2000x64xf32>
    %slice3A_176 = vector.extract_strided_slice %add3A_159 {offsets = [0, 192], sizes = [2000, 64], strides = [1, 1]} : vector<2000x256xf32> to vector<2000x64xf32>
    %logistic3A_177 = arith.negf %slice3A_176 : vector<2000x64xf32>
    %logistic3A_178 = math.exp %logistic3A_177 : vector<2000x64xf32>
    %logistic3A_179 = arith.constant 1.000000e+00 : f32
    %logistic3A_180 = vector.broadcast %logistic3A_179 : f32 to vector<2000x64xf32>
    %logistic3A_181 = arith.addf %logistic3A_180, %logistic3A_178 : vector<2000x64xf32>
    %logistic3A_182 = arith.divf %logistic3A_180, %logistic3A_181 : vector<2000x64xf32>
    %mul3A_183 = arith.mulf %logistic3A_173, %add3A_149 : vector<2000x64xf32>
    %mul3A_184 = arith.mulf %logistic3A_166, %tanh3A_175 : vector<2000x64xf32>
    %add3A_185 = arith.addf %mul3A_183, %mul3A_184 : vector<2000x64xf32>
    %tanh3A_186 = math.tanh %add3A_185 : vector<2000x64xf32>
    %mul3A_187 = arith.mulf %logistic3A_182, %tanh3A_186 : vector<2000x64xf32>
    %slice3A_188 = vector.extract_strided_slice %get3A_1 {offsets = [0, 80], sizes = [2000, 16], strides = [1, 1]} : vector<2000x224xf32> to vector<2000x16xf32>
    %dot_general3A_189 = arith.constant dense<0.000000e+00> : vector<2000x256xf32>
    %dot_general3A_190 = tpu.matmul %slice3A_188, %get3A_4, %dot_general3A_189 {dimension_numbers = #tpu.dot_dimension_numbers<[1], [0], [0], [1], [0, 0, 1, 1], [], []>, transpose_lhs_hint = false} : vector<2000x16xf32>, vector<16x256xf32>, vector<2000x256xf32> -> vector<2000x256xf32>
    %dot_general3A_191 = arith.constant dense<0.000000e+00> : vector<2000x256xf32>
    %dot_general3A_192 = tpu.matmul %mul3A_187, %get3A_7, %dot_general3A_191 {dimension_numbers = #tpu.dot_dimension_numbers<[1], [0], [0], [1], [0, 0, 1, 1], [], []>, transpose_lhs_hint = false} : vector<2000x64xf32>, vector<64x256xf32>, vector<2000x256xf32> -> vector<2000x256xf32>
    %add3A_193 = arith.addf %dot_general3A_190, %dot_general3A_192 : vector<2000x256xf32>
    %add3A_194 = vector.broadcast %get3A_10 : vector<1x256xf32> to vector<2000x256xf32>
    %add3A_195 = arith.addf %add3A_193, %add3A_194 : vector<2000x256xf32>
    %slice3A_196 = vector.extract_strided_slice %add3A_195 {offsets = [0, 0], sizes = [2000, 64], strides = [1, 1]} : vector<2000x256xf32> to vector<2000x64xf32>
    %logistic3A_197 = arith.negf %slice3A_196 : vector<2000x64xf32>
    %logistic3A_198 = math.exp %logistic3A_197 : vector<2000x64xf32>
    %logistic3A_199 = arith.constant 1.000000e+00 : f32
    %logistic3A_200 = vector.broadcast %logistic3A_199 : f32 to vector<2000x64xf32>
    %logistic3A_201 = arith.addf %logistic3A_200, %logistic3A_198 : vector<2000x64xf32>
    %logistic3A_202 = arith.divf %logistic3A_200, %logistic3A_201 : vector<2000x64xf32>
    %slice3A_203 = vector.extract_strided_slice %add3A_195 {offsets = [0, 64], sizes = [2000, 64], strides = [1, 1]} : vector<2000x256xf32> to vector<2000x64xf32>
    %logistic3A_204 = arith.negf %slice3A_203 : vector<2000x64xf32>
    %logistic3A_205 = math.exp %logistic3A_204 : vector<2000x64xf32>
    %logistic3A_206 = arith.constant 1.000000e+00 : f32
    %logistic3A_207 = vector.broadcast %logistic3A_206 : f32 to vector<2000x64xf32>
    %logistic3A_208 = arith.addf %logistic3A_207, %logistic3A_205 : vector<2000x64xf32>
    %logistic3A_209 = arith.divf %logistic3A_207, %logistic3A_208 : vector<2000x64xf32>
    %slice3A_210 = vector.extract_strided_slice %add3A_195 {offsets = [0, 128], sizes = [2000, 64], strides = [1, 1]} : vector<2000x256xf32> to vector<2000x64xf32>
    %tanh3A_211 = math.tanh %slice3A_210 : vector<2000x64xf32>
    %slice3A_212 = vector.extract_strided_slice %add3A_195 {offsets = [0, 192], sizes = [2000, 64], strides = [1, 1]} : vector<2000x256xf32> to vector<2000x64xf32>
    %logistic3A_213 = arith.negf %slice3A_212 : vector<2000x64xf32>
    %logistic3A_214 = math.exp %logistic3A_213 : vector<2000x64xf32>
    %logistic3A_215 = arith.constant 1.000000e+00 : f32
    %logistic3A_216 = vector.broadcast %logistic3A_215 : f32 to vector<2000x64xf32>
    %logistic3A_217 = arith.addf %logistic3A_216, %logistic3A_214 : vector<2000x64xf32>
    %logistic3A_218 = arith.divf %logistic3A_216, %logistic3A_217 : vector<2000x64xf32>
    %mul3A_219 = arith.mulf %logistic3A_209, %add3A_185 : vector<2000x64xf32>
    %mul3A_220 = arith.mulf %logistic3A_202, %tanh3A_211 : vector<2000x64xf32>
    %add3A_221 = arith.addf %mul3A_219, %mul3A_220 : vector<2000x64xf32>
    %tanh3A_222 = math.tanh %add3A_221 : vector<2000x64xf32>
    %mul3A_223 = arith.mulf %logistic3A_218, %tanh3A_222 : vector<2000x64xf32>
    %slice3A_224 = vector.extract_strided_slice %get3A_1 {offsets = [0, 96], sizes = [2000, 16], strides = [1, 1]} : vector<2000x224xf32> to vector<2000x16xf32>
    %dot_general3A_225 = arith.constant dense<0.000000e+00> : vector<2000x256xf32>
    %dot_general3A_226 = tpu.matmul %slice3A_224, %get3A_4, %dot_general3A_225 {dimension_numbers = #tpu.dot_dimension_numbers<[1], [0], [0], [1], [0, 0, 1, 1], [], []>, transpose_lhs_hint = false} : vector<2000x16xf32>, vector<16x256xf32>, vector<2000x256xf32> -> vector<2000x256xf32>
    %dot_general3A_227 = arith.constant dense<0.000000e+00> : vector<2000x256xf32>
    %dot_general3A_228 = tpu.matmul %mul3A_223, %get3A_7, %dot_general3A_227 {dimension_numbers = #tpu.dot_dimension_numbers<[1], [0], [0], [1], [0, 0, 1, 1], [], []>, transpose_lhs_hint = false} : vector<2000x64xf32>, vector<64x256xf32>, vector<2000x256xf32> -> vector<2000x256xf32>
    %add3A_229 = arith.addf %dot_general3A_226, %dot_general3A_228 : vector<2000x256xf32>
    %add3A_230 = vector.broadcast %get3A_10 : vector<1x256xf32> to vector<2000x256xf32>
    %add3A_231 = arith.addf %add3A_229, %add3A_230 : vector<2000x256xf32>
    %slice3A_232 = vector.extract_strided_slice %add3A_231 {offsets = [0, 0], sizes = [2000, 64], strides = [1, 1]} : vector<2000x256xf32> to vector<2000x64xf32>
    %logistic3A_233 = arith.negf %slice3A_232 : vector<2000x64xf32>
    %logistic3A_234 = math.exp %logistic3A_233 : vector<2000x64xf32>
    %logistic3A_235 = arith.constant 1.000000e+00 : f32
    %logistic3A_236 = vector.broadcast %logistic3A_235 : f32 to vector<2000x64xf32>
    %logistic3A_237 = arith.addf %logistic3A_236, %logistic3A_234 : vector<2000x64xf32>
    %logistic3A_238 = arith.divf %logistic3A_236, %logistic3A_237 : vector<2000x64xf32>
    %slice3A_239 = vector.extract_strided_slice %add3A_231 {offsets = [0, 64], sizes = [2000, 64], strides = [1, 1]} : vector<2000x256xf32> to vector<2000x64xf32>
    %logistic3A_240 = arith.negf %slice3A_239 : vector<2000x64xf32>
    %logistic3A_241 = math.exp %logistic3A_240 : vector<2000x64xf32>
    %logistic3A_242 = arith.constant 1.000000e+00 : f32
    %logistic3A_243 = vector.broadcast %logistic3A_242 : f32 to vector<2000x64xf32>
    %logistic3A_244 = arith.addf %logistic3A_243, %logistic3A_241 : vector<2000x64xf32>
    %logistic3A_245 = arith.divf %logistic3A_243, %logistic3A_244 : vector<2000x64xf32>
    %slice3A_246 = vector.extract_strided_slice %add3A_231 {offsets = [0, 128], sizes = [2000, 64], strides = [1, 1]} : vector<2000x256xf32> to vector<2000x64xf32>
    %tanh3A_247 = math.tanh %slice3A_246 : vector<2000x64xf32>
    %slice3A_248 = vector.extract_strided_slice %add3A_231 {offsets = [0, 192], sizes = [2000, 64], strides = [1, 1]} : vector<2000x256xf32> to vector<2000x64xf32>
    %logistic3A_249 = arith.negf %slice3A_248 : vector<2000x64xf32>
    %logistic3A_250 = math.exp %logistic3A_249 : vector<2000x64xf32>
    %logistic3A_251 = arith.constant 1.000000e+00 : f32
    %logistic3A_252 = vector.broadcast %logistic3A_251 : f32 to vector<2000x64xf32>
    %logistic3A_253 = arith.addf %logistic3A_252, %logistic3A_250 : vector<2000x64xf32>
    %logistic3A_254 = arith.divf %logistic3A_252, %logistic3A_253 : vector<2000x64xf32>
    %mul3A_255 = arith.mulf %logistic3A_245, %add3A_221 : vector<2000x64xf32>
    %mul3A_256 = arith.mulf %logistic3A_238, %tanh3A_247 : vector<2000x64xf32>
    %add3A_257 = arith.addf %mul3A_255, %mul3A_256 : vector<2000x64xf32>
    %tanh3A_258 = math.tanh %add3A_257 : vector<2000x64xf32>
    %mul3A_259 = arith.mulf %logistic3A_254, %tanh3A_258 : vector<2000x64xf32>
    %slice3A_260 = vector.extract_strided_slice %get3A_1 {offsets = [0, 112], sizes = [2000, 16], strides = [1, 1]} : vector<2000x224xf32> to vector<2000x16xf32>
    %dot_general3A_261 = arith.constant dense<0.000000e+00> : vector<2000x256xf32>
    %dot_general3A_262 = tpu.matmul %slice3A_260, %get3A_4, %dot_general3A_261 {dimension_numbers = #tpu.dot_dimension_numbers<[1], [0], [0], [1], [0, 0, 1, 1], [], []>, transpose_lhs_hint = false} : vector<2000x16xf32>, vector<16x256xf32>, vector<2000x256xf32> -> vector<2000x256xf32>
    %dot_general3A_263 = arith.constant dense<0.000000e+00> : vector<2000x256xf32>
    %dot_general3A_264 = tpu.matmul %mul3A_259, %get3A_7, %dot_general3A_263 {dimension_numbers = #tpu.dot_dimension_numbers<[1], [0], [0], [1], [0, 0, 1, 1], [], []>, transpose_lhs_hint = false} : vector<2000x64xf32>, vector<64x256xf32>, vector<2000x256xf32> -> vector<2000x256xf32>
    %add3A_265 = arith.addf %dot_general3A_262, %dot_general3A_264 : vector<2000x256xf32>
    %add3A_266 = vector.broadcast %get3A_10 : vector<1x256xf32> to vector<2000x256xf32>
    %add3A_267 = arith.addf %add3A_265, %add3A_266 : vector<2000x256xf32>
    %slice3A_268 = vector.extract_strided_slice %add3A_267 {offsets = [0, 0], sizes = [2000, 64], strides = [1, 1]} : vector<2000x256xf32> to vector<2000x64xf32>
    %logistic3A_269 = arith.negf %slice3A_268 : vector<2000x64xf32>
    %logistic3A_270 = math.exp %logistic3A_269 : vector<2000x64xf32>
    %logistic3A_271 = arith.constant 1.000000e+00 : f32
    %logistic3A_272 = vector.broadcast %logistic3A_271 : f32 to vector<2000x64xf32>
    %logistic3A_273 = arith.addf %logistic3A_272, %logistic3A_270 : vector<2000x64xf32>
    %logistic3A_274 = arith.divf %logistic3A_272, %logistic3A_273 : vector<2000x64xf32>
    %slice3A_275 = vector.extract_strided_slice %add3A_267 {offsets = [0, 64], sizes = [2000, 64], strides = [1, 1]} : vector<2000x256xf32> to vector<2000x64xf32>
    %logistic3A_276 = arith.negf %slice3A_275 : vector<2000x64xf32>
    %logistic3A_277 = math.exp %logistic3A_276 : vector<2000x64xf32>
    %logistic3A_278 = arith.constant 1.000000e+00 : f32
    %logistic3A_279 = vector.broadcast %logistic3A_278 : f32 to vector<2000x64xf32>
    %logistic3A_280 = arith.addf %logistic3A_279, %logistic3A_277 : vector<2000x64xf32>
    %logistic3A_281 = arith.divf %logistic3A_279, %logistic3A_280 : vector<2000x64xf32>
    %slice3A_282 = vector.extract_strided_slice %add3A_267 {offsets = [0, 128], sizes = [2000, 64], strides = [1, 1]} : vector<2000x256xf32> to vector<2000x64xf32>
    %tanh3A_283 = math.tanh %slice3A_282 : vector<2000x64xf32>
    %slice3A_284 = vector.extract_strided_slice %add3A_267 {offsets = [0, 192], sizes = [2000, 64], strides = [1, 1]} : vector<2000x256xf32> to vector<2000x64xf32>
    %logistic3A_285 = arith.negf %slice3A_284 : vector<2000x64xf32>
    %logistic3A_286 = math.exp %logistic3A_285 : vector<2000x64xf32>
    %logistic3A_287 = arith.constant 1.000000e+00 : f32
    %logistic3A_288 = vector.broadcast %logistic3A_287 : f32 to vector<2000x64xf32>
    %logistic3A_289 = arith.addf %logistic3A_288, %logistic3A_286 : vector<2000x64xf32>
    %logistic3A_290 = arith.divf %logistic3A_288, %logistic3A_289 : vector<2000x64xf32>
    %mul3A_291 = arith.mulf %logistic3A_281, %add3A_257 : vector<2000x64xf32>
    %mul3A_292 = arith.mulf %logistic3A_274, %tanh3A_283 : vector<2000x64xf32>
    %add3A_293 = arith.addf %mul3A_291, %mul3A_292 : vector<2000x64xf32>
    %tanh3A_294 = math.tanh %add3A_293 : vector<2000x64xf32>
    %mul3A_295 = arith.mulf %logistic3A_290, %tanh3A_294 : vector<2000x64xf32>
    %slice3A_296 = vector.extract_strided_slice %get3A_1 {offsets = [0, 128], sizes = [2000, 16], strides = [1, 1]} : vector<2000x224xf32> to vector<2000x16xf32>
    %dot_general3A_297 = arith.constant dense<0.000000e+00> : vector<2000x256xf32>
    %dot_general3A_298 = tpu.matmul %slice3A_296, %get3A_4, %dot_general3A_297 {dimension_numbers = #tpu.dot_dimension_numbers<[1], [0], [0], [1], [0, 0, 1, 1], [], []>, transpose_lhs_hint = false} : vector<2000x16xf32>, vector<16x256xf32>, vector<2000x256xf32> -> vector<2000x256xf32>
    %dot_general3A_299 = arith.constant dense<0.000000e+00> : vector<2000x256xf32>
    %dot_general3A_300 = tpu.matmul %mul3A_295, %get3A_7, %dot_general3A_299 {dimension_numbers = #tpu.dot_dimension_numbers<[1], [0], [0], [1], [0, 0, 1, 1], [], []>, transpose_lhs_hint = false} : vector<2000x64xf32>, vector<64x256xf32>, vector<2000x256xf32> -> vector<2000x256xf32>
    %add3A_301 = arith.addf %dot_general3A_298, %dot_general3A_300 : vector<2000x256xf32>
    %add3A_302 = vector.broadcast %get3A_10 : vector<1x256xf32> to vector<2000x256xf32>
    %add3A_303 = arith.addf %add3A_301, %add3A_302 : vector<2000x256xf32>
    %slice3A_304 = vector.extract_strided_slice %add3A_303 {offsets = [0, 0], sizes = [2000, 64], strides = [1, 1]} : vector<2000x256xf32> to vector<2000x64xf32>
    %logistic3A_305 = arith.negf %slice3A_304 : vector<2000x64xf32>
    %logistic3A_306 = math.exp %logistic3A_305 : vector<2000x64xf32>
    %logistic3A_307 = arith.constant 1.000000e+00 : f32
    %logistic3A_308 = vector.broadcast %logistic3A_307 : f32 to vector<2000x64xf32>
    %logistic3A_309 = arith.addf %logistic3A_308, %logistic3A_306 : vector<2000x64xf32>
    %logistic3A_310 = arith.divf %logistic3A_308, %logistic3A_309 : vector<2000x64xf32>
    %slice3A_311 = vector.extract_strided_slice %add3A_303 {offsets = [0, 64], sizes = [2000, 64], strides = [1, 1]} : vector<2000x256xf32> to vector<2000x64xf32>
    %logistic3A_312 = arith.negf %slice3A_311 : vector<2000x64xf32>
    %logistic3A_313 = math.exp %logistic3A_312 : vector<2000x64xf32>
    %logistic3A_314 = arith.constant 1.000000e+00 : f32
    %logistic3A_315 = vector.broadcast %logistic3A_314 : f32 to vector<2000x64xf32>
    %logistic3A_316 = arith.addf %logistic3A_315, %logistic3A_313 : vector<2000x64xf32>
    %logistic3A_317 = arith.divf %logistic3A_315, %logistic3A_316 : vector<2000x64xf32>
    %slice3A_318 = vector.extract_strided_slice %add3A_303 {offsets = [0, 128], sizes = [2000, 64], strides = [1, 1]} : vector<2000x256xf32> to vector<2000x64xf32>
    %tanh3A_319 = math.tanh %slice3A_318 : vector<2000x64xf32>
    %slice3A_320 = vector.extract_strided_slice %add3A_303 {offsets = [0, 192], sizes = [2000, 64], strides = [1, 1]} : vector<2000x256xf32> to vector<2000x64xf32>
    %logistic3A_321 = arith.negf %slice3A_320 : vector<2000x64xf32>
    %logistic3A_322 = math.exp %logistic3A_321 : vector<2000x64xf32>
    %logistic3A_323 = arith.constant 1.000000e+00 : f32
    %logistic3A_324 = vector.broadcast %logistic3A_323 : f32 to vector<2000x64xf32>
    %logistic3A_325 = arith.addf %logistic3A_324, %logistic3A_322 : vector<2000x64xf32>
    %logistic3A_326 = arith.divf %logistic3A_324, %logistic3A_325 : vector<2000x64xf32>
    %mul3A_327 = arith.mulf %logistic3A_317, %add3A_293 : vector<2000x64xf32>
    %mul3A_328 = arith.mulf %logistic3A_310, %tanh3A_319 : vector<2000x64xf32>
    %add3A_329 = arith.addf %mul3A_327, %mul3A_328 : vector<2000x64xf32>
    %tanh3A_330 = math.tanh %add3A_329 : vector<2000x64xf32>
    %mul3A_331 = arith.mulf %logistic3A_326, %tanh3A_330 : vector<2000x64xf32>
    %slice3A_332 = vector.extract_strided_slice %get3A_1 {offsets = [0, 144], sizes = [2000, 16], strides = [1, 1]} : vector<2000x224xf32> to vector<2000x16xf32>
    %dot_general3A_333 = arith.constant dense<0.000000e+00> : vector<2000x256xf32>
    %dot_general3A_334 = tpu.matmul %slice3A_332, %get3A_4, %dot_general3A_333 {dimension_numbers = #tpu.dot_dimension_numbers<[1], [0], [0], [1], [0, 0, 1, 1], [], []>, transpose_lhs_hint = false} : vector<2000x16xf32>, vector<16x256xf32>, vector<2000x256xf32> -> vector<2000x256xf32>
    %dot_general3A_335 = arith.constant dense<0.000000e+00> : vector<2000x256xf32>
    %dot_general3A_336 = tpu.matmul %mul3A_331, %get3A_7, %dot_general3A_335 {dimension_numbers = #tpu.dot_dimension_numbers<[1], [0], [0], [1], [0, 0, 1, 1], [], []>, transpose_lhs_hint = false} : vector<2000x64xf32>, vector<64x256xf32>, vector<2000x256xf32> -> vector<2000x256xf32>
    %add3A_337 = arith.addf %dot_general3A_334, %dot_general3A_336 : vector<2000x256xf32>
    %add3A_338 = vector.broadcast %get3A_10 : vector<1x256xf32> to vector<2000x256xf32>
    %add3A_339 = arith.addf %add3A_337, %add3A_338 : vector<2000x256xf32>
    %slice3A_340 = vector.extract_strided_slice %add3A_339 {offsets = [0, 0], sizes = [2000, 64], strides = [1, 1]} : vector<2000x256xf32> to vector<2000x64xf32>
    %logistic3A_341 = arith.negf %slice3A_340 : vector<2000x64xf32>
    %logistic3A_342 = math.exp %logistic3A_341 : vector<2000x64xf32>
    %logistic3A_343 = arith.constant 1.000000e+00 : f32
    %logistic3A_344 = vector.broadcast %logistic3A_343 : f32 to vector<2000x64xf32>
    %logistic3A_345 = arith.addf %logistic3A_344, %logistic3A_342 : vector<2000x64xf32>
    %logistic3A_346 = arith.divf %logistic3A_344, %logistic3A_345 : vector<2000x64xf32>
    %slice3A_347 = vector.extract_strided_slice %add3A_339 {offsets = [0, 64], sizes = [2000, 64], strides = [1, 1]} : vector<2000x256xf32> to vector<2000x64xf32>
    %logistic3A_348 = arith.negf %slice3A_347 : vector<2000x64xf32>
    %logistic3A_349 = math.exp %logistic3A_348 : vector<2000x64xf32>
    %logistic3A_350 = arith.constant 1.000000e+00 : f32
    %logistic3A_351 = vector.broadcast %logistic3A_350 : f32 to vector<2000x64xf32>
    %logistic3A_352 = arith.addf %logistic3A_351, %logistic3A_349 : vector<2000x64xf32>
    %logistic3A_353 = arith.divf %logistic3A_351, %logistic3A_352 : vector<2000x64xf32>
    %slice3A_354 = vector.extract_strided_slice %add3A_339 {offsets = [0, 128], sizes = [2000, 64], strides = [1, 1]} : vector<2000x256xf32> to vector<2000x64xf32>
    %tanh3A_355 = math.tanh %slice3A_354 : vector<2000x64xf32>
    %slice3A_356 = vector.extract_strided_slice %add3A_339 {offsets = [0, 192], sizes = [2000, 64], strides = [1, 1]} : vector<2000x256xf32> to vector<2000x64xf32>
    %logistic3A_357 = arith.negf %slice3A_356 : vector<2000x64xf32>
    %logistic3A_358 = math.exp %logistic3A_357 : vector<2000x64xf32>
    %logistic3A_359 = arith.constant 1.000000e+00 : f32
    %logistic3A_360 = vector.broadcast %logistic3A_359 : f32 to vector<2000x64xf32>
    %logistic3A_361 = arith.addf %logistic3A_360, %logistic3A_358 : vector<2000x64xf32>
    %logistic3A_362 = arith.divf %logistic3A_360, %logistic3A_361 : vector<2000x64xf32>
    %mul3A_363 = arith.mulf %logistic3A_353, %add3A_329 : vector<2000x64xf32>
    %mul3A_364 = arith.mulf %logistic3A_346, %tanh3A_355 : vector<2000x64xf32>
    %add3A_365 = arith.addf %mul3A_363, %mul3A_364 : vector<2000x64xf32>
    %tanh3A_366 = math.tanh %add3A_365 : vector<2000x64xf32>
    %mul3A_367 = arith.mulf %logistic3A_362, %tanh3A_366 : vector<2000x64xf32>
    %slice3A_368 = vector.extract_strided_slice %get3A_1 {offsets = [0, 160], sizes = [2000, 16], strides = [1, 1]} : vector<2000x224xf32> to vector<2000x16xf32>
    %dot_general3A_369 = arith.constant dense<0.000000e+00> : vector<2000x256xf32>
    %dot_general3A_370 = tpu.matmul %slice3A_368, %get3A_4, %dot_general3A_369 {dimension_numbers = #tpu.dot_dimension_numbers<[1], [0], [0], [1], [0, 0, 1, 1], [], []>, transpose_lhs_hint = false} : vector<2000x16xf32>, vector<16x256xf32>, vector<2000x256xf32> -> vector<2000x256xf32>
    %dot_general3A_371 = arith.constant dense<0.000000e+00> : vector<2000x256xf32>
    %dot_general3A_372 = tpu.matmul %mul3A_367, %get3A_7, %dot_general3A_371 {dimension_numbers = #tpu.dot_dimension_numbers<[1], [0], [0], [1], [0, 0, 1, 1], [], []>, transpose_lhs_hint = false} : vector<2000x64xf32>, vector<64x256xf32>, vector<2000x256xf32> -> vector<2000x256xf32>
    %add3A_373 = arith.addf %dot_general3A_370, %dot_general3A_372 : vector<2000x256xf32>
    %add3A_374 = vector.broadcast %get3A_10 : vector<1x256xf32> to vector<2000x256xf32>
    %add3A_375 = arith.addf %add3A_373, %add3A_374 : vector<2000x256xf32>
    %slice3A_376 = vector.extract_strided_slice %add3A_375 {offsets = [0, 0], sizes = [2000, 64], strides = [1, 1]} : vector<2000x256xf32> to vector<2000x64xf32>
    %logistic3A_377 = arith.negf %slice3A_376 : vector<2000x64xf32>
    %logistic3A_378 = math.exp %logistic3A_377 : vector<2000x64xf32>
    %logistic3A_379 = arith.constant 1.000000e+00 : f32
    %logistic3A_380 = vector.broadcast %logistic3A_379 : f32 to vector<2000x64xf32>
    %logistic3A_381 = arith.addf %logistic3A_380, %logistic3A_378 : vector<2000x64xf32>
    %logistic3A_382 = arith.divf %logistic3A_380, %logistic3A_381 : vector<2000x64xf32>
    %slice3A_383 = vector.extract_strided_slice %add3A_375 {offsets = [0, 64], sizes = [2000, 64], strides = [1, 1]} : vector<2000x256xf32> to vector<2000x64xf32>
    %logistic3A_384 = arith.negf %slice3A_383 : vector<2000x64xf32>
    %logistic3A_385 = math.exp %logistic3A_384 : vector<2000x64xf32>
    %logistic3A_386 = arith.constant 1.000000e+00 : f32
    %logistic3A_387 = vector.broadcast %logistic3A_386 : f32 to vector<2000x64xf32>
    %logistic3A_388 = arith.addf %logistic3A_387, %logistic3A_385 : vector<2000x64xf32>
    %logistic3A_389 = arith.divf %logistic3A_387, %logistic3A_388 : vector<2000x64xf32>
    %slice3A_390 = vector.extract_strided_slice %add3A_375 {offsets = [0, 128], sizes = [2000, 64], strides = [1, 1]} : vector<2000x256xf32> to vector<2000x64xf32>
    %tanh3A_391 = math.tanh %slice3A_390 : vector<2000x64xf32>
    %slice3A_392 = vector.extract_strided_slice %add3A_375 {offsets = [0, 192], sizes = [2000, 64], strides = [1, 1]} : vector<2000x256xf32> to vector<2000x64xf32>
    %logistic3A_393 = arith.negf %slice3A_392 : vector<2000x64xf32>
    %logistic3A_394 = math.exp %logistic3A_393 : vector<2000x64xf32>
    %logistic3A_395 = arith.constant 1.000000e+00 : f32
    %logistic3A_396 = vector.broadcast %logistic3A_395 : f32 to vector<2000x64xf32>
    %logistic3A_397 = arith.addf %logistic3A_396, %logistic3A_394 : vector<2000x64xf32>
    %logistic3A_398 = arith.divf %logistic3A_396, %logistic3A_397 : vector<2000x64xf32>
    %mul3A_399 = arith.mulf %logistic3A_389, %add3A_365 : vector<2000x64xf32>
    %mul3A_400 = arith.mulf %logistic3A_382, %tanh3A_391 : vector<2000x64xf32>
    %add3A_401 = arith.addf %mul3A_399, %mul3A_400 : vector<2000x64xf32>
    %tanh3A_402 = math.tanh %add3A_401 : vector<2000x64xf32>
    %mul3A_403 = arith.mulf %logistic3A_398, %tanh3A_402 : vector<2000x64xf32>
    %slice3A_404 = vector.extract_strided_slice %get3A_1 {offsets = [0, 176], sizes = [2000, 16], strides = [1, 1]} : vector<2000x224xf32> to vector<2000x16xf32>
    %dot_general3A_405 = arith.constant dense<0.000000e+00> : vector<2000x256xf32>
    %dot_general3A_406 = tpu.matmul %slice3A_404, %get3A_4, %dot_general3A_405 {dimension_numbers = #tpu.dot_dimension_numbers<[1], [0], [0], [1], [0, 0, 1, 1], [], []>, transpose_lhs_hint = false} : vector<2000x16xf32>, vector<16x256xf32>, vector<2000x256xf32> -> vector<2000x256xf32>
    %dot_general3A_407 = arith.constant dense<0.000000e+00> : vector<2000x256xf32>
    %dot_general3A_408 = tpu.matmul %mul3A_403, %get3A_7, %dot_general3A_407 {dimension_numbers = #tpu.dot_dimension_numbers<[1], [0], [0], [1], [0, 0, 1, 1], [], []>, transpose_lhs_hint = false} : vector<2000x64xf32>, vector<64x256xf32>, vector<2000x256xf32> -> vector<2000x256xf32>
    %add3A_409 = arith.addf %dot_general3A_406, %dot_general3A_408 : vector<2000x256xf32>
    %add3A_410 = vector.broadcast %get3A_10 : vector<1x256xf32> to vector<2000x256xf32>
    %add3A_411 = arith.addf %add3A_409, %add3A_410 : vector<2000x256xf32>
    %slice3A_412 = vector.extract_strided_slice %add3A_411 {offsets = [0, 0], sizes = [2000, 64], strides = [1, 1]} : vector<2000x256xf32> to vector<2000x64xf32>
    %logistic3A_413 = arith.negf %slice3A_412 : vector<2000x64xf32>
    %logistic3A_414 = math.exp %logistic3A_413 : vector<2000x64xf32>
    %logistic3A_415 = arith.constant 1.000000e+00 : f32
    %logistic3A_416 = vector.broadcast %logistic3A_415 : f32 to vector<2000x64xf32>
    %logistic3A_417 = arith.addf %logistic3A_416, %logistic3A_414 : vector<2000x64xf32>
    %logistic3A_418 = arith.divf %logistic3A_416, %logistic3A_417 : vector<2000x64xf32>
    %slice3A_419 = vector.extract_strided_slice %add3A_411 {offsets = [0, 64], sizes = [2000, 64], strides = [1, 1]} : vector<2000x256xf32> to vector<2000x64xf32>
    %logistic3A_420 = arith.negf %slice3A_419 : vector<2000x64xf32>
    %logistic3A_421 = math.exp %logistic3A_420 : vector<2000x64xf32>
    %logistic3A_422 = arith.constant 1.000000e+00 : f32
    %logistic3A_423 = vector.broadcast %logistic3A_422 : f32 to vector<2000x64xf32>
    %logistic3A_424 = arith.addf %logistic3A_423, %logistic3A_421 : vector<2000x64xf32>
    %logistic3A_425 = arith.divf %logistic3A_423, %logistic3A_424 : vector<2000x64xf32>
    %slice3A_426 = vector.extract_strided_slice %add3A_411 {offsets = [0, 128], sizes = [2000, 64], strides = [1, 1]} : vector<2000x256xf32> to vector<2000x64xf32>
    %tanh3A_427 = math.tanh %slice3A_426 : vector<2000x64xf32>
    %slice3A_428 = vector.extract_strided_slice %add3A_411 {offsets = [0, 192], sizes = [2000, 64], strides = [1, 1]} : vector<2000x256xf32> to vector<2000x64xf32>
    %logistic3A_429 = arith.negf %slice3A_428 : vector<2000x64xf32>
    %logistic3A_430 = math.exp %logistic3A_429 : vector<2000x64xf32>
    %logistic3A_431 = arith.constant 1.000000e+00 : f32
    %logistic3A_432 = vector.broadcast %logistic3A_431 : f32 to vector<2000x64xf32>
    %logistic3A_433 = arith.addf %logistic3A_432, %logistic3A_430 : vector<2000x64xf32>
    %logistic3A_434 = arith.divf %logistic3A_432, %logistic3A_433 : vector<2000x64xf32>
    %mul3A_435 = arith.mulf %logistic3A_425, %add3A_401 : vector<2000x64xf32>
    %mul3A_436 = arith.mulf %logistic3A_418, %tanh3A_427 : vector<2000x64xf32>
    %add3A_437 = arith.addf %mul3A_435, %mul3A_436 : vector<2000x64xf32>
    %tanh3A_438 = math.tanh %add3A_437 : vector<2000x64xf32>
    %mul3A_439 = arith.mulf %logistic3A_434, %tanh3A_438 : vector<2000x64xf32>
    %slice3A_440 = vector.extract_strided_slice %get3A_1 {offsets = [0, 192], sizes = [2000, 16], strides = [1, 1]} : vector<2000x224xf32> to vector<2000x16xf32>
    %dot_general3A_441 = arith.constant dense<0.000000e+00> : vector<2000x256xf32>
    %dot_general3A_442 = tpu.matmul %slice3A_440, %get3A_4, %dot_general3A_441 {dimension_numbers = #tpu.dot_dimension_numbers<[1], [0], [0], [1], [0, 0, 1, 1], [], []>, transpose_lhs_hint = false} : vector<2000x16xf32>, vector<16x256xf32>, vector<2000x256xf32> -> vector<2000x256xf32>
    %dot_general3A_443 = arith.constant dense<0.000000e+00> : vector<2000x256xf32>
    %dot_general3A_444 = tpu.matmul %mul3A_439, %get3A_7, %dot_general3A_443 {dimension_numbers = #tpu.dot_dimension_numbers<[1], [0], [0], [1], [0, 0, 1, 1], [], []>, transpose_lhs_hint = false} : vector<2000x64xf32>, vector<64x256xf32>, vector<2000x256xf32> -> vector<2000x256xf32>
    %add3A_445 = arith.addf %dot_general3A_442, %dot_general3A_444 : vector<2000x256xf32>
    %add3A_446 = vector.broadcast %get3A_10 : vector<1x256xf32> to vector<2000x256xf32>
    %add3A_447 = arith.addf %add3A_445, %add3A_446 : vector<2000x256xf32>
    %slice3A_448 = vector.extract_strided_slice %add3A_447 {offsets = [0, 0], sizes = [2000, 64], strides = [1, 1]} : vector<2000x256xf32> to vector<2000x64xf32>
    %logistic3A_449 = arith.negf %slice3A_448 : vector<2000x64xf32>
    %logistic3A_450 = math.exp %logistic3A_449 : vector<2000x64xf32>
    %logistic3A_451 = arith.constant 1.000000e+00 : f32
    %logistic3A_452 = vector.broadcast %logistic3A_451 : f32 to vector<2000x64xf32>
    %logistic3A_453 = arith.addf %logistic3A_452, %logistic3A_450 : vector<2000x64xf32>
    %logistic3A_454 = arith.divf %logistic3A_452, %logistic3A_453 : vector<2000x64xf32>
    %slice3A_455 = vector.extract_strided_slice %add3A_447 {offsets = [0, 64], sizes = [2000, 64], strides = [1, 1]} : vector<2000x256xf32> to vector<2000x64xf32>
    %logistic3A_456 = arith.negf %slice3A_455 : vector<2000x64xf32>
    %logistic3A_457 = math.exp %logistic3A_456 : vector<2000x64xf32>
    %logistic3A_458 = arith.constant 1.000000e+00 : f32
    %logistic3A_459 = vector.broadcast %logistic3A_458 : f32 to vector<2000x64xf32>
    %logistic3A_460 = arith.addf %logistic3A_459, %logistic3A_457 : vector<2000x64xf32>
    %logistic3A_461 = arith.divf %logistic3A_459, %logistic3A_460 : vector<2000x64xf32>
    %slice3A_462 = vector.extract_strided_slice %add3A_447 {offsets = [0, 128], sizes = [2000, 64], strides = [1, 1]} : vector<2000x256xf32> to vector<2000x64xf32>
    %tanh3A_463 = math.tanh %slice3A_462 : vector<2000x64xf32>
    %slice3A_464 = vector.extract_strided_slice %add3A_447 {offsets = [0, 192], sizes = [2000, 64], strides = [1, 1]} : vector<2000x256xf32> to vector<2000x64xf32>
    %logistic3A_465 = arith.negf %slice3A_464 : vector<2000x64xf32>
    %logistic3A_466 = math.exp %logistic3A_465 : vector<2000x64xf32>
    %logistic3A_467 = arith.constant 1.000000e+00 : f32
    %logistic3A_468 = vector.broadcast %logistic3A_467 : f32 to vector<2000x64xf32>
    %logistic3A_469 = arith.addf %logistic3A_468, %logistic3A_466 : vector<2000x64xf32>
    %logistic3A_470 = arith.divf %logistic3A_468, %logistic3A_469 : vector<2000x64xf32>
    %mul3A_471 = arith.mulf %logistic3A_461, %add3A_437 : vector<2000x64xf32>
    %mul3A_472 = arith.mulf %logistic3A_454, %tanh3A_463 : vector<2000x64xf32>
    %add3A_473 = arith.addf %mul3A_471, %mul3A_472 : vector<2000x64xf32>
    %tanh3A_474 = math.tanh %add3A_473 : vector<2000x64xf32>
    %mul3A_475 = arith.mulf %logistic3A_470, %tanh3A_474 : vector<2000x64xf32>
    %slice3A_476 = vector.extract_strided_slice %get3A_1 {offsets = [0, 208], sizes = [2000, 16], strides = [1, 1]} : vector<2000x224xf32> to vector<2000x16xf32>
    %dot_general3A_477 = arith.constant dense<0.000000e+00> : vector<2000x256xf32>
    %dot_general3A_478 = tpu.matmul %slice3A_476, %get3A_4, %dot_general3A_477 {dimension_numbers = #tpu.dot_dimension_numbers<[1], [0], [0], [1], [0, 0, 1, 1], [], []>, transpose_lhs_hint = false} : vector<2000x16xf32>, vector<16x256xf32>, vector<2000x256xf32> -> vector<2000x256xf32>
    %dot_general3A_479 = arith.constant dense<0.000000e+00> : vector<2000x256xf32>
    %dot_general3A_480 = tpu.matmul %mul3A_475, %get3A_7, %dot_general3A_479 {dimension_numbers = #tpu.dot_dimension_numbers<[1], [0], [0], [1], [0, 0, 1, 1], [], []>, transpose_lhs_hint = false} : vector<2000x64xf32>, vector<64x256xf32>, vector<2000x256xf32> -> vector<2000x256xf32>
    %add3A_481 = arith.addf %dot_general3A_478, %dot_general3A_480 : vector<2000x256xf32>
    %add3A_482 = vector.broadcast %get3A_10 : vector<1x256xf32> to vector<2000x256xf32>
    %add3A_483 = arith.addf %add3A_481, %add3A_482 : vector<2000x256xf32>
    %slice3A_484 = vector.extract_strided_slice %add3A_483 {offsets = [0, 0], sizes = [2000, 64], strides = [1, 1]} : vector<2000x256xf32> to vector<2000x64xf32>
    %logistic3A_485 = arith.negf %slice3A_484 : vector<2000x64xf32>
    %logistic3A_486 = math.exp %logistic3A_485 : vector<2000x64xf32>
    %logistic3A_487 = arith.constant 1.000000e+00 : f32
    %logistic3A_488 = vector.broadcast %logistic3A_487 : f32 to vector<2000x64xf32>
    %logistic3A_489 = arith.addf %logistic3A_488, %logistic3A_486 : vector<2000x64xf32>
    %logistic3A_490 = arith.divf %logistic3A_488, %logistic3A_489 : vector<2000x64xf32>
    %slice3A_491 = vector.extract_strided_slice %add3A_483 {offsets = [0, 64], sizes = [2000, 64], strides = [1, 1]} : vector<2000x256xf32> to vector<2000x64xf32>
    %logistic3A_492 = arith.negf %slice3A_491 : vector<2000x64xf32>
    %logistic3A_493 = math.exp %logistic3A_492 : vector<2000x64xf32>
    %logistic3A_494 = arith.constant 1.000000e+00 : f32
    %logistic3A_495 = vector.broadcast %logistic3A_494 : f32 to vector<2000x64xf32>
    %logistic3A_496 = arith.addf %logistic3A_495, %logistic3A_493 : vector<2000x64xf32>
    %logistic3A_497 = arith.divf %logistic3A_495, %logistic3A_496 : vector<2000x64xf32>
    %slice3A_498 = vector.extract_strided_slice %add3A_483 {offsets = [0, 128], sizes = [2000, 64], strides = [1, 1]} : vector<2000x256xf32> to vector<2000x64xf32>
    %tanh3A_499 = math.tanh %slice3A_498 : vector<2000x64xf32>
    %slice3A_500 = vector.extract_strided_slice %add3A_483 {offsets = [0, 192], sizes = [2000, 64], strides = [1, 1]} : vector<2000x256xf32> to vector<2000x64xf32>
    %logistic3A_501 = arith.negf %slice3A_500 : vector<2000x64xf32>
    %logistic3A_502 = math.exp %logistic3A_501 : vector<2000x64xf32>
    %logistic3A_503 = arith.constant 1.000000e+00 : f32
    %logistic3A_504 = vector.broadcast %logistic3A_503 : f32 to vector<2000x64xf32>
    %logistic3A_505 = arith.addf %logistic3A_504, %logistic3A_502 : vector<2000x64xf32>
    %logistic3A_506 = arith.divf %logistic3A_504, %logistic3A_505 : vector<2000x64xf32>
    %mul3A_507 = arith.mulf %logistic3A_497, %add3A_473 : vector<2000x64xf32>
    %mul3A_508 = arith.mulf %logistic3A_490, %tanh3A_499 : vector<2000x64xf32>
    %add3A_509 = arith.addf %mul3A_507, %mul3A_508 : vector<2000x64xf32>
    %tanh3A_510 = math.tanh %add3A_509 : vector<2000x64xf32>
    %mul3A_511 = arith.mulf %logistic3A_506, %tanh3A_510 : vector<2000x64xf32>
    %swap3A = arith.constant 0 : index
    %swap3A_512 = arith.constant 0 : index
    %swap3A_513 = vector.load %arg5[%swap3A, %swap3A_512] : memref<2000x64xf32, #tpu.memory_space<vmem>>, vector<2000x64xf32>
    tpu.vector_store %arg5[%swap3A, %swap3A_512], %mul3A_511 {strides = array<i32>} : memref<2000x64xf32, #tpu.memory_space<vmem>>, vector<2000x64xf32>,
    return
  }
  func.func @transform_0(%arg0: i32) -> (i32, i32) {
    %c0_i32 = arith.constant 0 : i32
    %c0_i32_0 = arith.constant 0 : i32
    return %arg0, %c0_i32 : i32, i32
  }
  func.func @transform_1(%arg0: i32) -> (i32, i32) {
    %c0_i32 = arith.constant 0 : i32
    %c0_i32_0 = arith.constant 0 : i32
    %c0_i32_1 = arith.constant 0 : i32
    return %c0_i32, %c0_i32_0 : i32, i32
  }
  func.func @transform_2(%arg0: i32) -> (i32, i32) {
    %c0_i32 = arith.constant 0 : i32
    %c0_i32_0 = arith.constant 0 : i32
    %c0_i32_1 = arith.constant 0 : i32
    return %c0_i32, %c0_i32_0 : i32, i32
  }
  func.func @transform_3(%arg0: i32) -> (i32, i32) {
    %c0_i32 = arith.constant 0 : i32
    %c0_i32_0 = arith.constant 0 : i32
    %c0_i32_1 = arith.constant 0 : i32
    return %c0_i32, %c0_i32_0 : i32, i32
  }
  func.func @transform_4(%arg0: i32) -> (i32, i32) {
    %c0_i32 = arith.constant 0 : i32
    %c0_i32_0 = arith.constant 0 : i32
    return %arg0, %c0_i32 : i32, i32
  }
}

</mosaic_0001>

<sc_bundles>
// kernel: scatter_offload_async_start.1
scs
__scs_entry_jumppad:
0x0: {  	(pc) =	sbr.rel $0x88, $3  }
0x1: {  	(tag) =	ssettag $0x0;
	lr =	simm.s32 $0x1  }
0x2: {  	[smem:$0x3F91] =	sst lr;
	_ =	strace $0xD0000000  }
0x3: {  	_ = 	snop  }
0x4: {  	_ = 	snop  }
0x5: {  	_ = 	snop  }
0x6: {  	_ = 	snop  }
0x7: {  	_ = 	snop  }
__scs_overlays_trampoline_lowered:
0x8: {  	[smem:$0x3FA0] =	sst s0  }
0x9: {  	[smem:$0x3FA1] =	sst s1  }
0xa: {  	[smem:$0x3FA2] =	sst s2  }
0xb: {  	[smem:$0x3FA3] =	sst s3  }
0xc: {  	[smem:$0x3FA4] =	sst s4  }
0xd: {  	[smem:$0x3FA5] =	sst s5  }
0xe: {  	[smem:$0x3FA6] =	sst s6  }
0xf: {  	[smem:$0x3FA7] =	sst s7  }
0x10: {  	[smem:$0x3FA8] =	sst s8  }
0x11: {  	[smem:$0x3FA9] =	sst s9;
	s0 =	simm.s32 @!p0 $0x0  }
0x12: {  	s1 =	sld [smem:$0x3F8F];
	s0 =	simm.s32 @p0 $0x1  }
0x13: {  	[smem:$0x3FAA] =	sst s0;
	s0 =	simm.s32 @!p1 $0x0  }
0x14: {  	s2 =	sld [smem:$0x3F8E];
	s0 =	simm.s32 @p1 $0x1  }
0x15: {  	[smem:$0x3FAB] =	sst s0;
	s0 =	simm.s32 @!p2 $0x0  }
0x16: {  	s3 =	sld [smem:$0x3FDB];
	s0 =	simm.s32 @p2 $0x1  }
0x17: {  	s4 =	simm.s32 $0x1BF5;
	[smem:$0x3FAD] =	sst s0  }
0x18: {  	s0 =	sld [smem:$0x3F90];
	_ =	swait.ge [sflag:s4], $0x0  }
0x19: {  	s7 =	sld [smem:$0x3F91]  }
0x1a: {  	s8 =	sadd.s32 $0xFFFFE003, lr  }
0x1b: {  	s9 =	sadd.s32 $0xFFFFFEF7, lr;
	s5 =	simm.s32 $0xFFFFFFFF;
	p2 =	slt.u32 s8, $0xFFFFF086  }
0x1c: {  	p1 =	slt.u32 s9, $0xF7A;
	s5 =	simm.s32 @!p2 $0x0  }
0x1d: {  	s5 =	simm.s32 @p1 $0x1;
	p0 =	seq.s32 s7, s2  }
0x1e: {  	s7 =	smul.u32 @!p0 $0xF7A, s2;
	p2 =	seq.s32 @!p0 s5, $0x0  }
0x1f: {  	s9 =	smul.u32 $0xF7A, s1;
	s8 =	simm.s32 @!p0 $0x1BF5;
	p2 =	por !p2, p0  }
0x20: {  	[sflag:s8] =	ssyncset.s32 @!p0 $0xFFFFF086;
	s6 =	sadd.s32 @!p0 s3, s7;
	s7 =	simm.s32 @!p0 $0x108  }
0x21: {  	s3 =	sadd.s32 s3, s9;
	s6 =	sadd.s32 @!p0 $0x88, s6;
	s7 =	simm.s32 @p2 $0x1082  }
0x22: {  	[simem:s7], [sflag:s8] =	dma.local @!p0 [hbm:s6], $0xF7A  }
0x23: {  	s9 =	sor.u32 $0xD0000000, s2;
	s6 =	simm.s32 $0x108;
	_ =	swait.ge @!p0 [sflag:s8], $0x0  }
0x24: {  	s3 =	sadd.s32 $0x88, s3;
	s6 =	simm.s32 @!p1 $0x1082;
	[sflag:s4] =	ssyncset.s32 $0xFFFFF086  }
0x25: {  	[simem:s6], [sflag:s4] =	dma.local [hbm:s3], $0xF7A  }
0x26: {  	[smem:$0x3F91] =	sst s1;
	(tag) =	ssettag s2;
	_ =	strace s9  }
0x27: {  	s1 =	sld [smem:$0x3FA1]  }
0x28: {  	s2 =	sld [smem:$0x3FA2]  }
0x29: {  	s4 =	sld [smem:$0x3FA4]  }
0x2a: {  	p0 =	seq.s32 s5, $0x0;
	s5 =	sld [smem:$0x3FA5]  }
0x2b: {  	s6 =	sld [smem:$0x3FA6]  }
0x2c: {  	s7 =	sld [smem:$0x3FA7]  }
0x2d: {  	s3 =	simm.s32 $0x108;
	s8 =	sld [smem:$0x3FA8]  }
0x2e: {  	s3 =	simm.s32 @!p0 $0x1082;
	s9 =	sld [smem:$0x3FA9]  }
0x2f: {  	lr =	sadd.s32 s0, s3;
	s0 =	sld [smem:$0x3FA0]  }
0x30: {  	s3 =	sld [smem:$0x3FA3]  }
0x31: {  	[smem:$0x3FAC] =	sst s10  }
0x32: {  	s10 =	sld [smem:$0x3FAA];
	_ =	sdelay $0x3  }
0x33: {  	p0 =	seq.s32 s10, $0x1;
	s10 =	sld [smem:$0x3FAC];
	_ =	sdelay $0x3  }
0x34: {  	[smem:$0x3FAC] =	sst s10  }
0x35: {  	s10 =	sld [smem:$0x3FAB];
	_ =	sdelay $0x3  }
0x36: {  	p1 =	seq.s32 s10, $0x1;
	s10 =	sld [smem:$0x3FAC];
	_ =	sdelay $0x3  }
0x37: {  	[smem:$0x3FAC] =	sst s10  }
0x38: {  	s10 =	sld [smem:$0x3FAD]  }
0x39: {  	_ = 	snop;
	(pc) =	sbr.ind lr, $3  }
0x3a: {  	_ = 	snop  }
0x3b: {  	_ = 	snop  }
0x3c: {  	p2 =	seq.s32 s10, $0x1;
	s10 =	sld [smem:$0x3FAC]  }
0x3d: {  	_ =	shalt  }
0x3e: {  	_ =	shalt  }
0x3f: {  	_ =	shalt  }
0x40: {  	_ =	shalt  }
0x41: {  	_ =	shalt  }
0x42: {  	_ =	shalt  }
0x43: {  	_ =	shalt  }
0x44: {  	_ =	shalt  }
0x45: {  	_ =	shalt  }
0x46: {  	_ =	shalt  }
0x47: {  	_ =	shalt  }
0x48: {  	_ =	shalt  }
0x49: {  	_ =	shalt  }
0x4a: {  	_ =	shalt  }
0x4b: {  	_ =	shalt  }
0x4c: {  	_ =	shalt  }
0x4d: {  	_ =	shalt  }
0x4e: {  	_ =	shalt  }
0x4f: {  	_ =	shalt  }
0x50: {  	_ =	shalt  }
0x51: {  	_ =	shalt  }
0x52: {  	_ =	shalt  }
0x53: {  	_ =	shalt  }
0x54: {  	_ =	shalt  }
0x55: {  	_ =	shalt  }
0x56: {  	_ =	shalt  }
0x57: {  	_ =	shalt  }
0x58: {  	_ =	shalt  }
0x59: {  	_ =	shalt  }
0x5a: {  	_ =	shalt  }
0x5b: {  	_ =	shalt  }
0x5c: {  	_ =	shalt  }
0x5d: {  	_ =	shalt  }
0x5e: {  	_ =	shalt  }
0x5f: {  	_ =	shalt  }
0x60: {  	_ =	shalt  }
0x61: {  	_ =	shalt  }
0x62: {  	_ =	shalt  }
0x63: {  	_ =	shalt  }
0x64: {  	_ =	shalt  }
0x65: {  	_ =	shalt  }
0x66: {  	_ =	shalt  }
0x67: {  	_ =	shalt  }
0x68: {  	_ =	shalt  }
0x69: {  	_ =	shalt  }
0x6a: {  	_ =	shalt  }
0x6b: {  	_ =	shalt  }
0x6c: {  	_ =	shalt  }
0x6d: {  	_ =	shalt  }
0x6e: {  	_ =	shalt  }
0x6f: {  	_ =	shalt  }
0x70: {  	_ =	shalt  }
0x71: {  	_ =	shalt  }
0x72: {  	_ =	shalt  }
0x73: {  	_ =	shalt  }
0x74: {  	_ =	shalt  }
0x75: {  	_ =	shalt  }
0x76: {  	_ =	shalt  }
0x77: {  	_ =	shalt  }
0x78: {  	_ =	shalt  }
0x79: {  	_ =	shalt  }
0x7a: {  	_ =	shalt  }
0x7b: {  	_ =	shalt  }
0x7c: {  	_ =	shalt  }
0x7d: {  	_ =	shalt  }
0x7e: {  	_ =	shalt  }
0x7f: {  	_ =	shalt  }
0x80: {  	_ =	shalt  }
0x81: {  	_ =	shalt  }
0x82: {  	_ =	shalt  }
0x83: {  	_ =	shalt  }
0x84: {  	_ =	shalt  }
0x85: {  	_ =	shalt  }
0x86: {  	_ =	shalt  }
0x87: {  	_ =	shalt  }
.Lfunc_end0:
.L_simem_size_0:
called_computation.1_lowered:
.L_overlay_start_0:
0x88: {  	s0 =	sld [smem:$0x3FD9]  }
0x89: {  	s1 =	sld [smem:$0x3FFE];
	_ =	sdelay $0x3  }
0x8a: {  	s0 =	sadd.s32 s1, s0  }
0x8b: {  	[smem:$0x3FB8] =	sst s0  }
0x8c: {  	_ = 	snop  }
0x8d: {  	(tm) =	ssettm $0x1  }
0x8e: {  	s14 =	sld [smem:$0x3FFB];
	_ =	sdelay $0x3  }
0x8f: {  	_ =	strace s14  }
0x90: {  	s0 =	sld [smem:$0x3FFC];
	_ =	sdelay $0x3  }
0x91: {  	_ =	strace s0  }
0x92: {  	s0 =	sld [smem:$0x3FFD];
	_ =	sdelay $0x3  }
0x93: {  	_ =	strace s0  }
0x94: {  	_ =	strace $0x8FFFFFFF  }
0x95: {  	s15 =	sld [smem:$0x3FDB];
	_ =	sdelay $0x1  }
0x96: {  	s16 =	simm.s32 $_scs_section_size  }
0x97: {  	s2 =	simm.s32 $_size__tile_overlayer_lowered;
	s3 =	simm.s32 $_tile_overlayer_lowered  }
0x98: {  	s4 =	simm.s32 $0x1BFF;
	s17 =	sshll.u32 s3, $0x1;
	s1 =	sadd.s32 s16, s15  }
0x99: {  	s18 =	simm.s32 $0x0;
	s2 =	sshll.u32 s2, $0x1;
	s3 =	sadd.s32 s17, s1  }
0x9a: {  	[timem:s18], [sflag:s4] =	dma.local [hbm:s3], s2  }
0x9b: {  	_ =	swait.ge [sflag:s4], s2  }
0x9c: {  	s2 =	ssub.s32 $0x0, s2;
	[sflag:s4] =	ssyncset.done $0x0  }
0x9d: {  	[sflag:s4] =	ssyncadd.s32 s2;
	_ =	sdelay $0x1  }
0x9e: {  	s19 =	simm.s32 $0x1B8B  }
0x9f: {  	_ =	swait.ge [sflag:s19], $0x1  }
0xa0: {  	[sflag:s19] =	ssyncset.done $0x0  }
0xa1: {  	s21 =	simm.s32 $0x1B8E;
	s20 =	sld [smem:$0x3FFE];
	[sflag:s19] =	ssyncadd.s32 $0xFFFFFFFF  }
0xa2: {  	s22 =	simm.s32 $execute0_lowered;
	[smem:$0x3FD2] =	sst s21  }
0xa3: {  	s3 =	sshll.u32 s22, $0x1;
	_ =	strace $0x8000004C;
	[dreg:$0x1] =	wrdreg $0xFFFFFFFF  }
0xa4: {  	s23 =	simm.s32 $_size_execute0_lowered;
	s3 =	sadd.s32 s1, s3;
	[dreg:$0x0] =	wrdreg $0x0  }
0xa5: {  	s4 =	sshll.u32 s23, $0x1;
	[dreg:$0x2] =	wrdreg s3  }
0xa6: {  	[dreg:$0x3] =	wrdreg s4  }
0xa7: {  	[dreg:$0x4] =	wrdreg $0xC0  }
0xa8: {  	s24 =	simm.s32 $execute1_lowered;
	_ =	task [dreg:s18], $0x5FFFF  }
0xa9: {  	s3 =	sshll.u32 s24, $0x1;
	[dreg:$0x1] =	wrdreg $0xFFFFFFFF  }
0xaa: {  	s1 =	sadd.s32 s1, s3;
	[dreg:$0x0] =	wrdreg $0x60  }
0xab: {  	[dreg:$0x2] =	wrdreg s1  }
0xac: {  	[dreg:$0x3] =	wrdreg s20  }
0xad: {  	[dreg:$0x4] =	wrdreg $0x9  }
0xae: {  	_ =	task.clear_ibuf [dreg:s18], $0x5FFFF;
	_ =	strace $0x9000004C  }
0xaf: {  	s25 =	simm.s32 $0x9;
	_ =	strace $0x8000004E  }
0xb0: {  	_ =	swait.ge [sflag:s25], $0x1  }
0xb1: {  	[sflag:s25] =	ssyncadd.s32 $0xFFFFFFFF  }
0xb2: {  	_ =	strace $0x9000004E  }
0xb3: {  	_ =	strace $0x8000004F;
	[dreg:$0x1] =	wrdreg $0xFFFFFFFF  }
0xb4: {  	[dreg:$0x0] =	wrdreg $0x2030  }
0xb5: {  	[dreg:$0x2] =	wrdreg s20  }
0xb6: {  	[dreg:$0x3] =	wrdreg $0xA  }
0xb7: {  	_ =	task.clear_ibuf [dreg:s18], $0x4FFFF;
	_ =	strace $0x9000004F  }
0xb8: {  	s26 =	simm.s32 $0xA;
	_ =	strace $0x80000051  }
0xb9: {  	_ =	swait.ge [sflag:s26], $0x1  }
0xba: {  	[sflag:s26] =	ssyncadd.s32 $0xFFFFFFFF  }
0xbb: {  	_ =	strace $0x90000051  }
0xbc: {  	_ =	sfence  }
0xbd: {  	s28 =	sld [smem:$0x0];
	_ =	sdelay $0x1  }
0xbe: {  	s29 =	srdreg.scid  }
0xbf: {  	s30 =	sshll.u32 s29, $0xD;
	s31 =	sshrl.u32 s29, $0x2  }
0xc0: {  	s2 =	sand.u32 $0x1, s29;
	s3 =	sand.u32 $0x4000, s30;
	s1 =	sadd.s32 s31, s28  }
0xc1: {  	s2 =	sor.u32 s3, s2;
	s1 =	sshll.u32 s1, $0x11  }
0xc2: {  	s1 =	sor.u32 s1, s2  }
0xc3: {  	s1 =	sadd.s32 $0x8F2B, s1  }
0xc4: {  	[sflag:s1] =	ssyncadd.remote.s32 $0x1  }
0xc5: {  	_ =	sfence.sel $0xFFFF  }
0xc6: {  	[dreg:$0x0] =	wrdreg $0xFFFFFFFF;
	(pc) =	sbr.abs _section_cstart, $3  }
0xc7: {  	[dreg:$0x1] =	wrdreg $0xFFFFFFFF  }
0xc8: {  	_ =	task.clear_ibuf [dreg:s18], $0x2FFFF;
	_ =	strace $0x9FFFFFFF  }
0xc9: {  	(tm) =	ssettm $0x7FFFFFFF  }
tec
execute0_lowered:
.L_overlay_start_1:
0x0: {  	(tag) =	ssettag $0x1  }
0x1: {  	s2 =	rddreg [dreg:$0x0]  }
0x2: {  	s5 =	rddreg [dreg:$0x1]  }
0x3: {  	s0 =	rddreg [dreg:$0x2];
	s3 =	stileid.u32  }
0x4: {  	[bflag:$0x3] =	sbarrier.arrive $0xFFFF;
	s1 =	simm.s32 $_size_execute1_lowered;
	s31 =	simm.s32 $0x2  }
0x5: {  	s13 =	simm.s32 $0x0;
	s8 =	simm.s32 $0x20;
	s9 =	simm.s32 $0x80  }
0x6: {  	s11 =	simm.s32 $0x0;
	s12 =	simm.s32 $0x0;
	p0 =	sne.s32 s3, $0x0  }
0x7: {  	s1 =	sshll.u32 s1, $0x1;
	s3 =	sshll.u32 s3, $0x9;
	s4 =	simm.s32 @!p0 $0x1C3F  }
.Ltmp0:
0x8: {  	s6 =	simm.s32 @!p0 $0x4060;
	s7 =	ssub.s32 $0xC200, s3;
	(pc) =	sbr.rel .LBB2_1-.Ltmp0, $4  }
0x9: {  	[timem:s6], [sflag:s4] =	dma.local @!p0 [hbm:s2], s1  }
0xa: {  	s10 =	smov.u32 s3;
	s4 =	simm.s32 $0x1;
	_ =	strace $0x8000004D  }
0xb: {  	s2 =	sadd.s32 $0x24DE00, s5;
	s6 =	sshrl.u32 s7, $0xD;
	[sflag:s4] =	ssyncpa.u1 $0x0  }
0xc: {  	s5 =	sadd.s32 $0x311400, s5;
	s7 =	sadd.s32 $0x2, s6;
	[sflag:s31] =	ssyncpa.u1 $0x0  }
.LBB2_5:
0xd: {  	_ =	sdelay $0x3  }
0xe: {  	[tilespmem:v1+s16+$0x0 ss:$0x1] =	vst.idx.msk $0xffff, v2  }
.LBB2_6:
0xf: {  	s16 =	sand.u32 $0x1FFFFFF, s11  }
0x10: {  	s17 =	smulhi.u32 $0x14F8B59, s16;
	_ =	sdelay $0x1  }
0x11: {  	s17 =	sshrl.u32 s17, $0x8  }
0x12: {  	s17 =	smul.u32 $0xC350, s17;
	_ =	sdelay $0x1  }
0x13: {  	s16 =	ssub.s32 s16, s17  }
0x14: {  	s16 =	sshll.u32 s16, $0x4  }
0x15: {  	s16 =	sadd.s32 s5, s16  }
0x16: {  	[hbm4b:s16+s8] =	stream.strided.scatter [tilespmem:s15], [sflag:$0x2], s14, s9, s8, $0x38;
	[tilespmem:$0x10000] =	vst v63  }
.LBB2_7:
0x17: {  	p1 =	slt.u32 s12, $0x2  }
0x18: {  	p2 =	sgt.s32 @!p1 s13, $0xC150  }
0x19: {  	s14 =	smov.u32 s13;
	s15 =	sshra.s32 @!p1 s13, $0x1F;
	p2 =	por !p2, p1  }
0x1a: {  	s13 =	sand.u32 @!p1 s15, s13;
	s14 =	simm.s32 @p2 $0xC150  }
0x1b: {  	s13 =	ssub.s32 @!p1 s14, s13  }
0x1c: {  	s13 =	sadd.s32 @!p1 $0xFFFF3EB0, s13  }
0x1d: {  	s14 =	sshll.u32 @!p1 s13, $0x7  }
0x1e: {  	p2 =	sgt.s32 @!p1 s13, $0x1FF;
	s13 =	ssub.s32 @!p1 $0x10000, s14  }
0x1f: {  	s15 =	sadd.s32 $0x2000, s10;
	p2 =	por !p2, p1;
	s13 =	sshrl.u32 @!p1 s13, $0x2  }
0x20: {  	s13 =	simm.s32 @!p2 $0x0;
	p2 =	sgt.s32 s15, $0xC34F  }
0x21: {  	s15 =	smov.u32 @p2 s3;
	p2 =	sne.s32 s12, s7  }
.Ltmp1:
0x22: {  	_ = 	snop;
	(pc) =	sbr.rel @!p2 .LBB2_8-.Ltmp1, $4  }
0x23: {  	s14 =	simm.s32 @!p1 $0x2  }
0x24: {  	_ =	swait.ge @!p1 [sflag:s14], s13;
	s16 =	ssub.s32 @!p1 $0x0, s13  }
0x25: {  	s13 =	smov.u32 s11;
	s12 =	sadd.s32 $0x1, s12;
	[sflag:s14] =	ssyncset.done @!p1 $0x0  }
0x26: {  	s11 =	smov.u32 s10;
	s10 =	smov.u32 s15;
	[sflag:s14] =	ssyncadd.s32 @!p1 s16  }
.LBB2_1:
0x27: {  	p1 =	sgt.u32 s12, s6  }
0x28: {  	s15 =	smov.u32 s10;
	p2 =	sgt.s32 @!p1 s10, $0xC150  }
0x29: {  	s14 =	sand.u32 @!p1 $0x1FFFFFF, s10;
	s16 =	sshra.s32 @!p1 s10, $0x1F;
	p2 =	por !p2, p1  }
0x2a: {  	s17 =	smulhi.u32 @!p1 $0x14F8B59, s14;
	s16 =	sand.u32 @!p1 s16, s10;
	s15 =	simm.s32 @p2 $0xC150  }
0x2b: {  	s15 =	ssub.s32 @!p1 s15, s16  }
0x2c: {  	s16 =	sshrl.u32 @!p1 s17, $0x8;
	s15 =	sadd.s32 @!p1 $0xFFFF3EB0, s15  }
0x2d: {  	s17 =	sxor.u32 @!p1 $0xFFFFFFFF, s12;
	s16 =	smul.u32 @!p1 $0xC350, s16;
	s18 =	sshll.u32 @!p1 s15, $0x7  }
0x2e: {  	s17 =	sshll.u32 @!p1 s17, $0xE;
	p2 =	sgt.s32 @!p1 s15, $0x1FF;
	s15 =	ssub.s32 @!p1 $0x10000, s18  }
0x2f: {  	s14 =	ssub.s32 @!p1 s14, s16;
	p2 =	por !p2, p1;
	s16 =	sand.u32 @!p1 $0x4000, s17  }
0x30: {  	s17 =	simm.s32 @!p1 $0x20;
	s15 =	sshrl.u32 @!p1 s15, $0x2;
	s14 =	sshll.u32 @!p1 s14, $0x4  }
0x31: {  	s18 =	simm.s32 @!p1 $0x80;
	s15 =	simm.s32 @!p2 $0x0;
	s14 =	sadd.s32 @!p1 s2, s14  }
0x32: {  	[tilespmem:s16], [sflag:$0x1] =	stream.strided.gather @!p1 [hbm4b:s14+s17], s15, s18, s17, $0x38;
	[tilespmem:$0x10000] =	vst v63  }
0x33: {  	p1 =	seq.s32 s12, $0x0  }
0x34: {  	p2 =	sge.u32 @!p1 s12, s7  }
0x35: {  	p1 =	por p1, p2  }
.Ltmp2:
0x36: {  	_ = 	snop;
	(pc) =	sbr.rel @p1 .LBB2_7-.Ltmp2, $1  }
0x37: {  	_ =	sdelay $0x3  }
0x38: {  	p1 =	sgt.s32 s11, $0xC150;
	s14 =	smov.u32 s11;
	s15 =	sshra.s32 s11, $0x1F  }
0x39: {  	s14 =	simm.s32 @!p1 $0xC150;
	s15 =	sand.u32 s15, s11  }
0x3a: {  	s14 =	ssub.s32 s14, s15  }
0x3b: {  	s14 =	sadd.s32 $0xFFFF3EB0, s14  }
0x3c: {  	s31 =	sshll.u32 s14, $0x7  }
0x3d: {  	s15 =	ssub.s32 $0x10000, s31  }
0x3e: {  	p1 =	sgt.s32 s14, $0x1FF;
	s14 =	sshrl.u32 s15, $0x2;
	s15 =	sadd.s32 $0x200, s11  }
0x3f: {  	s14 =	simm.s32 @p1 $0x0;
	p1 =	slt.s32 s15, $0xC350  }
0x40: {  	s15 =	simm.s32 @!p1 $0xC350  }
0x41: {  	s17 =	ssub.s32 s15, s11  }
0x42: {  	p1 =	slt.s32 s17, $0x1  }
.Ltmp3:
0x43: {  	_ = 	snop;
	(pc) =	sbr.rel @p1 .LBB2_6-.Ltmp3, $4  }
0x44: {  	_ = 	snop  }
0x45: {  	s16 =	sshll.u32 s12, $0xE;
	_ =	swait.ge [sflag:s4], s14  }
0x46: {  	s16 =	sand.u32 $0x4000, s16;
	s18 =	ssub.s32 $0x0, s14;
	[sflag:s4] =	ssyncset.done $0x0  }
0x47: {  	s15 =	sor.u32 $0x8000, s16;
	[sflag:s4] =	ssyncadd.s32 s18  }
0x48: {  	v0 =	vmov s16;
	_ =	sdelay $0x2  }
0x49: {  	s31 =	simm.s32 $0x0;
	p1 =	sne.s32 s17, $0x1  }
.Ltmp4:
0x4a: {  	s16 =	sand.u32 $0x3FE0, s31;
	(pc) =	sbr.rel @!p1 .LBB2_5-.Ltmp4, $2  }
0x4b: {  	v1 =	vmov s15;
	v2 =	vld.idx.msk [tilespmem:v0+s16+$0x0 ss:$0x1], $0xffff;
	_ =	sdelay $0x2  }
0x4c: {  	s17 =	sadd.s32 $0xFFFFFFFF, s17;
	s18 =	simm.s32 $0x20  }
.LBB2_4:
0x4d: {  	s19 =	sand.u32 $0x3FE0, s18;
	p1 =	sne.s32 s17, $0x1;
	s17 =	sadd.s32 $0xFFFFFFFF, s17  }
.Ltmp5:
0x4e: {  	[tilespmem:v1+s16+$0x0 ss:$0x1] =	vst.idx.msk $0xffff, v2;
	v2 =	vld.idx.msk [tilespmem:v0+s19+$0x0 ss:$0x1], $0xffff;
	s16 =	smov.u32 s19;
	(pc) =	sbr.rel @p1 .LBB2_4-.Ltmp5, $2  }
0x4f: {  	_ =	sdelay $0x2  }
0x50: {  	s18 =	sadd.s32 $0x20, s18  }
.Ltmp6:
0x51: {  	_ = 	snop;
	(pc) =	sbr.rel .LBB2_5-.Ltmp6, $1  }
0x52: {  	_ =	sdelay $0x3  }
.LBB2_8:
0x53: {  	_ =	sfence.sel $0x180000  }
0x54: {  	s2 =	simm.s32 $0x1;
	[bflag:$0x0] =	sbarrier.arrive $0xFFFF  }
0x55: {  	s31 =	simm.s32 $0x2;
	[sflag:s2] =	ssyncpa.u1 $0x1  }
0x56: {  	[sflag:s31] =	ssyncpa.u1 $0x1  }
0x57: {  	_ =	strace $0x9000004D  }
0x58: {  	s0 =	sadd.s32 @!p0 $0x100000, s0;
	[bflag:$0x2] =	sbarrier.arrive $0xFFFF  }
0x59: {  	[sflag:s0] =	ssyncadd.tile.s32 @!p0 $0x1;
	s0 =	simm.s32 @!p0 $0x3F  }
0x5a: {  	_ =	swait.ge @!p0 [sflag:s0], s1  }
0x5b: {  	s1 =	ssub.s32 @!p0 $0x0, s1;
	[sflag:s0] =	ssyncset.done @!p0 $0x0  }
0x5c: {  	[sflag:s0] =	ssyncadd.s32 @!p0 s1  }
0x5d: {  	[bflag:$0x3] =	sbarrier.arrive $0xFFFF  }
0x5e: {  	_ =	shalt  }
.Lfunc_end2:
execute1_lowered:
.L_overlay_start_2:
0x5f: {  	(tag) =	ssettag $0x2  }
0x60: {  	s8 =	rddreg [dreg:$0x0];
	_ =	strace $0x80000050;
	s11 =	simm.s32 $0x1  }
0x61: {  	v0 =	vimm.s32 $0x0;
	[sflag:s11] =	ssyncpa.u1 $0x0  }
0x62: {  	[tilespmem:$0x28] =	vst v0  }
0x63: {  	[tilespmem:$0x38] =	vst v0  }
0x64: {  	[tilespmem:$0x48] =	vst v0  }
0x65: {  	[tilespmem:$0x58] =	vst v0  }
0x66: {  	[tilespmem:$0x68] =	vst v0  }
0x67: {  	[tilespmem:$0x78] =	vst v0  }
0x68: {  	[tilespmem:$0x88] =	vst v0  }
0x69: {  	[tilespmem:$0x98] =	vst v0  }
0x6a: {  	[tilespmem:$0xA8] =	vst v0  }
0x6b: {  	[tilespmem:$0xB8] =	vst v0  }
0x6c: {  	[tilespmem:$0xC8] =	vst v0  }
0x6d: {  	[tilespmem:$0xD8] =	vst v0  }
0x6e: {  	[tilespmem:$0xE8] =	vst v0  }
0x6f: {  	[tilespmem:$0xF8] =	vst v0  }
0x70: {  	[tilespmem:$0x108] =	vst v0  }
0x71: {  	[tilespmem:$0x118] =	vst v0  }
0x72: {  	[tilespmem:$0x128] =	vst v0  }
0x73: {  	[tilespmem:$0x138] =	vst v0  }
0x74: {  	[tilespmem:$0x148] =	vst v0  }
0x75: {  	[tilespmem:$0x158] =	vst v0  }
0x76: {  	[tilespmem:$0x168] =	vst v0  }
0x77: {  	[tilespmem:$0x178] =	vst v0  }
0x78: {  	[tilespmem:$0x188] =	vst v0  }
0x79: {  	[tilespmem:$0x198] =	vst v0  }
0x7a: {  	[tilespmem:$0x1A8] =	vst v0  }
0x7b: {  	[tilespmem:$0x1B8] =	vst v0  }
0x7c: {  	[tilespmem:$0x1C8] =	vst v0  }
0x7d: {  	[tilespmem:$0x1D8] =	vst v0  }
0x7e: {  	[tilespmem:$0x1E8] =	vst v0  }
0x7f: {  	[tilespmem:$0x1F8] =	vst v0  }
0x80: {  	[tilespmem:$0x208] =	vst v0  }
0x81: {  	[tilespmem:$0x218] =	vst v0  }
0x82: {  	[tilespmem:$0x228] =	vst v0  }
0x83: {  	[tilespmem:$0x238] =	vst v0  }
0x84: {  	[tilespmem:$0x248] =	vst v0  }
0x85: {  	[tilespmem:$0x258] =	vst v0  }
0x86: {  	[tilespmem:$0x268] =	vst v0  }
0x87: {  	[tilespmem:$0x278] =	vst v0  }
0x88: {  	[tilespmem:$0x288] =	vst v0  }
0x89: {  	[tilespmem:$0x298] =	vst v0  }
0x8a: {  	[tilespmem:$0x2A8] =	vst v0  }
0x8b: {  	[tilespmem:$0x2B8] =	vst v0  }
0x8c: {  	[tilespmem:$0x2C8] =	vst v0  }
0x8d: {  	[tilespmem:$0x2D8] =	vst v0  }
0x8e: {  	[tilespmem:$0x2E8] =	vst v0  }
0x8f: {  	[tilespmem:$0x2F8] =	vst v0  }
0x90: {  	[tilespmem:$0x308] =	vst v0  }
0x91: {  	[tilespmem:$0x318] =	vst v0  }
0x92: {  	[tilespmem:$0x328] =	vst v0  }
0x93: {  	[tilespmem:$0x338] =	vst v0  }
0x94: {  	[tilespmem:$0x348] =	vst v0  }
0x95: {  	[tilespmem:$0x358] =	vst v0  }
0x96: {  	[tilespmem:$0x368] =	vst v0  }
0x97: {  	[tilespmem:$0x378] =	vst v0  }
0x98: {  	[tilespmem:$0x388] =	vst v0  }
0x99: {  	[tilespmem:$0x398] =	vst v0  }
0x9a: {  	[tilespmem:$0x3A8] =	vst v0  }
0x9b: {  	[tilespmem:$0x3B8] =	vst v0  }
0x9c: {  	[tilespmem:$0x3C8] =	vst v0  }
0x9d: {  	[tilespmem:$0x3D8] =	vst v0  }
0x9e: {  	[tilespmem:$0x3E8] =	vst v0  }
0x9f: {  	[tilespmem:$0x3F8] =	vst v0  }
0xa0: {  	[tilespmem:$0x408] =	vst v0  }
0xa1: {  	[tilespmem:$0x418] =	vst v0  }
0xa2: {  	[tilespmem:$0x428] =	vst v0  }
0xa3: {  	[tilespmem:$0x438] =	vst v0  }
0xa4: {  	[tilespmem:$0x448] =	vst v0  }
0xa5: {  	[tilespmem:$0x458] =	vst v0  }
0xa6: {  	[tilespmem:$0x468] =	vst v0  }
0xa7: {  	[tilespmem:$0x478] =	vst v0  }
0xa8: {  	[tilespmem:$0x488] =	vst v0  }
0xa9: {  	[tilespmem:$0x498] =	vst v0  }
0xaa: {  	[tilespmem:$0x4A8] =	vst v0  }
0xab: {  	[tilespmem:$0x4B8] =	vst v0  }
0xac: {  	[tilespmem:$0x4C8] =	vst v0  }
0xad: {  	[tilespmem:$0x4D8] =	vst v0  }
0xae: {  	[tilespmem:$0x4E8] =	vst v0  }
0xaf: {  	[tilespmem:$0x4F8] =	vst v0  }
0xb0: {  	[tilespmem:$0x508] =	vst v0  }
0xb1: {  	[tilespmem:$0x518] =	vst v0  }
0xb2: {  	[tilespmem:$0x528] =	vst v0  }
0xb3: {  	[tilespmem:$0x538] =	vst v0  }
0xb4: {  	[tilespmem:$0x548] =	vst v0  }
0xb5: {  	[tilespmem:$0x558] =	vst v0  }
0xb6: {  	[tilespmem:$0x568] =	vst v0  }
0xb7: {  	[tilespmem:$0x578] =	vst v0  }
0xb8: {  	[tilespmem:$0x588] =	vst v0  }
0xb9: {  	[tilespmem:$0x598] =	vst v0  }
0xba: {  	[tilespmem:$0x5A8] =	vst v0  }
0xbb: {  	[tilespmem:$0x5B8] =	vst v0  }
0xbc: {  	[tilespmem:$0x5C8] =	vst v0  }
0xbd: {  	[tilespmem:$0x5D8] =	vst v0  }
0xbe: {  	[tilespmem:$0x5E8] =	vst v0  }
0xbf: {  	[tilespmem:$0x5F8] =	vst v0  }
0xc0: {  	[tilespmem:$0x608] =	vst v0  }
0xc1: {  	[tilespmem:$0x618] =	vst v0  }
0xc2: {  	[tilespmem:$0x628] =	vst v0  }
0xc3: {  	[tilespmem:$0x638] =	vst v0  }
0xc4: {  	[tilespmem:$0x648] =	vst v0  }
0xc5: {  	[tilespmem:$0x658] =	vst v0  }
0xc6: {  	[tilespmem:$0x668] =	vst v0  }
0xc7: {  	[tilespmem:$0x678] =	vst v0  }
0xc8: {  	[tilespmem:$0x688] =	vst v0  }
0xc9: {  	[tilespmem:$0x698] =	vst v0  }
0xca: {  	[tilespmem:$0x6A8] =	vst v0  }
0xcb: {  	[tilespmem:$0x6B8] =	vst v0  }
0xcc: {  	[tilespmem:$0x6C8] =	vst v0  }
0xcd: {  	[tilespmem:$0x6D8] =	vst v0  }
0xce: {  	[tilespmem:$0x6E8] =	vst v0  }
0xcf: {  	[tilespmem:$0x6F8] =	vst v0  }
0xd0: {  	[tilespmem:$0x708] =	vst v0  }
0xd1: {  	[tilespmem:$0x718] =	vst v0  }
0xd2: {  	[tilespmem:$0x728] =	vst v0  }
0xd3: {  	[tilespmem:$0x738] =	vst v0  }
0xd4: {  	[tilespmem:$0x748] =	vst v0  }
0xd5: {  	[tilespmem:$0x758] =	vst v0  }
0xd6: {  	[tilespmem:$0x768] =	vst v0  }
0xd7: {  	[tilespmem:$0x778] =	vst v0  }
0xd8: {  	[tilespmem:$0x788] =	vst v0  }
0xd9: {  	[tilespmem:$0x798] =	vst v0  }
0xda: {  	[tilespmem:$0x7A8] =	vst v0  }
0xdb: {  	[tilespmem:$0x7B8] =	vst v0  }
0xdc: {  	[tilespmem:$0x7C8] =	vst v0  }
0xdd: {  	[tilespmem:$0x7D8] =	vst v0  }
0xde: {  	[tilespmem:$0x7E8] =	vst v0  }
0xdf: {  	[tilespmem:$0x7F8] =	vst v0  }
0xe0: {  	[tilespmem:$0x808] =	vst v0  }
0xe1: {  	[tilespmem:$0x818] =	vst v0  }
0xe2: {  	[tilespmem:$0x828] =	vst v0  }
0xe3: {  	[tilespmem:$0x838] =	vst v0  }
0xe4: {  	[tilespmem:$0x848] =	vst v0  }
0xe5: {  	[tilespmem:$0x858] =	vst v0  }
0xe6: {  	[tilespmem:$0x868] =	vst v0  }
0xe7: {  	[tilespmem:$0x878] =	vst v0  }
0xe8: {  	[tilespmem:$0x888] =	vst v0  }
0xe9: {  	[tilespmem:$0x898] =	vst v0  }
0xea: {  	[tilespmem:$0x8A8] =	vst v0  }
0xeb: {  	[tilespmem:$0x8B8] =	vst v0  }
0xec: {  	[tilespmem:$0x8C8] =	vst v0  }
0xed: {  	[tilespmem:$0x8D8] =	vst v0  }
0xee: {  	[tilespmem:$0x8E8] =	vst v0  }
0xef: {  	[tilespmem:$0x8F8] =	vst v0  }
0xf0: {  	[tilespmem:$0x908] =	vst v0  }
0xf1: {  	[tilespmem:$0x918] =	vst v0  }
0xf2: {  	[tilespmem:$0x928] =	vst v0  }
0xf3: {  	[tilespmem:$0x938] =	vst v0  }
0xf4: {  	[tilespmem:$0x948] =	vst v0  }
0xf5: {  	[tilespmem:$0x958] =	vst v0  }
0xf6: {  	[tilespmem:$0x968] =	vst v0  }
0xf7: {  	[tilespmem:$0x978] =	vst v0  }
0xf8: {  	[tilespmem:$0x988] =	vst v0  }
0xf9: {  	[tilespmem:$0x998] =	vst v0  }
0xfa: {  	[tilespmem:$0x9A8] =	vst v0  }
0xfb: {  	[tilespmem:$0x9B8] =	vst v0  }
0xfc: {  	[tilespmem:$0x9C8] =	vst v0  }
0xfd: {  	[tilespmem:$0x9D8] =	vst v0  }
0xfe: {  	[tilespmem:$0x9E8] =	vst v0  }
0xff: {  	[tilespmem:$0x9F8] =	vst v0  }
0x100: {  	[tilespmem:$0xA08] =	vst v0  }
0x101: {  	[tilespmem:$0xA18] =	vst v0  }
0x102: {  	[tilespmem:$0xA28] =	vst v0  }
0x103: {  	[tilespmem:$0xA38] =	vst v0  }
0x104: {  	[tilespmem:$0xA48] =	vst v0  }
0x105: {  	[tilespmem:$0xA58] =	vst v0  }
0x106: {  	[tilespmem:$0xA68] =	vst v0  }
0x107: {  	[tilespmem:$0xA78] =	vst v0  }
0x108: {  	[tilespmem:$0xA88] =	vst v0  }
0x109: {  	[tilespmem:$0xA98] =	vst v0  }
0x10a: {  	[tilespmem:$0xAA8] =	vst v0  }
0x10b: {  	[tilespmem:$0xAB8] =	vst v0  }
0x10c: {  	[tilespmem:$0xAC8] =	vst v0  }
0x10d: {  	[tilespmem:$0xAD8] =	vst v0  }
0x10e: {  	[tilespmem:$0xAE8] =	vst v0  }
0x10f: {  	[tilespmem:$0xAF8] =	vst v0  }
0x110: {  	[tilespmem:$0xB08] =	vst v0  }
0x111: {  	[tilespmem:$0xB18] =	vst v0  }
0x112: {  	[tilespmem:$0xB28] =	vst v0  }
0x113: {  	[tilespmem:$0xB38] =	vst v0  }
0x114: {  	[tilespmem:$0xB48] =	vst v0  }
0x115: {  	[tilespmem:$0xB58] =	vst v0  }
0x116: {  	[tilespmem:$0xB68] =	vst v0  }
0x117: {  	[tilespmem:$0xB78] =	vst v0  }
0x118: {  	[tilespmem:$0xB88] =	vst v0  }
0x119: {  	[tilespmem:$0xB98] =	vst v0  }
0x11a: {  	[tilespmem:$0xBA8] =	vst v0  }
0x11b: {  	[tilespmem:$0xBB8] =	vst v0  }
0x11c: {  	[tilespmem:$0xBC8] =	vst v0  }
0x11d: {  	[tilespmem:$0xBD8] =	vst v0  }
0x11e: {  	[tilespmem:$0xBE8] =	vst v0  }
0x11f: {  	[tilespmem:$0xBF8] =	vst v0  }
0x120: {  	[tilespmem:$0xC08] =	vst v0  }
0x121: {  	[tilespmem:$0xC18] =	vst v0  }
0x122: {  	[tilespmem:$0xC28] =	vst v0  }
0x123: {  	[tilespmem:$0xC38] =	vst v0  }
0x124: {  	[tilespmem:$0xC48] =	vst v0  }
0x125: {  	[tilespmem:$0xC58] =	vst v0  }
0x126: {  	[tilespmem:$0xC68] =	vst v0  }
0x127: {  	[tilespmem:$0xC78] =	vst v0  }
0x128: {  	[tilespmem:$0xC88] =	vst v0  }
0x129: {  	[tilespmem:$0xC98] =	vst v0  }
0x12a: {  	[tilespmem:$0xCA8] =	vst v0  }
0x12b: {  	[tilespmem:$0xCB8] =	vst v0  }
0x12c: {  	[tilespmem:$0xCC8] =	vst v0  }
0x12d: {  	[tilespmem:$0xCD8] =	vst v0  }
0x12e: {  	[tilespmem:$0xCE8] =	vst v0  }
0x12f: {  	[tilespmem:$0xCF8] =	vst v0  }
0x130: {  	[tilespmem:$0xD08] =	vst v0  }
0x131: {  	[tilespmem:$0xD18] =	vst v0  }
0x132: {  	[tilespmem:$0xD28] =	vst v0  }
0x133: {  	[tilespmem:$0xD38] =	vst v0  }
0x134: {  	[tilespmem:$0xD48] =	vst v0  }
0x135: {  	[tilespmem:$0xD58] =	vst v0  }
0x136: {  	[tilespmem:$0xD68] =	vst v0  }
0x137: {  	[tilespmem:$0xD78] =	vst v0  }
0x138: {  	[tilespmem:$0xD88] =	vst v0  }
0x139: {  	[tilespmem:$0xD98] =	vst v0  }
0x13a: {  	[tilespmem:$0xDA8] =	vst v0  }
0x13b: {  	[tilespmem:$0xDB8] =	vst v0  }
0x13c: {  	[tilespmem:$0xDC8] =	vst v0  }
0x13d: {  	[tilespmem:$0xDD8] =	vst v0  }
0x13e: {  	[tilespmem:$0xDE8] =	vst v0  }
0x13f: {  	[tilespmem:$0xDF8] =	vst v0  }
0x140: {  	[tilespmem:$0xE08] =	vst v0  }
0x141: {  	[tilespmem:$0xE18] =	vst v0  }
0x142: {  	[tilespmem:$0xE28] =	vst v0  }
0x143: {  	[tilespmem:$0xE38] =	vst v0  }
0x144: {  	[tilespmem:$0xE48] =	vst v0  }
0x145: {  	[tilespmem:$0xE58] =	vst v0  }
0x146: {  	[tilespmem:$0xE68] =	vst v0  }
0x147: {  	[tilespmem:$0xE78] =	vst v0  }
0x148: {  	[tilespmem:$0xE88] =	vst v0  }
0x149: {  	[tilespmem:$0xE98] =	vst v0  }
0x14a: {  	[tilespmem:$0xEA8] =	vst v0  }
0x14b: {  	[tilespmem:$0xEB8] =	vst v0  }
0x14c: {  	[tilespmem:$0xEC8] =	vst v0  }
0x14d: {  	[tilespmem:$0xED8] =	vst v0  }
0x14e: {  	[tilespmem:$0xEE8] =	vst v0  }
0x14f: {  	[tilespmem:$0xEF8] =	vst v0  }
0x150: {  	[tilespmem:$0xF08] =	vst v0  }
0x151: {  	[tilespmem:$0xF18] =	vst v0  }
0x152: {  	[tilespmem:$0xF28] =	vst v0  }
0x153: {  	[tilespmem:$0xF38] =	vst v0  }
0x154: {  	[tilespmem:$0xF48] =	vst v0  }
0x155: {  	[tilespmem:$0xF58] =	vst v0  }
0x156: {  	[tilespmem:$0xF68] =	vst v0  }
0x157: {  	[tilespmem:$0xF78] =	vst v0  }
0x158: {  	[tilespmem:$0xF88] =	vst v0  }
0x159: {  	[tilespmem:$0xF98] =	vst v0  }
0x15a: {  	[tilespmem:$0xFA8] =	vst v0  }
0x15b: {  	[tilespmem:$0xFB8] =	vst v0  }
0x15c: {  	[tilespmem:$0xFC8] =	vst v0  }
0x15d: {  	[tilespmem:$0xFD8] =	vst v0  }
0x15e: {  	[tilespmem:$0xFE8] =	vst v0  }
0x15f: {  	[tilespmem:$0xFF8] =	vst v0  }
0x160: {  	[tilespmem:$0x1018] =	vst v0  }
0x161: {  	[tilespmem:$0x1098] =	vst v0  }
0x162: {  	[tilespmem:$0x1B28] =	vst v0  }
0x163: {  	[tilespmem:$0x1B18] =	vst v0  }
0x164: {  	[tilespmem:$0x1B08] =	vst v0  }
0x165: {  	[tilespmem:$0x1AF8] =	vst v0  }
0x166: {  	[tilespmem:$0x1AE8] =	vst v0  }
0x167: {  	[tilespmem:$0x1AD8] =	vst v0  }
0x168: {  	[tilespmem:$0x1AC8] =	vst v0  }
0x169: {  	[tilespmem:$0x1AB8] =	vst v0  }
0x16a: {  	[tilespmem:$0x1AA8] =	vst v0  }
0x16b: {  	[tilespmem:$0x1A98] =	vst v0  }
0x16c: {  	[tilespmem:$0x1A88] =	vst v0  }
0x16d: {  	[tilespmem:$0x1A78] =	vst v0  }
0x16e: {  	[tilespmem:$0x1A68] =	vst v0  }
0x16f: {  	[tilespmem:$0x1A58] =	vst v0  }
0x170: {  	[tilespmem:$0x1A48] =	vst v0  }
0x171: {  	[tilespmem:$0x1A38] =	vst v0  }
0x172: {  	[tilespmem:$0x1A28] =	vst v0  }
0x173: {  	[tilespmem:$0x1A18] =	vst v0  }
0x174: {  	[tilespmem:$0x1A08] =	vst v0  }
0x175: {  	[tilespmem:$0x19F8] =	vst v0  }
0x176: {  	[tilespmem:$0x19E8] =	vst v0  }
0x177: {  	[tilespmem:$0x19D8] =	vst v0  }
0x178: {  	[tilespmem:$0x19C8] =	vst v0  }
0x179: {  	[tilespmem:$0x19B8] =	vst v0  }
0x17a: {  	[tilespmem:$0x19A8] =	vst v0  }
0x17b: {  	[tilespmem:$0x1998] =	vst v0  }
0x17c: {  	[tilespmem:$0x1988] =	vst v0  }
0x17d: {  	[tilespmem:$0x1978] =	vst v0  }
0x17e: {  	[tilespmem:$0x1968] =	vst v0  }
0x17f: {  	[tilespmem:$0x1958] =	vst v0  }
0x180: {  	[tilespmem:$0x1948] =	vst v0  }
0x181: {  	[tilespmem:$0x1938] =	vst v0  }
0x182: {  	[tilespmem:$0x1928] =	vst v0  }
0x183: {  	[tilespmem:$0x1918] =	vst v0  }
0x184: {  	[tilespmem:$0x1908] =	vst v0  }
0x185: {  	[tilespmem:$0x18F8] =	vst v0  }
0x186: {  	[tilespmem:$0x18E8] =	vst v0  }
0x187: {  	[tilespmem:$0x18D8] =	vst v0  }
0x188: {  	[tilespmem:$0x18C8] =	vst v0  }
0x189: {  	[tilespmem:$0x18B8] =	vst v0  }
0x18a: {  	[tilespmem:$0x18A8] =	vst v0  }
0x18b: {  	[tilespmem:$0x1898] =	vst v0  }
0x18c: {  	[tilespmem:$0x1888] =	vst v0  }
0x18d: {  	[tilespmem:$0x1878] =	vst v0  }
0x18e: {  	[tilespmem:$0x1868] =	vst v0  }
0x18f: {  	[tilespmem:$0x1858] =	vst v0  }
0x190: {  	[tilespmem:$0x1848] =	vst v0  }
0x191: {  	[tilespmem:$0x1838] =	vst v0  }
0x192: {  	[tilespmem:$0x1828] =	vst v0  }
0x193: {  	[tilespmem:$0x1818] =	vst v0  }
0x194: {  	[tilespmem:$0x1808] =	vst v0  }
0x195: {  	[tilespmem:$0x17F8] =	vst v0  }
0x196: {  	[tilespmem:$0x17E8] =	vst v0  }
0x197: {  	[tilespmem:$0x17D8] =	vst v0  }
0x198: {  	[tilespmem:$0x17C8] =	vst v0  }
0x199: {  	[tilespmem:$0x17B8] =	vst v0  }
0x19a: {  	[tilespmem:$0x17A8] =	vst v0  }
0x19b: {  	[tilespmem:$0x1798] =	vst v0  }
0x19c: {  	[tilespmem:$0x1788] =	vst v0  }
0x19d: {  	[tilespmem:$0x1778] =	vst v0  }
0x19e: {  	[tilespmem:$0x1768] =	vst v0  }
0x19f: {  	[tilespmem:$0x1758] =	vst v0  }
0x1a0: {  	[tilespmem:$0x1748] =	vst v0  }
0x1a1: {  	[tilespmem:$0x1738] =	vst v0  }
0x1a2: {  	[tilespmem:$0x1728] =	vst v0  }
0x1a3: {  	[tilespmem:$0x1718] =	vst v0  }
0x1a4: {  	[tilespmem:$0x1708] =	vst v0  }
0x1a5: {  	[tilespmem:$0x16F8] =	vst v0  }
0x1a6: {  	[tilespmem:$0x16E8] =	vst v0  }
0x1a7: {  	[tilespmem:$0x16D8] =	vst v0  }
0x1a8: {  	[tilespmem:$0x16C8] =	vst v0  }
0x1a9: {  	[tilespmem:$0x16B8] =	vst v0  }
0x1aa: {  	[tilespmem:$0x16A8] =	vst v0  }
0x1ab: {  	[tilespmem:$0x1698] =	vst v0  }
0x1ac: {  	[tilespmem:$0x1688] =	vst v0  }
0x1ad: {  	[tilespmem:$0x1678] =	vst v0  }
0x1ae: {  	[tilespmem:$0x1668] =	vst v0  }
0x1af: {  	[tilespmem:$0x1658] =	vst v0  }
0x1b0: {  	[tilespmem:$0x1648] =	vst v0  }
0x1b1: {  	[tilespmem:$0x1638] =	vst v0  }
0x1b2: {  	[tilespmem:$0x1628] =	vst v0  }
0x1b3: {  	[tilespmem:$0x1618] =	vst v0  }
0x1b4: {  	[tilespmem:$0x1608] =	vst v0  }
0x1b5: {  	[tilespmem:$0x15F8] =	vst v0  }
0x1b6: {  	[tilespmem:$0x15E8] =	vst v0  }
0x1b7: {  	[tilespmem:$0x15D8] =	vst v0  }
0x1b8: {  	[tilespmem:$0x15C8] =	vst v0  }
0x1b9: {  	[tilespmem:$0x15B8] =	vst v0  }
0x1ba: {  	[tilespmem:$0x15A8] =	vst v0  }
0x1bb: {  	[tilespmem:$0x1598] =	vst v0  }
0x1bc: {  	[tilespmem:$0x1588] =	vst v0  }
0x1bd: {  	[tilespmem:$0x1578] =	vst v0  }
0x1be: {  	[tilespmem:$0x1568] =	vst v0  }
0x1bf: {  	[tilespmem:$0x1558] =	vst v0  }
0x1c0: {  	[tilespmem:$0x1548] =	vst v0  }
0x1c1: {  	[tilespmem:$0x1538] =	vst v0  }
0x1c2: {  	[tilespmem:$0x1528] =	vst v0  }
0x1c3: {  	[tilespmem:$0x1518] =	vst v0  }
0x1c4: {  	[tilespmem:$0x1508] =	vst v0  }
0x1c5: {  	[tilespmem:$0x14F8] =	vst v0  }
0x1c6: {  	[tilespmem:$0x14E8] =	vst v0  }
0x1c7: {  	[tilespmem:$0x14D8] =	vst v0  }
0x1c8: {  	[tilespmem:$0x14C8] =	vst v0  }
0x1c9: {  	[tilespmem:$0x14B8] =	vst v0  }
0x1ca: {  	[tilespmem:$0x14A8] =	vst v0  }
0x1cb: {  	[tilespmem:$0x1498] =	vst v0  }
0x1cc: {  	[tilespmem:$0x1488] =	vst v0  }
0x1cd: {  	[tilespmem:$0x1478] =	vst v0  }
0x1ce: {  	[tilespmem:$0x1468] =	vst v0  }
0x1cf: {  	[tilespmem:$0x1458] =	vst v0  }
0x1d0: {  	[tilespmem:$0x1448] =	vst v0  }
0x1d1: {  	[tilespmem:$0x1438] =	vst v0  }
0x1d2: {  	[tilespmem:$0x1428] =	vst v0  }
0x1d3: {  	[tilespmem:$0x1418] =	vst v0  }
0x1d4: {  	[tilespmem:$0x1408] =	vst v0  }
0x1d5: {  	[tilespmem:$0x13F8] =	vst v0  }
0x1d6: {  	[tilespmem:$0x13E8] =	vst v0  }
0x1d7: {  	[tilespmem:$0x13D8] =	vst v0  }
0x1d8: {  	[tilespmem:$0x13C8] =	vst v0  }
0x1d9: {  	[tilespmem:$0x13B8] =	vst v0  }
0x1da: {  	[tilespmem:$0x13A8] =	vst v0  }
0x1db: {  	[tilespmem:$0x1398] =	vst v0  }
0x1dc: {  	[tilespmem:$0x1388] =	vst v0  }
0x1dd: {  	[tilespmem:$0x1378] =	vst v0  }
0x1de: {  	[tilespmem:$0x1368] =	vst v0  }
0x1df: {  	[tilespmem:$0x1358] =	vst v0  }
0x1e0: {  	[tilespmem:$0x1348] =	vst v0  }
0x1e1: {  	[tilespmem:$0x1338] =	vst v0  }
0x1e2: {  	[tilespmem:$0x1328] =	vst v0  }
0x1e3: {  	[tilespmem:$0x1318] =	vst v0  }
0x1e4: {  	[tilespmem:$0x1308] =	vst v0  }
0x1e5: {  	[tilespmem:$0x12F8] =	vst v0  }
0x1e6: {  	[tilespmem:$0x12E8] =	vst v0  }
0x1e7: {  	[tilespmem:$0x12D8] =	vst v0  }
0x1e8: {  	[tilespmem:$0x12C8] =	vst v0  }
0x1e9: {  	[tilespmem:$0x12B8] =	vst v0  }
0x1ea: {  	[tilespmem:$0x12A8] =	vst v0  }
0x1eb: {  	[tilespmem:$0x1298] =	vst v0  }
0x1ec: {  	[tilespmem:$0x1288] =	vst v0  }
0x1ed: {  	[tilespmem:$0x1278] =	vst v0  }
0x1ee: {  	[tilespmem:$0x1268] =	vst v0  }
0x1ef: {  	[tilespmem:$0x1258] =	vst v0  }
0x1f0: {  	[tilespmem:$0x1248] =	vst v0  }
0x1f1: {  	[tilespmem:$0x1238] =	vst v0  }
0x1f2: {  	[tilespmem:$0x1228] =	vst v0  }
0x1f3: {  	[tilespmem:$0x1218] =	vst v0  }
0x1f4: {  	[tilespmem:$0x1208] =	vst v0  }
0x1f5: {  	[tilespmem:$0x11F8] =	vst v0  }
0x1f6: {  	[tilespmem:$0x11E8] =	vst v0  }
0x1f7: {  	[tilespmem:$0x11D8] =	vst v0  }
0x1f8: {  	[tilespmem:$0x11C8] =	vst v0  }
0x1f9: {  	[tilespmem:$0x11B8] =	vst v0  }
0x1fa: {  	[tilespmem:$0x11A8] =	vst v0  }
0x1fb: {  	[tilespmem:$0x1198] =	vst v0  }
0x1fc: {  	[tilespmem:$0x1188] =	vst v0  }
0x1fd: {  	[tilespmem:$0x1178] =	vst v0  }
0x1fe: {  	[tilespmem:$0x1168] =	vst v0  }
0x1ff: {  	[tilespmem:$0x1158] =	vst v0  }
0x200: {  	[tilespmem:$0x1148] =	vst v0  }
0x201: {  	[tilespmem:$0x1138] =	vst v0  }
0x202: {  	[tilespmem:$0x1128] =	vst v0  }
0x203: {  	[tilespmem:$0x1118] =	vst v0  }
0x204: {  	[tilespmem:$0x1108] =	vst v0  }
0x205: {  	[tilespmem:$0x10F8] =	vst v0  }
0x206: {  	[tilespmem:$0x10E8] =	vst v0  }
0x207: {  	s2 =	stileid.u32;
	[tilespmem:$0x10D8] =	vst v0  }
0x208: {  	s3 =	smul.u32 $0xCF90, s2;
	[tilespmem:$0x10C8] =	vst v0  }
0x209: {  	[tilespmem:$0x10B8] =	vst v0  }
0x20a: {  	[tilespmem:$0x10A8] =	vst v0;
	s0 =	smin.u32 s3, $0xC28C0  }
0x20b: {  	[tilespmem:$0x1028] =	vst v0;
	s4 =	sadd.s32 $0xCF90, s0  }
0x20c: {  	s5 =	simm.s32 $0x2;
	s29 =	simm.s32 $0x7;
	[tilespmem:$0x1088] =	vst v0;
	s0 =	ssub.s32 s4, s3  }
0x20d: {  	s13 =	simm.s32 $0x8;
	s30 =	simm.s32 $0x9;
	[tilespmem:$0x1078] =	vst v0;
	p0 =	sgt.s32 s0, $0x0  }
0x20e: {  	p4 =	por $0x0, $0x0;
	s14 =	simm.s32 $0xA;
	[tilespmem:$0x1068] =	vst v0;
	s0 =	simm.s32 @!p0 $0x0  }
0x20f: {  	s18 =	simm.s32 $0x0;
	s15 =	simm.s32 $0x0;
	[tilespmem:$0x1058] =	vst v0;
	s12 =	smulhi.u32 $0x97B426, s0  }
0x210: {  	s17 =	simm.s32 $0x0;
	s1 =	sadd.s32 $0x311400, s8;
	s6 =	sadd.s32 $0x93200, s8;
	[tilespmem:$0x1048] =	vst v0  }
0x211: {  	s7 =	sadd.s32 $0xE82E00, s8;
	s31 =	sshll.u32 s2, $0x5;
	[tilespmem:$0x1038] =	vst v0;
	s10 =	smul.u32 $0x1B0, s12  }
.Ltmp7:
0x212: {  	[tilespmem:$0x1008] =	vst v0;
	[sflag:s5] =	ssyncpa.u1 $0x0;
	v0 =	vimm.s32 $0xFFFFFFFF;
	s5 =	sadd.s32 $0xAD200, s8;
	(pc) =	sbr.rel .LBB3_1-.Ltmp7, $4  }
0x213: {  	[dreg:$0x2] =	wrdreg s31;
	[tilespmem:$0x3648] =	vst v0;
	[sflag:s29] =	ssyncpa.u1 $0x0;
	p0 =	sne.s32 s0, s10  }
0x214: {  	s16 =	smov.u32 s3;
	[dreg:$0x3] =	wrdreg s3;
	s11 =	simm.s32 @!p0 $0x0  }
0x215: {  	[sflag:s13] =	ssyncpa.u1 $0x0;
	s13 =	simm.s32 $0x0;
	s11 =	sadd.s32 s11, s12  }
0x216: {  	v0 =	vlaneseq.u32;
	[sflag:s30] =	ssyncpa.u1 $0x0;
	p0 =	por $0x1, $0x1;
	s8 =	sadd.s32 $0x1, s11  }
.LBB3_18:
0x217: {  	s0 =	simm.s32 $0x2  }
0x218: {  	_ =	swait.ge [sflag:s0], $0x0  }
0x219: {  	[sflag:s0] =	ssyncset.done $0x0;
	s0 =	simm.s32 $0x0  }
.LBB3_19:
0x21a: {  	_ =	swait.ge [sflag:s14], s0  }
0x21b: {  	s31 =	ssub.s32 $0x0, s0;
	v1 =	vmov s20;
	vm0 =	veq.s32 v0, $0x0;
	[sflag:s14] =	ssyncset.done $0x0  }
0x21c: {  	vm15 =	veq.s32 v0, $0x2;
	v1 =	vsel vm0, s24, v1;
	[sflag:s14] =	ssyncadd.s32 s31  }
0x21d: {  	v1 =	vsel vm15, s18, v1;
	[sflag:s14] =	ssyncpa.u1 $0x1  }
0x21e: {  	[tilespmem:$0x3648] =	vst v1  }
.LBB3_20:
0x21f: {  	s0 =	sadd.s32 $0x1B0, s16  }
0x220: {  	s2 =	smov.u32 s3;
	p1 =	slt.s32 s0, s4  }
0x221: {  	s2 =	smov.u32 @p1 s0;
	p1 =	sne.s32 s17, s8  }
.Ltmp8:
0x222: {  	_ = 	snop;
	(pc) =	sbr.rel @!p1 .LBB3_21-.Ltmp8, $4  }
0x223: {  	_ = 	snop  }
0x224: {  	s18 =	smov.u32 s15  }
0x225: {  	s31 =	sadd.s32 $0x1, s17;
	s15 =	smov.u32 s16;
	p0 =	por !p0, !p0  }
0x226: {  	p4 =	por !p4, !p4;
	s17 =	smov.u32 s31;
	s16 =	smov.u32 s2  }
.LBB3_1:
0x227: {  	p2 =	sge.u32 s17, s11  }
0x228: {  	s0 =	smulhi.u32 @!p2 $0xAAAAAAAB, s17  }
0x229: {  	s19 =	smov.u32 s16;
	p3 =	sgt.s32 @!p2 s16, $0xCF6A0  }
0x22a: {  	s20 =	sshra.s32 @!p2 s16, $0x1F;
	p3 =	por !p3, p2;
	s0 =	sshrl.u32 @!p2 s0, $0x1  }
0x22b: {  	s20 =	sand.u32 @!p2 s20, s16;
	s19 =	simm.s32 @p3 $0xCF6A0;
	s0 =	smul.u32 @!p2 $0x3, s0  }
0x22c: {  	s19 =	ssub.s32 @!p2 s19, s20  }
0x22d: {  	s19 =	sadd.s32 @!p2 $0xFFF30960, s19;
	s0 =	ssub.s32 @!p2 s17, s0  }
0x22e: {  	s20 =	sshll.u32 @!p2 s19, $0x2;
	p3 =	sgt.s32 @!p2 s19, $0x1AF;
	s0 =	smul.u32 @!p2 $0x6C0, s0  }
0x22f: {  	s21 =	sand.u32 @!p2 $0x7, s16;
	s19 =	ssub.s32 @!p2 $0x6C0, s20;
	p3 =	por !p3, p2  }
0x230: {  	s20 =	sshrl.u32 @!p2 s16, $0x3;
	s19 =	sshrl.u32 @!p2 s19, $0x2;
	s0 =	sshrl.u32 @!p2 s0, $0x2  }
0x231: {  	s20 =	sadd.s32 @!p2 s5, s20;
	s19 =	simm.s32 @!p3 $0x0;
	s0 =	sadd.s32 @!p2 $0x3878, s0  }
0x232: {  	[tilespmem:s0], [sflag:$0x8] =	stream.linear.gather @!p2 [hbm4b:s20+s21], s19, $0x38;
	[tilespmem:$0x1F0E8] =	vst v63  }
0x233: {  	s20 =	sadd.s32 $0xFFFFFFFF, s17  }
0x234: {  	p2 =	sge.u32 s20, s11  }
0x235: {  	p3 =	sgt.s32 @!p2 s15, $0xCF6A0  }
0x236: {  	s0 =	smov.u32 s15;
	s19 =	sshra.s32 @!p2 s15, $0x1F;
	p3 =	por !p3, p2  }
0x237: {  	s19 =	sand.u32 @!p2 s19, s15;
	s0 =	simm.s32 @p3 $0xCF6A0  }
0x238: {  	s0 =	ssub.s32 @!p2 s0, s19  }
0x239: {  	s0 =	sadd.s32 @!p2 $0xFFF30960, s0  }
0x23a: {  	s19 =	sshll.u32 @!p2 s0, $0x2  }
0x23b: {  	p3 =	sgt.s32 @!p2 s0, $0x1AF;
	s0 =	ssub.s32 @!p2 $0x6C0, s19  }
0x23c: {  	p3 =	por !p3, p2;
	s0 =	sshrl.u32 @!p2 s0, $0x2  }
0x23d: {  	s21 =	simm.s32 @!p2 $0x8;
	s19 =	sand.u32 @!p2 $0x1, s20;
	s0 =	simm.s32 @!p3 $0x0  }
0x23e: {  	s19 =	smul.u32 @!p2 $0x6C0, s19;
	_ =	swait.ge @!p2 [sflag:s21], s0  }
0x23f: {  	s22 =	ssub.s32 @!p2 $0x0, s0;
	[sflag:s21] =	ssyncset.done @!p2 $0x0  }
0x240: {  	s19 =	sshrl.u32 @!p2 s19, $0x2;
	[sflag:s21] =	ssyncadd.s32 @!p2 s22;
	s21 =	sshrl.u32 @!p2 s15, $0x3  }
0x241: {  	s19 =	sadd.s32 @!p2 $0x3D88, s19;
	s22 =	sand.u32 @!p2 $0x7, s15;
	s21 =	sadd.s32 @!p2 s6, s21  }
0x242: {  	[tilespmem:s19], [sflag:$0x9] =	stream.linear.gather @!p2 [hbm4b:s21+s22], s0, $0x38;
	[tilespmem:$0x1F0E8] =	vst v63  }
0x243: {  	s19 =	ssub.s32 @!p2 $0xCF850, s15  }
0x244: {  	p3 =	slt.s32 @!p2 s19, $0x1  }
0x245: {  	p3 =	por p2, p3  }
.Ltmp9:
0x246: {  	_ = 	snop;
	(pc) =	sbr.rel @p3 .LBB3_7-.Ltmp9, $1  }
0x247: {  	_ =	sdelay $0x3  }
0x248: {  	s0 =	smulhi.u32 $0xAAAAAAAB, s20;
	_ =	sdelay $0x1  }
0x249: {  	s0 =	sshrl.u32 s0, $0x1  }
0x24a: {  	s0 =	smul.u32 $0x3, s0;
	_ =	sdelay $0x1  }
0x24b: {  	s0 =	ssub.s32 s20, s0  }
0x24c: {  	s21 =	simm.s32 $0x1;
	s0 =	smul.u32 $0x6C0, s0  }
.Ltmp10:
0x24d: {  	s21 =	simm.s32 @!p0 $0x0;
	(pc) =	sbr.rel .LBB3_4-.Ltmp10, $4  }
0x24e: {  	s31 =	smul.u32 $0x36000, s21  }
0x24f: {  	p3 =	slt.s32 @!p2 s19, $0x1B0;
	s0 =	sshrl.u32 s0, $0x2  }
0x250: {  	p2 =	por !p3, p2;
	s20 =	sshrl.u32 s31, $0x2;
	s0 =	sadd.s32 $0x3878, s0  }
0x251: {  	s19 =	simm.s32 @p2 $0x1B0;
	s21 =	simm.s32 $0x0;
	s20 =	sadd.s32 $0x40E8, s20;
	v1 =	vmov s0  }
.LBB3_3:
0x252: {  	p2 =	sge.s32 s21, s19  }
.Ltmp11:
0x253: {  	_ = 	snop;
	(pc) =	sbr.rel @p2 .LBB3_7-.Ltmp11, $2  }
0x254: {  	_ =	sdelay $0x2  }
0x255: {  	s20 =	sadd.s32 $0x800, s20  }
.LBB3_4:
0x256: {  	p2 =	sle.s32 s19, s21  }
.Ltmp12:
0x257: {  	_ = 	snop;
	(pc) =	sbr.rel @p2 .LBB3_3-.Ltmp12, $2  }
0x258: {  	_ =	sdelay $0x2  }
0x259: {  	s22 =	smov.u32 s21;
	s21 =	sadd.s32 $0x10, s21  }
0x25a: {  	s0 =	ssub.s32 s19, s22  }
0x25b: {  	p2 =	slt.s32 s0, $0x10  }
0x25c: {  	s0 =	simm.s32 @!p2 $0x10  }
0x25d: {  	v2 =	vmov s0  }
0x25e: {  	vm0 =	vgt.s32 v2, v0;
	_ =	sdelay $0x5  }
0x25f: {  	v2 =	vld.idx.msk [tilespmem:v1+s22+$0x0 ss:$0x1], vm0;
	_ =	sdelay $0x2  }
0x260: {  	s23 =	smov.u32 s19;
	p2 =	slt.s32 s21, s19  }
0x261: {  	s24 =	smov.u32 s20;
	s25 =	simm.s32 $0x0;
	s23 =	smov.u32 @p2 s21  }
.LBB3_6:
0x262: {  	(v2sf) =	vpush v2, s25;
	_ =	sdelay $0xc  }
0x263: {  	s25 =	sadd.s32 $0x1, s25  }
0x264: {  	s31 =	sadd.s32 s25, s22  }
0x265: {  	p2 =	slt.s32 s31, s23;
	s0 =	spop (v2sf)  }
.Ltmp13:
0x266: {  	s0 =	sshll.u32 s0, $0x4;
	(pc) =	sbr.rel @p2 .LBB3_6-.Ltmp13, $4  }
0x267: {  	s0 =	sand.u32 $0x1FFFFFF0, s0  }
0x268: {  	s0 =	sadd.s32 s7, s0  }
0x269: {  	[tilespmem:s24], [sflag:$0x7] =	stream.linear.gather [hbm4b:s0+s13], $0x4, $0x38;
	[tilespmem:$0x1F0E8] =	vst v63  }
0x26a: {  	s24 =	sadd.s32 $0x80, s24  }
.Ltmp14:
0x26b: {  	_ = 	snop;
	(pc) =	sbr.rel .LBB3_3-.Ltmp14, $1  }
0x26c: {  	_ =	sdelay $0x3  }
.LBB3_7:
0x26d: {  	p2 =	slt.u32 s17, $0x2  }
.Ltmp15:
0x26e: {  	_ = 	snop;
	(pc) =	sbr.rel @p2 .LBB3_20-.Ltmp15, $1  }
0x26f: {  	_ =	sdelay $0x3  }
0x270: {  	p2 =	sgt.s32 s18, $0xCF6A0;
	s0 =	smov.u32 s18  }
0x271: {  	s19 =	sshra.s32 s18, $0x1F;
	s20 =	ssub.s32 $0xCF850, s18;
	s0 =	simm.s32 @!p2 $0xCF6A0  }
0x272: {  	s19 =	sand.u32 s19, s18;
	p2 =	slt.s32 s20, $0x1B0;
	s21 =	smov.u32 s20  }
0x273: {  	s0 =	ssub.s32 s0, s19;
	s21 =	simm.s32 @!p2 $0x1B0  }
0x274: {  	s0 =	sadd.s32 $0xFFF30960, s0;
	s26 =	sshll.u32 s21, $0x2  }
0x275: {  	s2 =	simm.s32 $0x7;
	s28 =	sshll.u32 s0, $0x2;
	s19 =	sand.u32 $0x3FFFFFFC, s26  }
0x276: {  	p2 =	sgt.s32 s0, $0x1AF;
	s29 =	ssub.s32 $0x6C0, s28;
	_ =	swait.ge [sflag:s2], s19  }
0x277: {  	s19 =	ssub.s32 $0x0, s19;
	[sflag:s2] =	ssyncset.done $0x0;
	s0 =	sshrl.u32 s29, $0x2  }
0x278: {  	s30 =	simm.s32 $0x9;
	[sflag:s2] =	ssyncadd.s32 s19;
	s0 =	simm.s32 @p2 $0x0  }
0x279: {  	_ =	swait.ge [sflag:s30], s0  }
0x27a: {  	s0 =	ssub.s32 $0x0, s0;
	[sflag:s30] =	ssyncset.done $0x0  }
0x27b: {  	[sflag:s30] =	ssyncadd.s32 s0  }
0x27c: {  	v1 =	vld [tilespmem:$0x3648];
	_ =	sdelay $0x4  }
0x27d: {  	(v2sf) =	vpush v1, $0x0  }
0x27e: {  	(v2sf) =	vpush v1, $0x1  }
0x27f: {  	(v2sf) =	vpush v1, $0x2;
	_ =	sdelay $0x3  }
0x280: {  	s0 =	sadd.s32 $0x1B0, s18  }
0x281: {  	p2 =	slt.s32 s4, s0  }
0x282: {  	s0 =	smov.u32 @p2 s4;
	p2 =	sgt.s32 s20, $0x0  }
0x283: {  	s22 =	ssub.s32 s0, s18;
	s20 =	simm.s32 @!p2 $0x0  }
0x284: {  	p2 =	slt.s32 s20, s22  }
0x285: {  	s22 =	smov.u32 @p2 s20  }
0x286: {  	s21 =	simm.s32 $0x1;
	p2 =	slt.s32 s22, $0x1  }
.Ltmp16:
0x287: {  	s21 =	simm.s32 @!p4 $0x0;
	(pc) =	sbr.rel @p2 .LBB3_12-.Ltmp16, $4  }
0x288: {  	s31 =	smul.u32 $0x6C0, s21  }
0x289: {  	s23 =	spop (v2sf)  }
0x28a: {  	s0 =	sshrl.u32 s31, $0x2;
	s25 =	spop (v2sf)  }
0x28b: {  	s19 =	sadd.s32 $0x3D88, s0;
	s18 =	spop (v2sf)  }
0x28c: {  	s0 =	smin.u32 s22, $0x10  }
0x28d: {  	v1 =	vmov s0  }
0x28e: {  	p3 =	sgt.s32 s22, $0x10;
	vm1 =	vgt.u32 v1, v0  }
.Ltmp17:
0x28f: {  	_ = 	snop;
	(pc) =	sbr.rel @!p3 .LBB3_11-.Ltmp17, $2  }
0x290: {  	_ =	sdelay $0x2  }
0x291: {  	s24 =	simm.s32 $0x10;
	s26 =	sadd.s32 $0xFFFFFFF0, s22;
	s20 =	smov.u32 s19;
	vm0 =	vmmov vm1  }
.LBB3_10:
0x292: {  	s0 =	smin.u32 s26, $0x10;
	s24 =	sadd.s32 $0x10, s24;
	v1 =	vld.msk [tilespmem:s20+$0x0 ss:$0x1], vm1  }
0x293: {  	v2 =	vmov s0;
	p3 =	slt.s32 s24, s22  }
0x294: {  	vm1 =	vgt.u32 v2, v0  }
.Ltmp18:
0x295: {  	(pc) =	sbr.rel @p3 .LBB3_10-.Ltmp18, $3  }
0x296: {  	_ =	sdelay $0x1  }
0x297: {  	v1 =	vshll.u32 v1, $0x4  }
0x298: {  	s26 =	sadd.s32 $0xFFFFFFF0, s26;
	[tilespmem:s20+$0x0] =	vst.msk vm0, v1;
	s20 =	sadd.s32 $0x10, s20;
	vm0 =	vmmov vm1  }
.LBB3_11:
0x299: {  	_ =	sdelay $0x4  }
0x29a: {  	v1 =	vld.msk [tilespmem:s20+$0x0 ss:$0x1], vm1;
	_ =	sdelay $0x4  }
0x29b: {  	v1 =	vshll.u32 v1, $0x4  }
0x29c: {  	[tilespmem:s20+$0x0] =	vst.msk vm0, v1  }
.LBB3_12:
0x29d: {  	s0 =	sand.u32 $0x1, s17  }
0x29e: {  	s0 =	smul.u32 $0x1B0, s0  }
0x29f: {  	p3 =	sne.s32 s25, $0xFFFFFFFF  }
0x2a0: {  	v1 =	vld.msk @!p3 [tilespmem:s0+$0x3D88], $0x1;
	_ =	sdelay $0x4  }
0x2a1: {  	(v2sf) =	vpush @!p3 v1, $0x0;
	_ =	sdelay $0xc  }
.Ltmp19:
0x2a2: {  	_ = 	snop;
	(pc) =	sbr.rel @p2 .LBB3_18-.Ltmp19, $4  }
0x2a3: {  	_ = 	snop  }
0x2a4: {  	s24 =	spop @!p3 (v2sf)  }
0x2a5: {  	s18 =	simm.s32 @!p3 $0x0;
	s20 =	smov.u32 s24  }
0x2a6: {  	[sflag:s14] =	ssyncpa.u1 $0x0;
	s24 =	smov.u32 @p3 s23;
	s20 =	smov.u32 @p3 s25  }
0x2a7: {  	v1 =	vld.msk [tilespmem:s19+$0x0], $0x1;
	_ =	sdelay $0x4  }
0x2a8: {  	(v2sf) =	vpush v1, $0x0;
	_ =	sdelay $0xd  }
0x2a9: {  	s0 =	simm.s32 @!p4 $0x0  }
0x2aa: {  	s26 =	smul.u32 $0x36000, s21;
	s25 =	ssub.s32 $0x0, s22;
	s28 =	spop (v2sf)  }
0x2ab: {  	s0 =	simm.s32 @p4 $0x1;
	s23 =	sadd.s32 $0x1, s25;
	p2 =	seq.s32 s24, s28  }
0x2ac: {  	[smem:$0x7FD] =	sst s0;
	s0 =	sshrl.u32 s26, $0x2;
	p3 =	sgt.s32 @!p2 s24, $0x0  }
0x2ad: {  	s21 =	sadd.s32 $0x40E8, s0;
	s0 =	smov.u32 s24;
	p3 =	por !p3, p2  }
0x2ae: {  	s0 =	simm.s32 @p3 $0x0;
	p3 =	seq.s32 s23, $0x0  }
.Ltmp20:
0x2af: {  	_ = 	snop;
	(pc) =	sbr.rel @p3 .LBB3_15-.Ltmp20, $4  }
0x2b0: {  	s3 =	smov.u32 s8;
	s12 =	smov.u32 s5;
	s8 =	smov.u32 s6  }
0x2b1: {  	s22 =	simm.s32 $0x0;
	s29 =	simm.s32 @!p2 $0x1;
	s0 =	smin.u32 @!p2 s0, $0xC34FF  }
0x2b2: {  	s30 =	simm.s32 @!p2 $0x1B38;
	s29 =	smov.u32 @p2 s22;
	s26 =	sand.u32 @!p2 $0xFFFF8, s0  }
0x2b3: {  	s31 =	sand.u32 @!p2 $0x7, s0;
	s0 =	sadd.s32 @!p2 s1, s26;
	s26 =	sadd.s32 $0x1, s19  }
.LBB3_14:
0x2b4: {  	s2 =	smov.u32 s29  }
0x2b5: {  	[tilespmem:s30], [sflag:$0x2] =	stream.linear.gather @!p2 [hbm4b:s0+s31], $0x4, $0x38;
	[tilespmem:$0x1F0E8] =	vst v63  }
0x2b6: {  	s23 =	sadd.s32 $0x1, s23;
	s0 =	smov.u32 s28;
	v1 =	vld.msk [tilespmem:s26+$0x0], $0x1  }
0x2b7: {  	p3 =	seq.s32 s23, $0x0;
	_ =	sdelay $0x3  }
0x2b8: {  	(v2sf) =	vpush v1, $0x0;
	_ =	sdelay $0xe  }
0x2b9: {  	s28 =	spop (v2sf)  }
0x2ba: {  	p2 =	seq.s32 s0, s28  }
0x2bb: {  	p4 =	sgt.s32 @!p2 s0, $0x0;
	s30 =	sshll.u32 @!p2 s29, $0x6;
	s29 =	sadd.s32 @!p2 $0x1, s29  }
.Ltmp21:
0x2bc: {  	p4 =	por !p4, p2;
	s30 =	sshra.s32 @!p2 s30, $0x2;
	(pc) =	sbr.rel @!p3 .LBB3_14-.Ltmp21, $4  }
0x2bd: {  	s29 =	smov.u32 @p2 s2;
	s0 =	simm.s32 @p4 $0x0;
	s30 =	sadd.s32 @!p2 $0x1B38, s30  }
0x2be: {  	s0 =	smin.u32 @!p2 s0, $0xC34FF  }
0x2bf: {  	s2 =	sand.u32 @!p2 $0xFFFF8, s0;
	s31 =	sand.u32 @!p2 $0x7, s0  }
0x2c0: {  	s26 =	sadd.s32 $0x1, s26;
	s0 =	sadd.s32 @!p2 s1, s2  }
.LBB3_15:
0x2c1: {  	[tilespmem:s30], [sflag:$0x2] =	stream.linear.gather @!p2 [hbm4b:s0+s31], $0x4, $0x38;
	[tilespmem:$0x1F0E8] =	vst v63  }
0x2c2: {  	s31 =	sshll.u32 s29, $0x2  }
0x2c3: {  	s2 =	simm.s32 $0x2;
	s0 =	sand.u32 $0x3FFFFFFC, s31  }
0x2c4: {  	_ =	swait.ge [sflag:s2], s0  }
0x2c5: {  	s0 =	ssub.s32 $0x0, s0;
	[sflag:s2] =	ssyncset.done $0x0  }
0x2c6: {  	[sflag:s2] =	ssyncadd.s32 s0  }
0x2c7: {  	v1 =	vld.msk [tilespmem:s19+$0x0], $0x1;
	_ =	sdelay $0x4  }
0x2c8: {  	(v2sf) =	vpush v1, $0x0;
	_ =	sdelay $0xe  }
0x2c9: {  	s23 =	spop (v2sf)  }
0x2ca: {  	p2 =	sne.s32 s24, s23  }
0x2cb: {  	p4 =	sne.s32 @p2 s24, s20  }
0x2cc: {  	p3 =	por !p4, !p2  }
0x2cd: {  	s0 =	simm.s32 @!p3 $0x0  }
0x2ce: {  	v1 =	vld.msk @!p3 [tilespmem:s0+$0x1B38], $0xf  }
0x2cf: {  	p5 =	sgt.u32 @!p3 s24, $0xC34FF  }
0x2d0: {  	s2 =	sshll.u32 @!p3 s18, $0x6;
	p6 =	por @p2 p5, !p4  }
0x2d1: {  	s2 =	sshra.s32 @!p3 s2, $0x2;
	p1 =	por p6, !p2;
	p6 =	por p4, !p2  }
0x2d2: {  	s26 =	sadd.s32 @!p3 $0x28, s2;
	s28 =	sand.u32 @!p1 $0xFFFF8, s24;
	s29 =	sshll.u32 @!p6 s18, $0x6  }
0x2d3: {  	s24 =	sand.u32 @!p1 $0x7, s24;
	[tilespmem:s2+$0x28] =	vst.add.f32.msk @!p3 $0xf, v1;
	s2 =	sadd.s32 @!p1 s1, s28;
	s28 =	sshra.s32 @!p6 s29, $0x2  }
0x2d4: {  	[hbm4b:s2+s24] =	stream.linear.scatter @!p1 [tilespmem:s26], [sflag:$0xA], $0x4, $0x38;
	[tilespmem:$0x1F0E8] =	vst v63  }
0x2d5: {  	s0 =	rddreg [dreg:$0x2];
	s2 =	sadd.s32 @!p6 $0x28, s28;
	s24 =	simm.s32 @!p6 $0x1  }
0x2d6: {  	[spmem:s0] =	stream.linear.scatter @!p6 [tilespmem:s2], [sflag:$0x1], $0x4, $0x38;
	[tilespmem:$0x1F0E8] =	vst v63  }
0x2d7: {  	s0 =	sadd.s32 @p2 $0x1, s18;
	_ =	swait.ge @!p6 [sflag:s24], $0x4  }
0x2d8: {  	s2 =	sshrl.u32 @p2 s0, $0x4;
	[sflag:s24] =	ssyncset.done @!p6 $0x0  }
0x2d9: {  	s2 =	smulhi.u32 @p2 $0x97B425F, s2;
	[sflag:s24] =	ssyncadd.s32 @!p6 $0xFFFFFFFC  }
0x2da: {  	s24 =	sadd.s32 $0x1, s25;
	v1 =	vld.msk @p2 [tilespmem:s21+$0x0], $0xf  }
0x2db: {  	p1 =	por @p2 !p5, !p4;
	s2 =	smul.u32 @p2 $0x1B0, s2;
	p4 =	seq.s32 s24, $0x0  }
.Ltmp22:
0x2dc: {  	p1 =	por !p1, !p2;
	s25 =	simm.s32 @!p3 $0x0;
	(pc) =	sbr.rel @p4 .LBB3_17-.Ltmp22, $4  }
0x2dd: {  	s26 =	sshll.u32 @!p2 s18, $0x6;
	s25 =	simm.s32 @!p1 $0x10;
	s0 =	ssub.s32 @p2 s0, s2  }
0x2de: {  	s26 =	sshra.s32 @!p2 s26, $0x2;
	s28 =	sadd.s32 @!p3 $0x0, s25;
	s29 =	sshll.u32 @p2 s0, $0x4  }
0x2df: {  	s25 =	simm.s32 $0x0;
	s2 =	simm.s32 @p2 $0x1;
	s28 =	smov.u32 @p3 s22;
	[tilespmem:s29+$0x28] =	vst.msk @p2 $0xf, v1  }
0x2e0: {  	s18 =	smov.u32 @p2 s0;
	s25 =	smov.u32 @p2 s28;
	s22 =	smov.u32 @p2 s2;
	v1 =	vld.msk @!p2 [tilespmem:s21+$0x0], $0xf  }
.LBB3_16:
0x2e1: {  	_ =	sdelay $0x3  }
0x2e2: {  	s19 =	sadd.s32 $0x1, s19;
	[tilespmem:s26+$0x28] =	vst.add.f32.msk @!p2 $0xf, v1  }
0x2e3: {  	v1 =	vld.msk [tilespmem:s19+$0x0], $0x1;
	_ =	sdelay $0x4  }
0x2e4: {  	(v2sf) =	vpush v1, $0x0;
	_ =	sdelay $0xe  }
0x2e5: {  	s0 =	smov.u32 s23;
	s23 =	spop (v2sf)  }
0x2e6: {  	p2 =	sne.s32 s0, s23  }
0x2e7: {  	p5 =	sne.s32 @p2 s0, s20  }
0x2e8: {  	p4 =	por !p5, !p2  }
0x2e9: {  	s30 =	sshll.u32 @!p4 s22, $0x6  }
0x2ea: {  	s30 =	sshra.s32 @!p4 s30, $0x2  }
0x2eb: {  	p1 =	sgt.u32 @!p4 s0, $0xC34FF;
	v1 =	vld.msk @!p4 [tilespmem:s30+$0x1B38], $0xf  }
0x2ec: {  	s31 =	sshll.u32 @!p4 s18, $0x6;
	p6 =	por @p2 p1, !p5;
	p1 =	por @p2 !p1, !p5  }
0x2ed: {  	s5 =	simm.s32 @!p4 $0x0;
	s31 =	sshra.s32 @!p4 s31, $0x2;
	p1 =	por !p1, !p2  }
0x2ee: {  	p5 =	por p5, !p2;
	s5 =	simm.s32 @!p1 $0x10;
	p1 =	por p6, !p2  }
0x2ef: {  	s30 =	sadd.s32 @!p4 $0x28, s31;
	s6 =	sshll.u32 @!p5 s18, $0x6;
	s10 =	sand.u32 @!p1 $0xFFFF8, s0  }
0x2f0: {  	s6 =	sshra.s32 @!p5 s6, $0x2;
	s0 =	sand.u32 @!p1 $0x7, s0;
	s10 =	sadd.s32 @!p1 s1, s10;
	[tilespmem:s31+$0x28] =	vst.add.f32.msk @!p4 $0xf, v1  }
0x2f1: {  	[hbm4b:s10+s0] =	stream.linear.scatter @!p1 [tilespmem:s30], [sflag:$0xA], $0x4, $0x38;
	[tilespmem:$0x1F0E8] =	vst v63  }
0x2f2: {  	s2 =	rddreg [dreg:$0x2];
	s0 =	sadd.s32 @!p5 $0x28, s6;
	s6 =	simm.s32 @!p5 $0x1  }
0x2f3: {  	[spmem:s2] =	stream.linear.scatter @!p5 [tilespmem:s0], [sflag:$0x1], $0x4, $0x38;
	[tilespmem:$0x1F0E8] =	vst v63  }
0x2f4: {  	s28 =	sadd.s32 @p2 $0x1, s18;
	_ =	swait.ge @!p5 [sflag:s6], $0x4  }
0x2f5: {  	s29 =	sshrl.u32 @p2 s28, $0x4;
	[sflag:s6] =	ssyncset.done @!p5 $0x0  }
0x2f6: {  	s21 =	sadd.s32 $0x80, s21;
	s29 =	smulhi.u32 @p2 $0x97B425F, s29;
	[sflag:s6] =	ssyncadd.s32 @!p5 $0xFFFFFFFC  }
0x2f7: {  	s24 =	sadd.s32 $0x1, s24;
	v1 =	vld.msk @p2 [tilespmem:s21+$0x0], $0xf  }
0x2f8: {  	p3 =	seq.s32 s24, $0x0;
	s29 =	smul.u32 @p2 $0x1B0, s29  }
.Ltmp23:
0x2f9: {  	_ = 	snop;
	(pc) =	sbr.rel @!p3 .LBB3_16-.Ltmp23, $4  }
0x2fa: {  	s28 =	ssub.s32 @p2 s28, s29  }
0x2fb: {  	s26 =	sshll.u32 @!p2 s18, $0x6;
	s5 =	sadd.s32 @!p4 s5, s25;
	s10 =	sshll.u32 @p2 s28, $0x4  }
0x2fc: {  	s9 =	sadd.s32 @p2 $0x1, s22;
	s26 =	sshra.s32 @!p2 s26, $0x2;
	s5 =	smov.u32 @p4 s25;
	[tilespmem:s10+$0x28] =	vst.msk @p2 $0xf, v1  }
0x2fd: {  	s22 =	smov.u32 @p2 s9;
	s18 =	smov.u32 @p2 s28;
	s25 =	smov.u32 @p2 s5;
	v1 =	vld.msk @!p2 [tilespmem:s21+$0x0], $0xf  }
.LBB3_17:
.Ltmp24:
0x2fe: {  	_ = 	snop;
	(pc) =	sbr.rel .LBB3_19-.Ltmp24, $4  }
0x2ff: {  	s2 =	sld [smem:$0x7FD]  }
0x300: {  	s0 =	sshrl.u32 s25, $0x2  }
0x301: {  	s24 =	smov.u32 s23;
	s6 =	smov.u32 s8;
	s5 =	smov.u32 s12  }
0x302: {  	s8 =	smov.u32 s3;
	s3 =	rddreg [dreg:$0x3];
	p4 =	seq.s32 s2, $0x1;
	[tilespmem:s26+$0x28] =	vst.add.f32.msk @!p2 $0xf, v1  }
.LBB3_21:
0x303: {  	_ =	sfence.sel $0x180000  }
0x304: {  	s0 =	simm.s32 $0x7;
	[bflag:$0x0] =	sbarrier.arrive $0xFFFF  }
0x305: {  	s25 =	simm.s32 $0x8;
	[sflag:s0] =	ssyncpa.u1 $0x1  }
0x306: {  	s26 =	simm.s32 $0x9;
	[sflag:s25] =	ssyncpa.u1 $0x1  }
0x307: {  	s28 =	simm.s32 $0x2;
	[sflag:s26] =	ssyncpa.u1 $0x1  }
0x308: {  	[sflag:s28] =	ssyncpa.u1 $0x1  }
0x309: {  	v0 =	vld [tilespmem:$0x3648];
	_ =	sdelay $0x4  }
0x30a: {  	(v2sf) =	vpush v0, $0x0  }
0x30b: {  	(v2sf) =	vpush v0, $0x1;
	_ =	sdelay $0x1  }
0x30c: {  	(v2sf) =	vpush v0, $0x2;
	_ =	sdelay $0xb  }
0x30d: {  	s0 =	spop (v2sf)  }
0x30e: {  	s2 =	spop (v2sf)  }
0x30f: {  	s3 =	smov.u32 s0;
	p0 =	sne.s32 s0, s2  }
0x310: {  	s4 =	spop (v2sf);
	s3 =	simm.s32 @!p0 $0xFFFFFFFF  }
0x311: {  	v2 =	vimm.s32 $0x1;
	v3 =	vlaneseq.u32;
	p0 =	seq.s32 s4, $0xFFFFFFFF;
	v1 =	vmov s3  }
0x312: {  	s7 =	stileid.u32;
	v0 =	vperm.xlane v0, v2;
	p1 =	sne.s32 @!p0 s0, s2;
	v1 =	vperm.xlane v1, v3  }
0x313: {  	vm0 =	vcmask $0x3F04;
	s6 =	simm.s32 $0x3648;
	s0 =	simm.s32 @!p0 $0x1;
	p1 =	por !p1, p0  }
0x314: {  	s3 =	sshll.u32 s7, $0x1;
	s2 =	sshll.u32 @!p0 s4, $0x6;
	s0 =	simm.s32 @p1 $0x0;
	v0 =	vsel vm0, v1, v0  }
0x315: {  	s5 =	sor.u32 $0x200, s3;
	s2 =	sshra.s32 @!p0 s2, $0x2;
	s0 =	sor.u32 @!p0 s0, s3;
	[tilespmem:$0x3648] =	vst v0  }
0x316: {  	[spmem:s5] =	stream.linear.scatter [tilespmem:s6], [sflag:$0x1], $0x2, $0x38;
	[tilespmem:$0x1F0E8] =	vst v63  }
0x317: {  	s2 =	sadd.s32 @!p0 $0x28, s2;
	s0 =	sshll.u32 @!p0 s0, $0x4  }
0x318: {  	[spmem:s0] =	stream.linear.scatter @!p0 [tilespmem:s2], [sflag:$0x1], $0x10, $0x38;
	[tilespmem:$0x1F0E8] =	vst v63  }
0x319: {  	s0 =	simm.s32 @!p0 $0x12  }
0x31a: {  	s3 =	simm.s32 $0x1;
	s0 =	simm.s32 @p0 $0x2  }
0x31b: {  	_ =	swait.ge [sflag:s3], s0  }
0x31c: {  	s0 =	ssub.s32 $0x0, s0;
	[sflag:s3] =	ssyncset.done $0x0  }
0x31d: {  	[sflag:s3] =	ssyncadd.s32 s0  }
0x31e: {  	_ =	sfence.stream.spmem  }
0x31f: {  	s29 =	simm.s32 $0x3;
	[bflag:$0x0] =	sbarrier.arrive $0xFFFF  }
0x320: {  	s30 =	simm.s32 $0x4;
	[sflag:s29] =	ssyncpa.u1 $0x1  }
0x321: {  	s31 =	simm.s32 $0x3C;
	[sflag:s30] =	ssyncpa.u1 $0x1  }
0x322: {  	p0 =	sne.s32 s7, $0x0;
	[sflag:s31] =	ssyncpa.u1 $0x1  }
0x323: {  	_ =	sfence @p0  }
0x324: {  	[sflag:s3] =	ssyncpa.u1 @p0 $0x1  }
0x325: {  	_ =	strace @p0 $0x90000050  }
0x326: {  	[bflag:$0x2] =	sbarrier.arrive @p0 $0xFFFF  }
0x327: {  	_ =	shalt @p0  }
.LBB3_22:
0x328: {  	_ =	sfence.stream.spmem;
	s0 =	simm.s32 $0x5  }
0x329: {  	s2 =	simm.s32 $0x200;
	s3 =	simm.s32 $0x3658;
	[sflag:s0] =	ssyncpa.u1 $0x0  }
0x32a: {  	[tilespmem:s3], [sflag:$0x5] =	stream.linear.gather [spmem:s2], $0x20, $0x38;
	[tilespmem:$0x1F0E8] =	vst v63  }
0x32b: {  	s30 =	simm.s32 $0x3678;
	s2 =	simm.s32 $0x0  }
0x32c: {  	[tilespmem:s30], [sflag:$0x5] =	stream.linear.gather [spmem:s2], $0x200, $0x38;
	[tilespmem:$0x1F0E8] =	vst v63  }
.Ltmp25:
0x32d: {  	_ = 	snop;
	(pc) =	sbr.rel .LBB3_23-.Ltmp25, $4  }
0x32e: {  	_ =	swait.ge [sflag:s0], $0x220  }
0x32f: {  	[sflag:s0] =	ssyncset.done $0x0  }
0x330: {  	s31 =	simm.s32 $0x6;
	[sflag:s0] =	ssyncadd.s32 $0xFFFFFDE0  }
0x331: {  	s3 =	simm.s32 $0x0;
	[sflag:s31] =	ssyncpa.u1 $0x0  }
.LBB3_28:
0x332: {  	p0 =	slt.u32 s4, $0xC3500  }
0x333: {  	s0 =	sand.u32 @p0 $0xFFFF8, s4  }
0x334: {  	s4 =	sand.u32 @p0 $0x7, s4;
	s5 =	simm.s32 @p0 $0x3638;
	s0 =	sadd.s32 @p0 s1, s0  }
0x335: {  	[tilespmem:s5], [sflag:$0x6] =	stream.linear.gather @p0 [hbm4b:s0+s4], $0x4, $0x38;
	[tilespmem:$0x1F0E8] =	vst v63  }
0x336: {  	s0 =	simm.s32 @p0 $0x6  }
0x337: {  	_ =	swait.ge @p0 [sflag:s0], $0x4  }
0x338: {  	[sflag:s0] =	ssyncset.done @p0 $0x0  }
0x339: {  	[sflag:s0] =	ssyncadd.s32 @p0 $0xFFFFFFFC  }
0x33a: {  	v1 =	vld @p0 [tilespmem:$0x3638];
	_ =	sdelay $0x2  }
0x33b: {  	s0 =	sshll.u32 @p0 s3, $0x6  }
0x33c: {  	s5 =	sshll.u32 @!p0 s3, $0x6;
	s4 =	sshrl.u32 @p0 s0, $0x2  }
0x33d: {  	s5 =	smov.u32 @p0 s0;
	[tilespmem:s4+$0x3678] =	vst.add.f32.msk @p0 $0xffff, v1  }
0x33e: {  	s0 =	sshrl.u32 s5, $0x2;
	[tilespmem:s2+$0x3658] =	vst.msk $0x1, v0  }
0x33f: {  	v0 =	vld [tilespmem:s0+$0x3678];
	_ =	sdelay $0x2  }
0x340: {  	s31 =	sshll.u32 s2, $0x6  }
0x341: {  	s0 =	sshra.s32 s31, $0x2  }
0x342: {  	s2 =	sadd.s32 $0x1, s2;
	[tilespmem:s0+$0x3678] =	vst v0  }
.LBB3_30:
0x343: {  	s3 =	sadd.s32 $0x1, s3  }
0x344: {  	p0 =	sne.s32 s3, $0x20  }
.Ltmp26:
0x345: {  	_ = 	snop;
	(pc) =	sbr.rel @!p0 .LBB3_31-.Ltmp26, $1  }
0x346: {  	_ =	sdelay $0x3  }
.LBB3_23:
0x347: {  	v0 =	vld.msk [tilespmem:s3+$0x3658], $0x1;
	_ =	sdelay $0x4  }
0x348: {  	(v2sf) =	vpush v0, $0x0;
	_ =	sdelay $0xe  }
0x349: {  	s4 =	spop (v2sf)  }
0x34a: {  	p0 =	seq.s32 s4, $0xFFFFFFFF  }
.Ltmp27:
0x34b: {  	_ = 	snop;
	(pc) =	sbr.rel @p0 .LBB3_30-.Ltmp27, $1  }
0x34c: {  	_ =	sdelay $0x3  }
0x34d: {  	p0 =	slt.s32 s2, $0x1  }
.Ltmp28:
0x34e: {  	_ = 	snop;
	(pc) =	sbr.rel @p0 .LBB3_28-.Ltmp28, $1  }
0x34f: {  	_ =	sdelay $0x3  }
0x350: {  	s5 =	simm.s32 $0x3658;
	p0 =	por $0x0, $0x0  }
0x351: {  	v1 =	vld.msk @!p0 [tilespmem:s5+$0x0], $0x1;
	_ =	sdelay $0x4  }
0x352: {  	(v2sf) =	vpush @!p0 v1, $0x0;
	_ =	sdelay $0xd  }
0x353: {  	p2 =	sne.s32 s2, $0x1  }
.Ltmp29:
0x354: {  	s0 =	spop @!p0 (v2sf);
	(pc) =	sbr.rel @!p2 .LBB3_27-.Ltmp29, $4  }
0x355: {  	p1 =	seq.s32 @!p0 s4, s0  }
0x356: {  	s6 =	simm.s32 $0x0;
	p1 =	por !p1, p0  }
0x357: {  	s0 =	simm.s32 $0xFFFFFFFF;
	s6 =	simm.s32 @p1 $0xFFFFFFFF  }
0x358: {  	s7 =	simm.s32 $0x1;
	s6 =	smov.u32 @p0 s0  }
.LBB3_26:
0x359: {  	s0 =	smov.u32 s6;
	p0 =	sne.s32 s6, $0xFFFFFFFF  }
0x35a: {  	s5 =	sadd.s32 $0x1, s5;
	s6 =	smov.u32 s7;
	s7 =	sadd.s32 $0x1, s7  }
0x35b: {  	p1 =	sne.s32 s2, s7;
	v1 =	vld.msk @!p0 [tilespmem:s5+$0x0], $0x1;
	_ =	sdelay $0x4  }
0x35c: {  	(v2sf) =	vpush @!p0 v1, $0x0;
	_ =	sdelay $0xe  }
.Ltmp30:
0x35d: {  	s8 =	spop @!p0 (v2sf);
	(pc) =	sbr.rel @p1 .LBB3_26-.Ltmp30, $4  }
0x35e: {  	p2 =	seq.s32 @!p0 s4, s8  }
0x35f: {  	p2 =	por !p2, p0  }
0x360: {  	s6 =	simm.s32 @p2 $0xFFFFFFFF  }
0x361: {  	s6 =	smov.u32 @p0 s0  }
.LBB3_27:
0x362: {  	p0 =	sne.s32 s6, $0xFFFFFFFF  }
.Ltmp31:
0x363: {  	_ = 	snop;
	(pc) =	sbr.rel @!p0 .LBB3_28-.Ltmp31, $1  }
0x364: {  	_ =	sdelay $0x3  }
0x365: {  	s0 =	sshll.u32 s3, $0x4  }
0x366: {  	s0 =	sand.u32 $0x3FFFFFF0, s0  }
0x367: {  	v0 =	vld [tilespmem:s0+$0x3678]  }
.Ltmp32:
0x368: {  	_ = 	snop;
	(pc) =	sbr.rel .LBB3_30-.Ltmp32, $4  }
0x369: {  	_ = 	snop  }
0x36a: {  	s31 =	sshll.u32 s6, $0x6  }
0x36b: {  	s0 =	sshra.s32 s31, $0x2  }
0x36c: {  	[tilespmem:s0+$0x3678] =	vst.add.f32.msk $0xffff, v0  }
.LBB3_31:
0x36d: {  	p0 =	slt.s32 s2, $0x1  }
.Ltmp33:
0x36e: {  	_ = 	snop;
	(pc) =	sbr.rel @p0 .LBB3_35-.Ltmp33, $3  }
0x36f: {  	_ =	sdelay $0x1  }
0x370: {  	s0 =	simm.s32 $0x6  }
0x371: {  	s3 =	simm.s32 $0x0;
	[sflag:s0] =	ssyncpa.u1 $0x1  }
0x372: {  	s0 =	simm.s32 $0x3658  }
0x373: {  	v0 =	vld.msk [tilespmem:s0+$0x0], $0x1;
	_ =	sdelay $0x4  }
0x374: {  	(v2sf) =	vpush v0, $0x0;
	_ =	sdelay $0xd  }
0x375: {  	s2 =	sadd.s32 $0xFFFFFFFF, s2  }
0x376: {  	p1 =	sne.s32 s2, $0x0;
	s0 =	spop (v2sf)  }
.Ltmp34:
0x377: {  	p0 =	sgt.u32 s0, $0xC34FF;
	(pc) =	sbr.rel @!p1 .LBB3_34-.Ltmp34, $4  }
0x378: {  	s4 =	simm.s32 $0x3678;
	s5 =	sand.u32 @!p0 $0xFFFF8, s0  }
0x379: {  	s6 =	simm.s32 $0x0;
	s0 =	sand.u32 @!p0 $0x7, s0;
	s5 =	sadd.s32 @!p0 s1, s5  }
0x37a: {  	[hbm4b:s5+s0] =	stream.linear.scatter @!p0 [tilespmem:s4], [sflag:$0x5], $0x4, $0x38;
	[tilespmem:$0x1F0E8] =	vst v63  }
0x37b: {  	s6 =	simm.s32 @!p0 $0x10;
	s5 =	simm.s32 $0x3659  }
.LBB3_33:
0x37c: {  	v0 =	vld.msk [tilespmem:s5+$0x0], $0x1;
	s2 =	sadd.s32 $0xFFFFFFFF, s2;
	s3 =	sadd.s32 s3, s6  }
0x37d: {  	p0 =	sne.s32 s2, $0x0;
	_ =	sdelay $0x3  }
0x37e: {  	(v2sf) =	vpush v0, $0x0;
	_ =	sdelay $0xe  }
.Ltmp35:
0x37f: {  	s0 =	spop (v2sf);
	(pc) =	sbr.rel @p0 .LBB3_33-.Ltmp35, $4  }
0x380: {  	s6 =	simm.s32 $0x0;
	p1 =	sgt.u32 s0, $0xC34FF  }
0x381: {  	s4 =	sadd.s32 $0x10, s4;
	s6 =	simm.s32 @!p1 $0x10;
	s7 =	sand.u32 @!p1 $0xFFFF8, s0  }
0x382: {  	s5 =	sadd.s32 $0x1, s5;
	s0 =	sand.u32 @!p1 $0x7, s0;
	s7 =	sadd.s32 @!p1 s1, s7  }
0x383: {  	[hbm4b:s7+s0] =	stream.linear.scatter @!p1 [tilespmem:s4], [sflag:$0x5], $0x4, $0x38;
	[tilespmem:$0x1F0E8] =	vst v63  }
.LBB3_34:
0x384: {  	s0 =	sadd.s32 s3, s6  }
0x385: {  	s3 =	sshrl.u32 s0, $0x2  }
.LBB3_35:
0x386: {  	s0 =	simm.s32 $0x5  }
0x387: {  	_ =	swait.ge [sflag:s0], s3  }
0x388: {  	s1 =	ssub.s32 $0x0, s3;
	[sflag:s0] =	ssyncset.done $0x0  }
0x389: {  	[sflag:s0] =	ssyncadd.s32 s1  }
0x38a: {  	[sflag:s0] =	ssyncpa.u1 $0x1  }
0x38b: {  	s30 =	simm.s32 $0x1;
	_ =	sfence  }
0x38c: {  	[sflag:s30] =	ssyncpa.u1 $0x1  }
0x38d: {  	_ =	strace $0x90000050  }
0x38e: {  	[bflag:$0x2] =	sbarrier.arrive $0xFFFF  }
0x38f: {  	s31 =	rddreg [dreg:$0x1]  }
0x390: {  	s0 =	sadd.s32 $0x100000, s31  }
0x391: {  	[sflag:s0] =	ssyncadd.tile.s32 $0x1;
	_ =	shalt  }
.Lfunc_end3:
_tile_overlayer_lowered:
.L_overlay_start_3:
0x392: {  	(tag) =	ssettag $0x3  }
0x393: {  	s0 =	rddreg [dreg:$0x0];
	s2 =	stileid.u32  }
0x394: {  	s1 =	rddreg [dreg:$0x1];
	p0 =	sne.s32 s2, $0x0  }
0x395: {  	s3 =	rddreg [dreg:$0x2];
	[bflag:$0x3] =	sbarrier.arrive $0xFFFF;
	s2 =	simm.s32 @!p0 $0x1C01  }
0x396: {  	[timem:s3], [sflag:s2] =	dma.local @!p0 [hbm:s0], s1  }
0x397: {  	s0 =	simm.s32 @!p0 $0x1  }
0x398: {  	_ =	swait.ge @!p0 [sflag:s0], s1  }
0x399: {  	s1 =	ssub.s32 @!p0 $0x0, s1;
	[sflag:s0] =	ssyncset.done @!p0 $0x0  }
0x39a: {  	[sflag:s0] =	ssyncadd.s32 @!p0 s1  }
0x39b: {  	[bflag:$0x3] =	sbarrier.arrive $0xFFFF  }
0x39c: {  	_ =	shalt  }

// kernel: scatter_offload_async_start.2
scs
__scs_entry_jumppad:
0x0: {  	(pc) =	sbr.rel $0x88, $3  }
0x1: {  	(tag) =	ssettag $0x0;
	lr =	simm.s32 $0x1  }
0x2: {  	[smem:$0x3F91] =	sst lr;
	_ =	strace $0xD0000000  }
0x3: {  	_ = 	snop  }
0x4: {  	_ = 	snop  }
0x5: {  	_ = 	snop  }
0x6: {  	_ = 	snop  }
0x7: {  	_ = 	snop  }
__scs_overlays_trampoline_lowered:
0x8: {  	[smem:$0x3FA0] =	sst s0  }
0x9: {  	[smem:$0x3FA1] =	sst s1  }
0xa: {  	[smem:$0x3FA2] =	sst s2  }
0xb: {  	[smem:$0x3FA3] =	sst s3  }
0xc: {  	[smem:$0x3FA4] =	sst s4  }
0xd: {  	[smem:$0x3FA5] =	sst s5  }
0xe: {  	[smem:$0x3FA6] =	sst s6  }
0xf: {  	[smem:$0x3FA7] =	sst s7  }
0x10: {  	[smem:$0x3FA8] =	sst s8  }
0x11: {  	[smem:$0x3FA9] =	sst s9;
	s0 =	simm.s32 @!p0 $0x0  }
0x12: {  	s1 =	sld [smem:$0x3F8F];
	s0 =	simm.s32 @p0 $0x1  }
0x13: {  	[smem:$0x3FAA] =	sst s0;
	s0 =	simm.s32 @!p1 $0x0  }
0x14: {  	s2 =	sld [smem:$0x3F8E];
	s0 =	simm.s32 @p1 $0x1  }
0x15: {  	[smem:$0x3FAB] =	sst s0;
	s0 =	simm.s32 @!p2 $0x0  }
0x16: {  	s3 =	sld [smem:$0x3FDB];
	s0 =	simm.s32 @p2 $0x1  }
0x17: {  	s4 =	simm.s32 $0x1BF5;
	[smem:$0x3FAD] =	sst s0  }
0x18: {  	s0 =	sld [smem:$0x3F90];
	_ =	swait.ge [sflag:s4], $0x0  }
0x19: {  	s7 =	sld [smem:$0x3F91]  }
0x1a: {  	s8 =	sadd.s32 $0xFFFFE003, lr  }
0x1b: {  	s9 =	sadd.s32 $0xFFFFFEF7, lr;
	s5 =	simm.s32 $0xFFFFFFFF;
	p2 =	slt.u32 s8, $0xFFFFF086  }
0x1c: {  	p1 =	slt.u32 s9, $0xF7A;
	s5 =	simm.s32 @!p2 $0x0  }
0x1d: {  	s5 =	simm.s32 @p1 $0x1;
	p0 =	seq.s32 s7, s2  }
0x1e: {  	s7 =	smul.u32 @!p0 $0xF7A, s2;
	p2 =	seq.s32 @!p0 s5, $0x0  }
0x1f: {  	s9 =	smul.u32 $0xF7A, s1;
	s8 =	simm.s32 @!p0 $0x1BF5;
	p2 =	por !p2, p0  }
0x20: {  	[sflag:s8] =	ssyncset.s32 @!p0 $0xFFFFF086;
	s6 =	sadd.s32 @!p0 s3, s7;
	s7 =	simm.s32 @!p0 $0x108  }
0x21: {  	s3 =	sadd.s32 s3, s9;
	s6 =	sadd.s32 @!p0 $0x88, s6;
	s7 =	simm.s32 @p2 $0x1082  }
0x22: {  	[simem:s7], [sflag:s8] =	dma.local @!p0 [hbm:s6], $0xF7A  }
0x23: {  	s9 =	sor.u32 $0xD0000000, s2;
	s6 =	simm.s32 $0x108;
	_ =	swait.ge @!p0 [sflag:s8], $0x0  }
0x24: {  	s3 =	sadd.s32 $0x88, s3;
	s6 =	simm.s32 @!p1 $0x1082;
	[sflag:s4] =	ssyncset.s32 $0xFFFFF086  }
0x25: {  	[simem:s6], [sflag:s4] =	dma.local [hbm:s3], $0xF7A  }
0x26: {  	[smem:$0x3F91] =	sst s1;
	(tag) =	ssettag s2;
	_ =	strace s9  }
0x27: {  	s1 =	sld [smem:$0x3FA1]  }
0x28: {  	s2 =	sld [smem:$0x3FA2]  }
0x29: {  	s4 =	sld [smem:$0x3FA4]  }
0x2a: {  	p0 =	seq.s32 s5, $0x0;
	s5 =	sld [smem:$0x3FA5]  }
0x2b: {  	s6 =	sld [smem:$0x3FA6]  }
0x2c: {  	s7 =	sld [smem:$0x3FA7]  }
0x2d: {  	s3 =	simm.s32 $0x108;
	s8 =	sld [smem:$0x3FA8]  }
0x2e: {  	s3 =	simm.s32 @!p0 $0x1082;
	s9 =	sld [smem:$0x3FA9]  }
0x2f: {  	lr =	sadd.s32 s0, s3;
	s0 =	sld [smem:$0x3FA0]  }
0x30: {  	s3 =	sld [smem:$0x3FA3]  }
0x31: {  	[smem:$0x3FAC] =	sst s10  }
0x32: {  	s10 =	sld [smem:$0x3FAA];
	_ =	sdelay $0x3  }
0x33: {  	p0 =	seq.s32 s10, $0x1;
	s10 =	sld [smem:$0x3FAC];
	_ =	sdelay $0x3  }
0x34: {  	[smem:$0x3FAC] =	sst s10  }
0x35: {  	s10 =	sld [smem:$0x3FAB];
	_ =	sdelay $0x3  }
0x36: {  	p1 =	seq.s32 s10, $0x1;
	s10 =	sld [smem:$0x3FAC];
	_ =	sdelay $0x3  }
0x37: {  	[smem:$0x3FAC] =	sst s10  }
0x38: {  	s10 =	sld [smem:$0x3FAD]  }
0x39: {  	_ = 	snop;
	(pc) =	sbr.ind lr, $3  }
0x3a: {  	_ = 	snop  }
0x3b: {  	_ = 	snop  }
0x3c: {  	p2 =	seq.s32 s10, $0x1;
	s10 =	sld [smem:$0x3FAC]  }
0x3d: {  	_ =	shalt  }
0x3e: {  	_ =	shalt  }
0x3f: {  	_ =	shalt  }
0x40: {  	_ =	shalt  }
0x41: {  	_ =	shalt  }
0x42: {  	_ =	shalt  }
0x43: {  	_ =	shalt  }
0x44: {  	_ =	shalt  }
0x45: {  	_ =	shalt  }
0x46: {  	_ =	shalt  }
0x47: {  	_ =	shalt  }
0x48: {  	_ =	shalt  }
0x49: {  	_ =	shalt  }
0x4a: {  	_ =	shalt  }
0x4b: {  	_ =	shalt  }
0x4c: {  	_ =	shalt  }
0x4d: {  	_ =	shalt  }
0x4e: {  	_ =	shalt  }
0x4f: {  	_ =	shalt  }
0x50: {  	_ =	shalt  }
0x51: {  	_ =	shalt  }
0x52: {  	_ =	shalt  }
0x53: {  	_ =	shalt  }
0x54: {  	_ =	shalt  }
0x55: {  	_ =	shalt  }
0x56: {  	_ =	shalt  }
0x57: {  	_ =	shalt  }
0x58: {  	_ =	shalt  }
0x59: {  	_ =	shalt  }
0x5a: {  	_ =	shalt  }
0x5b: {  	_ =	shalt  }
0x5c: {  	_ =	shalt  }
0x5d: {  	_ =	shalt  }
0x5e: {  	_ =	shalt  }
0x5f: {  	_ =	shalt  }
0x60: {  	_ =	shalt  }
0x61: {  	_ =	shalt  }
0x62: {  	_ =	shalt  }
0x63: {  	_ =	shalt  }
0x64: {  	_ =	shalt  }
0x65: {  	_ =	shalt  }
0x66: {  	_ =	shalt  }
0x67: {  	_ =	shalt  }
0x68: {  	_ =	shalt  }
0x69: {  	_ =	shalt  }
0x6a: {  	_ =	shalt  }
0x6b: {  	_ =	shalt  }
0x6c: {  	_ =	shalt  }
0x6d: {  	_ =	shalt  }
0x6e: {  	_ =	shalt  }
0x6f: {  	_ =	shalt  }
0x70: {  	_ =	shalt  }
0x71: {  	_ =	shalt  }
0x72: {  	_ =	shalt  }
0x73: {  	_ =	shalt  }
0x74: {  	_ =	shalt  }
0x75: {  	_ =	shalt  }
0x76: {  	_ =	shalt  }
0x77: {  	_ =	shalt  }
0x78: {  	_ =	shalt  }
0x79: {  	_ =	shalt  }
0x7a: {  	_ =	shalt  }
0x7b: {  	_ =	shalt  }
0x7c: {  	_ =	shalt  }
0x7d: {  	_ =	shalt  }
0x7e: {  	_ =	shalt  }
0x7f: {  	_ =	shalt  }
0x80: {  	_ =	shalt  }
0x81: {  	_ =	shalt  }
0x82: {  	_ =	shalt  }
0x83: {  	_ =	shalt  }
0x84: {  	_ =	shalt  }
0x85: {  	_ =	shalt  }
0x86: {  	_ =	shalt  }
0x87: {  	_ =	shalt  }
.Lfunc_end0:
.L_simem_size_0:
called_computation.2_lowered:
.L_overlay_start_0:
0x88: {  	s0 =	sld [smem:$0x3FD9]  }
0x89: {  	s1 =	sld [smem:$0x3FFE];
	_ =	sdelay $0x3  }
0x8a: {  	s0 =	sadd.s32 s1, s0  }
0x8b: {  	[smem:$0x3FB8] =	sst s0  }
0x8c: {  	_ = 	snop  }
0x8d: {  	(tm) =	ssettm $0x1  }
0x8e: {  	s15 =	sld [smem:$0x3FFB];
	_ =	sdelay $0x3  }
0x8f: {  	_ =	strace s15  }
0x90: {  	s0 =	sld [smem:$0x3FFC];
	_ =	sdelay $0x3  }
0x91: {  	_ =	strace s0  }
0x92: {  	s0 =	sld [smem:$0x3FFD];
	_ =	sdelay $0x3  }
0x93: {  	_ =	strace s0  }
0x94: {  	_ =	strace $0x8FFFFFFF  }
0x95: {  	s16 =	sld [smem:$0x3FDB];
	_ =	sdelay $0x1  }
0x96: {  	s17 =	simm.s32 $_scs_section_size  }
0x97: {  	s2 =	simm.s32 $_size__tile_overlayer_lowered;
	s3 =	simm.s32 $_tile_overlayer_lowered  }
0x98: {  	s20 =	simm.s32 $0x1BFF;
	s19 =	sshll.u32 s3, $0x1;
	s0 =	sadd.s32 s17, s16  }
0x99: {  	s4 =	simm.s32 $0x0;
	s18 =	sshll.u32 s2, $0x1;
	s2 =	sadd.s32 s19, s0  }
0x9a: {  	[timem:s4], [sflag:s20] =	dma.local [hbm:s2], s18  }
0x9b: {  	_ =	swait.ge [sflag:s20], s18  }
0x9c: {  	s1 =	ssub.s32 $0x0, s18;
	[sflag:s20] =	ssyncset.done $0x0  }
0x9d: {  	[sflag:s20] =	ssyncadd.s32 s1;
	_ =	sdelay $0x1  }
0x9e: {  	s21 =	simm.s32 $0x1B8B  }
0x9f: {  	_ =	swait.ge [sflag:s21], $0x1  }
0xa0: {  	[sflag:s21] =	ssyncset.done $0x0  }
0xa1: {  	s23 =	simm.s32 $0x1B8E;
	s22 =	sld [smem:$0x3FFE];
	[sflag:s21] =	ssyncadd.s32 $0xFFFFFFFF  }
0xa2: {  	s24 =	simm.s32 $execute0_lowered;
	[smem:$0x3FD2] =	sst s23  }
0xa3: {  	s2 =	sshll.u32 s24, $0x1;
	_ =	strace $0x80000052;
	[dreg:$0x1] =	wrdreg $0xFFFFFFFF  }
0xa4: {  	s25 =	simm.s32 $_size_execute0_lowered;
	s0 =	sadd.s32 s0, s2;
	[dreg:$0x0] =	wrdreg $0x0  }
0xa5: {  	s2 =	sshll.u32 s25, $0x1;
	[dreg:$0x2] =	wrdreg s0  }
0xa6: {  	[dreg:$0x3] =	wrdreg s2  }
0xa7: {  	[dreg:$0x4] =	wrdreg $0xC0  }
0xa8: {  	_ =	task [dreg:s4], $0x5FFFF  }
0xa9: {  	[dreg:$0x1] =	wrdreg $0xFFFFFFFF  }
0xaa: {  	[dreg:$0x0] =	wrdreg $0x60  }
0xab: {  	[dreg:$0x2] =	wrdreg s22  }
0xac: {  	[dreg:$0x3] =	wrdreg $0x9  }
0xad: {  	_ =	task.clear_ibuf [dreg:s4], $0x4FFFF;
	_ =	strace $0x90000052  }
0xae: {  	s26 =	simm.s32 $0x9;
	_ =	strace $0x80000054  }
0xaf: {  	_ =	swait.ge [sflag:s26], $0x1  }
0xb0: {  	[sflag:s26] =	ssyncadd.s32 $0xFFFFFFFF  }
0xb1: {  	_ =	strace $0x90000054  }
0xb2: {  	_ =	sfence  }
0xb3: {  	s28 =	sld [smem:$0x0];
	_ =	sdelay $0x1  }
0xb4: {  	s29 =	srdreg.scid  }
0xb5: {  	s30 =	sshll.u32 s29, $0xD;
	s31 =	sshrl.u32 s29, $0x2  }
0xb6: {  	s1 =	sand.u32 $0x1, s29;
	s2 =	sand.u32 $0x4000, s30;
	s0 =	sadd.s32 s31, s28  }
0xb7: {  	s1 =	sor.u32 s2, s1;
	s0 =	sshll.u32 s0, $0x11  }
0xb8: {  	s0 =	sor.u32 s0, s1  }
0xb9: {  	s0 =	sadd.s32 $0x8F2B, s0  }
0xba: {  	[sflag:s0] =	ssyncadd.remote.s32 $0x1  }
0xbb: {  	_ =	sfence.sel $0xFFFF  }
0xbc: {  	[dreg:$0x0] =	wrdreg $0xFFFFFFFF;
	(pc) =	sbr.abs _section_cstart, $3  }
0xbd: {  	[dreg:$0x1] =	wrdreg $0xFFFFFFFF  }
0xbe: {  	_ =	task.clear_ibuf [dreg:s4], $0x2FFFF;
	_ =	strace $0x9FFFFFFF  }
0xbf: {  	(tm) =	ssettm $0x7FFFFFFF  }
tec
execute0_lowered:
.L_overlay_start_1:
0x0: {  	(tag) =	ssettag $0x1  }
0x1: {  	s8 =	rddreg [dreg:$0x0];
	_ =	strace $0x80000053;
	s11 =	simm.s32 $0x1  }
0x2: {  	v0 =	vimm.s32 $0x0;
	[sflag:s11] =	ssyncpa.u1 $0x0  }
0x3: {  	[tilespmem:$0x28] =	vst v0  }
0x4: {  	[tilespmem:$0x38] =	vst v0  }
0x5: {  	[tilespmem:$0x48] =	vst v0  }
0x6: {  	[tilespmem:$0x58] =	vst v0  }
0x7: {  	[tilespmem:$0x68] =	vst v0  }
0x8: {  	[tilespmem:$0x78] =	vst v0  }
0x9: {  	[tilespmem:$0x88] =	vst v0  }
0xa: {  	[tilespmem:$0x98] =	vst v0  }
0xb: {  	[tilespmem:$0xA8] =	vst v0  }
0xc: {  	[tilespmem:$0xB8] =	vst v0  }
0xd: {  	[tilespmem:$0xC8] =	vst v0  }
0xe: {  	[tilespmem:$0xD8] =	vst v0  }
0xf: {  	[tilespmem:$0xE8] =	vst v0  }
0x10: {  	[tilespmem:$0xF8] =	vst v0  }
0x11: {  	[tilespmem:$0x108] =	vst v0  }
0x12: {  	[tilespmem:$0x118] =	vst v0  }
0x13: {  	[tilespmem:$0x128] =	vst v0  }
0x14: {  	[tilespmem:$0x138] =	vst v0  }
0x15: {  	[tilespmem:$0x148] =	vst v0  }
0x16: {  	[tilespmem:$0x158] =	vst v0  }
0x17: {  	[tilespmem:$0x168] =	vst v0  }
0x18: {  	[tilespmem:$0x178] =	vst v0  }
0x19: {  	[tilespmem:$0x188] =	vst v0  }
0x1a: {  	[tilespmem:$0x198] =	vst v0  }
0x1b: {  	[tilespmem:$0x1A8] =	vst v0  }
0x1c: {  	[tilespmem:$0x1B8] =	vst v0  }
0x1d: {  	[tilespmem:$0x1C8] =	vst v0  }
0x1e: {  	[tilespmem:$0x1D8] =	vst v0  }
0x1f: {  	[tilespmem:$0x1E8] =	vst v0  }
0x20: {  	[tilespmem:$0x1F8] =	vst v0  }
0x21: {  	[tilespmem:$0x208] =	vst v0  }
0x22: {  	[tilespmem:$0x218] =	vst v0  }
0x23: {  	[tilespmem:$0x228] =	vst v0  }
0x24: {  	[tilespmem:$0x238] =	vst v0  }
0x25: {  	[tilespmem:$0x248] =	vst v0  }
0x26: {  	[tilespmem:$0x258] =	vst v0  }
0x27: {  	[tilespmem:$0x268] =	vst v0  }
0x28: {  	[tilespmem:$0x278] =	vst v0  }
0x29: {  	[tilespmem:$0x288] =	vst v0  }
0x2a: {  	[tilespmem:$0x298] =	vst v0  }
0x2b: {  	[tilespmem:$0x2A8] =	vst v0  }
0x2c: {  	[tilespmem:$0x2B8] =	vst v0  }
0x2d: {  	[tilespmem:$0x2C8] =	vst v0  }
0x2e: {  	[tilespmem:$0x2D8] =	vst v0  }
0x2f: {  	[tilespmem:$0x2E8] =	vst v0  }
0x30: {  	[tilespmem:$0x2F8] =	vst v0  }
0x31: {  	[tilespmem:$0x308] =	vst v0  }
0x32: {  	[tilespmem:$0x318] =	vst v0  }
0x33: {  	[tilespmem:$0x328] =	vst v0  }
0x34: {  	[tilespmem:$0x338] =	vst v0  }
0x35: {  	[tilespmem:$0x348] =	vst v0  }
0x36: {  	[tilespmem:$0x358] =	vst v0  }
0x37: {  	[tilespmem:$0x368] =	vst v0  }
0x38: {  	[tilespmem:$0x378] =	vst v0  }
0x39: {  	[tilespmem:$0x388] =	vst v0  }
0x3a: {  	[tilespmem:$0x398] =	vst v0  }
0x3b: {  	[tilespmem:$0x3A8] =	vst v0  }
0x3c: {  	[tilespmem:$0x3B8] =	vst v0  }
0x3d: {  	[tilespmem:$0x3C8] =	vst v0  }
0x3e: {  	[tilespmem:$0x3D8] =	vst v0  }
0x3f: {  	[tilespmem:$0x3E8] =	vst v0  }
0x40: {  	[tilespmem:$0x3F8] =	vst v0  }
0x41: {  	[tilespmem:$0x408] =	vst v0  }
0x42: {  	[tilespmem:$0x418] =	vst v0  }
0x43: {  	[tilespmem:$0x428] =	vst v0  }
0x44: {  	[tilespmem:$0x438] =	vst v0  }
0x45: {  	[tilespmem:$0x448] =	vst v0  }
0x46: {  	[tilespmem:$0x458] =	vst v0  }
0x47: {  	[tilespmem:$0x468] =	vst v0  }
0x48: {  	[tilespmem:$0x478] =	vst v0  }
0x49: {  	[tilespmem:$0x488] =	vst v0  }
0x4a: {  	[tilespmem:$0x498] =	vst v0  }
0x4b: {  	[tilespmem:$0x4A8] =	vst v0  }
0x4c: {  	[tilespmem:$0x4B8] =	vst v0  }
0x4d: {  	[tilespmem:$0x4C8] =	vst v0  }
0x4e: {  	[tilespmem:$0x4D8] =	vst v0  }
0x4f: {  	[tilespmem:$0x4E8] =	vst v0  }
0x50: {  	[tilespmem:$0x4F8] =	vst v0  }
0x51: {  	[tilespmem:$0x508] =	vst v0  }
0x52: {  	[tilespmem:$0x518] =	vst v0  }
0x53: {  	[tilespmem:$0x528] =	vst v0  }
0x54: {  	[tilespmem:$0x538] =	vst v0  }
0x55: {  	[tilespmem:$0x548] =	vst v0  }
0x56: {  	[tilespmem:$0x558] =	vst v0  }
0x57: {  	[tilespmem:$0x568] =	vst v0  }
0x58: {  	[tilespmem:$0x578] =	vst v0  }
0x59: {  	[tilespmem:$0x588] =	vst v0  }
0x5a: {  	[tilespmem:$0x598] =	vst v0  }
0x5b: {  	[tilespmem:$0x5A8] =	vst v0  }
0x5c: {  	[tilespmem:$0x5B8] =	vst v0  }
0x5d: {  	[tilespmem:$0x5C8] =	vst v0  }
0x5e: {  	[tilespmem:$0x5D8] =	vst v0  }
0x5f: {  	[tilespmem:$0x5E8] =	vst v0  }
0x60: {  	[tilespmem:$0x5F8] =	vst v0  }
0x61: {  	[tilespmem:$0x608] =	vst v0  }
0x62: {  	[tilespmem:$0x618] =	vst v0  }
0x63: {  	[tilespmem:$0x628] =	vst v0  }
0x64: {  	[tilespmem:$0x638] =	vst v0  }
0x65: {  	[tilespmem:$0x648] =	vst v0  }
0x66: {  	[tilespmem:$0x658] =	vst v0  }
0x67: {  	[tilespmem:$0x668] =	vst v0  }
0x68: {  	[tilespmem:$0x678] =	vst v0  }
0x69: {  	[tilespmem:$0x688] =	vst v0  }
0x6a: {  	[tilespmem:$0x698] =	vst v0  }
0x6b: {  	[tilespmem:$0x6A8] =	vst v0  }
0x6c: {  	[tilespmem:$0x6B8] =	vst v0  }
0x6d: {  	[tilespmem:$0x6C8] =	vst v0  }
0x6e: {  	[tilespmem:$0x6D8] =	vst v0  }
0x6f: {  	[tilespmem:$0x6E8] =	vst v0  }
0x70: {  	[tilespmem:$0x6F8] =	vst v0  }
0x71: {  	[tilespmem:$0x708] =	vst v0  }
0x72: {  	[tilespmem:$0x718] =	vst v0  }
0x73: {  	[tilespmem:$0x728] =	vst v0  }
0x74: {  	[tilespmem:$0x738] =	vst v0  }
0x75: {  	[tilespmem:$0x748] =	vst v0  }
0x76: {  	[tilespmem:$0x758] =	vst v0  }
0x77: {  	[tilespmem:$0x768] =	vst v0  }
0x78: {  	[tilespmem:$0x778] =	vst v0  }
0x79: {  	[tilespmem:$0x788] =	vst v0  }
0x7a: {  	[tilespmem:$0x798] =	vst v0  }
0x7b: {  	[tilespmem:$0x7A8] =	vst v0  }
0x7c: {  	[tilespmem:$0x7B8] =	vst v0  }
0x7d: {  	[tilespmem:$0x7C8] =	vst v0  }
0x7e: {  	[tilespmem:$0x7D8] =	vst v0  }
0x7f: {  	[tilespmem:$0x7E8] =	vst v0  }
0x80: {  	[tilespmem:$0x7F8] =	vst v0  }
0x81: {  	[tilespmem:$0x808] =	vst v0  }
0x82: {  	[tilespmem:$0x818] =	vst v0  }
0x83: {  	[tilespmem:$0x828] =	vst v0  }
0x84: {  	[tilespmem:$0x838] =	vst v0  }
0x85: {  	[tilespmem:$0x848] =	vst v0  }
0x86: {  	[tilespmem:$0x858] =	vst v0  }
0x87: {  	[tilespmem:$0x868] =	vst v0  }
0x88: {  	[tilespmem:$0x878] =	vst v0  }
0x89: {  	[tilespmem:$0x888] =	vst v0  }
0x8a: {  	[tilespmem:$0x898] =	vst v0  }
0x8b: {  	[tilespmem:$0x8A8] =	vst v0  }
0x8c: {  	[tilespmem:$0x8B8] =	vst v0  }
0x8d: {  	[tilespmem:$0x8C8] =	vst v0  }
0x8e: {  	[tilespmem:$0x8D8] =	vst v0  }
0x8f: {  	[tilespmem:$0x8E8] =	vst v0  }
0x90: {  	[tilespmem:$0x8F8] =	vst v0  }
0x91: {  	[tilespmem:$0x908] =	vst v0  }
0x92: {  	[tilespmem:$0x918] =	vst v0  }
0x93: {  	[tilespmem:$0x928] =	vst v0  }
0x94: {  	[tilespmem:$0x938] =	vst v0  }
0x95: {  	[tilespmem:$0x948] =	vst v0  }
0x96: {  	[tilespmem:$0x958] =	vst v0  }
0x97: {  	[tilespmem:$0x968] =	vst v0  }
0x98: {  	[tilespmem:$0x978] =	vst v0  }
0x99: {  	[tilespmem:$0x988] =	vst v0  }
0x9a: {  	[tilespmem:$0x998] =	vst v0  }
0x9b: {  	[tilespmem:$0x9A8] =	vst v0  }
0x9c: {  	[tilespmem:$0x9B8] =	vst v0  }
0x9d: {  	[tilespmem:$0x9C8] =	vst v0  }
0x9e: {  	[tilespmem:$0x9D8] =	vst v0  }
0x9f: {  	[tilespmem:$0x9E8] =	vst v0  }
0xa0: {  	[tilespmem:$0x9F8] =	vst v0  }
0xa1: {  	[tilespmem:$0xA08] =	vst v0  }
0xa2: {  	[tilespmem:$0xA18] =	vst v0  }
0xa3: {  	[tilespmem:$0xA28] =	vst v0  }
0xa4: {  	[tilespmem:$0xA38] =	vst v0  }
0xa5: {  	[tilespmem:$0xA48] =	vst v0  }
0xa6: {  	[tilespmem:$0xA58] =	vst v0  }
0xa7: {  	[tilespmem:$0xA68] =	vst v0  }
0xa8: {  	[tilespmem:$0xA78] =	vst v0  }
0xa9: {  	[tilespmem:$0xA88] =	vst v0  }
0xaa: {  	[tilespmem:$0xA98] =	vst v0  }
0xab: {  	[tilespmem:$0xAA8] =	vst v0  }
0xac: {  	[tilespmem:$0xAB8] =	vst v0  }
0xad: {  	[tilespmem:$0xAC8] =	vst v0  }
0xae: {  	[tilespmem:$0xAD8] =	vst v0  }
0xaf: {  	[tilespmem:$0xAE8] =	vst v0  }
0xb0: {  	[tilespmem:$0xAF8] =	vst v0  }
0xb1: {  	[tilespmem:$0xB08] =	vst v0  }
0xb2: {  	[tilespmem:$0xB18] =	vst v0  }
0xb3: {  	[tilespmem:$0xB28] =	vst v0  }
0xb4: {  	[tilespmem:$0xB38] =	vst v0  }
0xb5: {  	[tilespmem:$0xB48] =	vst v0  }
0xb6: {  	[tilespmem:$0xB58] =	vst v0  }
0xb7: {  	[tilespmem:$0xB68] =	vst v0  }
0xb8: {  	[tilespmem:$0xB78] =	vst v0  }
0xb9: {  	[tilespmem:$0xB88] =	vst v0  }
0xba: {  	[tilespmem:$0xB98] =	vst v0  }
0xbb: {  	[tilespmem:$0xBA8] =	vst v0  }
0xbc: {  	[tilespmem:$0xBB8] =	vst v0  }
0xbd: {  	[tilespmem:$0xBC8] =	vst v0  }
0xbe: {  	[tilespmem:$0xBD8] =	vst v0  }
0xbf: {  	[tilespmem:$0xBE8] =	vst v0  }
0xc0: {  	[tilespmem:$0xBF8] =	vst v0  }
0xc1: {  	[tilespmem:$0xC08] =	vst v0  }
0xc2: {  	[tilespmem:$0xC18] =	vst v0  }
0xc3: {  	[tilespmem:$0xC28] =	vst v0  }
0xc4: {  	[tilespmem:$0xC38] =	vst v0  }
0xc5: {  	[tilespmem:$0xC48] =	vst v0  }
0xc6: {  	[tilespmem:$0xC58] =	vst v0  }
0xc7: {  	[tilespmem:$0xC68] =	vst v0  }
0xc8: {  	[tilespmem:$0xC78] =	vst v0  }
0xc9: {  	[tilespmem:$0xC88] =	vst v0  }
0xca: {  	[tilespmem:$0xC98] =	vst v0  }
0xcb: {  	[tilespmem:$0xCA8] =	vst v0  }
0xcc: {  	[tilespmem:$0xCB8] =	vst v0  }
0xcd: {  	[tilespmem:$0xCC8] =	vst v0  }
0xce: {  	[tilespmem:$0xCD8] =	vst v0  }
0xcf: {  	[tilespmem:$0xCE8] =	vst v0  }
0xd0: {  	[tilespmem:$0xCF8] =	vst v0  }
0xd1: {  	[tilespmem:$0xD08] =	vst v0  }
0xd2: {  	[tilespmem:$0xD18] =	vst v0  }
0xd3: {  	[tilespmem:$0xD28] =	vst v0  }
0xd4: {  	[tilespmem:$0xD38] =	vst v0  }
0xd5: {  	[tilespmem:$0xD48] =	vst v0  }
0xd6: {  	[tilespmem:$0xD58] =	vst v0  }
0xd7: {  	[tilespmem:$0xD68] =	vst v0  }
0xd8: {  	[tilespmem:$0xD78] =	vst v0  }
0xd9: {  	[tilespmem:$0xD88] =	vst v0  }
0xda: {  	[tilespmem:$0xD98] =	vst v0  }
0xdb: {  	[tilespmem:$0xDA8] =	vst v0  }
0xdc: {  	[tilespmem:$0xDB8] =	vst v0  }
0xdd: {  	[tilespmem:$0xDC8] =	vst v0  }
0xde: {  	[tilespmem:$0xDD8] =	vst v0  }
0xdf: {  	[tilespmem:$0xDE8] =	vst v0  }
0xe0: {  	[tilespmem:$0xDF8] =	vst v0  }
0xe1: {  	[tilespmem:$0xE08] =	vst v0  }
0xe2: {  	[tilespmem:$0xE18] =	vst v0  }
0xe3: {  	[tilespmem:$0xE28] =	vst v0  }
0xe4: {  	[tilespmem:$0xE38] =	vst v0  }
0xe5: {  	[tilespmem:$0xE48] =	vst v0  }
0xe6: {  	[tilespmem:$0xE58] =	vst v0  }
0xe7: {  	[tilespmem:$0xE68] =	vst v0  }
0xe8: {  	[tilespmem:$0xE78] =	vst v0  }
0xe9: {  	[tilespmem:$0xE88] =	vst v0  }
0xea: {  	[tilespmem:$0xE98] =	vst v0  }
0xeb: {  	[tilespmem:$0xEA8] =	vst v0  }
0xec: {  	[tilespmem:$0xEB8] =	vst v0  }
0xed: {  	[tilespmem:$0xEC8] =	vst v0  }
0xee: {  	[tilespmem:$0xED8] =	vst v0  }
0xef: {  	[tilespmem:$0xEE8] =	vst v0  }
0xf0: {  	[tilespmem:$0xEF8] =	vst v0  }
0xf1: {  	[tilespmem:$0xF08] =	vst v0  }
0xf2: {  	[tilespmem:$0xF18] =	vst v0  }
0xf3: {  	[tilespmem:$0xF28] =	vst v0  }
0xf4: {  	[tilespmem:$0xF38] =	vst v0  }
0xf5: {  	[tilespmem:$0xF48] =	vst v0  }
0xf6: {  	[tilespmem:$0xF58] =	vst v0  }
0xf7: {  	[tilespmem:$0xF68] =	vst v0  }
0xf8: {  	[tilespmem:$0xF78] =	vst v0  }
0xf9: {  	[tilespmem:$0xF88] =	vst v0  }
0xfa: {  	[tilespmem:$0xF98] =	vst v0  }
0xfb: {  	[tilespmem:$0xFA8] =	vst v0  }
0xfc: {  	[tilespmem:$0xFB8] =	vst v0  }
0xfd: {  	[tilespmem:$0xFC8] =	vst v0  }
0xfe: {  	[tilespmem:$0xFD8] =	vst v0  }
0xff: {  	[tilespmem:$0xFE8] =	vst v0  }
0x100: {  	[tilespmem:$0xFF8] =	vst v0  }
0x101: {  	[tilespmem:$0x1018] =	vst v0  }
0x102: {  	[tilespmem:$0x1098] =	vst v0  }
0x103: {  	[tilespmem:$0x1B28] =	vst v0  }
0x104: {  	[tilespmem:$0x1B18] =	vst v0  }
0x105: {  	[tilespmem:$0x1B08] =	vst v0  }
0x106: {  	[tilespmem:$0x1AF8] =	vst v0  }
0x107: {  	[tilespmem:$0x1AE8] =	vst v0  }
0x108: {  	[tilespmem:$0x1AD8] =	vst v0  }
0x109: {  	[tilespmem:$0x1AC8] =	vst v0  }
0x10a: {  	[tilespmem:$0x1AB8] =	vst v0  }
0x10b: {  	[tilespmem:$0x1AA8] =	vst v0  }
0x10c: {  	[tilespmem:$0x1A98] =	vst v0  }
0x10d: {  	[tilespmem:$0x1A88] =	vst v0  }
0x10e: {  	[tilespmem:$0x1A78] =	vst v0  }
0x10f: {  	[tilespmem:$0x1A68] =	vst v0  }
0x110: {  	[tilespmem:$0x1A58] =	vst v0  }
0x111: {  	[tilespmem:$0x1A48] =	vst v0  }
0x112: {  	[tilespmem:$0x1A38] =	vst v0  }
0x113: {  	[tilespmem:$0x1A28] =	vst v0  }
0x114: {  	[tilespmem:$0x1A18] =	vst v0  }
0x115: {  	[tilespmem:$0x1A08] =	vst v0  }
0x116: {  	[tilespmem:$0x19F8] =	vst v0  }
0x117: {  	[tilespmem:$0x19E8] =	vst v0  }
0x118: {  	[tilespmem:$0x19D8] =	vst v0  }
0x119: {  	[tilespmem:$0x19C8] =	vst v0  }
0x11a: {  	[tilespmem:$0x19B8] =	vst v0  }
0x11b: {  	[tilespmem:$0x19A8] =	vst v0  }
0x11c: {  	[tilespmem:$0x1998] =	vst v0  }
0x11d: {  	[tilespmem:$0x1988] =	vst v0  }
0x11e: {  	[tilespmem:$0x1978] =	vst v0  }
0x11f: {  	[tilespmem:$0x1968] =	vst v0  }
0x120: {  	[tilespmem:$0x1958] =	vst v0  }
0x121: {  	[tilespmem:$0x1948] =	vst v0  }
0x122: {  	[tilespmem:$0x1938] =	vst v0  }
0x123: {  	[tilespmem:$0x1928] =	vst v0  }
0x124: {  	[tilespmem:$0x1918] =	vst v0  }
0x125: {  	[tilespmem:$0x1908] =	vst v0  }
0x126: {  	[tilespmem:$0x18F8] =	vst v0  }
0x127: {  	[tilespmem:$0x18E8] =	vst v0  }
0x128: {  	[tilespmem:$0x18D8] =	vst v0  }
0x129: {  	[tilespmem:$0x18C8] =	vst v0  }
0x12a: {  	[tilespmem:$0x18B8] =	vst v0  }
0x12b: {  	[tilespmem:$0x18A8] =	vst v0  }
0x12c: {  	[tilespmem:$0x1898] =	vst v0  }
0x12d: {  	[tilespmem:$0x1888] =	vst v0  }
0x12e: {  	[tilespmem:$0x1878] =	vst v0  }
0x12f: {  	[tilespmem:$0x1868] =	vst v0  }
0x130: {  	[tilespmem:$0x1858] =	vst v0  }
0x131: {  	[tilespmem:$0x1848] =	vst v0  }
0x132: {  	[tilespmem:$0x1838] =	vst v0  }
0x133: {  	[tilespmem:$0x1828] =	vst v0  }
0x134: {  	[tilespmem:$0x1818] =	vst v0  }
0x135: {  	[tilespmem:$0x1808] =	vst v0  }
0x136: {  	[tilespmem:$0x17F8] =	vst v0  }
0x137: {  	[tilespmem:$0x17E8] =	vst v0  }
0x138: {  	[tilespmem:$0x17D8] =	vst v0  }
0x139: {  	[tilespmem:$0x17C8] =	vst v0  }
0x13a: {  	[tilespmem:$0x17B8] =	vst v0  }
0x13b: {  	[tilespmem:$0x17A8] =	vst v0  }
0x13c: {  	[tilespmem:$0x1798] =	vst v0  }
0x13d: {  	[tilespmem:$0x1788] =	vst v0  }
0x13e: {  	[tilespmem:$0x1778] =	vst v0  }
0x13f: {  	[tilespmem:$0x1768] =	vst v0  }
0x140: {  	[tilespmem:$0x1758] =	vst v0  }
0x141: {  	[tilespmem:$0x1748] =	vst v0  }
0x142: {  	[tilespmem:$0x1738] =	vst v0  }
0x143: {  	[tilespmem:$0x1728] =	vst v0  }
0x144: {  	[tilespmem:$0x1718] =	vst v0  }
0x145: {  	[tilespmem:$0x1708] =	vst v0  }
0x146: {  	[tilespmem:$0x16F8] =	vst v0  }
0x147: {  	[tilespmem:$0x16E8] =	vst v0  }
0x148: {  	[tilespmem:$0x16D8] =	vst v0  }
0x149: {  	[tilespmem:$0x16C8] =	vst v0  }
0x14a: {  	[tilespmem:$0x16B8] =	vst v0  }
0x14b: {  	[tilespmem:$0x16A8] =	vst v0  }
0x14c: {  	[tilespmem:$0x1698] =	vst v0  }
0x14d: {  	[tilespmem:$0x1688] =	vst v0  }
0x14e: {  	[tilespmem:$0x1678] =	vst v0  }
0x14f: {  	[tilespmem:$0x1668] =	vst v0  }
0x150: {  	[tilespmem:$0x1658] =	vst v0  }
0x151: {  	[tilespmem:$0x1648] =	vst v0  }
0x152: {  	[tilespmem:$0x1638] =	vst v0  }
0x153: {  	[tilespmem:$0x1628] =	vst v0  }
0x154: {  	[tilespmem:$0x1618] =	vst v0  }
0x155: {  	[tilespmem:$0x1608] =	vst v0  }
0x156: {  	[tilespmem:$0x15F8] =	vst v0  }
0x157: {  	[tilespmem:$0x15E8] =	vst v0  }
0x158: {  	[tilespmem:$0x15D8] =	vst v0  }
0x159: {  	[tilespmem:$0x15C8] =	vst v0  }
0x15a: {  	[tilespmem:$0x15B8] =	vst v0  }
0x15b: {  	[tilespmem:$0x15A8] =	vst v0  }
0x15c: {  	[tilespmem:$0x1598] =	vst v0  }
0x15d: {  	[tilespmem:$0x1588] =	vst v0  }
0x15e: {  	[tilespmem:$0x1578] =	vst v0  }
0x15f: {  	[tilespmem:$0x1568] =	vst v0  }
0x160: {  	[tilespmem:$0x1558] =	vst v0  }
0x161: {  	[tilespmem:$0x1548] =	vst v0  }
0x162: {  	[tilespmem:$0x1538] =	vst v0  }
0x163: {  	[tilespmem:$0x1528] =	vst v0  }
0x164: {  	[tilespmem:$0x1518] =	vst v0  }
0x165: {  	[tilespmem:$0x1508] =	vst v0  }
0x166: {  	[tilespmem:$0x14F8] =	vst v0  }
0x167: {  	[tilespmem:$0x14E8] =	vst v0  }
0x168: {  	[tilespmem:$0x14D8] =	vst v0  }
0x169: {  	[tilespmem:$0x14C8] =	vst v0  }
0x16a: {  	[tilespmem:$0x14B8] =	vst v0  }
0x16b: {  	[tilespmem:$0x14A8] =	vst v0  }
0x16c: {  	[tilespmem:$0x1498] =	vst v0  }
0x16d: {  	[tilespmem:$0x1488] =	vst v0  }
0x16e: {  	[tilespmem:$0x1478] =	vst v0  }
0x16f: {  	[tilespmem:$0x1468] =	vst v0  }
0x170: {  	[tilespmem:$0x1458] =	vst v0  }
0x171: {  	[tilespmem:$0x1448] =	vst v0  }
0x172: {  	[tilespmem:$0x1438] =	vst v0  }
0x173: {  	[tilespmem:$0x1428] =	vst v0  }
0x174: {  	[tilespmem:$0x1418] =	vst v0  }
0x175: {  	[tilespmem:$0x1408] =	vst v0  }
0x176: {  	[tilespmem:$0x13F8] =	vst v0  }
0x177: {  	[tilespmem:$0x13E8] =	vst v0  }
0x178: {  	[tilespmem:$0x13D8] =	vst v0  }
0x179: {  	[tilespmem:$0x13C8] =	vst v0  }
0x17a: {  	[tilespmem:$0x13B8] =	vst v0  }
0x17b: {  	[tilespmem:$0x13A8] =	vst v0  }
0x17c: {  	[tilespmem:$0x1398] =	vst v0  }
0x17d: {  	[tilespmem:$0x1388] =	vst v0  }
0x17e: {  	[tilespmem:$0x1378] =	vst v0  }
0x17f: {  	[tilespmem:$0x1368] =	vst v0  }
0x180: {  	[tilespmem:$0x1358] =	vst v0  }
0x181: {  	[tilespmem:$0x1348] =	vst v0  }
0x182: {  	[tilespmem:$0x1338] =	vst v0  }
0x183: {  	[tilespmem:$0x1328] =	vst v0  }
0x184: {  	[tilespmem:$0x1318] =	vst v0  }
0x185: {  	[tilespmem:$0x1308] =	vst v0  }
0x186: {  	[tilespmem:$0x12F8] =	vst v0  }
0x187: {  	[tilespmem:$0x12E8] =	vst v0  }
0x188: {  	[tilespmem:$0x12D8] =	vst v0  }
0x189: {  	[tilespmem:$0x12C8] =	vst v0  }
0x18a: {  	[tilespmem:$0x12B8] =	vst v0  }
0x18b: {  	[tilespmem:$0x12A8] =	vst v0  }
0x18c: {  	[tilespmem:$0x1298] =	vst v0  }
0x18d: {  	[tilespmem:$0x1288] =	vst v0  }
0x18e: {  	[tilespmem:$0x1278] =	vst v0  }
0x18f: {  	[tilespmem:$0x1268] =	vst v0  }
0x190: {  	[tilespmem:$0x1258] =	vst v0  }
0x191: {  	[tilespmem:$0x1248] =	vst v0  }
0x192: {  	[tilespmem:$0x1238] =	vst v0  }
0x193: {  	[tilespmem:$0x1228] =	vst v0  }
0x194: {  	[tilespmem:$0x1218] =	vst v0  }
0x195: {  	[tilespmem:$0x1208] =	vst v0  }
0x196: {  	[tilespmem:$0x11F8] =	vst v0  }
0x197: {  	[tilespmem:$0x11E8] =	vst v0  }
0x198: {  	[tilespmem:$0x11D8] =	vst v0  }
0x199: {  	[tilespmem:$0x11C8] =	vst v0  }
0x19a: {  	[tilespmem:$0x11B8] =	vst v0  }
0x19b: {  	[tilespmem:$0x11A8] =	vst v0  }
0x19c: {  	[tilespmem:$0x1198] =	vst v0  }
0x19d: {  	[tilespmem:$0x1188] =	vst v0  }
0x19e: {  	[tilespmem:$0x1178] =	vst v0  }
0x19f: {  	[tilespmem:$0x1168] =	vst v0  }
0x1a0: {  	[tilespmem:$0x1158] =	vst v0  }
0x1a1: {  	[tilespmem:$0x1148] =	vst v0  }
0x1a2: {  	[tilespmem:$0x1138] =	vst v0  }
0x1a3: {  	[tilespmem:$0x1128] =	vst v0  }
0x1a4: {  	[tilespmem:$0x1118] =	vst v0  }
0x1a5: {  	[tilespmem:$0x1108] =	vst v0  }
0x1a6: {  	[tilespmem:$0x10F8] =	vst v0  }
0x1a7: {  	s2 =	stileid.u32;
	[tilespmem:$0x10E8] =	vst v0  }
0x1a8: {  	s3 =	smul.u32 $0xCF90, s2;
	[tilespmem:$0x10D8] =	vst v0  }
0x1a9: {  	[tilespmem:$0x10C8] =	vst v0  }
0x1aa: {  	[tilespmem:$0x10B8] =	vst v0;
	s0 =	smin.u32 s3, $0xC28C0  }
0x1ab: {  	[tilespmem:$0x10A8] =	vst v0;
	s4 =	sadd.s32 $0xCF90, s0  }
0x1ac: {  	s5 =	simm.s32 $0x2;
	[tilespmem:$0x1028] =	vst v0;
	s0 =	ssub.s32 s4, s3  }
0x1ad: {  	s29 =	simm.s32 $0x7;
	s13 =	simm.s32 $0x8;
	[tilespmem:$0x1088] =	vst v0;
	p0 =	sgt.s32 s0, $0x0  }
0x1ae: {  	s30 =	simm.s32 $0x9;
	p4 =	por $0x0, $0x0;
	[tilespmem:$0x1078] =	vst v0;
	s0 =	simm.s32 @!p0 $0x0  }
0x1af: {  	s14 =	simm.s32 $0xA;
	s18 =	simm.s32 $0x0;
	[tilespmem:$0x1068] =	vst v0;
	s12 =	smulhi.u32 $0x97B426, s0  }
0x1b0: {  	s15 =	simm.s32 $0x0;
	s17 =	simm.s32 $0x0;
	s1 =	sadd.s32 $0x18A800, s8;
	[tilespmem:$0x1058] =	vst v0  }
0x1b1: {  	s6 =	sadd.s32 $0x93200, s8;
	s7 =	sadd.s32 $0x311400, s8;
	[tilespmem:$0x1048] =	vst v0;
	s10 =	smul.u32 $0x1B0, s12  }
.Ltmp0:
0x1b2: {  	s8 =	sadd.s32 $0xAD200, s8;
	s31 =	sshll.u32 s2, $0x5;
	[tilespmem:$0x1038] =	vst v0;
	(pc) =	sbr.rel .LBB2_1-.Ltmp0, $4  }
0x1b3: {  	[tilespmem:$0x1008] =	vst v0;
	[sflag:s5] =	ssyncpa.u1 $0x0;
	v0 =	vimm.s32 $0xFFFFFFFF;
	[dreg:$0x2] =	wrdreg s31;
	p0 =	sne.s32 s0, s10  }
0x1b4: {  	[tilespmem:$0x3648] =	vst v0;
	[sflag:s29] =	ssyncpa.u1 $0x0;
	s16 =	smov.u32 s3;
	s11 =	simm.s32 @!p0 $0x0  }
0x1b5: {  	[sflag:s13] =	ssyncpa.u1 $0x0;
	s13 =	simm.s32 $0x0;
	s11 =	sadd.s32 s11, s12  }
0x1b6: {  	v0 =	vlaneseq.u32;
	[sflag:s30] =	ssyncpa.u1 $0x0;
	p0 =	por $0x1, $0x1;
	s12 =	sadd.s32 $0x1, s11  }
.LBB2_18:
0x1b7: {  	s0 =	simm.s32 $0x2  }
0x1b8: {  	_ =	swait.ge [sflag:s0], $0x0  }
0x1b9: {  	[sflag:s0] =	ssyncset.done $0x0;
	s0 =	simm.s32 $0x0  }
.LBB2_19:
0x1ba: {  	_ =	swait.ge [sflag:s14], s0  }
0x1bb: {  	s31 =	ssub.s32 $0x0, s0;
	v1 =	vmov s20;
	vm0 =	veq.s32 v0, $0x0;
	[sflag:s14] =	ssyncset.done $0x0  }
0x1bc: {  	vm15 =	veq.s32 v0, $0x2;
	v1 =	vsel vm0, s24, v1;
	[sflag:s14] =	ssyncadd.s32 s31  }
0x1bd: {  	v1 =	vsel vm15, s18, v1;
	[sflag:s14] =	ssyncpa.u1 $0x1  }
0x1be: {  	[tilespmem:$0x3648] =	vst v1  }
.LBB2_20:
0x1bf: {  	s0 =	sadd.s32 $0x1B0, s16  }
0x1c0: {  	s2 =	smov.u32 s3;
	p1 =	slt.s32 s0, s4  }
0x1c1: {  	s2 =	smov.u32 @p1 s0;
	p1 =	sne.s32 s17, s12  }
.Ltmp1:
0x1c2: {  	_ = 	snop;
	(pc) =	sbr.rel @!p1 .LBB2_21-.Ltmp1, $4  }
0x1c3: {  	_ = 	snop  }
0x1c4: {  	s18 =	smov.u32 s15  }
0x1c5: {  	s31 =	sadd.s32 $0x1, s17;
	s15 =	smov.u32 s16;
	p0 =	por !p0, !p0  }
0x1c6: {  	p4 =	por !p4, !p4;
	s17 =	smov.u32 s31;
	s16 =	smov.u32 s2  }
.LBB2_1:
0x1c7: {  	p2 =	sge.u32 s17, s11  }
0x1c8: {  	s0 =	smulhi.u32 @!p2 $0xAAAAAAAB, s17  }
0x1c9: {  	s19 =	smov.u32 s16;
	p3 =	sgt.s32 @!p2 s16, $0xCF6A0  }
0x1ca: {  	s20 =	sshra.s32 @!p2 s16, $0x1F;
	p3 =	por !p3, p2;
	s0 =	sshrl.u32 @!p2 s0, $0x1  }
0x1cb: {  	s20 =	sand.u32 @!p2 s20, s16;
	s19 =	simm.s32 @p3 $0xCF6A0;
	s0 =	smul.u32 @!p2 $0x3, s0  }
0x1cc: {  	s19 =	ssub.s32 @!p2 s19, s20  }
0x1cd: {  	s19 =	sadd.s32 @!p2 $0xFFF30960, s19;
	s0 =	ssub.s32 @!p2 s17, s0  }
0x1ce: {  	s20 =	sshll.u32 @!p2 s19, $0x2;
	p3 =	sgt.s32 @!p2 s19, $0x1AF;
	s0 =	smul.u32 @!p2 $0x6C0, s0  }
0x1cf: {  	s21 =	sand.u32 @!p2 $0x7, s16;
	s19 =	ssub.s32 @!p2 $0x6C0, s20;
	p3 =	por !p3, p2  }
0x1d0: {  	s20 =	sshrl.u32 @!p2 s16, $0x3;
	s19 =	sshrl.u32 @!p2 s19, $0x2;
	s0 =	sshrl.u32 @!p2 s0, $0x2  }
0x1d1: {  	s20 =	sadd.s32 @!p2 s8, s20;
	s19 =	simm.s32 @!p3 $0x0;
	s0 =	sadd.s32 @!p2 $0x3878, s0  }
0x1d2: {  	[tilespmem:s0], [sflag:$0x8] =	stream.linear.gather @!p2 [hbm4b:s20+s21], s19, $0x38;
	[tilespmem:$0x1F0E8] =	vst v63  }
0x1d3: {  	s20 =	sadd.s32 $0xFFFFFFFF, s17  }
0x1d4: {  	p2 =	sge.u32 s20, s11  }
0x1d5: {  	p3 =	sgt.s32 @!p2 s15, $0xCF6A0  }
0x1d6: {  	s0 =	smov.u32 s15;
	s19 =	sshra.s32 @!p2 s15, $0x1F;
	p3 =	por !p3, p2  }
0x1d7: {  	s19 =	sand.u32 @!p2 s19, s15;
	s0 =	simm.s32 @p3 $0xCF6A0  }
0x1d8: {  	s0 =	ssub.s32 @!p2 s0, s19  }
0x1d9: {  	s0 =	sadd.s32 @!p2 $0xFFF30960, s0  }
0x1da: {  	s19 =	sshll.u32 @!p2 s0, $0x2  }
0x1db: {  	p3 =	sgt.s32 @!p2 s0, $0x1AF;
	s0 =	ssub.s32 @!p2 $0x6C0, s19  }
0x1dc: {  	p3 =	por !p3, p2;
	s0 =	sshrl.u32 @!p2 s0, $0x2  }
0x1dd: {  	s21 =	simm.s32 @!p2 $0x8;
	s19 =	sand.u32 @!p2 $0x1, s20;
	s0 =	simm.s32 @!p3 $0x0  }
0x1de: {  	s19 =	smul.u32 @!p2 $0x6C0, s19;
	_ =	swait.ge @!p2 [sflag:s21], s0  }
0x1df: {  	s22 =	ssub.s32 @!p2 $0x0, s0;
	[sflag:s21] =	ssyncset.done @!p2 $0x0  }
0x1e0: {  	s19 =	sshrl.u32 @!p2 s19, $0x2;
	[sflag:s21] =	ssyncadd.s32 @!p2 s22;
	s21 =	sshrl.u32 @!p2 s15, $0x3  }
0x1e1: {  	s19 =	sadd.s32 @!p2 $0x3D88, s19;
	s22 =	sand.u32 @!p2 $0x7, s15;
	s21 =	sadd.s32 @!p2 s6, s21  }
0x1e2: {  	[tilespmem:s19], [sflag:$0x9] =	stream.linear.gather @!p2 [hbm4b:s21+s22], s0, $0x38;
	[tilespmem:$0x1F0E8] =	vst v63  }
0x1e3: {  	s19 =	ssub.s32 @!p2 $0xCF850, s15  }
0x1e4: {  	p3 =	slt.s32 @!p2 s19, $0x1  }
0x1e5: {  	p3 =	por p2, p3  }
.Ltmp2:
0x1e6: {  	_ = 	snop;
	(pc) =	sbr.rel @p3 .LBB2_7-.Ltmp2, $1  }
0x1e7: {  	_ =	sdelay $0x3  }
0x1e8: {  	s0 =	smulhi.u32 $0xAAAAAAAB, s20;
	_ =	sdelay $0x1  }
0x1e9: {  	s0 =	sshrl.u32 s0, $0x1  }
0x1ea: {  	s0 =	smul.u32 $0x3, s0;
	_ =	sdelay $0x1  }
0x1eb: {  	s0 =	ssub.s32 s20, s0  }
0x1ec: {  	s21 =	simm.s32 $0x1;
	s0 =	smul.u32 $0x6C0, s0  }
.Ltmp3:
0x1ed: {  	s21 =	simm.s32 @!p0 $0x0;
	(pc) =	sbr.rel .LBB2_4-.Ltmp3, $4  }
0x1ee: {  	s31 =	smul.u32 $0x36000, s21  }
0x1ef: {  	p3 =	slt.s32 @!p2 s19, $0x1B0;
	s0 =	sshrl.u32 s0, $0x2  }
0x1f0: {  	p2 =	por !p3, p2;
	s20 =	sshrl.u32 s31, $0x2;
	s0 =	sadd.s32 $0x3878, s0  }
0x1f1: {  	s19 =	simm.s32 @p2 $0x1B0;
	s21 =	simm.s32 $0x0;
	s20 =	sadd.s32 $0x40E8, s20;
	v1 =	vmov s0  }
.LBB2_3:
0x1f2: {  	p2 =	sge.s32 s21, s19  }
.Ltmp4:
0x1f3: {  	_ = 	snop;
	(pc) =	sbr.rel @p2 .LBB2_7-.Ltmp4, $2  }
0x1f4: {  	_ =	sdelay $0x2  }
0x1f5: {  	s20 =	sadd.s32 $0x800, s20  }
.LBB2_4:
0x1f6: {  	p2 =	sle.s32 s19, s21  }
.Ltmp5:
0x1f7: {  	_ = 	snop;
	(pc) =	sbr.rel @p2 .LBB2_3-.Ltmp5, $2  }
0x1f8: {  	_ =	sdelay $0x2  }
0x1f9: {  	s22 =	smov.u32 s21;
	s21 =	sadd.s32 $0x10, s21  }
0x1fa: {  	s0 =	ssub.s32 s19, s22  }
0x1fb: {  	p2 =	slt.s32 s0, $0x10  }
0x1fc: {  	s0 =	simm.s32 @!p2 $0x10  }
0x1fd: {  	v2 =	vmov s0  }
0x1fe: {  	vm0 =	vgt.s32 v2, v0;
	_ =	sdelay $0x5  }
0x1ff: {  	v2 =	vld.idx.msk [tilespmem:v1+s22+$0x0 ss:$0x1], vm0;
	_ =	sdelay $0x2  }
0x200: {  	s23 =	smov.u32 s19;
	p2 =	slt.s32 s21, s19  }
0x201: {  	s24 =	smov.u32 s20;
	s25 =	simm.s32 $0x0;
	s23 =	smov.u32 @p2 s21  }
.LBB2_6:
0x202: {  	(v2sf) =	vpush v2, s25;
	_ =	sdelay $0xc  }
0x203: {  	s25 =	sadd.s32 $0x1, s25  }
0x204: {  	s31 =	sadd.s32 s25, s22  }
0x205: {  	p2 =	slt.s32 s31, s23;
	s0 =	spop (v2sf)  }
.Ltmp6:
0x206: {  	s0 =	sshll.u32 s0, $0x4;
	(pc) =	sbr.rel @p2 .LBB2_6-.Ltmp6, $4  }
0x207: {  	s0 =	sand.u32 $0x1FFFFFF0, s0  }
0x208: {  	s0 =	sadd.s32 s7, s0  }
0x209: {  	[tilespmem:s24], [sflag:$0x7] =	stream.linear.gather [hbm4b:s0+s13], $0x4, $0x38;
	[tilespmem:$0x1F0E8] =	vst v63  }
0x20a: {  	s24 =	sadd.s32 $0x80, s24  }
.Ltmp7:
0x20b: {  	_ = 	snop;
	(pc) =	sbr.rel .LBB2_3-.Ltmp7, $1  }
0x20c: {  	_ =	sdelay $0x3  }
.LBB2_7:
0x20d: {  	p2 =	slt.u32 s17, $0x2  }
.Ltmp8:
0x20e: {  	_ = 	snop;
	(pc) =	sbr.rel @p2 .LBB2_20-.Ltmp8, $1  }
0x20f: {  	_ =	sdelay $0x3  }
0x210: {  	p2 =	sgt.s32 s18, $0xCF6A0;
	s0 =	smov.u32 s18  }
0x211: {  	s19 =	sshra.s32 s18, $0x1F;
	s20 =	ssub.s32 $0xCF850, s18;
	s0 =	simm.s32 @!p2 $0xCF6A0  }
0x212: {  	s19 =	sand.u32 s19, s18;
	p2 =	slt.s32 s20, $0x1B0;
	s21 =	smov.u32 s20  }
0x213: {  	s0 =	ssub.s32 s0, s19;
	s21 =	simm.s32 @!p2 $0x1B0  }
0x214: {  	s0 =	sadd.s32 $0xFFF30960, s0;
	s26 =	sshll.u32 s21, $0x2  }
0x215: {  	s2 =	simm.s32 $0x7;
	s28 =	sshll.u32 s0, $0x2;
	s19 =	sand.u32 $0x3FFFFFFC, s26  }
0x216: {  	p2 =	sgt.s32 s0, $0x1AF;
	s29 =	ssub.s32 $0x6C0, s28;
	_ =	swait.ge [sflag:s2], s19  }
0x217: {  	s19 =	ssub.s32 $0x0, s19;
	[sflag:s2] =	ssyncset.done $0x0;
	s0 =	sshrl.u32 s29, $0x2  }
0x218: {  	s30 =	simm.s32 $0x9;
	[sflag:s2] =	ssyncadd.s32 s19;
	s0 =	simm.s32 @p2 $0x0  }
0x219: {  	_ =	swait.ge [sflag:s30], s0  }
0x21a: {  	s0 =	ssub.s32 $0x0, s0;
	[sflag:s30] =	ssyncset.done $0x0  }
0x21b: {  	[sflag:s30] =	ssyncadd.s32 s0  }
0x21c: {  	v1 =	vld [tilespmem:$0x3648];
	_ =	sdelay $0x4  }
0x21d: {  	(v2sf) =	vpush v1, $0x0  }
0x21e: {  	(v2sf) =	vpush v1, $0x1  }
0x21f: {  	(v2sf) =	vpush v1, $0x2;
	_ =	sdelay $0x3  }
0x220: {  	s0 =	sadd.s32 $0x1B0, s18  }
0x221: {  	p2 =	slt.s32 s4, s0  }
0x222: {  	s0 =	smov.u32 @p2 s4;
	p2 =	sgt.s32 s20, $0x0  }
0x223: {  	s22 =	ssub.s32 s0, s18;
	s20 =	simm.s32 @!p2 $0x0  }
0x224: {  	p2 =	slt.s32 s20, s22  }
0x225: {  	s22 =	smov.u32 @p2 s20  }
0x226: {  	s21 =	simm.s32 $0x1;
	p2 =	slt.s32 s22, $0x1  }
.Ltmp9:
0x227: {  	s21 =	simm.s32 @!p4 $0x0;
	(pc) =	sbr.rel @p2 .LBB2_12-.Ltmp9, $4  }
0x228: {  	s31 =	smul.u32 $0x6C0, s21  }
0x229: {  	s23 =	spop (v2sf)  }
0x22a: {  	s0 =	sshrl.u32 s31, $0x2;
	s25 =	spop (v2sf)  }
0x22b: {  	s19 =	sadd.s32 $0x3D88, s0;
	s18 =	spop (v2sf)  }
0x22c: {  	s0 =	smin.u32 s22, $0x10  }
0x22d: {  	v1 =	vmov s0  }
0x22e: {  	p3 =	sgt.s32 s22, $0x10;
	vm1 =	vgt.u32 v1, v0  }
.Ltmp10:
0x22f: {  	_ = 	snop;
	(pc) =	sbr.rel @!p3 .LBB2_11-.Ltmp10, $2  }
0x230: {  	_ =	sdelay $0x2  }
0x231: {  	s24 =	simm.s32 $0x10;
	s26 =	sadd.s32 $0xFFFFFFF0, s22;
	s20 =	smov.u32 s19;
	vm0 =	vmmov vm1  }
.LBB2_10:
0x232: {  	s0 =	smin.u32 s26, $0x10;
	s24 =	sadd.s32 $0x10, s24;
	v1 =	vld.msk [tilespmem:s20+$0x0 ss:$0x1], vm1  }
0x233: {  	v2 =	vmov s0;
	p3 =	slt.s32 s24, s22  }
0x234: {  	vm1 =	vgt.u32 v2, v0  }
.Ltmp11:
0x235: {  	(pc) =	sbr.rel @p3 .LBB2_10-.Ltmp11, $3  }
0x236: {  	_ =	sdelay $0x1  }
0x237: {  	v1 =	vshll.u32 v1, $0x4  }
0x238: {  	s26 =	sadd.s32 $0xFFFFFFF0, s26;
	[tilespmem:s20+$0x0] =	vst.msk vm0, v1;
	s20 =	sadd.s32 $0x10, s20;
	vm0 =	vmmov vm1  }
.LBB2_11:
0x239: {  	_ =	sdelay $0x4  }
0x23a: {  	v1 =	vld.msk [tilespmem:s20+$0x0 ss:$0x1], vm1;
	_ =	sdelay $0x4  }
0x23b: {  	v1 =	vshll.u32 v1, $0x4  }
0x23c: {  	[tilespmem:s20+$0x0] =	vst.msk vm0, v1  }
.LBB2_12:
0x23d: {  	s0 =	sand.u32 $0x1, s17  }
0x23e: {  	s20 =	smul.u32 $0x1B0, s0  }
0x23f: {  	p3 =	sne.s32 s25, $0xFFFFFFFF  }
0x240: {  	v1 =	vld.msk @!p3 [tilespmem:s20+$0x3D88], $0x1;
	_ =	sdelay $0x4  }
0x241: {  	(v2sf) =	vpush @!p3 v1, $0x0;
	_ =	sdelay $0x9  }
0x242: {  	s0 =	smul.u32 $0xD800, s0;
	_ =	sdelay $0x1  }
0x243: {  	v1 =	vld.msk @!p3 [tilespmem:s0+$0x40E8], $0xf  }
.Ltmp12:
0x244: {  	_ = 	snop;
	(pc) =	sbr.rel @p2 .LBB2_18-.Ltmp12, $4  }
0x245: {  	_ = 	snop  }
0x246: {  	s24 =	spop @!p3 (v2sf)  }
0x247: {  	s18 =	simm.s32 @!p3 $0x0;
	s0 =	simm.s32 @!p3 $0x28;
	s20 =	smov.u32 s24  }
0x248: {  	[tilespmem:s0+$0x0] =	vst.msk @!p3 $0xf, v1;
	[sflag:s14] =	ssyncpa.u1 $0x0;
	s24 =	smov.u32 @p3 s23;
	s20 =	smov.u32 @p3 s25  }
0x249: {  	v1 =	vld.msk [tilespmem:s19+$0x0], $0x1;
	_ =	sdelay $0x4  }
0x24a: {  	(v2sf) =	vpush v1, $0x0;
	_ =	sdelay $0xd  }
0x24b: {  	s0 =	simm.s32 @!p4 $0x0  }
0x24c: {  	s26 =	smul.u32 $0x36000, s21;
	s25 =	ssub.s32 $0x0, s22;
	s28 =	spop (v2sf)  }
0x24d: {  	s0 =	simm.s32 @p4 $0x1;
	s23 =	sadd.s32 $0x1, s25;
	p2 =	seq.s32 s24, s28  }
0x24e: {  	[smem:$0x7FD] =	sst s0;
	s0 =	sshrl.u32 s26, $0x2;
	p3 =	sgt.s32 @!p2 s24, $0x0  }
0x24f: {  	s21 =	sadd.s32 $0x40E8, s0;
	s0 =	smov.u32 s24;
	p3 =	por !p3, p2  }
0x250: {  	s0 =	simm.s32 @p3 $0x0;
	p3 =	seq.s32 s23, $0x0  }
.Ltmp13:
0x251: {  	_ = 	snop;
	(pc) =	sbr.rel @p3 .LBB2_15-.Ltmp13, $4  }
0x252: {  	_ = 	snop  }
0x253: {  	s22 =	simm.s32 $0x0;
	s29 =	simm.s32 @!p2 $0x1;
	s0 =	smin.u32 @!p2 s0, $0xC34FF  }
0x254: {  	s30 =	simm.s32 @!p2 $0x1B38;
	s29 =	smov.u32 @p2 s22;
	s26 =	sand.u32 @!p2 $0xFFFF8, s0  }
0x255: {  	s31 =	sand.u32 @!p2 $0x7, s0;
	s0 =	sadd.s32 @!p2 s1, s26;
	s26 =	sadd.s32 $0x1, s19  }
.LBB2_14:
0x256: {  	s2 =	smov.u32 s29  }
0x257: {  	[tilespmem:s30], [sflag:$0x2] =	stream.linear.gather @!p2 [hbm4b:s0+s31], $0x4, $0x38;
	[tilespmem:$0x1F0E8] =	vst v63  }
0x258: {  	s23 =	sadd.s32 $0x1, s23;
	s0 =	smov.u32 s28;
	v1 =	vld.msk [tilespmem:s26+$0x0], $0x1  }
0x259: {  	p3 =	seq.s32 s23, $0x0;
	_ =	sdelay $0x3  }
0x25a: {  	(v2sf) =	vpush v1, $0x0;
	_ =	sdelay $0xe  }
0x25b: {  	s28 =	spop (v2sf)  }
0x25c: {  	p2 =	seq.s32 s0, s28  }
0x25d: {  	p4 =	sgt.s32 @!p2 s0, $0x0;
	s30 =	sshll.u32 @!p2 s29, $0x6;
	s29 =	sadd.s32 @!p2 $0x1, s29  }
.Ltmp14:
0x25e: {  	p4 =	por !p4, p2;
	s30 =	sshra.s32 @!p2 s30, $0x2;
	(pc) =	sbr.rel @!p3 .LBB2_14-.Ltmp14, $4  }
0x25f: {  	s29 =	smov.u32 @p2 s2;
	s0 =	simm.s32 @p4 $0x0;
	s30 =	sadd.s32 @!p2 $0x1B38, s30  }
0x260: {  	s0 =	smin.u32 @!p2 s0, $0xC34FF  }
0x261: {  	s2 =	sand.u32 @!p2 $0xFFFF8, s0;
	s31 =	sand.u32 @!p2 $0x7, s0  }
0x262: {  	s26 =	sadd.s32 $0x1, s26;
	s0 =	sadd.s32 @!p2 s1, s2  }
.LBB2_15:
0x263: {  	[tilespmem:s30], [sflag:$0x2] =	stream.linear.gather @!p2 [hbm4b:s0+s31], $0x4, $0x38;
	[tilespmem:$0x1F0E8] =	vst v63  }
0x264: {  	s31 =	sshll.u32 s29, $0x2  }
0x265: {  	s2 =	simm.s32 $0x2;
	s0 =	sand.u32 $0x3FFFFFFC, s31  }
0x266: {  	_ =	swait.ge [sflag:s2], s0  }
0x267: {  	s0 =	ssub.s32 $0x0, s0;
	[sflag:s2] =	ssyncset.done $0x0  }
0x268: {  	[sflag:s2] =	ssyncadd.s32 s0  }
0x269: {  	v1 =	vld.msk [tilespmem:s19+$0x0], $0x1;
	_ =	sdelay $0x4  }
0x26a: {  	(v2sf) =	vpush v1, $0x0;
	_ =	sdelay $0xe  }
0x26b: {  	s23 =	spop (v2sf)  }
0x26c: {  	p2 =	sne.s32 s24, s23  }
0x26d: {  	p4 =	sne.s32 @p2 s24, s20  }
0x26e: {  	p3 =	por !p4, !p2  }
0x26f: {  	s0 =	sshll.u32 @!p3 s18, $0x6;
	s2 =	simm.s32 @!p3 $0x0  }
0x270: {  	s0 =	sshra.s32 @!p3 s0, $0x2;
	v1 =	vld.msk @!p3 [tilespmem:s2+$0x1B38], $0xf  }
0x271: {  	v2 =	vld.msk @!p3 [tilespmem:s0+$0x28], $0xf;
	_ =	sdelay $0x1  }
0x272: {  	p5 =	sgt.u32 @!p3 s24, $0xC34FF  }
0x273: {  	p6 =	por @p2 p5, !p4  }
0x274: {  	p1 =	por p6, !p2;
	p6 =	por p4, !p2  }
0x275: {  	s26 =	sadd.s32 @!p3 $0x28, s0;
	s2 =	sand.u32 @!p1 $0xFFFF8, s24;
	s28 =	sshll.u32 @!p6 s18, $0x6;
	v1 =	vmax.f32 @!p3 v1, v2  }
0x276: {  	s24 =	sand.u32 @!p1 $0x7, s24;
	s2 =	sadd.s32 @!p1 s1, s2;
	[tilespmem:s0+$0x28] =	vst.msk @!p3 $0xf, v1;
	s0 =	sshra.s32 @!p6 s28, $0x2  }
0x277: {  	[hbm4b:s2+s24] =	stream.linear.scatter @!p1 [tilespmem:s26], [sflag:$0xA], $0x4, $0x38;
	[tilespmem:$0x1F0E8] =	vst v63  }
0x278: {  	s29 =	rddreg [dreg:$0x2];
	s0 =	sadd.s32 @!p6 $0x28, s0;
	s2 =	simm.s32 @!p6 $0x1  }
0x279: {  	[spmem:s29] =	stream.linear.scatter @!p6 [tilespmem:s0], [sflag:$0x1], $0x4, $0x38;
	[tilespmem:$0x1F0E8] =	vst v63  }
0x27a: {  	s0 =	sadd.s32 @p2 $0x1, s18;
	_ =	swait.ge @!p6 [sflag:s2], $0x4  }
0x27b: {  	s24 =	sshrl.u32 @p2 s0, $0x4;
	[sflag:s2] =	ssyncset.done @!p6 $0x0  }
0x27c: {  	s26 =	smulhi.u32 @p2 $0x97B425F, s24;
	[sflag:s2] =	ssyncadd.s32 @!p6 $0xFFFFFFFC  }
0x27d: {  	v1 =	vld.msk @p2 [tilespmem:s21+$0x0], $0xf  }
0x27e: {  	p1 =	por @p2 !p5, !p4;
	s24 =	sadd.s32 $0x1, s25;
	s2 =	smul.u32 @p2 $0x1B0, s26  }
0x27f: {  	p1 =	por !p1, !p2;
	p6 =	seq.s32 s24, $0x0  }
.Ltmp15:
0x280: {  	s26 =	simm.s32 @!p3 $0x0;
	s0 =	ssub.s32 @p2 s0, s2;
	(pc) =	sbr.rel @p6 .LBB2_17-.Ltmp15, $4  }
0x281: {  	s26 =	simm.s32 @!p1 $0x10;
	s28 =	sshll.u32 @p2 s0, $0x4  }
0x282: {  	s29 =	simm.s32 @p2 $0x1;
	s2 =	sshll.u32 @!p2 s18, $0x6;
	s26 =	sadd.s32 @!p3 $0x0, s26;
	[tilespmem:s28+$0x28] =	vst.msk @p2 $0xf, v1  }
0x283: {  	s25 =	simm.s32 $0x0;
	s26 =	smov.u32 @p3 s22;
	s28 =	sshra.s32 @!p2 s2, $0x2;
	v1 =	vld.msk @!p2 [tilespmem:s21+$0x0], $0xf  }
0x284: {  	s25 =	smov.u32 @p2 s29;
	s18 =	smov.u32 @p2 s0;
	s22 =	smov.u32 @p2 s26;
	v2 =	vld.msk @!p2 [tilespmem:s28+$0x28], $0xf  }
.LBB2_16:
0x285: {  	_ =	sdelay $0x3  }
0x286: {  	v1 =	vmax.f32 @!p2 v1, v2  }
0x287: {  	s19 =	sadd.s32 $0x1, s19;
	[tilespmem:s28+$0x28] =	vst.msk @!p2 $0xf, v1  }
0x288: {  	v1 =	vld.msk [tilespmem:s19+$0x0], $0x1;
	_ =	sdelay $0x4  }
0x289: {  	(v2sf) =	vpush v1, $0x0;
	_ =	sdelay $0xe  }
0x28a: {  	s26 =	smov.u32 s23;
	s23 =	spop (v2sf)  }
0x28b: {  	p2 =	sne.s32 s26, s23  }
0x28c: {  	p5 =	sne.s32 @p2 s26, s20  }
0x28d: {  	s0 =	sadd.s32 @p2 $0x1, s18;
	p4 =	por !p5, !p2  }
0x28e: {  	s28 =	sshll.u32 @!p2 s18, $0x6;
	s29 =	sadd.s32 @p2 $0x1, s25;
	s30 =	sshll.u32 @!p4 s25, $0x6  }
0x28f: {  	s2 =	sshrl.u32 @p2 s0, $0x4;
	s31 =	sshll.u32 @!p4 s18, $0x6;
	s30 =	sshra.s32 @!p4 s30, $0x2  }
0x290: {  	p1 =	sgt.u32 @!p4 s26, $0xC34FF;
	s2 =	smulhi.u32 @p2 $0x97B425F, s2;
	s31 =	sshra.s32 @!p4 s31, $0x2;
	v1 =	vld.msk @!p4 [tilespmem:s30+$0x1B38], $0xf  }
0x291: {  	s5 =	simm.s32 @!p4 $0x0;
	s25 =	smov.u32 @p2 s29;
	s29 =	rddreg [dreg:$0x2];
	v2 =	vld.msk @!p4 [tilespmem:s31+$0x28], $0xf  }
0x292: {  	p6 =	por @p2 p1, !p5;
	p1 =	por @p2 !p1, !p5;
	p5 =	por p5, !p2  }
0x293: {  	s30 =	sadd.s32 @!p4 $0x28, s31;
	p6 =	por p6, !p2;
	p1 =	por !p1, !p2  }
0x294: {  	s2 =	smul.u32 @p2 $0x1B0, s2;
	s10 =	sshll.u32 @!p5 s18, $0x6;
	s5 =	simm.s32 @!p1 $0x10  }
0x295: {  	s9 =	sand.u32 @!p6 $0xFFFF8, s26;
	s26 =	sand.u32 @!p6 $0x7, s26;
	s5 =	sadd.s32 @!p4 s5, s22  }
0x296: {  	s9 =	sadd.s32 @!p6 s1, s9;
	s0 =	ssub.s32 @p2 s0, s2;
	s5 =	smov.u32 @p4 s22;
	v1 =	vmax.f32 @!p4 v1, v2  }
0x297: {  	s2 =	sshll.u32 @p2 s0, $0x4;
	s22 =	smov.u32 @p2 s5;
	s5 =	sshra.s32 @!p5 s10, $0x2;
	[tilespmem:s31+$0x28] =	vst.msk @!p4 $0xf, v1  }
0x298: {  	[hbm4b:s9+s26] =	stream.linear.scatter @!p6 [tilespmem:s30], [sflag:$0xA], $0x4, $0x38;
	[tilespmem:$0x1F0E8] =	vst v63  }
0x299: {  	s18 =	smov.u32 @p2 s0;
	s0 =	sadd.s32 @!p5 $0x28, s5;
	s5 =	simm.s32 @!p5 $0x1  }
0x29a: {  	[spmem:s29] =	stream.linear.scatter @!p5 [tilespmem:s0], [sflag:$0x1], $0x4, $0x38;
	[tilespmem:$0x1F0E8] =	vst v63  }
0x29b: {  	_ =	swait.ge @!p5 [sflag:s5], $0x4  }
0x29c: {  	[sflag:s5] =	ssyncset.done @!p5 $0x0  }
0x29d: {  	s21 =	sadd.s32 $0x80, s21;
	[sflag:s5] =	ssyncadd.s32 @!p5 $0xFFFFFFFC  }
0x29e: {  	v1 =	vld.msk @p2 [tilespmem:s21+$0x0], $0xf  }
0x29f: {  	s24 =	sadd.s32 $0x1, s24  }
0x2a0: {  	p3 =	seq.s32 s24, $0x0  }
.Ltmp16:
0x2a1: {  	_ = 	snop;
	(pc) =	sbr.rel @!p3 .LBB2_16-.Ltmp16, $4  }
0x2a2: {  	_ = 	snop  }
0x2a3: {  	[tilespmem:s2+$0x28] =	vst.msk @p2 $0xf, v1  }
0x2a4: {  	s28 =	sshra.s32 @!p2 s28, $0x2;
	v1 =	vld.msk @!p2 [tilespmem:s21+$0x0], $0xf  }
0x2a5: {  	v2 =	vld.msk @!p2 [tilespmem:s28+$0x28], $0xf  }
.LBB2_17:
0x2a6: {  	_ = 	snop  }
.Ltmp17:
0x2a7: {  	_ = 	snop;
	(pc) =	sbr.rel .LBB2_19-.Ltmp17, $3  }
0x2a8: {  	s2 =	sld [smem:$0x7FD];
	_ =	sdelay $0x1  }
0x2a9: {  	v1 =	vmax.f32 @!p2 v1, v2  }
0x2aa: {  	s0 =	sshrl.u32 s22, $0x2;
	s24 =	smov.u32 s23;
	p4 =	seq.s32 s2, $0x1;
	[tilespmem:s28+$0x28] =	vst.msk @!p2 $0xf, v1  }
.LBB2_21:
0x2ab: {  	_ =	sfence.sel $0x180000  }
0x2ac: {  	s0 =	simm.s32 $0x7;
	[bflag:$0x0] =	sbarrier.arrive $0xFFFF  }
0x2ad: {  	s25 =	simm.s32 $0x8;
	[sflag:s0] =	ssyncpa.u1 $0x1  }
0x2ae: {  	s26 =	simm.s32 $0x9;
	[sflag:s25] =	ssyncpa.u1 $0x1  }
0x2af: {  	s28 =	simm.s32 $0x2;
	[sflag:s26] =	ssyncpa.u1 $0x1  }
0x2b0: {  	[sflag:s28] =	ssyncpa.u1 $0x1  }
0x2b1: {  	v0 =	vld [tilespmem:$0x3648];
	_ =	sdelay $0x4  }
0x2b2: {  	(v2sf) =	vpush v0, $0x0  }
0x2b3: {  	(v2sf) =	vpush v0, $0x1;
	_ =	sdelay $0x1  }
0x2b4: {  	(v2sf) =	vpush v0, $0x2;
	_ =	sdelay $0xb  }
0x2b5: {  	s0 =	spop (v2sf)  }
0x2b6: {  	s2 =	spop (v2sf)  }
0x2b7: {  	s3 =	smov.u32 s0;
	p0 =	sne.s32 s0, s2  }
0x2b8: {  	s4 =	spop (v2sf);
	s3 =	simm.s32 @!p0 $0xFFFFFFFF  }
0x2b9: {  	v2 =	vimm.s32 $0x1;
	v3 =	vlaneseq.u32;
	p0 =	seq.s32 s4, $0xFFFFFFFF;
	v1 =	vmov s3  }
0x2ba: {  	s7 =	stileid.u32;
	v0 =	vperm.xlane v0, v2;
	p1 =	sne.s32 @!p0 s0, s2;
	v1 =	vperm.xlane v1, v3  }
0x2bb: {  	vm0 =	vcmask $0x3F04;
	s6 =	simm.s32 $0x3648;
	s0 =	simm.s32 @!p0 $0x1;
	p1 =	por !p1, p0  }
0x2bc: {  	s3 =	sshll.u32 s7, $0x1;
	s2 =	sshll.u32 @!p0 s4, $0x6;
	s0 =	simm.s32 @p1 $0x0;
	v0 =	vsel vm0, v1, v0  }
0x2bd: {  	s5 =	sor.u32 $0x200, s3;
	s2 =	sshra.s32 @!p0 s2, $0x2;
	s0 =	sor.u32 @!p0 s0, s3;
	[tilespmem:$0x3648] =	vst v0  }
0x2be: {  	[spmem:s5] =	stream.linear.scatter [tilespmem:s6], [sflag:$0x1], $0x2, $0x38;
	[tilespmem:$0x1F0E8] =	vst v63  }
0x2bf: {  	s2 =	sadd.s32 @!p0 $0x28, s2;
	s0 =	sshll.u32 @!p0 s0, $0x4  }
0x2c0: {  	[spmem:s0] =	stream.linear.scatter @!p0 [tilespmem:s2], [sflag:$0x1], $0x10, $0x38;
	[tilespmem:$0x1F0E8] =	vst v63  }
0x2c1: {  	s0 =	simm.s32 @!p0 $0x12  }
0x2c2: {  	s3 =	simm.s32 $0x1;
	s0 =	simm.s32 @p0 $0x2  }
0x2c3: {  	_ =	swait.ge [sflag:s3], s0  }
0x2c4: {  	s0 =	ssub.s32 $0x0, s0;
	[sflag:s3] =	ssyncset.done $0x0  }
0x2c5: {  	[sflag:s3] =	ssyncadd.s32 s0  }
0x2c6: {  	_ =	sfence.stream.spmem  }
0x2c7: {  	s29 =	simm.s32 $0x3;
	[bflag:$0x0] =	sbarrier.arrive $0xFFFF  }
0x2c8: {  	s30 =	simm.s32 $0x4;
	[sflag:s29] =	ssyncpa.u1 $0x1  }
0x2c9: {  	s31 =	simm.s32 $0x3C;
	[sflag:s30] =	ssyncpa.u1 $0x1  }
0x2ca: {  	p0 =	sne.s32 s7, $0x0;
	[sflag:s31] =	ssyncpa.u1 $0x1  }
0x2cb: {  	_ =	sfence @p0  }
0x2cc: {  	[sflag:s3] =	ssyncpa.u1 @p0 $0x1  }
0x2cd: {  	_ =	strace @p0 $0x90000053  }
0x2ce: {  	[bflag:$0x2] =	sbarrier.arrive @p0 $0xFFFF  }
0x2cf: {  	_ =	shalt @p0  }
.LBB2_22:
0x2d0: {  	_ =	sfence.stream.spmem;
	s0 =	simm.s32 $0x5  }
0x2d1: {  	s2 =	simm.s32 $0x200;
	s3 =	simm.s32 $0x3658;
	[sflag:s0] =	ssyncpa.u1 $0x0  }
0x2d2: {  	[tilespmem:s3], [sflag:$0x5] =	stream.linear.gather [spmem:s2], $0x20, $0x38;
	[tilespmem:$0x1F0E8] =	vst v63  }
0x2d3: {  	s30 =	simm.s32 $0x3678;
	s2 =	simm.s32 $0x0  }
0x2d4: {  	[tilespmem:s30], [sflag:$0x5] =	stream.linear.gather [spmem:s2], $0x200, $0x38;
	[tilespmem:$0x1F0E8] =	vst v63  }
.Ltmp18:
0x2d5: {  	_ = 	snop;
	(pc) =	sbr.rel .LBB2_23-.Ltmp18, $4  }
0x2d6: {  	_ =	swait.ge [sflag:s0], $0x220  }
0x2d7: {  	[sflag:s0] =	ssyncset.done $0x0  }
0x2d8: {  	s31 =	simm.s32 $0x6;
	[sflag:s0] =	ssyncadd.s32 $0xFFFFFDE0  }
0x2d9: {  	s3 =	simm.s32 $0x0;
	[sflag:s31] =	ssyncpa.u1 $0x0  }
.LBB2_28:
0x2da: {  	p0 =	slt.u32 s4, $0xC3500  }
0x2db: {  	s0 =	sand.u32 @p0 $0xFFFF8, s4  }
0x2dc: {  	s4 =	sand.u32 @p0 $0x7, s4;
	s5 =	simm.s32 @p0 $0x3638;
	s0 =	sadd.s32 @p0 s1, s0  }
0x2dd: {  	[tilespmem:s5], [sflag:$0x6] =	stream.linear.gather @p0 [hbm4b:s0+s4], $0x4, $0x38;
	[tilespmem:$0x1F0E8] =	vst v63  }
0x2de: {  	s0 =	simm.s32 @p0 $0x6  }
0x2df: {  	_ =	swait.ge @p0 [sflag:s0], $0x4  }
0x2e0: {  	[sflag:s0] =	ssyncset.done @p0 $0x0  }
0x2e1: {  	[sflag:s0] =	ssyncadd.s32 @p0 $0xFFFFFFFC;
	s0 =	sshll.u32 @p0 s3, $0x6  }
0x2e2: {  	v1 =	vld @p0 [tilespmem:$0x3638];
	s4 =	sshrl.u32 @p0 s0, $0x2  }
0x2e3: {  	v2 =	vld @p0 [tilespmem:s4+$0x3678];
	_ =	sdelay $0x4  }
0x2e4: {  	s5 =	sshll.u32 @!p0 s3, $0x6;
	v1 =	vmax.f32 @p0 v1, v2  }
0x2e5: {  	s5 =	smov.u32 @p0 s0;
	[tilespmem:s4+$0x3678] =	vst @p0 v1  }
0x2e6: {  	s0 =	sshrl.u32 s5, $0x2;
	[tilespmem:s2+$0x3658] =	vst.msk $0x1, v0  }
0x2e7: {  	v0 =	vld [tilespmem:s0+$0x3678];
	_ =	sdelay $0x2  }
0x2e8: {  	s31 =	sshll.u32 s2, $0x6  }
0x2e9: {  	s0 =	sshra.s32 s31, $0x2  }
0x2ea: {  	s2 =	sadd.s32 $0x1, s2;
	[tilespmem:s0+$0x3678] =	vst v0  }
.LBB2_30:
0x2eb: {  	s3 =	sadd.s32 $0x1, s3  }
0x2ec: {  	p0 =	sne.s32 s3, $0x20  }
.Ltmp19:
0x2ed: {  	_ = 	snop;
	(pc) =	sbr.rel @!p0 .LBB2_31-.Ltmp19, $1  }
0x2ee: {  	_ =	sdelay $0x3  }
.LBB2_23:
0x2ef: {  	v0 =	vld.msk [tilespmem:s3+$0x3658], $0x1;
	_ =	sdelay $0x4  }
0x2f0: {  	(v2sf) =	vpush v0, $0x0;
	_ =	sdelay $0xe  }
0x2f1: {  	s4 =	spop (v2sf)  }
0x2f2: {  	p0 =	seq.s32 s4, $0xFFFFFFFF  }
.Ltmp20:
0x2f3: {  	_ = 	snop;
	(pc) =	sbr.rel @p0 .LBB2_30-.Ltmp20, $1  }
0x2f4: {  	_ =	sdelay $0x3  }
0x2f5: {  	p0 =	slt.s32 s2, $0x1  }
.Ltmp21:
0x2f6: {  	_ = 	snop;
	(pc) =	sbr.rel @p0 .LBB2_28-.Ltmp21, $1  }
0x2f7: {  	_ =	sdelay $0x3  }
0x2f8: {  	s5 =	simm.s32 $0x3658;
	p0 =	por $0x0, $0x0  }
0x2f9: {  	v1 =	vld.msk @!p0 [tilespmem:s5+$0x0], $0x1;
	_ =	sdelay $0x4  }
0x2fa: {  	(v2sf) =	vpush @!p0 v1, $0x0;
	_ =	sdelay $0xd  }
0x2fb: {  	p2 =	sne.s32 s2, $0x1  }
.Ltmp22:
0x2fc: {  	s0 =	spop @!p0 (v2sf);
	(pc) =	sbr.rel @!p2 .LBB2_27-.Ltmp22, $4  }
0x2fd: {  	p1 =	seq.s32 @!p0 s4, s0  }
0x2fe: {  	s6 =	simm.s32 $0x0;
	p1 =	por !p1, p0  }
0x2ff: {  	s0 =	simm.s32 $0xFFFFFFFF;
	s6 =	simm.s32 @p1 $0xFFFFFFFF  }
0x300: {  	s7 =	simm.s32 $0x1;
	s6 =	smov.u32 @p0 s0  }
.LBB2_26:
0x301: {  	s0 =	smov.u32 s6;
	p0 =	sne.s32 s6, $0xFFFFFFFF  }
0x302: {  	s5 =	sadd.s32 $0x1, s5;
	s6 =	smov.u32 s7;
	s7 =	sadd.s32 $0x1, s7  }
0x303: {  	p1 =	sne.s32 s2, s7;
	v1 =	vld.msk @!p0 [tilespmem:s5+$0x0], $0x1;
	_ =	sdelay $0x4  }
0x304: {  	(v2sf) =	vpush @!p0 v1, $0x0;
	_ =	sdelay $0xe  }
.Ltmp23:
0x305: {  	s8 =	spop @!p0 (v2sf);
	(pc) =	sbr.rel @p1 .LBB2_26-.Ltmp23, $4  }
0x306: {  	p2 =	seq.s32 @!p0 s4, s8  }
0x307: {  	p2 =	por !p2, p0  }
0x308: {  	s6 =	simm.s32 @p2 $0xFFFFFFFF  }
0x309: {  	s6 =	smov.u32 @p0 s0  }
.LBB2_27:
0x30a: {  	p0 =	sne.s32 s6, $0xFFFFFFFF  }
.Ltmp24:
0x30b: {  	_ = 	snop;
	(pc) =	sbr.rel @!p0 .LBB2_28-.Ltmp24, $1  }
0x30c: {  	_ =	sdelay $0x3  }
0x30d: {  	s0 =	sshll.u32 s3, $0x4  }
0x30e: {  	s4 =	sshll.u32 s6, $0x6;
	s0 =	sand.u32 $0x3FFFFFF0, s0  }
0x30f: {  	s31 =	sshra.s32 s4, $0x2;
	v0 =	vld [tilespmem:s0+$0x3678]  }
0x310: {  	v1 =	vld [tilespmem:s31+$0x3678];
	_ =	sdelay $0x1  }
.Ltmp25:
0x311: {  	_ = 	snop;
	(pc) =	sbr.rel .LBB2_30-.Ltmp25, $3  }
0x312: {  	_ =	sdelay $0x1  }
0x313: {  	v0 =	vmax.f32 v0, v1  }
0x314: {  	[tilespmem:s31+$0x3678] =	vst v0  }
.LBB2_31:
0x315: {  	p0 =	slt.s32 s2, $0x1  }
.Ltmp26:
0x316: {  	_ = 	snop;
	(pc) =	sbr.rel @p0 .LBB2_35-.Ltmp26, $3  }
0x317: {  	_ =	sdelay $0x1  }
0x318: {  	s0 =	simm.s32 $0x6  }
0x319: {  	s3 =	simm.s32 $0x0;
	[sflag:s0] =	ssyncpa.u1 $0x1  }
0x31a: {  	s0 =	simm.s32 $0x3658  }
0x31b: {  	v0 =	vld.msk [tilespmem:s0+$0x0], $0x1;
	_ =	sdelay $0x4  }
0x31c: {  	(v2sf) =	vpush v0, $0x0;
	_ =	sdelay $0xd  }
0x31d: {  	s2 =	sadd.s32 $0xFFFFFFFF, s2  }
0x31e: {  	p1 =	sne.s32 s2, $0x0;
	s0 =	spop (v2sf)  }
.Ltmp27:
0x31f: {  	p0 =	sgt.u32 s0, $0xC34FF;
	(pc) =	sbr.rel @!p1 .LBB2_34-.Ltmp27, $4  }
0x320: {  	s4 =	simm.s32 $0x3678;
	s5 =	sand.u32 @!p0 $0xFFFF8, s0  }
0x321: {  	s6 =	simm.s32 $0x0;
	s0 =	sand.u32 @!p0 $0x7, s0;
	s5 =	sadd.s32 @!p0 s1, s5  }
0x322: {  	[hbm4b:s5+s0] =	stream.linear.scatter @!p0 [tilespmem:s4], [sflag:$0x5], $0x4, $0x38;
	[tilespmem:$0x1F0E8] =	vst v63  }
0x323: {  	s6 =	simm.s32 @!p0 $0x10;
	s5 =	simm.s32 $0x3659  }
.LBB2_33:
0x324: {  	v0 =	vld.msk [tilespmem:s5+$0x0], $0x1;
	s2 =	sadd.s32 $0xFFFFFFFF, s2;
	s3 =	sadd.s32 s3, s6  }
0x325: {  	p0 =	sne.s32 s2, $0x0;
	_ =	sdelay $0x3  }
0x326: {  	(v2sf) =	vpush v0, $0x0;
	_ =	sdelay $0xe  }
.Ltmp28:
0x327: {  	s0 =	spop (v2sf);
	(pc) =	sbr.rel @p0 .LBB2_33-.Ltmp28, $4  }
0x328: {  	s6 =	simm.s32 $0x0;
	p1 =	sgt.u32 s0, $0xC34FF  }
0x329: {  	s4 =	sadd.s32 $0x10, s4;
	s6 =	simm.s32 @!p1 $0x10;
	s7 =	sand.u32 @!p1 $0xFFFF8, s0  }
0x32a: {  	s5 =	sadd.s32 $0x1, s5;
	s0 =	sand.u32 @!p1 $0x7, s0;
	s7 =	sadd.s32 @!p1 s1, s7  }
0x32b: {  	[hbm4b:s7+s0] =	stream.linear.scatter @!p1 [tilespmem:s4], [sflag:$0x5], $0x4, $0x38;
	[tilespmem:$0x1F0E8] =	vst v63  }
.LBB2_34:
0x32c: {  	s0 =	sadd.s32 s3, s6  }
0x32d: {  	s3 =	sshrl.u32 s0, $0x2  }
.LBB2_35:
0x32e: {  	s0 =	simm.s32 $0x5  }
0x32f: {  	_ =	swait.ge [sflag:s0], s3  }
0x330: {  	s1 =	ssub.s32 $0x0, s3;
	[sflag:s0] =	ssyncset.done $0x0  }
0x331: {  	[sflag:s0] =	ssyncadd.s32 s1  }
0x332: {  	[sflag:s0] =	ssyncpa.u1 $0x1  }
0x333: {  	s30 =	simm.s32 $0x1;
	_ =	sfence  }
0x334: {  	[sflag:s30] =	ssyncpa.u1 $0x1  }
0x335: {  	_ =	strace $0x90000053  }
0x336: {  	[bflag:$0x2] =	sbarrier.arrive $0xFFFF  }
0x337: {  	s31 =	rddreg [dreg:$0x1]  }
0x338: {  	s0 =	sadd.s32 $0x100000, s31  }
0x339: {  	[sflag:s0] =	ssyncadd.tile.s32 $0x1;
	_ =	shalt  }
.Lfunc_end2:
_tile_overlayer_lowered:
.L_overlay_start_2:
0x33a: {  	(tag) =	ssettag $0x2  }
0x33b: {  	s0 =	rddreg [dreg:$0x0];
	s2 =	stileid.u32  }
0x33c: {  	s1 =	rddreg [dreg:$0x1];
	p0 =	sne.s32 s2, $0x0  }
0x33d: {  	s3 =	rddreg [dreg:$0x2];
	[bflag:$0x3] =	sbarrier.arrive $0xFFFF;
	s2 =	simm.s32 @!p0 $0x1C01  }
0x33e: {  	[timem:s3], [sflag:s2] =	dma.local @!p0 [hbm:s0], s1  }
0x33f: {  	s0 =	simm.s32 @!p0 $0x1  }
0x340: {  	_ =	swait.ge @!p0 [sflag:s0], s1  }
0x341: {  	s1 =	ssub.s32 @!p0 $0x0, s1;
	[sflag:s0] =	ssyncset.done @!p0 $0x0  }
0x342: {  	[sflag:s0] =	ssyncadd.s32 @!p0 s1  }
0x343: {  	[bflag:$0x3] =	sbarrier.arrive $0xFFFF  }
0x344: {  	_ =	shalt  }

// kernel: scatter_offload_async_start.3
scs
__scs_entry_jumppad:
0x0: {  	(pc) =	sbr.rel $0x88, $3  }
0x1: {  	(tag) =	ssettag $0x0;
	lr =	simm.s32 $0x1  }
0x2: {  	[smem:$0x3F91] =	sst lr;
	_ =	strace $0xD0000000  }
0x3: {  	_ = 	snop  }
0x4: {  	_ = 	snop  }
0x5: {  	_ = 	snop  }
0x6: {  	_ = 	snop  }
0x7: {  	_ = 	snop  }
__scs_overlays_trampoline_lowered:
0x8: {  	[smem:$0x3FA0] =	sst s0  }
0x9: {  	[smem:$0x3FA1] =	sst s1  }
0xa: {  	[smem:$0x3FA2] =	sst s2  }
0xb: {  	[smem:$0x3FA3] =	sst s3  }
0xc: {  	[smem:$0x3FA4] =	sst s4  }
0xd: {  	[smem:$0x3FA5] =	sst s5  }
0xe: {  	[smem:$0x3FA6] =	sst s6  }
0xf: {  	[smem:$0x3FA7] =	sst s7  }
0x10: {  	[smem:$0x3FA8] =	sst s8  }
0x11: {  	[smem:$0x3FA9] =	sst s9;
	s0 =	simm.s32 @!p0 $0x0  }
0x12: {  	s1 =	sld [smem:$0x3F8F];
	s0 =	simm.s32 @p0 $0x1  }
0x13: {  	[smem:$0x3FAA] =	sst s0;
	s0 =	simm.s32 @!p1 $0x0  }
0x14: {  	s2 =	sld [smem:$0x3F8E];
	s0 =	simm.s32 @p1 $0x1  }
0x15: {  	[smem:$0x3FAB] =	sst s0;
	s0 =	simm.s32 @!p2 $0x0  }
0x16: {  	s3 =	sld [smem:$0x3FDB];
	s0 =	simm.s32 @p2 $0x1  }
0x17: {  	s4 =	simm.s32 $0x1BF5;
	[smem:$0x3FAD] =	sst s0  }
0x18: {  	s0 =	sld [smem:$0x3F90];
	_ =	swait.ge [sflag:s4], $0x0  }
0x19: {  	s7 =	sld [smem:$0x3F91]  }
0x1a: {  	s8 =	sadd.s32 $0xFFFFE003, lr  }
0x1b: {  	s9 =	sadd.s32 $0xFFFFFEF7, lr;
	s5 =	simm.s32 $0xFFFFFFFF;
	p2 =	slt.u32 s8, $0xFFFFF086  }
0x1c: {  	p1 =	slt.u32 s9, $0xF7A;
	s5 =	simm.s32 @!p2 $0x0  }
0x1d: {  	s5 =	simm.s32 @p1 $0x1;
	p0 =	seq.s32 s7, s2  }
0x1e: {  	s7 =	smul.u32 @!p0 $0xF7A, s2;
	p2 =	seq.s32 @!p0 s5, $0x0  }
0x1f: {  	s9 =	smul.u32 $0xF7A, s1;
	s8 =	simm.s32 @!p0 $0x1BF5;
	p2 =	por !p2, p0  }
0x20: {  	[sflag:s8] =	ssyncset.s32 @!p0 $0xFFFFF086;
	s6 =	sadd.s32 @!p0 s3, s7;
	s7 =	simm.s32 @!p0 $0x108  }
0x21: {  	s3 =	sadd.s32 s3, s9;
	s6 =	sadd.s32 @!p0 $0x88, s6;
	s7 =	simm.s32 @p2 $0x1082  }
0x22: {  	[simem:s7], [sflag:s8] =	dma.local @!p0 [hbm:s6], $0xF7A  }
0x23: {  	s9 =	sor.u32 $0xD0000000, s2;
	s6 =	simm.s32 $0x108;
	_ =	swait.ge @!p0 [sflag:s8], $0x0  }
0x24: {  	s3 =	sadd.s32 $0x88, s3;
	s6 =	simm.s32 @!p1 $0x1082;
	[sflag:s4] =	ssyncset.s32 $0xFFFFF086  }
0x25: {  	[simem:s6], [sflag:s4] =	dma.local [hbm:s3], $0xF7A  }
0x26: {  	[smem:$0x3F91] =	sst s1;
	(tag) =	ssettag s2;
	_ =	strace s9  }
0x27: {  	s1 =	sld [smem:$0x3FA1]  }
0x28: {  	s2 =	sld [smem:$0x3FA2]  }
0x29: {  	s4 =	sld [smem:$0x3FA4]  }
0x2a: {  	p0 =	seq.s32 s5, $0x0;
	s5 =	sld [smem:$0x3FA5]  }
0x2b: {  	s6 =	sld [smem:$0x3FA6]  }
0x2c: {  	s7 =	sld [smem:$0x3FA7]  }
0x2d: {  	s3 =	simm.s32 $0x108;
	s8 =	sld [smem:$0x3FA8]  }
0x2e: {  	s3 =	simm.s32 @!p0 $0x1082;
	s9 =	sld [smem:$0x3FA9]  }
0x2f: {  	lr =	sadd.s32 s0, s3;
	s0 =	sld [smem:$0x3FA0]  }
0x30: {  	s3 =	sld [smem:$0x3FA3]  }
0x31: {  	[smem:$0x3FAC] =	sst s10  }
0x32: {  	s10 =	sld [smem:$0x3FAA];
	_ =	sdelay $0x3  }
0x33: {  	p0 =	seq.s32 s10, $0x1;
	s10 =	sld [smem:$0x3FAC];
	_ =	sdelay $0x3  }
0x34: {  	[smem:$0x3FAC] =	sst s10  }
0x35: {  	s10 =	sld [smem:$0x3FAB];
	_ =	sdelay $0x3  }
0x36: {  	p1 =	seq.s32 s10, $0x1;
	s10 =	sld [smem:$0x3FAC];
	_ =	sdelay $0x3  }
0x37: {  	[smem:$0x3FAC] =	sst s10  }
0x38: {  	s10 =	sld [smem:$0x3FAD]  }
0x39: {  	_ = 	snop;
	(pc) =	sbr.ind lr, $3  }
0x3a: {  	_ = 	snop  }
0x3b: {  	_ = 	snop  }
0x3c: {  	p2 =	seq.s32 s10, $0x1;
	s10 =	sld [smem:$0x3FAC]  }
0x3d: {  	_ =	shalt  }
0x3e: {  	_ =	shalt  }
0x3f: {  	_ =	shalt  }
0x40: {  	_ =	shalt  }
0x41: {  	_ =	shalt  }
0x42: {  	_ =	shalt  }
0x43: {  	_ =	shalt  }
0x44: {  	_ =	shalt  }
0x45: {  	_ =	shalt  }
0x46: {  	_ =	shalt  }
0x47: {  	_ =	shalt  }
0x48: {  	_ =	shalt  }
0x49: {  	_ =	shalt  }
0x4a: {  	_ =	shalt  }
0x4b: {  	_ =	shalt  }
0x4c: {  	_ =	shalt  }
0x4d: {  	_ =	shalt  }
0x4e: {  	_ =	shalt  }
0x4f: {  	_ =	shalt  }
0x50: {  	_ =	shalt  }
0x51: {  	_ =	shalt  }
0x52: {  	_ =	shalt  }
0x53: {  	_ =	shalt  }
0x54: {  	_ =	shalt  }
0x55: {  	_ =	shalt  }
0x56: {  	_ =	shalt  }
0x57: {  	_ =	shalt  }
0x58: {  	_ =	shalt  }
0x59: {  	_ =	shalt  }
0x5a: {  	_ =	shalt  }
0x5b: {  	_ =	shalt  }
0x5c: {  	_ =	shalt  }
0x5d: {  	_ =	shalt  }
0x5e: {  	_ =	shalt  }
0x5f: {  	_ =	shalt  }
0x60: {  	_ =	shalt  }
0x61: {  	_ =	shalt  }
0x62: {  	_ =	shalt  }
0x63: {  	_ =	shalt  }
0x64: {  	_ =	shalt  }
0x65: {  	_ =	shalt  }
0x66: {  	_ =	shalt  }
0x67: {  	_ =	shalt  }
0x68: {  	_ =	shalt  }
0x69: {  	_ =	shalt  }
0x6a: {  	_ =	shalt  }
0x6b: {  	_ =	shalt  }
0x6c: {  	_ =	shalt  }
0x6d: {  	_ =	shalt  }
0x6e: {  	_ =	shalt  }
0x6f: {  	_ =	shalt  }
0x70: {  	_ =	shalt  }
0x71: {  	_ =	shalt  }
0x72: {  	_ =	shalt  }
0x73: {  	_ =	shalt  }
0x74: {  	_ =	shalt  }
0x75: {  	_ =	shalt  }
0x76: {  	_ =	shalt  }
0x77: {  	_ =	shalt  }
0x78: {  	_ =	shalt  }
0x79: {  	_ =	shalt  }
0x7a: {  	_ =	shalt  }
0x7b: {  	_ =	shalt  }
0x7c: {  	_ =	shalt  }
0x7d: {  	_ =	shalt  }
0x7e: {  	_ =	shalt  }
0x7f: {  	_ =	shalt  }
0x80: {  	_ =	shalt  }
0x81: {  	_ =	shalt  }
0x82: {  	_ =	shalt  }
0x83: {  	_ =	shalt  }
0x84: {  	_ =	shalt  }
0x85: {  	_ =	shalt  }
0x86: {  	_ =	shalt  }
0x87: {  	_ =	shalt  }
.Lfunc_end0:
.L_simem_size_0:
called_computation.3_lowered:
.L_overlay_start_0:
0x88: {  	s0 =	sld [smem:$0x3FD9]  }
0x89: {  	s1 =	sld [smem:$0x3FFE];
	_ =	sdelay $0x3  }
0x8a: {  	s0 =	sadd.s32 s1, s0  }
0x8b: {  	[smem:$0x3FB8] =	sst s0  }
0x8c: {  	_ = 	snop  }
0x8d: {  	(tm) =	ssettm $0x1  }
0x8e: {  	s15 =	sld [smem:$0x3FFB];
	_ =	sdelay $0x3  }
0x8f: {  	_ =	strace s15  }
0x90: {  	s0 =	sld [smem:$0x3FFC];
	_ =	sdelay $0x3  }
0x91: {  	_ =	strace s0  }
0x92: {  	s0 =	sld [smem:$0x3FFD];
	_ =	sdelay $0x3  }
0x93: {  	_ =	strace s0  }
0x94: {  	_ =	strace $0x8FFFFFFF  }
0x95: {  	s16 =	sld [smem:$0x3FDB];
	_ =	sdelay $0x1  }
0x96: {  	s17 =	simm.s32 $_scs_section_size  }
0x97: {  	s2 =	simm.s32 $_size__tile_overlayer_lowered;
	s3 =	simm.s32 $_tile_overlayer_lowered  }
0x98: {  	s20 =	simm.s32 $0x1BFF;
	s19 =	sshll.u32 s3, $0x1;
	s0 =	sadd.s32 s17, s16  }
0x99: {  	s4 =	simm.s32 $0x0;
	s18 =	sshll.u32 s2, $0x1;
	s2 =	sadd.s32 s19, s0  }
0x9a: {  	[timem:s4], [sflag:s20] =	dma.local [hbm:s2], s18  }
0x9b: {  	_ =	swait.ge [sflag:s20], s18  }
0x9c: {  	s1 =	ssub.s32 $0x0, s18;
	[sflag:s20] =	ssyncset.done $0x0  }
0x9d: {  	[sflag:s20] =	ssyncadd.s32 s1;
	_ =	sdelay $0x1  }
0x9e: {  	s21 =	simm.s32 $0x1B8B  }
0x9f: {  	_ =	swait.ge [sflag:s21], $0x1  }
0xa0: {  	[sflag:s21] =	ssyncset.done $0x0  }
0xa1: {  	s23 =	simm.s32 $0x1B8E;
	s22 =	sld [smem:$0x3FFE];
	[sflag:s21] =	ssyncadd.s32 $0xFFFFFFFF  }
0xa2: {  	s24 =	simm.s32 $execute0_lowered;
	[smem:$0x3FD2] =	sst s23  }
0xa3: {  	s2 =	sshll.u32 s24, $0x1;
	_ =	strace $0x80000055;
	[dreg:$0x1] =	wrdreg $0xFFFFFFFF  }
0xa4: {  	s25 =	simm.s32 $_size_execute0_lowered;
	s0 =	sadd.s32 s0, s2;
	[dreg:$0x0] =	wrdreg $0x0  }
0xa5: {  	s2 =	sshll.u32 s25, $0x1;
	[dreg:$0x2] =	wrdreg s0  }
0xa6: {  	[dreg:$0x3] =	wrdreg s2  }
0xa7: {  	[dreg:$0x4] =	wrdreg $0xC0  }
0xa8: {  	_ =	task [dreg:s4], $0x5FFFF  }
0xa9: {  	[dreg:$0x1] =	wrdreg $0xFFFFFFFF  }
0xaa: {  	[dreg:$0x0] =	wrdreg $0x60  }
0xab: {  	[dreg:$0x2] =	wrdreg s22  }
0xac: {  	[dreg:$0x3] =	wrdreg $0x9  }
0xad: {  	_ =	task.clear_ibuf [dreg:s4], $0x4FFFF;
	_ =	strace $0x90000055  }
0xae: {  	s26 =	simm.s32 $0x9;
	_ =	strace $0x80000057  }
0xaf: {  	_ =	swait.ge [sflag:s26], $0x1  }
0xb0: {  	[sflag:s26] =	ssyncadd.s32 $0xFFFFFFFF  }
0xb1: {  	_ =	strace $0x90000057  }
0xb2: {  	_ =	sfence  }
0xb3: {  	s28 =	sld [smem:$0x0];
	_ =	sdelay $0x1  }
0xb4: {  	s29 =	srdreg.scid  }
0xb5: {  	s30 =	sshll.u32 s29, $0xD;
	s31 =	sshrl.u32 s29, $0x2  }
0xb6: {  	s1 =	sand.u32 $0x1, s29;
	s2 =	sand.u32 $0x4000, s30;
	s0 =	sadd.s32 s31, s28  }
0xb7: {  	s1 =	sor.u32 s2, s1;
	s0 =	sshll.u32 s0, $0x11  }
0xb8: {  	s0 =	sor.u32 s0, s1  }
0xb9: {  	s0 =	sadd.s32 $0x8F2B, s0  }
0xba: {  	[sflag:s0] =	ssyncadd.remote.s32 $0x1  }
0xbb: {  	_ =	sfence.sel $0xFFFF  }
0xbc: {  	[dreg:$0x0] =	wrdreg $0xFFFFFFFF;
	(pc) =	sbr.abs _section_cstart, $3  }
0xbd: {  	[dreg:$0x1] =	wrdreg $0xFFFFFFFF  }
0xbe: {  	_ =	task.clear_ibuf [dreg:s4], $0x2FFFF;
	_ =	strace $0x9FFFFFFF  }
0xbf: {  	(tm) =	ssettm $0x7FFFFFFF  }
tec
execute0_lowered:
.L_overlay_start_1:
0x0: {  	(tag) =	ssettag $0x1  }
0x1: {  	s8 =	rddreg [dreg:$0x0];
	_ =	strace $0x80000056;
	s11 =	simm.s32 $0x1  }
0x2: {  	v0 =	vimm.s32 $0x0;
	[sflag:s11] =	ssyncpa.u1 $0x0  }
0x3: {  	[tilespmem:$0x28] =	vst v0  }
0x4: {  	[tilespmem:$0x38] =	vst v0  }
0x5: {  	[tilespmem:$0x48] =	vst v0  }
0x6: {  	[tilespmem:$0x58] =	vst v0  }
0x7: {  	[tilespmem:$0x68] =	vst v0  }
0x8: {  	[tilespmem:$0x78] =	vst v0  }
0x9: {  	[tilespmem:$0x88] =	vst v0  }
0xa: {  	[tilespmem:$0x98] =	vst v0  }
0xb: {  	[tilespmem:$0xA8] =	vst v0  }
0xc: {  	[tilespmem:$0xB8] =	vst v0  }
0xd: {  	[tilespmem:$0xC8] =	vst v0  }
0xe: {  	[tilespmem:$0xD8] =	vst v0  }
0xf: {  	[tilespmem:$0xE8] =	vst v0  }
0x10: {  	[tilespmem:$0xF8] =	vst v0  }
0x11: {  	[tilespmem:$0x108] =	vst v0  }
0x12: {  	[tilespmem:$0x118] =	vst v0  }
0x13: {  	[tilespmem:$0x128] =	vst v0  }
0x14: {  	[tilespmem:$0x138] =	vst v0  }
0x15: {  	[tilespmem:$0x148] =	vst v0  }
0x16: {  	[tilespmem:$0x158] =	vst v0  }
0x17: {  	[tilespmem:$0x168] =	vst v0  }
0x18: {  	[tilespmem:$0x178] =	vst v0  }
0x19: {  	[tilespmem:$0x188] =	vst v0  }
0x1a: {  	[tilespmem:$0x198] =	vst v0  }
0x1b: {  	[tilespmem:$0x1A8] =	vst v0  }
0x1c: {  	[tilespmem:$0x1B8] =	vst v0  }
0x1d: {  	[tilespmem:$0x1C8] =	vst v0  }
0x1e: {  	[tilespmem:$0x1D8] =	vst v0  }
0x1f: {  	[tilespmem:$0x1E8] =	vst v0  }
0x20: {  	[tilespmem:$0x1F8] =	vst v0  }
0x21: {  	[tilespmem:$0x208] =	vst v0  }
0x22: {  	[tilespmem:$0x218] =	vst v0  }
0x23: {  	[tilespmem:$0x228] =	vst v0  }
0x24: {  	[tilespmem:$0x238] =	vst v0  }
0x25: {  	[tilespmem:$0x248] =	vst v0  }
0x26: {  	[tilespmem:$0x258] =	vst v0  }
0x27: {  	[tilespmem:$0x268] =	vst v0  }
0x28: {  	[tilespmem:$0x278] =	vst v0  }
0x29: {  	[tilespmem:$0x288] =	vst v0  }
0x2a: {  	[tilespmem:$0x298] =	vst v0  }
0x2b: {  	[tilespmem:$0x2A8] =	vst v0  }
0x2c: {  	[tilespmem:$0x2B8] =	vst v0  }
0x2d: {  	[tilespmem:$0x2C8] =	vst v0  }
0x2e: {  	[tilespmem:$0x2D8] =	vst v0  }
0x2f: {  	[tilespmem:$0x2E8] =	vst v0  }
0x30: {  	[tilespmem:$0x2F8] =	vst v0  }
0x31: {  	[tilespmem:$0x308] =	vst v0  }
0x32: {  	[tilespmem:$0x318] =	vst v0  }
0x33: {  	[tilespmem:$0x328] =	vst v0  }
0x34: {  	[tilespmem:$0x338] =	vst v0  }
0x35: {  	[tilespmem:$0x348] =	vst v0  }
0x36: {  	[tilespmem:$0x358] =	vst v0  }
0x37: {  	[tilespmem:$0x368] =	vst v0  }
0x38: {  	[tilespmem:$0x378] =	vst v0  }
0x39: {  	[tilespmem:$0x388] =	vst v0  }
0x3a: {  	[tilespmem:$0x398] =	vst v0  }
0x3b: {  	[tilespmem:$0x3A8] =	vst v0  }
0x3c: {  	[tilespmem:$0x3B8] =	vst v0  }
0x3d: {  	[tilespmem:$0x3C8] =	vst v0  }
0x3e: {  	[tilespmem:$0x3D8] =	vst v0  }
0x3f: {  	[tilespmem:$0x3E8] =	vst v0  }
0x40: {  	[tilespmem:$0x3F8] =	vst v0  }
0x41: {  	[tilespmem:$0x408] =	vst v0  }
0x42: {  	[tilespmem:$0x418] =	vst v0  }
0x43: {  	[tilespmem:$0x428] =	vst v0  }
0x44: {  	[tilespmem:$0x438] =	vst v0  }
0x45: {  	[tilespmem:$0x448] =	vst v0  }
0x46: {  	[tilespmem:$0x458] =	vst v0  }
0x47: {  	[tilespmem:$0x468] =	vst v0  }
0x48: {  	[tilespmem:$0x478] =	vst v0  }
0x49: {  	[tilespmem:$0x488] =	vst v0  }
0x4a: {  	[tilespmem:$0x498] =	vst v0  }
0x4b: {  	[tilespmem:$0x4A8] =	vst v0  }
0x4c: {  	[tilespmem:$0x4B8] =	vst v0  }
0x4d: {  	[tilespmem:$0x4C8] =	vst v0  }
0x4e: {  	[tilespmem:$0x4D8] =	vst v0  }
0x4f: {  	[tilespmem:$0x4E8] =	vst v0  }
0x50: {  	[tilespmem:$0x4F8] =	vst v0  }
0x51: {  	[tilespmem:$0x508] =	vst v0  }
0x52: {  	[tilespmem:$0x518] =	vst v0  }
0x53: {  	[tilespmem:$0x528] =	vst v0  }
0x54: {  	[tilespmem:$0x538] =	vst v0  }
0x55: {  	[tilespmem:$0x548] =	vst v0  }
0x56: {  	[tilespmem:$0x558] =	vst v0  }
0x57: {  	[tilespmem:$0x568] =	vst v0  }
0x58: {  	[tilespmem:$0x578] =	vst v0  }
0x59: {  	[tilespmem:$0x588] =	vst v0  }
0x5a: {  	[tilespmem:$0x598] =	vst v0  }
0x5b: {  	[tilespmem:$0x5A8] =	vst v0  }
0x5c: {  	[tilespmem:$0x5B8] =	vst v0  }
0x5d: {  	[tilespmem:$0x5C8] =	vst v0  }
0x5e: {  	[tilespmem:$0x5D8] =	vst v0  }
0x5f: {  	[tilespmem:$0x5E8] =	vst v0  }
0x60: {  	[tilespmem:$0x5F8] =	vst v0  }
0x61: {  	[tilespmem:$0x608] =	vst v0  }
0x62: {  	[tilespmem:$0x618] =	vst v0  }
0x63: {  	[tilespmem:$0x628] =	vst v0  }
0x64: {  	[tilespmem:$0x638] =	vst v0  }
0x65: {  	[tilespmem:$0x648] =	vst v0  }
0x66: {  	[tilespmem:$0x658] =	vst v0  }
0x67: {  	[tilespmem:$0x668] =	vst v0  }
0x68: {  	[tilespmem:$0x678] =	vst v0  }
0x69: {  	[tilespmem:$0x688] =	vst v0  }
0x6a: {  	[tilespmem:$0x698] =	vst v0  }
0x6b: {  	[tilespmem:$0x6A8] =	vst v0  }
0x6c: {  	[tilespmem:$0x6B8] =	vst v0  }
0x6d: {  	[tilespmem:$0x6C8] =	vst v0  }
0x6e: {  	[tilespmem:$0x6D8] =	vst v0  }
0x6f: {  	[tilespmem:$0x6E8] =	vst v0  }
0x70: {  	[tilespmem:$0x6F8] =	vst v0  }
0x71: {  	[tilespmem:$0x708] =	vst v0  }
0x72: {  	[tilespmem:$0x718] =	vst v0  }
0x73: {  	[tilespmem:$0x728] =	vst v0  }
0x74: {  	[tilespmem:$0x738] =	vst v0  }
0x75: {  	[tilespmem:$0x748] =	vst v0  }
0x76: {  	[tilespmem:$0x758] =	vst v0  }
0x77: {  	[tilespmem:$0x768] =	vst v0  }
0x78: {  	[tilespmem:$0x778] =	vst v0  }
0x79: {  	[tilespmem:$0x788] =	vst v0  }
0x7a: {  	[tilespmem:$0x798] =	vst v0  }
0x7b: {  	[tilespmem:$0x7A8] =	vst v0  }
0x7c: {  	[tilespmem:$0x7B8] =	vst v0  }
0x7d: {  	[tilespmem:$0x7C8] =	vst v0  }
0x7e: {  	[tilespmem:$0x7D8] =	vst v0  }
0x7f: {  	[tilespmem:$0x7E8] =	vst v0  }
0x80: {  	[tilespmem:$0x7F8] =	vst v0  }
0x81: {  	[tilespmem:$0x808] =	vst v0  }
0x82: {  	[tilespmem:$0x818] =	vst v0  }
0x83: {  	[tilespmem:$0x828] =	vst v0  }
0x84: {  	[tilespmem:$0x838] =	vst v0  }
0x85: {  	[tilespmem:$0x848] =	vst v0  }
0x86: {  	[tilespmem:$0x858] =	vst v0  }
0x87: {  	[tilespmem:$0x868] =	vst v0  }
0x88: {  	[tilespmem:$0x878] =	vst v0  }
0x89: {  	[tilespmem:$0x888] =	vst v0  }
0x8a: {  	[tilespmem:$0x898] =	vst v0  }
0x8b: {  	[tilespmem:$0x8A8] =	vst v0  }
0x8c: {  	[tilespmem:$0x8B8] =	vst v0  }
0x8d: {  	[tilespmem:$0x8C8] =	vst v0  }
0x8e: {  	[tilespmem:$0x8D8] =	vst v0  }
0x8f: {  	[tilespmem:$0x8E8] =	vst v0  }
0x90: {  	[tilespmem:$0x8F8] =	vst v0  }
0x91: {  	[tilespmem:$0x908] =	vst v0  }
0x92: {  	[tilespmem:$0x918] =	vst v0  }
0x93: {  	[tilespmem:$0x928] =	vst v0  }
0x94: {  	[tilespmem:$0x938] =	vst v0  }
0x95: {  	[tilespmem:$0x948] =	vst v0  }
0x96: {  	[tilespmem:$0x958] =	vst v0  }
0x97: {  	[tilespmem:$0x968] =	vst v0  }
0x98: {  	[tilespmem:$0x978] =	vst v0  }
0x99: {  	[tilespmem:$0x988] =	vst v0  }
0x9a: {  	[tilespmem:$0x998] =	vst v0  }
0x9b: {  	[tilespmem:$0x9A8] =	vst v0  }
0x9c: {  	[tilespmem:$0x9B8] =	vst v0  }
0x9d: {  	[tilespmem:$0x9C8] =	vst v0  }
0x9e: {  	[tilespmem:$0x9D8] =	vst v0  }
0x9f: {  	[tilespmem:$0x9E8] =	vst v0  }
0xa0: {  	[tilespmem:$0x9F8] =	vst v0  }
0xa1: {  	[tilespmem:$0xA08] =	vst v0  }
0xa2: {  	[tilespmem:$0xA18] =	vst v0  }
0xa3: {  	[tilespmem:$0xA28] =	vst v0  }
0xa4: {  	[tilespmem:$0xA38] =	vst v0  }
0xa5: {  	[tilespmem:$0xA48] =	vst v0  }
0xa6: {  	[tilespmem:$0xA58] =	vst v0  }
0xa7: {  	[tilespmem:$0xA68] =	vst v0  }
0xa8: {  	[tilespmem:$0xA78] =	vst v0  }
0xa9: {  	[tilespmem:$0xA88] =	vst v0  }
0xaa: {  	[tilespmem:$0xA98] =	vst v0  }
0xab: {  	[tilespmem:$0xAA8] =	vst v0  }
0xac: {  	[tilespmem:$0xAB8] =	vst v0  }
0xad: {  	[tilespmem:$0xAC8] =	vst v0  }
0xae: {  	[tilespmem:$0xAD8] =	vst v0  }
0xaf: {  	[tilespmem:$0xAE8] =	vst v0  }
0xb0: {  	[tilespmem:$0xAF8] =	vst v0  }
0xb1: {  	[tilespmem:$0xB08] =	vst v0  }
0xb2: {  	[tilespmem:$0xB18] =	vst v0  }
0xb3: {  	[tilespmem:$0xB28] =	vst v0  }
0xb4: {  	[tilespmem:$0xB38] =	vst v0  }
0xb5: {  	[tilespmem:$0xB48] =	vst v0  }
0xb6: {  	[tilespmem:$0xB58] =	vst v0  }
0xb7: {  	[tilespmem:$0xB68] =	vst v0  }
0xb8: {  	[tilespmem:$0xB78] =	vst v0  }
0xb9: {  	[tilespmem:$0xB88] =	vst v0  }
0xba: {  	[tilespmem:$0xB98] =	vst v0  }
0xbb: {  	[tilespmem:$0xBA8] =	vst v0  }
0xbc: {  	[tilespmem:$0xBB8] =	vst v0  }
0xbd: {  	[tilespmem:$0xBC8] =	vst v0  }
0xbe: {  	[tilespmem:$0xBD8] =	vst v0  }
0xbf: {  	[tilespmem:$0xBE8] =	vst v0  }
0xc0: {  	[tilespmem:$0xBF8] =	vst v0  }
0xc1: {  	[tilespmem:$0xC08] =	vst v0  }
0xc2: {  	[tilespmem:$0xC18] =	vst v0  }
0xc3: {  	[tilespmem:$0xC28] =	vst v0  }
0xc4: {  	[tilespmem:$0xC38] =	vst v0  }
0xc5: {  	[tilespmem:$0xC48] =	vst v0  }
0xc6: {  	[tilespmem:$0xC58] =	vst v0  }
0xc7: {  	[tilespmem:$0xC68] =	vst v0  }
0xc8: {  	[tilespmem:$0xC78] =	vst v0  }
0xc9: {  	[tilespmem:$0xC88] =	vst v0  }
0xca: {  	[tilespmem:$0xC98] =	vst v0  }
0xcb: {  	[tilespmem:$0xCA8] =	vst v0  }
0xcc: {  	[tilespmem:$0xCB8] =	vst v0  }
0xcd: {  	[tilespmem:$0xCC8] =	vst v0  }
0xce: {  	[tilespmem:$0xCD8] =	vst v0  }
0xcf: {  	[tilespmem:$0xCE8] =	vst v0  }
0xd0: {  	[tilespmem:$0xCF8] =	vst v0  }
0xd1: {  	[tilespmem:$0xD08] =	vst v0  }
0xd2: {  	[tilespmem:$0xD18] =	vst v0  }
0xd3: {  	[tilespmem:$0xD28] =	vst v0  }
0xd4: {  	[tilespmem:$0xD38] =	vst v0  }
0xd5: {  	[tilespmem:$0xD48] =	vst v0  }
0xd6: {  	[tilespmem:$0xD58] =	vst v0  }
0xd7: {  	[tilespmem:$0xD68] =	vst v0  }
0xd8: {  	[tilespmem:$0xD78] =	vst v0  }
0xd9: {  	[tilespmem:$0xD88] =	vst v0  }
0xda: {  	[tilespmem:$0xD98] =	vst v0  }
0xdb: {  	[tilespmem:$0xDA8] =	vst v0  }
0xdc: {  	[tilespmem:$0xDB8] =	vst v0  }
0xdd: {  	[tilespmem:$0xDC8] =	vst v0  }
0xde: {  	[tilespmem:$0xDD8] =	vst v0  }
0xdf: {  	[tilespmem:$0xDE8] =	vst v0  }
0xe0: {  	[tilespmem:$0xDF8] =	vst v0  }
0xe1: {  	[tilespmem:$0xE08] =	vst v0  }
0xe2: {  	[tilespmem:$0xE18] =	vst v0  }
0xe3: {  	[tilespmem:$0xE28] =	vst v0  }
0xe4: {  	[tilespmem:$0xE38] =	vst v0  }
0xe5: {  	[tilespmem:$0xE48] =	vst v0  }
0xe6: {  	[tilespmem:$0xE58] =	vst v0  }
0xe7: {  	[tilespmem:$0xE68] =	vst v0  }
0xe8: {  	[tilespmem:$0xE78] =	vst v0  }
0xe9: {  	[tilespmem:$0xE88] =	vst v0  }
0xea: {  	[tilespmem:$0xE98] =	vst v0  }
0xeb: {  	[tilespmem:$0xEA8] =	vst v0  }
0xec: {  	[tilespmem:$0xEB8] =	vst v0  }
0xed: {  	[tilespmem:$0xEC8] =	vst v0  }
0xee: {  	[tilespmem:$0xED8] =	vst v0  }
0xef: {  	[tilespmem:$0xEE8] =	vst v0  }
0xf0: {  	[tilespmem:$0xEF8] =	vst v0  }
0xf1: {  	[tilespmem:$0xF08] =	vst v0  }
0xf2: {  	[tilespmem:$0xF18] =	vst v0  }
0xf3: {  	[tilespmem:$0xF28] =	vst v0  }
0xf4: {  	[tilespmem:$0xF38] =	vst v0  }
0xf5: {  	[tilespmem:$0xF48] =	vst v0  }
0xf6: {  	[tilespmem:$0xF58] =	vst v0  }
0xf7: {  	[tilespmem:$0xF68] =	vst v0  }
0xf8: {  	[tilespmem:$0xF78] =	vst v0  }
0xf9: {  	[tilespmem:$0xF88] =	vst v0  }
0xfa: {  	[tilespmem:$0xF98] =	vst v0  }
0xfb: {  	[tilespmem:$0xFA8] =	vst v0  }
0xfc: {  	[tilespmem:$0xFB8] =	vst v0  }
0xfd: {  	[tilespmem:$0xFC8] =	vst v0  }
0xfe: {  	[tilespmem:$0xFD8] =	vst v0  }
0xff: {  	[tilespmem:$0xFE8] =	vst v0  }
0x100: {  	[tilespmem:$0xFF8] =	vst v0  }
0x101: {  	[tilespmem:$0x1018] =	vst v0  }
0x102: {  	[tilespmem:$0x1098] =	vst v0  }
0x103: {  	[tilespmem:$0x1B28] =	vst v0  }
0x104: {  	[tilespmem:$0x1B18] =	vst v0  }
0x105: {  	[tilespmem:$0x1B08] =	vst v0  }
0x106: {  	[tilespmem:$0x1AF8] =	vst v0  }
0x107: {  	[tilespmem:$0x1AE8] =	vst v0  }
0x108: {  	[tilespmem:$0x1AD8] =	vst v0  }
0x109: {  	[tilespmem:$0x1AC8] =	vst v0  }
0x10a: {  	[tilespmem:$0x1AB8] =	vst v0  }
0x10b: {  	[tilespmem:$0x1AA8] =	vst v0  }
0x10c: {  	[tilespmem:$0x1A98] =	vst v0  }
0x10d: {  	[tilespmem:$0x1A88] =	vst v0  }
0x10e: {  	[tilespmem:$0x1A78] =	vst v0  }
0x10f: {  	[tilespmem:$0x1A68] =	vst v0  }
0x110: {  	[tilespmem:$0x1A58] =	vst v0  }
0x111: {  	[tilespmem:$0x1A48] =	vst v0  }
0x112: {  	[tilespmem:$0x1A38] =	vst v0  }
0x113: {  	[tilespmem:$0x1A28] =	vst v0  }
0x114: {  	[tilespmem:$0x1A18] =	vst v0  }
0x115: {  	[tilespmem:$0x1A08] =	vst v0  }
0x116: {  	[tilespmem:$0x19F8] =	vst v0  }
0x117: {  	[tilespmem:$0x19E8] =	vst v0  }
0x118: {  	[tilespmem:$0x19D8] =	vst v0  }
0x119: {  	[tilespmem:$0x19C8] =	vst v0  }
0x11a: {  	[tilespmem:$0x19B8] =	vst v0  }
0x11b: {  	[tilespmem:$0x19A8] =	vst v0  }
0x11c: {  	[tilespmem:$0x1998] =	vst v0  }
0x11d: {  	[tilespmem:$0x1988] =	vst v0  }
0x11e: {  	[tilespmem:$0x1978] =	vst v0  }
0x11f: {  	[tilespmem:$0x1968] =	vst v0  }
0x120: {  	[tilespmem:$0x1958] =	vst v0  }
0x121: {  	[tilespmem:$0x1948] =	vst v0  }
0x122: {  	[tilespmem:$0x1938] =	vst v0  }
0x123: {  	[tilespmem:$0x1928] =	vst v0  }
0x124: {  	[tilespmem:$0x1918] =	vst v0  }
0x125: {  	[tilespmem:$0x1908] =	vst v0  }
0x126: {  	[tilespmem:$0x18F8] =	vst v0  }
0x127: {  	[tilespmem:$0x18E8] =	vst v0  }
0x128: {  	[tilespmem:$0x18D8] =	vst v0  }
0x129: {  	[tilespmem:$0x18C8] =	vst v0  }
0x12a: {  	[tilespmem:$0x18B8] =	vst v0  }
0x12b: {  	[tilespmem:$0x18A8] =	vst v0  }
0x12c: {  	[tilespmem:$0x1898] =	vst v0  }
0x12d: {  	[tilespmem:$0x1888] =	vst v0  }
0x12e: {  	[tilespmem:$0x1878] =	vst v0  }
0x12f: {  	[tilespmem:$0x1868] =	vst v0  }
0x130: {  	[tilespmem:$0x1858] =	vst v0  }
0x131: {  	[tilespmem:$0x1848] =	vst v0  }
0x132: {  	[tilespmem:$0x1838] =	vst v0  }
0x133: {  	[tilespmem:$0x1828] =	vst v0  }
0x134: {  	[tilespmem:$0x1818] =	vst v0  }
0x135: {  	[tilespmem:$0x1808] =	vst v0  }
0x136: {  	[tilespmem:$0x17F8] =	vst v0  }
0x137: {  	[tilespmem:$0x17E8] =	vst v0  }
0x138: {  	[tilespmem:$0x17D8] =	vst v0  }
0x139: {  	[tilespmem:$0x17C8] =	vst v0  }
0x13a: {  	[tilespmem:$0x17B8] =	vst v0  }
0x13b: {  	[tilespmem:$0x17A8] =	vst v0  }
0x13c: {  	[tilespmem:$0x1798] =	vst v0  }
0x13d: {  	[tilespmem:$0x1788] =	vst v0  }
0x13e: {  	[tilespmem:$0x1778] =	vst v0  }
0x13f: {  	[tilespmem:$0x1768] =	vst v0  }
0x140: {  	[tilespmem:$0x1758] =	vst v0  }
0x141: {  	[tilespmem:$0x1748] =	vst v0  }
0x142: {  	[tilespmem:$0x1738] =	vst v0  }
0x143: {  	[tilespmem:$0x1728] =	vst v0  }
0x144: {  	[tilespmem:$0x1718] =	vst v0  }
0x145: {  	[tilespmem:$0x1708] =	vst v0  }
0x146: {  	[tilespmem:$0x16F8] =	vst v0  }
0x147: {  	[tilespmem:$0x16E8] =	vst v0  }
0x148: {  	[tilespmem:$0x16D8] =	vst v0  }
0x149: {  	[tilespmem:$0x16C8] =	vst v0  }
0x14a: {  	[tilespmem:$0x16B8] =	vst v0  }
0x14b: {  	[tilespmem:$0x16A8] =	vst v0  }
0x14c: {  	[tilespmem:$0x1698] =	vst v0  }
0x14d: {  	[tilespmem:$0x1688] =	vst v0  }
0x14e: {  	[tilespmem:$0x1678] =	vst v0  }
0x14f: {  	[tilespmem:$0x1668] =	vst v0  }
0x150: {  	[tilespmem:$0x1658] =	vst v0  }
0x151: {  	[tilespmem:$0x1648] =	vst v0  }
0x152: {  	[tilespmem:$0x1638] =	vst v0  }
0x153: {  	[tilespmem:$0x1628] =	vst v0  }
0x154: {  	[tilespmem:$0x1618] =	vst v0  }
0x155: {  	[tilespmem:$0x1608] =	vst v0  }
0x156: {  	[tilespmem:$0x15F8] =	vst v0  }
0x157: {  	[tilespmem:$0x15E8] =	vst v0  }
0x158: {  	[tilespmem:$0x15D8] =	vst v0  }
0x159: {  	[tilespmem:$0x15C8] =	vst v0  }
0x15a: {  	[tilespmem:$0x15B8] =	vst v0  }
0x15b: {  	[tilespmem:$0x15A8] =	vst v0  }
0x15c: {  	[tilespmem:$0x1598] =	vst v0  }
0x15d: {  	[tilespmem:$0x1588] =	vst v0  }
0x15e: {  	[tilespmem:$0x1578] =	vst v0  }
0x15f: {  	[tilespmem:$0x1568] =	vst v0  }
0x160: {  	[tilespmem:$0x1558] =	vst v0  }
0x161: {  	[tilespmem:$0x1548] =	vst v0  }
0x162: {  	[tilespmem:$0x1538] =	vst v0  }
0x163: {  	[tilespmem:$0x1528] =	vst v0  }
0x164: {  	[tilespmem:$0x1518] =	vst v0  }
0x165: {  	[tilespmem:$0x1508] =	vst v0  }
0x166: {  	[tilespmem:$0x14F8] =	vst v0  }
0x167: {  	[tilespmem:$0x14E8] =	vst v0  }
0x168: {  	[tilespmem:$0x14D8] =	vst v0  }
0x169: {  	[tilespmem:$0x14C8] =	vst v0  }
0x16a: {  	[tilespmem:$0x14B8] =	vst v0  }
0x16b: {  	[tilespmem:$0x14A8] =	vst v0  }
0x16c: {  	[tilespmem:$0x1498] =	vst v0  }
0x16d: {  	[tilespmem:$0x1488] =	vst v0  }
0x16e: {  	[tilespmem:$0x1478] =	vst v0  }
0x16f: {  	[tilespmem:$0x1468] =	vst v0  }
0x170: {  	[tilespmem:$0x1458] =	vst v0  }
0x171: {  	[tilespmem:$0x1448] =	vst v0  }
0x172: {  	[tilespmem:$0x1438] =	vst v0  }
0x173: {  	[tilespmem:$0x1428] =	vst v0  }
0x174: {  	[tilespmem:$0x1418] =	vst v0  }
0x175: {  	[tilespmem:$0x1408] =	vst v0  }
0x176: {  	[tilespmem:$0x13F8] =	vst v0  }
0x177: {  	[tilespmem:$0x13E8] =	vst v0  }
0x178: {  	[tilespmem:$0x13D8] =	vst v0  }
0x179: {  	[tilespmem:$0x13C8] =	vst v0  }
0x17a: {  	[tilespmem:$0x13B8] =	vst v0  }
0x17b: {  	[tilespmem:$0x13A8] =	vst v0  }
0x17c: {  	[tilespmem:$0x1398] =	vst v0  }
0x17d: {  	[tilespmem:$0x1388] =	vst v0  }
0x17e: {  	[tilespmem:$0x1378] =	vst v0  }
0x17f: {  	[tilespmem:$0x1368] =	vst v0  }
0x180: {  	[tilespmem:$0x1358] =	vst v0  }
0x181: {  	[tilespmem:$0x1348] =	vst v0  }
0x182: {  	[tilespmem:$0x1338] =	vst v0  }
0x183: {  	[tilespmem:$0x1328] =	vst v0  }
0x184: {  	[tilespmem:$0x1318] =	vst v0  }
0x185: {  	[tilespmem:$0x1308] =	vst v0  }
0x186: {  	[tilespmem:$0x12F8] =	vst v0  }
0x187: {  	[tilespmem:$0x12E8] =	vst v0  }
0x188: {  	[tilespmem:$0x12D8] =	vst v0  }
0x189: {  	[tilespmem:$0x12C8] =	vst v0  }
0x18a: {  	[tilespmem:$0x12B8] =	vst v0  }
0x18b: {  	[tilespmem:$0x12A8] =	vst v0  }
0x18c: {  	[tilespmem:$0x1298] =	vst v0  }
0x18d: {  	[tilespmem:$0x1288] =	vst v0  }
0x18e: {  	[tilespmem:$0x1278] =	vst v0  }
0x18f: {  	[tilespmem:$0x1268] =	vst v0  }
0x190: {  	[tilespmem:$0x1258] =	vst v0  }
0x191: {  	[tilespmem:$0x1248] =	vst v0  }
0x192: {  	[tilespmem:$0x1238] =	vst v0  }
0x193: {  	[tilespmem:$0x1228] =	vst v0  }
0x194: {  	[tilespmem:$0x1218] =	vst v0  }
0x195: {  	[tilespmem:$0x1208] =	vst v0  }
0x196: {  	[tilespmem:$0x11F8] =	vst v0  }
0x197: {  	[tilespmem:$0x11E8] =	vst v0  }
0x198: {  	[tilespmem:$0x11D8] =	vst v0  }
0x199: {  	[tilespmem:$0x11C8] =	vst v0  }
0x19a: {  	[tilespmem:$0x11B8] =	vst v0  }
0x19b: {  	[tilespmem:$0x11A8] =	vst v0  }
0x19c: {  	[tilespmem:$0x1198] =	vst v0  }
0x19d: {  	[tilespmem:$0x1188] =	vst v0  }
0x19e: {  	[tilespmem:$0x1178] =	vst v0  }
0x19f: {  	[tilespmem:$0x1168] =	vst v0  }
0x1a0: {  	[tilespmem:$0x1158] =	vst v0  }
0x1a1: {  	[tilespmem:$0x1148] =	vst v0  }
0x1a2: {  	[tilespmem:$0x1138] =	vst v0  }
0x1a3: {  	[tilespmem:$0x1128] =	vst v0  }
0x1a4: {  	[tilespmem:$0x1118] =	vst v0  }
0x1a5: {  	[tilespmem:$0x1108] =	vst v0  }
0x1a6: {  	[tilespmem:$0x10F8] =	vst v0  }
0x1a7: {  	[tilespmem:$0x10E8] =	vst v0  }
0x1a8: {  	s2 =	stileid.u32;
	[tilespmem:$0x10D8] =	vst v0  }
0x1a9: {  	s3 =	smul.u32 $0xCF90, s2;
	[tilespmem:$0x10C8] =	vst v0  }
0x1aa: {  	[tilespmem:$0x10B8] =	vst v0  }
0x1ab: {  	[tilespmem:$0x10A8] =	vst v0;
	s0 =	smin.u32 s3, $0xC28C0  }
0x1ac: {  	[tilespmem:$0x1028] =	vst v0;
	s4 =	sadd.s32 $0xCF90, s0  }
0x1ad: {  	s5 =	simm.s32 $0x2;
	s29 =	simm.s32 $0x7;
	[tilespmem:$0x1088] =	vst v0;
	s0 =	ssub.s32 s4, s3  }
0x1ae: {  	s13 =	simm.s32 $0x8;
	s30 =	simm.s32 $0x9;
	[tilespmem:$0x1078] =	vst v0;
	p0 =	sgt.s32 s0, $0x0  }
0x1af: {  	p4 =	por $0x0, $0x0;
	s14 =	simm.s32 $0xA;
	[tilespmem:$0x1068] =	vst v0;
	s0 =	simm.s32 @!p0 $0x0  }
0x1b0: {  	s18 =	simm.s32 $0x0;
	s15 =	simm.s32 $0x0;
	[tilespmem:$0x1058] =	vst v0;
	s12 =	smulhi.u32 $0x97B426, s0  }
0x1b1: {  	s17 =	simm.s32 $0x0;
	s1 =	sadd.s32 $0x24DE00, s8;
	s6 =	sadd.s32 $0x93200, s8;
	[tilespmem:$0x1048] =	vst v0  }
0x1b2: {  	s7 =	sadd.s32 $0x311400, s8;
	s31 =	sshll.u32 s2, $0x5;
	[tilespmem:$0x1038] =	vst v0;
	s10 =	smul.u32 $0x1B0, s12  }
.Ltmp0:
0x1b3: {  	[tilespmem:$0x1008] =	vst v0;
	[sflag:s5] =	ssyncpa.u1 $0x0;
	v0 =	vimm.s32 $0xFFFFFFFF;
	s5 =	sadd.s32 $0xAD200, s8;
	(pc) =	sbr.rel .LBB2_1-.Ltmp0, $4  }
0x1b4: {  	[dreg:$0x2] =	wrdreg s31;
	[tilespmem:$0x3648] =	vst v0;
	[sflag:s29] =	ssyncpa.u1 $0x0;
	p0 =	sne.s32 s0, s10  }
0x1b5: {  	s16 =	smov.u32 s3;
	[dreg:$0x3] =	wrdreg s3;
	s11 =	simm.s32 @!p0 $0x0  }
0x1b6: {  	[sflag:s13] =	ssyncpa.u1 $0x0;
	s13 =	simm.s32 $0x0;
	s11 =	sadd.s32 s11, s12  }
0x1b7: {  	v0 =	vlaneseq.u32;
	[sflag:s30] =	ssyncpa.u1 $0x0;
	p0 =	por $0x1, $0x1;
	s8 =	sadd.s32 $0x1, s11  }
.LBB2_18:
0x1b8: {  	s0 =	simm.s32 $0x2  }
0x1b9: {  	_ =	swait.ge [sflag:s0], $0x0  }
0x1ba: {  	[sflag:s0] =	ssyncset.done $0x0;
	s0 =	simm.s32 $0x0  }
.LBB2_19:
0x1bb: {  	_ =	swait.ge [sflag:s14], s0  }
0x1bc: {  	s31 =	ssub.s32 $0x0, s0;
	v1 =	vmov s20;
	vm0 =	veq.s32 v0, $0x0;
	[sflag:s14] =	ssyncset.done $0x0  }
0x1bd: {  	vm15 =	veq.s32 v0, $0x2;
	v1 =	vsel vm0, s24, v1;
	[sflag:s14] =	ssyncadd.s32 s31  }
0x1be: {  	v1 =	vsel vm15, s18, v1;
	[sflag:s14] =	ssyncpa.u1 $0x1  }
0x1bf: {  	[tilespmem:$0x3648] =	vst v1  }
.LBB2_20:
0x1c0: {  	s0 =	sadd.s32 $0x1B0, s16  }
0x1c1: {  	s2 =	smov.u32 s3;
	p1 =	slt.s32 s0, s4  }
0x1c2: {  	s2 =	smov.u32 @p1 s0;
	p1 =	sne.s32 s17, s8  }
.Ltmp1:
0x1c3: {  	_ = 	snop;
	(pc) =	sbr.rel @!p1 .LBB2_21-.Ltmp1, $4  }
0x1c4: {  	_ = 	snop  }
0x1c5: {  	s18 =	smov.u32 s15  }
0x1c6: {  	s31 =	sadd.s32 $0x1, s17;
	s15 =	smov.u32 s16;
	p0 =	por !p0, !p0  }
0x1c7: {  	p4 =	por !p4, !p4;
	s17 =	smov.u32 s31;
	s16 =	smov.u32 s2  }
.LBB2_1:
0x1c8: {  	p2 =	sge.u32 s17, s11  }
0x1c9: {  	s0 =	smulhi.u32 @!p2 $0xAAAAAAAB, s17  }
0x1ca: {  	s19 =	smov.u32 s16;
	p3 =	sgt.s32 @!p2 s16, $0xCF6A0  }
0x1cb: {  	s20 =	sshra.s32 @!p2 s16, $0x1F;
	p3 =	por !p3, p2;
	s0 =	sshrl.u32 @!p2 s0, $0x1  }
0x1cc: {  	s20 =	sand.u32 @!p2 s20, s16;
	s19 =	simm.s32 @p3 $0xCF6A0;
	s0 =	smul.u32 @!p2 $0x3, s0  }
0x1cd: {  	s19 =	ssub.s32 @!p2 s19, s20  }
0x1ce: {  	s19 =	sadd.s32 @!p2 $0xFFF30960, s19;
	s0 =	ssub.s32 @!p2 s17, s0  }
0x1cf: {  	s20 =	sshll.u32 @!p2 s19, $0x2;
	p3 =	sgt.s32 @!p2 s19, $0x1AF;
	s0 =	smul.u32 @!p2 $0x6C0, s0  }
0x1d0: {  	s21 =	sand.u32 @!p2 $0x7, s16;
	s19 =	ssub.s32 @!p2 $0x6C0, s20;
	p3 =	por !p3, p2  }
0x1d1: {  	s20 =	sshrl.u32 @!p2 s16, $0x3;
	s19 =	sshrl.u32 @!p2 s19, $0x2;
	s0 =	sshrl.u32 @!p2 s0, $0x2  }
0x1d2: {  	s20 =	sadd.s32 @!p2 s5, s20;
	s19 =	simm.s32 @!p3 $0x0;
	s0 =	sadd.s32 @!p2 $0x3878, s0  }
0x1d3: {  	[tilespmem:s0], [sflag:$0x8] =	stream.linear.gather @!p2 [hbm4b:s20+s21], s19, $0x38;
	[tilespmem:$0x1F0E8] =	vst v63  }
0x1d4: {  	s20 =	sadd.s32 $0xFFFFFFFF, s17  }
0x1d5: {  	p2 =	sge.u32 s20, s11  }
0x1d6: {  	p3 =	sgt.s32 @!p2 s15, $0xCF6A0  }
0x1d7: {  	s0 =	smov.u32 s15;
	s19 =	sshra.s32 @!p2 s15, $0x1F;
	p3 =	por !p3, p2  }
0x1d8: {  	s19 =	sand.u32 @!p2 s19, s15;
	s0 =	simm.s32 @p3 $0xCF6A0  }
0x1d9: {  	s0 =	ssub.s32 @!p2 s0, s19  }
0x1da: {  	s0 =	sadd.s32 @!p2 $0xFFF30960, s0  }
0x1db: {  	s19 =	sshll.u32 @!p2 s0, $0x2  }
0x1dc: {  	p3 =	sgt.s32 @!p2 s0, $0x1AF;
	s0 =	ssub.s32 @!p2 $0x6C0, s19  }
0x1dd: {  	p3 =	por !p3, p2;
	s0 =	sshrl.u32 @!p2 s0, $0x2  }
0x1de: {  	s21 =	simm.s32 @!p2 $0x8;
	s19 =	sand.u32 @!p2 $0x1, s20;
	s0 =	simm.s32 @!p3 $0x0  }
0x1df: {  	s19 =	smul.u32 @!p2 $0x6C0, s19;
	_ =	swait.ge @!p2 [sflag:s21], s0  }
0x1e0: {  	s22 =	ssub.s32 @!p2 $0x0, s0;
	[sflag:s21] =	ssyncset.done @!p2 $0x0  }
0x1e1: {  	s19 =	sshrl.u32 @!p2 s19, $0x2;
	[sflag:s21] =	ssyncadd.s32 @!p2 s22;
	s21 =	sshrl.u32 @!p2 s15, $0x3  }
0x1e2: {  	s19 =	sadd.s32 @!p2 $0x3D88, s19;
	s22 =	sand.u32 @!p2 $0x7, s15;
	s21 =	sadd.s32 @!p2 s6, s21  }
0x1e3: {  	[tilespmem:s19], [sflag:$0x9] =	stream.linear.gather @!p2 [hbm4b:s21+s22], s0, $0x38;
	[tilespmem:$0x1F0E8] =	vst v63  }
0x1e4: {  	s19 =	ssub.s32 @!p2 $0xCF850, s15  }
0x1e5: {  	p3 =	slt.s32 @!p2 s19, $0x1  }
0x1e6: {  	p3 =	por p2, p3  }
.Ltmp2:
0x1e7: {  	_ = 	snop;
	(pc) =	sbr.rel @p3 .LBB2_7-.Ltmp2, $1  }
0x1e8: {  	_ =	sdelay $0x3  }
0x1e9: {  	s0 =	smulhi.u32 $0xAAAAAAAB, s20;
	_ =	sdelay $0x1  }
0x1ea: {  	s0 =	sshrl.u32 s0, $0x1  }
0x1eb: {  	s0 =	smul.u32 $0x3, s0;
	_ =	sdelay $0x1  }
0x1ec: {  	s0 =	ssub.s32 s20, s0  }
0x1ed: {  	s21 =	simm.s32 $0x1;
	s0 =	smul.u32 $0x6C0, s0  }
.Ltmp3:
0x1ee: {  	s21 =	simm.s32 @!p0 $0x0;
	(pc) =	sbr.rel .LBB2_4-.Ltmp3, $4  }
0x1ef: {  	s31 =	smul.u32 $0x36000, s21  }
0x1f0: {  	p3 =	slt.s32 @!p2 s19, $0x1B0;
	s0 =	sshrl.u32 s0, $0x2  }
0x1f1: {  	p2 =	por !p3, p2;
	s20 =	sshrl.u32 s31, $0x2;
	s0 =	sadd.s32 $0x3878, s0  }
0x1f2: {  	s19 =	simm.s32 @p2 $0x1B0;
	s21 =	simm.s32 $0x0;
	s20 =	sadd.s32 $0x40E8, s20;
	v1 =	vmov s0  }
.LBB2_3:
0x1f3: {  	p2 =	sge.s32 s21, s19  }
.Ltmp4:
0x1f4: {  	_ = 	snop;
	(pc) =	sbr.rel @p2 .LBB2_7-.Ltmp4, $2  }
0x1f5: {  	_ =	sdelay $0x2  }
0x1f6: {  	s20 =	sadd.s32 $0x800, s20  }
.LBB2_4:
0x1f7: {  	p2 =	sle.s32 s19, s21  }
.Ltmp5:
0x1f8: {  	_ = 	snop;
	(pc) =	sbr.rel @p2 .LBB2_3-.Ltmp5, $2  }
0x1f9: {  	_ =	sdelay $0x2  }
0x1fa: {  	s22 =	smov.u32 s21;
	s21 =	sadd.s32 $0x10, s21  }
0x1fb: {  	s0 =	ssub.s32 s19, s22  }
0x1fc: {  	p2 =	slt.s32 s0, $0x10  }
0x1fd: {  	s0 =	simm.s32 @!p2 $0x10  }
0x1fe: {  	v2 =	vmov s0  }
0x1ff: {  	vm0 =	vgt.s32 v2, v0;
	_ =	sdelay $0x5  }
0x200: {  	v2 =	vld.idx.msk [tilespmem:v1+s22+$0x0 ss:$0x1], vm0;
	_ =	sdelay $0x2  }
0x201: {  	s23 =	smov.u32 s19;
	p2 =	slt.s32 s21, s19  }
0x202: {  	s24 =	smov.u32 s20;
	s25 =	simm.s32 $0x0;
	s23 =	smov.u32 @p2 s21  }
.LBB2_6:
0x203: {  	(v2sf) =	vpush v2, s25;
	_ =	sdelay $0xc  }
0x204: {  	s25 =	sadd.s32 $0x1, s25  }
0x205: {  	s31 =	sadd.s32 s25, s22  }
0x206: {  	p2 =	slt.s32 s31, s23;
	s0 =	spop (v2sf)  }
.Ltmp6:
0x207: {  	s0 =	sshll.u32 s0, $0x4;
	(pc) =	sbr.rel @p2 .LBB2_6-.Ltmp6, $4  }
0x208: {  	s0 =	sand.u32 $0x1FFFFFF0, s0  }
0x209: {  	s0 =	sadd.s32 s7, s0  }
0x20a: {  	[tilespmem:s24], [sflag:$0x7] =	stream.linear.gather [hbm4b:s0+s13], $0x4, $0x38;
	[tilespmem:$0x1F0E8] =	vst v63  }
0x20b: {  	s24 =	sadd.s32 $0x80, s24  }
.Ltmp7:
0x20c: {  	_ = 	snop;
	(pc) =	sbr.rel .LBB2_3-.Ltmp7, $1  }
0x20d: {  	_ =	sdelay $0x3  }
.LBB2_7:
0x20e: {  	p2 =	slt.u32 s17, $0x2  }
.Ltmp8:
0x20f: {  	_ = 	snop;
	(pc) =	sbr.rel @p2 .LBB2_20-.Ltmp8, $1  }
0x210: {  	_ =	sdelay $0x3  }
0x211: {  	p2 =	sgt.s32 s18, $0xCF6A0;
	s0 =	smov.u32 s18  }
0x212: {  	s19 =	sshra.s32 s18, $0x1F;
	s20 =	ssub.s32 $0xCF850, s18;
	s0 =	simm.s32 @!p2 $0xCF6A0  }
0x213: {  	s19 =	sand.u32 s19, s18;
	p2 =	slt.s32 s20, $0x1B0;
	s21 =	smov.u32 s20  }
0x214: {  	s0 =	ssub.s32 s0, s19;
	s21 =	simm.s32 @!p2 $0x1B0  }
0x215: {  	s0 =	sadd.s32 $0xFFF30960, s0;
	s26 =	sshll.u32 s21, $0x2  }
0x216: {  	s2 =	simm.s32 $0x7;
	s28 =	sshll.u32 s0, $0x2;
	s19 =	sand.u32 $0x3FFFFFFC, s26  }
0x217: {  	p2 =	sgt.s32 s0, $0x1AF;
	s29 =	ssub.s32 $0x6C0, s28;
	_ =	swait.ge [sflag:s2], s19  }
0x218: {  	s19 =	ssub.s32 $0x0, s19;
	[sflag:s2] =	ssyncset.done $0x0;
	s0 =	sshrl.u32 s29, $0x2  }
0x219: {  	s30 =	simm.s32 $0x9;
	[sflag:s2] =	ssyncadd.s32 s19;
	s0 =	simm.s32 @p2 $0x0  }
0x21a: {  	_ =	swait.ge [sflag:s30], s0  }
0x21b: {  	s0 =	ssub.s32 $0x0, s0;
	[sflag:s30] =	ssyncset.done $0x0  }
0x21c: {  	[sflag:s30] =	ssyncadd.s32 s0  }
0x21d: {  	v1 =	vld [tilespmem:$0x3648];
	_ =	sdelay $0x4  }
0x21e: {  	(v2sf) =	vpush v1, $0x0  }
0x21f: {  	(v2sf) =	vpush v1, $0x1  }
0x220: {  	(v2sf) =	vpush v1, $0x2;
	_ =	sdelay $0x3  }
0x221: {  	s0 =	sadd.s32 $0x1B0, s18  }
0x222: {  	p2 =	slt.s32 s4, s0  }
0x223: {  	s0 =	smov.u32 @p2 s4;
	p2 =	sgt.s32 s20, $0x0  }
0x224: {  	s22 =	ssub.s32 s0, s18;
	s20 =	simm.s32 @!p2 $0x0  }
0x225: {  	p2 =	slt.s32 s20, s22  }
0x226: {  	s22 =	smov.u32 @p2 s20  }
0x227: {  	s21 =	simm.s32 $0x1;
	p2 =	slt.s32 s22, $0x1  }
.Ltmp9:
0x228: {  	s21 =	simm.s32 @!p4 $0x0;
	(pc) =	sbr.rel @p2 .LBB2_12-.Ltmp9, $4  }
0x229: {  	s31 =	smul.u32 $0x6C0, s21  }
0x22a: {  	s23 =	spop (v2sf)  }
0x22b: {  	s0 =	sshrl.u32 s31, $0x2;
	s25 =	spop (v2sf)  }
0x22c: {  	s19 =	sadd.s32 $0x3D88, s0;
	s18 =	spop (v2sf)  }
0x22d: {  	s0 =	smin.u32 s22, $0x10  }
0x22e: {  	v1 =	vmov s0  }
0x22f: {  	p3 =	sgt.s32 s22, $0x10;
	vm1 =	vgt.u32 v1, v0  }
.Ltmp10:
0x230: {  	_ = 	snop;
	(pc) =	sbr.rel @!p3 .LBB2_11-.Ltmp10, $2  }
0x231: {  	_ =	sdelay $0x2  }
0x232: {  	s24 =	simm.s32 $0x10;
	s26 =	sadd.s32 $0xFFFFFFF0, s22;
	s20 =	smov.u32 s19;
	vm0 =	vmmov vm1  }
.LBB2_10:
0x233: {  	s0 =	smin.u32 s26, $0x10;
	s24 =	sadd.s32 $0x10, s24;
	v1 =	vld.msk [tilespmem:s20+$0x0 ss:$0x1], vm1  }
0x234: {  	v2 =	vmov s0;
	p3 =	slt.s32 s24, s22  }
0x235: {  	vm1 =	vgt.u32 v2, v0  }
.Ltmp11:
0x236: {  	(pc) =	sbr.rel @p3 .LBB2_10-.Ltmp11, $3  }
0x237: {  	_ =	sdelay $0x1  }
0x238: {  	v1 =	vshll.u32 v1, $0x4  }
0x239: {  	s26 =	sadd.s32 $0xFFFFFFF0, s26;
	[tilespmem:s20+$0x0] =	vst.msk vm0, v1;
	s20 =	sadd.s32 $0x10, s20;
	vm0 =	vmmov vm1  }
.LBB2_11:
0x23a: {  	_ =	sdelay $0x4  }
0x23b: {  	v1 =	vld.msk [tilespmem:s20+$0x0 ss:$0x1], vm1;
	_ =	sdelay $0x4  }
0x23c: {  	v1 =	vshll.u32 v1, $0x4  }
0x23d: {  	[tilespmem:s20+$0x0] =	vst.msk vm0, v1  }
.LBB2_12:
0x23e: {  	s0 =	sand.u32 $0x1, s17  }
0x23f: {  	s0 =	smul.u32 $0x1B0, s0  }
0x240: {  	p3 =	sne.s32 s25, $0xFFFFFFFF  }
0x241: {  	v1 =	vld.msk @!p3 [tilespmem:s0+$0x3D88], $0x1;
	_ =	sdelay $0x4  }
0x242: {  	(v2sf) =	vpush @!p3 v1, $0x0;
	_ =	sdelay $0xc  }
.Ltmp12:
0x243: {  	_ = 	snop;
	(pc) =	sbr.rel @p2 .LBB2_18-.Ltmp12, $4  }
0x244: {  	_ = 	snop  }
0x245: {  	s24 =	spop @!p3 (v2sf)  }
0x246: {  	s18 =	simm.s32 @!p3 $0x0;
	s20 =	smov.u32 s24  }
0x247: {  	[sflag:s14] =	ssyncpa.u1 $0x0;
	s24 =	smov.u32 @p3 s23;
	s20 =	smov.u32 @p3 s25  }
0x248: {  	v1 =	vld.msk [tilespmem:s19+$0x0], $0x1;
	_ =	sdelay $0x4  }
0x249: {  	(v2sf) =	vpush v1, $0x0;
	_ =	sdelay $0xd  }
0x24a: {  	s0 =	simm.s32 @!p4 $0x0  }
0x24b: {  	s26 =	smul.u32 $0x36000, s21;
	s25 =	ssub.s32 $0x0, s22;
	s28 =	spop (v2sf)  }
0x24c: {  	s0 =	simm.s32 @p4 $0x1;
	s23 =	sadd.s32 $0x1, s25;
	p2 =	seq.s32 s24, s28  }
0x24d: {  	[smem:$0x7FD] =	sst s0;
	s0 =	sshrl.u32 s26, $0x2;
	p3 =	sgt.s32 @!p2 s24, $0x0  }
0x24e: {  	s21 =	sadd.s32 $0x40E8, s0;
	s0 =	smov.u32 s24;
	p3 =	por !p3, p2  }
0x24f: {  	s0 =	simm.s32 @p3 $0x0;
	p3 =	seq.s32 s23, $0x0  }
.Ltmp13:
0x250: {  	_ = 	snop;
	(pc) =	sbr.rel @p3 .LBB2_15-.Ltmp13, $4  }
0x251: {  	s3 =	smov.u32 s8;
	s12 =	smov.u32 s5;
	s8 =	smov.u32 s6  }
0x252: {  	s22 =	simm.s32 $0x0;
	s29 =	simm.s32 @!p2 $0x1;
	s0 =	smin.u32 @!p2 s0, $0xC34FF  }
0x253: {  	s30 =	simm.s32 @!p2 $0x1B38;
	s29 =	smov.u32 @p2 s22;
	s26 =	sand.u32 @!p2 $0xFFFF8, s0  }
0x254: {  	s31 =	sand.u32 @!p2 $0x7, s0;
	s0 =	sadd.s32 @!p2 s1, s26;
	s26 =	sadd.s32 $0x1, s19  }
.LBB2_14:
0x255: {  	s2 =	smov.u32 s29  }
0x256: {  	[tilespmem:s30], [sflag:$0x2] =	stream.linear.gather @!p2 [hbm4b:s0+s31], $0x4, $0x38;
	[tilespmem:$0x1F0E8] =	vst v63  }
0x257: {  	s23 =	sadd.s32 $0x1, s23;
	s0 =	smov.u32 s28;
	v1 =	vld.msk [tilespmem:s26+$0x0], $0x1  }
0x258: {  	p3 =	seq.s32 s23, $0x0;
	_ =	sdelay $0x3  }
0x259: {  	(v2sf) =	vpush v1, $0x0;
	_ =	sdelay $0xe  }
0x25a: {  	s28 =	spop (v2sf)  }
0x25b: {  	p2 =	seq.s32 s0, s28  }
0x25c: {  	p4 =	sgt.s32 @!p2 s0, $0x0;
	s30 =	sshll.u32 @!p2 s29, $0x6;
	s29 =	sadd.s32 @!p2 $0x1, s29  }
.Ltmp14:
0x25d: {  	p4 =	por !p4, p2;
	s30 =	sshra.s32 @!p2 s30, $0x2;
	(pc) =	sbr.rel @!p3 .LBB2_14-.Ltmp14, $4  }
0x25e: {  	s29 =	smov.u32 @p2 s2;
	s0 =	simm.s32 @p4 $0x0;
	s30 =	sadd.s32 @!p2 $0x1B38, s30  }
0x25f: {  	s0 =	smin.u32 @!p2 s0, $0xC34FF  }
0x260: {  	s2 =	sand.u32 @!p2 $0xFFFF8, s0;
	s31 =	sand.u32 @!p2 $0x7, s0  }
0x261: {  	s26 =	sadd.s32 $0x1, s26;
	s0 =	sadd.s32 @!p2 s1, s2  }
.LBB2_15:
0x262: {  	[tilespmem:s30], [sflag:$0x2] =	stream.linear.gather @!p2 [hbm4b:s0+s31], $0x4, $0x38;
	[tilespmem:$0x1F0E8] =	vst v63  }
0x263: {  	s31 =	sshll.u32 s29, $0x2  }
0x264: {  	s2 =	simm.s32 $0x2;
	s0 =	sand.u32 $0x3FFFFFFC, s31  }
0x265: {  	_ =	swait.ge [sflag:s2], s0  }
0x266: {  	s0 =	ssub.s32 $0x0, s0;
	[sflag:s2] =	ssyncset.done $0x0  }
0x267: {  	[sflag:s2] =	ssyncadd.s32 s0  }
0x268: {  	v1 =	vld.msk [tilespmem:s19+$0x0], $0x1;
	_ =	sdelay $0x4  }
0x269: {  	(v2sf) =	vpush v1, $0x0;
	_ =	sdelay $0xe  }
0x26a: {  	s23 =	spop (v2sf)  }
0x26b: {  	p2 =	sne.s32 s24, s23  }
0x26c: {  	p4 =	sne.s32 @p2 s24, s20  }
0x26d: {  	p3 =	por !p4, !p2  }
0x26e: {  	s0 =	simm.s32 @!p3 $0x0  }
0x26f: {  	v1 =	vld.msk @!p3 [tilespmem:s0+$0x1B38], $0xf  }
0x270: {  	p5 =	sgt.u32 @!p3 s24, $0xC34FF  }
0x271: {  	s2 =	sshll.u32 @!p3 s18, $0x6;
	p6 =	por @p2 p5, !p4  }
0x272: {  	s2 =	sshra.s32 @!p3 s2, $0x2;
	p1 =	por p6, !p2;
	p6 =	por p4, !p2  }
0x273: {  	s26 =	sadd.s32 @!p3 $0x28, s2;
	s28 =	sand.u32 @!p1 $0xFFFF8, s24;
	s29 =	sshll.u32 @!p6 s18, $0x6  }
0x274: {  	s24 =	sand.u32 @!p1 $0x7, s24;
	[tilespmem:s2+$0x28] =	vst.add.f32.msk @!p3 $0xf, v1;
	s2 =	sadd.s32 @!p1 s1, s28;
	s28 =	sshra.s32 @!p6 s29, $0x2  }
0x275: {  	[hbm4b:s2+s24] =	stream.linear.scatter @!p1 [tilespmem:s26], [sflag:$0xA], $0x4, $0x38;
	[tilespmem:$0x1F0E8] =	vst v63  }
0x276: {  	s0 =	rddreg [dreg:$0x2];
	s2 =	sadd.s32 @!p6 $0x28, s28;
	s24 =	simm.s32 @!p6 $0x1  }
0x277: {  	[spmem:s0] =	stream.linear.scatter @!p6 [tilespmem:s2], [sflag:$0x1], $0x4, $0x38;
	[tilespmem:$0x1F0E8] =	vst v63  }
0x278: {  	s0 =	sadd.s32 @p2 $0x1, s18;
	_ =	swait.ge @!p6 [sflag:s24], $0x4  }
0x279: {  	s2 =	sshrl.u32 @p2 s0, $0x4;
	[sflag:s24] =	ssyncset.done @!p6 $0x0  }
0x27a: {  	s2 =	smulhi.u32 @p2 $0x97B425F, s2;
	[sflag:s24] =	ssyncadd.s32 @!p6 $0xFFFFFFFC  }
0x27b: {  	s24 =	sadd.s32 $0x1, s25;
	v1 =	vld.msk @p2 [tilespmem:s21+$0x0], $0xf  }
0x27c: {  	p1 =	por @p2 !p5, !p4;
	s2 =	smul.u32 @p2 $0x1B0, s2;
	p4 =	seq.s32 s24, $0x0  }
.Ltmp15:
0x27d: {  	p1 =	por !p1, !p2;
	s25 =	simm.s32 @!p3 $0x0;
	(pc) =	sbr.rel @p4 .LBB2_17-.Ltmp15, $4  }
0x27e: {  	s26 =	sshll.u32 @!p2 s18, $0x6;
	s25 =	simm.s32 @!p1 $0x10;
	s0 =	ssub.s32 @p2 s0, s2  }
0x27f: {  	s26 =	sshra.s32 @!p2 s26, $0x2;
	s28 =	sadd.s32 @!p3 $0x0, s25;
	s29 =	sshll.u32 @p2 s0, $0x4  }
0x280: {  	s25 =	simm.s32 $0x0;
	s2 =	simm.s32 @p2 $0x1;
	s28 =	smov.u32 @p3 s22;
	[tilespmem:s29+$0x28] =	vst.msk @p2 $0xf, v1  }
0x281: {  	s18 =	smov.u32 @p2 s0;
	s25 =	smov.u32 @p2 s28;
	s22 =	smov.u32 @p2 s2;
	v1 =	vld.msk @!p2 [tilespmem:s21+$0x0], $0xf  }
.LBB2_16:
0x282: {  	_ =	sdelay $0x3  }
0x283: {  	s19 =	sadd.s32 $0x1, s19;
	[tilespmem:s26+$0x28] =	vst.add.f32.msk @!p2 $0xf, v1  }
0x284: {  	v1 =	vld.msk [tilespmem:s19+$0x0], $0x1;
	_ =	sdelay $0x4  }
0x285: {  	(v2sf) =	vpush v1, $0x0;
	_ =	sdelay $0xe  }
0x286: {  	s0 =	smov.u32 s23;
	s23 =	spop (v2sf)  }
0x287: {  	p2 =	sne.s32 s0, s23  }
0x288: {  	p5 =	sne.s32 @p2 s0, s20  }
0x289: {  	p4 =	por !p5, !p2  }
0x28a: {  	s30 =	sshll.u32 @!p4 s22, $0x6  }
0x28b: {  	s30 =	sshra.s32 @!p4 s30, $0x2  }
0x28c: {  	p1 =	sgt.u32 @!p4 s0, $0xC34FF;
	v1 =	vld.msk @!p4 [tilespmem:s30+$0x1B38], $0xf  }
0x28d: {  	s31 =	sshll.u32 @!p4 s18, $0x6;
	p6 =	por @p2 p1, !p5;
	p1 =	por @p2 !p1, !p5  }
0x28e: {  	s5 =	simm.s32 @!p4 $0x0;
	s31 =	sshra.s32 @!p4 s31, $0x2;
	p1 =	por !p1, !p2  }
0x28f: {  	p5 =	por p5, !p2;
	s5 =	simm.s32 @!p1 $0x10;
	p1 =	por p6, !p2  }
0x290: {  	s30 =	sadd.s32 @!p4 $0x28, s31;
	s6 =	sshll.u32 @!p5 s18, $0x6;
	s10 =	sand.u32 @!p1 $0xFFFF8, s0  }
0x291: {  	s6 =	sshra.s32 @!p5 s6, $0x2;
	s0 =	sand.u32 @!p1 $0x7, s0;
	s10 =	sadd.s32 @!p1 s1, s10;
	[tilespmem:s31+$0x28] =	vst.add.f32.msk @!p4 $0xf, v1  }
0x292: {  	[hbm4b:s10+s0] =	stream.linear.scatter @!p1 [tilespmem:s30], [sflag:$0xA], $0x4, $0x38;
	[tilespmem:$0x1F0E8] =	vst v63  }
0x293: {  	s2 =	rddreg [dreg:$0x2];
	s0 =	sadd.s32 @!p5 $0x28, s6;
	s6 =	simm.s32 @!p5 $0x1  }
0x294: {  	[spmem:s2] =	stream.linear.scatter @!p5 [tilespmem:s0], [sflag:$0x1], $0x4, $0x38;
	[tilespmem:$0x1F0E8] =	vst v63  }
0x295: {  	s28 =	sadd.s32 @p2 $0x1, s18;
	_ =	swait.ge @!p5 [sflag:s6], $0x4  }
0x296: {  	s29 =	sshrl.u32 @p2 s28, $0x4;
	[sflag:s6] =	ssyncset.done @!p5 $0x0  }
0x297: {  	s21 =	sadd.s32 $0x80, s21;
	s29 =	smulhi.u32 @p2 $0x97B425F, s29;
	[sflag:s6] =	ssyncadd.s32 @!p5 $0xFFFFFFFC  }
0x298: {  	s24 =	sadd.s32 $0x1, s24;
	v1 =	vld.msk @p2 [tilespmem:s21+$0x0], $0xf  }
0x299: {  	p3 =	seq.s32 s24, $0x0;
	s29 =	smul.u32 @p2 $0x1B0, s29  }
.Ltmp16:
0x29a: {  	_ = 	snop;
	(pc) =	sbr.rel @!p3 .LBB2_16-.Ltmp16, $4  }
0x29b: {  	s28 =	ssub.s32 @p2 s28, s29  }
0x29c: {  	s26 =	sshll.u32 @!p2 s18, $0x6;
	s5 =	sadd.s32 @!p4 s5, s25;
	s10 =	sshll.u32 @p2 s28, $0x4  }
0x29d: {  	s9 =	sadd.s32 @p2 $0x1, s22;
	s26 =	sshra.s32 @!p2 s26, $0x2;
	s5 =	smov.u32 @p4 s25;
	[tilespmem:s10+$0x28] =	vst.msk @p2 $0xf, v1  }
0x29e: {  	s22 =	smov.u32 @p2 s9;
	s18 =	smov.u32 @p2 s28;
	s25 =	smov.u32 @p2 s5;
	v1 =	vld.msk @!p2 [tilespmem:s21+$0x0], $0xf  }
.LBB2_17:
.Ltmp17:
0x29f: {  	_ = 	snop;
	(pc) =	sbr.rel .LBB2_19-.Ltmp17, $4  }
0x2a0: {  	s2 =	sld [smem:$0x7FD]  }
0x2a1: {  	s0 =	sshrl.u32 s25, $0x2  }
0x2a2: {  	s24 =	smov.u32 s23;
	s6 =	smov.u32 s8;
	s5 =	smov.u32 s12  }
0x2a3: {  	s8 =	smov.u32 s3;
	s3 =	rddreg [dreg:$0x3];
	p4 =	seq.s32 s2, $0x1;
	[tilespmem:s26+$0x28] =	vst.add.f32.msk @!p2 $0xf, v1  }
.LBB2_21:
0x2a4: {  	_ =	sfence.sel $0x180000  }
0x2a5: {  	s0 =	simm.s32 $0x7;
	[bflag:$0x0] =	sbarrier.arrive $0xFFFF  }
0x2a6: {  	s25 =	simm.s32 $0x8;
	[sflag:s0] =	ssyncpa.u1 $0x1  }
0x2a7: {  	s26 =	simm.s32 $0x9;
	[sflag:s25] =	ssyncpa.u1 $0x1  }
0x2a8: {  	s28 =	simm.s32 $0x2;
	[sflag:s26] =	ssyncpa.u1 $0x1  }
0x2a9: {  	[sflag:s28] =	ssyncpa.u1 $0x1  }
0x2aa: {  	v0 =	vld [tilespmem:$0x3648];
	_ =	sdelay $0x4  }
0x2ab: {  	(v2sf) =	vpush v0, $0x0  }
0x2ac: {  	(v2sf) =	vpush v0, $0x1;
	_ =	sdelay $0x1  }
0x2ad: {  	(v2sf) =	vpush v0, $0x2;
	_ =	sdelay $0xb  }
0x2ae: {  	s0 =	spop (v2sf)  }
0x2af: {  	s2 =	spop (v2sf)  }
0x2b0: {  	s3 =	smov.u32 s0;
	p0 =	sne.s32 s0, s2  }
0x2b1: {  	s4 =	spop (v2sf);
	s3 =	simm.s32 @!p0 $0xFFFFFFFF  }
0x2b2: {  	v2 =	vimm.s32 $0x1;
	v3 =	vlaneseq.u32;
	p0 =	seq.s32 s4, $0xFFFFFFFF;
	v1 =	vmov s3  }
0x2b3: {  	s7 =	stileid.u32;
	v0 =	vperm.xlane v0, v2;
	p1 =	sne.s32 @!p0 s0, s2;
	v1 =	vperm.xlane v1, v3  }
0x2b4: {  	vm0 =	vcmask $0x3F04;
	s6 =	simm.s32 $0x3648;
	s0 =	simm.s32 @!p0 $0x1;
	p1 =	por !p1, p0  }
0x2b5: {  	s3 =	sshll.u32 s7, $0x1;
	s2 =	sshll.u32 @!p0 s4, $0x6;
	s0 =	simm.s32 @p1 $0x0;
	v0 =	vsel vm0, v1, v0  }
0x2b6: {  	s5 =	sor.u32 $0x200, s3;
	s2 =	sshra.s32 @!p0 s2, $0x2;
	s0 =	sor.u32 @!p0 s0, s3;
	[tilespmem:$0x3648] =	vst v0  }
0x2b7: {  	[spmem:s5] =	stream.linear.scatter [tilespmem:s6], [sflag:$0x1], $0x2, $0x38;
	[tilespmem:$0x1F0E8] =	vst v63  }
0x2b8: {  	s2 =	sadd.s32 @!p0 $0x28, s2;
	s0 =	sshll.u32 @!p0 s0, $0x4  }
0x2b9: {  	[spmem:s0] =	stream.linear.scatter @!p0 [tilespmem:s2], [sflag:$0x1], $0x10, $0x38;
	[tilespmem:$0x1F0E8] =	vst v63  }
0x2ba: {  	s0 =	simm.s32 @!p0 $0x12  }
0x2bb: {  	s3 =	simm.s32 $0x1;
	s0 =	simm.s32 @p0 $0x2  }
0x2bc: {  	_ =	swait.ge [sflag:s3], s0  }
0x2bd: {  	s0 =	ssub.s32 $0x0, s0;
	[sflag:s3] =	ssyncset.done $0x0  }
0x2be: {  	[sflag:s3] =	ssyncadd.s32 s0  }
0x2bf: {  	_ =	sfence.stream.spmem  }
0x2c0: {  	s29 =	simm.s32 $0x3;
	[bflag:$0x0] =	sbarrier.arrive $0xFFFF  }
0x2c1: {  	s30 =	simm.s32 $0x4;
	[sflag:s29] =	ssyncpa.u1 $0x1  }
0x2c2: {  	s31 =	simm.s32 $0x3C;
	[sflag:s30] =	ssyncpa.u1 $0x1  }
0x2c3: {  	p0 =	sne.s32 s7, $0x0;
	[sflag:s31] =	ssyncpa.u1 $0x1  }
0x2c4: {  	_ =	sfence @p0  }
0x2c5: {  	[sflag:s3] =	ssyncpa.u1 @p0 $0x1  }
0x2c6: {  	_ =	strace @p0 $0x90000056  }
0x2c7: {  	[bflag:$0x2] =	sbarrier.arrive @p0 $0xFFFF  }
0x2c8: {  	_ =	shalt @p0  }
.LBB2_22:
0x2c9: {  	_ =	sfence.stream.spmem;
	s0 =	simm.s32 $0x5  }
0x2ca: {  	s2 =	simm.s32 $0x200;
	s3 =	simm.s32 $0x3658;
	[sflag:s0] =	ssyncpa.u1 $0x0  }
0x2cb: {  	[tilespmem:s3], [sflag:$0x5] =	stream.linear.gather [spmem:s2], $0x20, $0x38;
	[tilespmem:$0x1F0E8] =	vst v63  }
0x2cc: {  	s30 =	simm.s32 $0x3678;
	s2 =	simm.s32 $0x0  }
0x2cd: {  	[tilespmem:s30], [sflag:$0x5] =	stream.linear.gather [spmem:s2], $0x200, $0x38;
	[tilespmem:$0x1F0E8] =	vst v63  }
.Ltmp18:
0x2ce: {  	_ = 	snop;
	(pc) =	sbr.rel .LBB2_23-.Ltmp18, $4  }
0x2cf: {  	_ =	swait.ge [sflag:s0], $0x220  }
0x2d0: {  	[sflag:s0] =	ssyncset.done $0x0  }
0x2d1: {  	s31 =	simm.s32 $0x6;
	[sflag:s0] =	ssyncadd.s32 $0xFFFFFDE0  }
0x2d2: {  	s3 =	simm.s32 $0x0;
	[sflag:s31] =	ssyncpa.u1 $0x0  }
.LBB2_28:
0x2d3: {  	p0 =	slt.u32 s4, $0xC3500  }
0x2d4: {  	s0 =	sand.u32 @p0 $0xFFFF8, s4  }
0x2d5: {  	s4 =	sand.u32 @p0 $0x7, s4;
	s5 =	simm.s32 @p0 $0x3638;
	s0 =	sadd.s32 @p0 s1, s0  }
0x2d6: {  	[tilespmem:s5], [sflag:$0x6] =	stream.linear.gather @p0 [hbm4b:s0+s4], $0x4, $0x38;
	[tilespmem:$0x1F0E8] =	vst v63  }
0x2d7: {  	s0 =	simm.s32 @p0 $0x6  }
0x2d8: {  	_ =	swait.ge @p0 [sflag:s0], $0x4  }
0x2d9: {  	[sflag:s0] =	ssyncset.done @p0 $0x0  }
0x2da: {  	[sflag:s0] =	ssyncadd.s32 @p0 $0xFFFFFFFC  }
0x2db: {  	v1 =	vld @p0 [tilespmem:$0x3638];
	_ =	sdelay $0x2  }
0x2dc: {  	s0 =	sshll.u32 @p0 s3, $0x6  }
0x2dd: {  	s5 =	sshll.u32 @!p0 s3, $0x6;
	s4 =	sshrl.u32 @p0 s0, $0x2  }
0x2de: {  	s5 =	smov.u32 @p0 s0;
	[tilespmem:s4+$0x3678] =	vst.add.f32.msk @p0 $0xffff, v1  }
0x2df: {  	s0 =	sshrl.u32 s5, $0x2;
	[tilespmem:s2+$0x3658] =	vst.msk $0x1, v0  }
0x2e0: {  	v0 =	vld [tilespmem:s0+$0x3678];
	_ =	sdelay $0x2  }
0x2e1: {  	s31 =	sshll.u32 s2, $0x6  }
0x2e2: {  	s0 =	sshra.s32 s31, $0x2  }
0x2e3: {  	s2 =	sadd.s32 $0x1, s2;
	[tilespmem:s0+$0x3678] =	vst v0  }
.LBB2_30:
0x2e4: {  	s3 =	sadd.s32 $0x1, s3  }
0x2e5: {  	p0 =	sne.s32 s3, $0x20  }
.Ltmp19:
0x2e6: {  	_ = 	snop;
	(pc) =	sbr.rel @!p0 .LBB2_31-.Ltmp19, $1  }
0x2e7: {  	_ =	sdelay $0x3  }
.LBB2_23:
0x2e8: {  	v0 =	vld.msk [tilespmem:s3+$0x3658], $0x1;
	_ =	sdelay $0x4  }
0x2e9: {  	(v2sf) =	vpush v0, $0x0;
	_ =	sdelay $0xe  }
0x2ea: {  	s4 =	spop (v2sf)  }
0x2eb: {  	p0 =	seq.s32 s4, $0xFFFFFFFF  }
.Ltmp20:
0x2ec: {  	_ = 	snop;
	(pc) =	sbr.rel @p0 .LBB2_30-.Ltmp20, $1  }
0x2ed: {  	_ =	sdelay $0x3  }
0x2ee: {  	p0 =	slt.s32 s2, $0x1  }
.Ltmp21:
0x2ef: {  	_ = 	snop;
	(pc) =	sbr.rel @p0 .LBB2_28-.Ltmp21, $1  }
0x2f0: {  	_ =	sdelay $0x3  }
0x2f1: {  	s5 =	simm.s32 $0x3658;
	p0 =	por $0x0, $0x0  }
0x2f2: {  	v1 =	vld.msk @!p0 [tilespmem:s5+$0x0], $0x1;
	_ =	sdelay $0x4  }
0x2f3: {  	(v2sf) =	vpush @!p0 v1, $0x0;
	_ =	sdelay $0xd  }
0x2f4: {  	p2 =	sne.s32 s2, $0x1  }
.Ltmp22:
0x2f5: {  	s0 =	spop @!p0 (v2sf);
	(pc) =	sbr.rel @!p2 .LBB2_27-.Ltmp22, $4  }
0x2f6: {  	p1 =	seq.s32 @!p0 s4, s0  }
0x2f7: {  	s6 =	simm.s32 $0x0;
	p1 =	por !p1, p0  }
0x2f8: {  	s0 =	simm.s32 $0xFFFFFFFF;
	s6 =	simm.s32 @p1 $0xFFFFFFFF  }
0x2f9: {  	s7 =	simm.s32 $0x1;
	s6 =	smov.u32 @p0 s0  }
.LBB2_26:
0x2fa: {  	s0 =	smov.u32 s6;
	p0 =	sne.s32 s6, $0xFFFFFFFF  }
0x2fb: {  	s5 =	sadd.s32 $0x1, s5;
	s6 =	smov.u32 s7;
	s7 =	sadd.s32 $0x1, s7  }
0x2fc: {  	p1 =	sne.s32 s2, s7;
	v1 =	vld.msk @!p0 [tilespmem:s5+$0x0], $0x1;
	_ =	sdelay $0x4  }
0x2fd: {  	(v2sf) =	vpush @!p0 v1, $0x0;
	_ =	sdelay $0xe  }
.Ltmp23:
0x2fe: {  	s8 =	spop @!p0 (v2sf);
	(pc) =	sbr.rel @p1 .LBB2_26-.Ltmp23, $4  }
0x2ff: {  	p2 =	seq.s32 @!p0 s4, s8  }
0x300: {  	p2 =	por !p2, p0  }
0x301: {  	s6 =	simm.s32 @p2 $0xFFFFFFFF  }
0x302: {  	s6 =	smov.u32 @p0 s0  }
.LBB2_27:
0x303: {  	p0 =	sne.s32 s6, $0xFFFFFFFF  }
.Ltmp24:
0x304: {  	_ = 	snop;
	(pc) =	sbr.rel @!p0 .LBB2_28-.Ltmp24, $1  }
0x305: {  	_ =	sdelay $0x3  }
0x306: {  	s0 =	sshll.u32 s3, $0x4  }
0x307: {  	s0 =	sand.u32 $0x3FFFFFF0, s0  }
0x308: {  	v0 =	vld [tilespmem:s0+$0x3678]  }
.Ltmp25:
0x309: {  	_ = 	snop;
	(pc) =	sbr.rel .LBB2_30-.Ltmp25, $4  }
0x30a: {  	_ = 	snop  }
0x30b: {  	s31 =	sshll.u32 s6, $0x6  }
0x30c: {  	s0 =	sshra.s32 s31, $0x2  }
0x30d: {  	[tilespmem:s0+$0x3678] =	vst.add.f32.msk $0xffff, v0  }
.LBB2_31:
0x30e: {  	p0 =	slt.s32 s2, $0x1  }
.Ltmp26:
0x30f: {  	_ = 	snop;
	(pc) =	sbr.rel @p0 .LBB2_35-.Ltmp26, $3  }
0x310: {  	_ =	sdelay $0x1  }
0x311: {  	s0 =	simm.s32 $0x6  }
0x312: {  	s3 =	simm.s32 $0x0;
	[sflag:s0] =	ssyncpa.u1 $0x1  }
0x313: {  	s0 =	simm.s32 $0x3658  }
0x314: {  	v0 =	vld.msk [tilespmem:s0+$0x0], $0x1;
	_ =	sdelay $0x4  }
0x315: {  	(v2sf) =	vpush v0, $0x0;
	_ =	sdelay $0xd  }
0x316: {  	s2 =	sadd.s32 $0xFFFFFFFF, s2  }
0x317: {  	p1 =	sne.s32 s2, $0x0;
	s0 =	spop (v2sf)  }
.Ltmp27:
0x318: {  	p0 =	sgt.u32 s0, $0xC34FF;
	(pc) =	sbr.rel @!p1 .LBB2_34-.Ltmp27, $4  }
0x319: {  	s4 =	simm.s32 $0x3678;
	s5 =	sand.u32 @!p0 $0xFFFF8, s0  }
0x31a: {  	s6 =	simm.s32 $0x0;
	s0 =	sand.u32 @!p0 $0x7, s0;
	s5 =	sadd.s32 @!p0 s1, s5  }
0x31b: {  	[hbm4b:s5+s0] =	stream.linear.scatter @!p0 [tilespmem:s4], [sflag:$0x5], $0x4, $0x38;
	[tilespmem:$0x1F0E8] =	vst v63  }
0x31c: {  	s6 =	simm.s32 @!p0 $0x10;
	s5 =	simm.s32 $0x3659  }
.LBB2_33:
0x31d: {  	v0 =	vld.msk [tilespmem:s5+$0x0], $0x1;
	s2 =	sadd.s32 $0xFFFFFFFF, s2;
	s3 =	sadd.s32 s3, s6  }
0x31e: {  	p0 =	sne.s32 s2, $0x0;
	_ =	sdelay $0x3  }
0x31f: {  	(v2sf) =	vpush v0, $0x0;
	_ =	sdelay $0xe  }
.Ltmp28:
0x320: {  	s0 =	spop (v2sf);
	(pc) =	sbr.rel @p0 .LBB2_33-.Ltmp28, $4  }
0x321: {  	s6 =	simm.s32 $0x0;
	p1 =	sgt.u32 s0, $0xC34FF  }
0x322: {  	s4 =	sadd.s32 $0x10, s4;
	s6 =	simm.s32 @!p1 $0x10;
	s7 =	sand.u32 @!p1 $0xFFFF8, s0  }
0x323: {  	s5 =	sadd.s32 $0x1, s5;
	s0 =	sand.u32 @!p1 $0x7, s0;
	s7 =	sadd.s32 @!p1 s1, s7  }
0x324: {  	[hbm4b:s7+s0] =	stream.linear.scatter @!p1 [tilespmem:s4], [sflag:$0x5], $0x4, $0x38;
	[tilespmem:$0x1F0E8] =	vst v63  }
.LBB2_34:
0x325: {  	s0 =	sadd.s32 s3, s6  }
0x326: {  	s3 =	sshrl.u32 s0, $0x2  }
.LBB2_35:
0x327: {  	s0 =	simm.s32 $0x5  }
0x328: {  	_ =	swait.ge [sflag:s0], s3  }
0x329: {  	s1 =	ssub.s32 $0x0, s3;
	[sflag:s0] =	ssyncset.done $0x0  }
0x32a: {  	[sflag:s0] =	ssyncadd.s32 s1  }
0x32b: {  	[sflag:s0] =	ssyncpa.u1 $0x1  }
0x32c: {  	s30 =	simm.s32 $0x1;
	_ =	sfence  }
0x32d: {  	[sflag:s30] =	ssyncpa.u1 $0x1  }
0x32e: {  	_ =	strace $0x90000056  }
0x32f: {  	[bflag:$0x2] =	sbarrier.arrive $0xFFFF  }
0x330: {  	s31 =	rddreg [dreg:$0x1]  }
0x331: {  	s0 =	sadd.s32 $0x100000, s31  }
0x332: {  	[sflag:s0] =	ssyncadd.tile.s32 $0x1;
	_ =	shalt  }
.Lfunc_end2:
_tile_overlayer_lowered:
.L_overlay_start_2:
0x333: {  	(tag) =	ssettag $0x2  }
0x334: {  	s0 =	rddreg [dreg:$0x0];
	s2 =	stileid.u32  }
0x335: {  	s1 =	rddreg [dreg:$0x1];
	p0 =	sne.s32 s2, $0x0  }
0x336: {  	s3 =	rddreg [dreg:$0x2];
	[bflag:$0x3] =	sbarrier.arrive $0xFFFF;
	s2 =	simm.s32 @!p0 $0x1C01  }
0x337: {  	[timem:s3], [sflag:s2] =	dma.local @!p0 [hbm:s0], s1  }
0x338: {  	s0 =	simm.s32 @!p0 $0x1  }
0x339: {  	_ =	swait.ge @!p0 [sflag:s0], s1  }
0x33a: {  	s1 =	ssub.s32 @!p0 $0x0, s1;
	[sflag:s0] =	ssyncset.done @!p0 $0x0  }
0x33b: {  	[sflag:s0] =	ssyncadd.s32 @!p0 s1  }
0x33c: {  	[bflag:$0x3] =	sbarrier.arrive $0xFFFF  }
0x33d: {  	_ =	shalt  }

// kernel: scatter_offload_async_start
scs
__scs_entry_jumppad:
0x0: {  	(pc) =	sbr.rel $0x88, $3  }
0x1: {  	(tag) =	ssettag $0x0;
	lr =	simm.s32 $0x1  }
0x2: {  	[smem:$0x3F91] =	sst lr;
	_ =	strace $0xD0000000  }
0x3: {  	_ = 	snop  }
0x4: {  	_ = 	snop  }
0x5: {  	_ = 	snop  }
0x6: {  	_ = 	snop  }
0x7: {  	_ = 	snop  }
__scs_overlays_trampoline_lowered:
0x8: {  	[smem:$0x3FA0] =	sst s0  }
0x9: {  	[smem:$0x3FA1] =	sst s1  }
0xa: {  	[smem:$0x3FA2] =	sst s2  }
0xb: {  	[smem:$0x3FA3] =	sst s3  }
0xc: {  	[smem:$0x3FA4] =	sst s4  }
0xd: {  	[smem:$0x3FA5] =	sst s5  }
0xe: {  	[smem:$0x3FA6] =	sst s6  }
0xf: {  	[smem:$0x3FA7] =	sst s7  }
0x10: {  	[smem:$0x3FA8] =	sst s8  }
0x11: {  	[smem:$0x3FA9] =	sst s9;
	s0 =	simm.s32 @!p0 $0x0  }
0x12: {  	s1 =	sld [smem:$0x3F8F];
	s0 =	simm.s32 @p0 $0x1  }
0x13: {  	[smem:$0x3FAA] =	sst s0;
	s0 =	simm.s32 @!p1 $0x0  }
0x14: {  	s2 =	sld [smem:$0x3F8E];
	s0 =	simm.s32 @p1 $0x1  }
0x15: {  	[smem:$0x3FAB] =	sst s0;
	s0 =	simm.s32 @!p2 $0x0  }
0x16: {  	s3 =	sld [smem:$0x3FDB];
	s0 =	simm.s32 @p2 $0x1  }
0x17: {  	s4 =	simm.s32 $0x1BF5;
	[smem:$0x3FAD] =	sst s0  }
0x18: {  	s0 =	sld [smem:$0x3F90];
	_ =	swait.ge [sflag:s4], $0x0  }
0x19: {  	s7 =	sld [smem:$0x3F91]  }
0x1a: {  	s8 =	sadd.s32 $0xFFFFE003, lr  }
0x1b: {  	s9 =	sadd.s32 $0xFFFFFEF7, lr;
	s5 =	simm.s32 $0xFFFFFFFF;
	p2 =	slt.u32 s8, $0xFFFFF086  }
0x1c: {  	p1 =	slt.u32 s9, $0xF7A;
	s5 =	simm.s32 @!p2 $0x0  }
0x1d: {  	s5 =	simm.s32 @p1 $0x1;
	p0 =	seq.s32 s7, s2  }
0x1e: {  	s7 =	smul.u32 @!p0 $0xF7A, s2;
	p2 =	seq.s32 @!p0 s5, $0x0  }
0x1f: {  	s9 =	smul.u32 $0xF7A, s1;
	s8 =	simm.s32 @!p0 $0x1BF5;
	p2 =	por !p2, p0  }
0x20: {  	[sflag:s8] =	ssyncset.s32 @!p0 $0xFFFFF086;
	s6 =	sadd.s32 @!p0 s3, s7;
	s7 =	simm.s32 @!p0 $0x108  }
0x21: {  	s3 =	sadd.s32 s3, s9;
	s6 =	sadd.s32 @!p0 $0x88, s6;
	s7 =	simm.s32 @p2 $0x1082  }
0x22: {  	[simem:s7], [sflag:s8] =	dma.local @!p0 [hbm:s6], $0xF7A  }
0x23: {  	s9 =	sor.u32 $0xD0000000, s2;
	s6 =	simm.s32 $0x108;
	_ =	swait.ge @!p0 [sflag:s8], $0x0  }
0x24: {  	s3 =	sadd.s32 $0x88, s3;
	s6 =	simm.s32 @!p1 $0x1082;
	[sflag:s4] =	ssyncset.s32 $0xFFFFF086  }
0x25: {  	[simem:s6], [sflag:s4] =	dma.local [hbm:s3], $0xF7A  }
0x26: {  	[smem:$0x3F91] =	sst s1;
	(tag) =	ssettag s2;
	_ =	strace s9  }
0x27: {  	s1 =	sld [smem:$0x3FA1]  }
0x28: {  	s2 =	sld [smem:$0x3FA2]  }
0x29: {  	s4 =	sld [smem:$0x3FA4]  }
0x2a: {  	p0 =	seq.s32 s5, $0x0;
	s5 =	sld [smem:$0x3FA5]  }
0x2b: {  	s6 =	sld [smem:$0x3FA6]  }
0x2c: {  	s7 =	sld [smem:$0x3FA7]  }
0x2d: {  	s3 =	simm.s32 $0x108;
	s8 =	sld [smem:$0x3FA8]  }
0x2e: {  	s3 =	simm.s32 @!p0 $0x1082;
	s9 =	sld [smem:$0x3FA9]  }
0x2f: {  	lr =	sadd.s32 s0, s3;
	s0 =	sld [smem:$0x3FA0]  }
0x30: {  	s3 =	sld [smem:$0x3FA3]  }
0x31: {  	[smem:$0x3FAC] =	sst s10  }
0x32: {  	s10 =	sld [smem:$0x3FAA];
	_ =	sdelay $0x3  }
0x33: {  	p0 =	seq.s32 s10, $0x1;
	s10 =	sld [smem:$0x3FAC];
	_ =	sdelay $0x3  }
0x34: {  	[smem:$0x3FAC] =	sst s10  }
0x35: {  	s10 =	sld [smem:$0x3FAB];
	_ =	sdelay $0x3  }
0x36: {  	p1 =	seq.s32 s10, $0x1;
	s10 =	sld [smem:$0x3FAC];
	_ =	sdelay $0x3  }
0x37: {  	[smem:$0x3FAC] =	sst s10  }
0x38: {  	s10 =	sld [smem:$0x3FAD]  }
0x39: {  	_ = 	snop;
	(pc) =	sbr.ind lr, $3  }
0x3a: {  	_ = 	snop  }
0x3b: {  	_ = 	snop  }
0x3c: {  	p2 =	seq.s32 s10, $0x1;
	s10 =	sld [smem:$0x3FAC]  }
0x3d: {  	_ =	shalt  }
0x3e: {  	_ =	shalt  }
0x3f: {  	_ =	shalt  }
0x40: {  	_ =	shalt  }
0x41: {  	_ =	shalt  }
0x42: {  	_ =	shalt  }
0x43: {  	_ =	shalt  }
0x44: {  	_ =	shalt  }
0x45: {  	_ =	shalt  }
0x46: {  	_ =	shalt  }
0x47: {  	_ =	shalt  }
0x48: {  	_ =	shalt  }
0x49: {  	_ =	shalt  }
0x4a: {  	_ =	shalt  }
0x4b: {  	_ =	shalt  }
0x4c: {  	_ =	shalt  }
0x4d: {  	_ =	shalt  }
0x4e: {  	_ =	shalt  }
0x4f: {  	_ =	shalt  }
0x50: {  	_ =	shalt  }
0x51: {  	_ =	shalt  }
0x52: {  	_ =	shalt  }
0x53: {  	_ =	shalt  }
0x54: {  	_ =	shalt  }
0x55: {  	_ =	shalt  }
0x56: {  	_ =	shalt  }
0x57: {  	_ =	shalt  }
0x58: {  	_ =	shalt  }
0x59: {  	_ =	shalt  }
0x5a: {  	_ =	shalt  }
0x5b: {  	_ =	shalt  }
0x5c: {  	_ =	shalt  }
0x5d: {  	_ =	shalt  }
0x5e: {  	_ =	shalt  }
0x5f: {  	_ =	shalt  }
0x60: {  	_ =	shalt  }
0x61: {  	_ =	shalt  }
0x62: {  	_ =	shalt  }
0x63: {  	_ =	shalt  }
0x64: {  	_ =	shalt  }
0x65: {  	_ =	shalt  }
0x66: {  	_ =	shalt  }
0x67: {  	_ =	shalt  }
0x68: {  	_ =	shalt  }
0x69: {  	_ =	shalt  }
0x6a: {  	_ =	shalt  }
0x6b: {  	_ =	shalt  }
0x6c: {  	_ =	shalt  }
0x6d: {  	_ =	shalt  }
0x6e: {  	_ =	shalt  }
0x6f: {  	_ =	shalt  }
0x70: {  	_ =	shalt  }
0x71: {  	_ =	shalt  }
0x72: {  	_ =	shalt  }
0x73: {  	_ =	shalt  }
0x74: {  	_ =	shalt  }
0x75: {  	_ =	shalt  }
0x76: {  	_ =	shalt  }
0x77: {  	_ =	shalt  }
0x78: {  	_ =	shalt  }
0x79: {  	_ =	shalt  }
0x7a: {  	_ =	shalt  }
0x7b: {  	_ =	shalt  }
0x7c: {  	_ =	shalt  }
0x7d: {  	_ =	shalt  }
0x7e: {  	_ =	shalt  }
0x7f: {  	_ =	shalt  }
0x80: {  	_ =	shalt  }
0x81: {  	_ =	shalt  }
0x82: {  	_ =	shalt  }
0x83: {  	_ =	shalt  }
0x84: {  	_ =	shalt  }
0x85: {  	_ =	shalt  }
0x86: {  	_ =	shalt  }
0x87: {  	_ =	shalt  }
.Lfunc_end0:
.L_simem_size_0:
called_computation_lowered:
.L_overlay_start_0:
0x88: {  	s0 =	sld [smem:$0x3FD9]  }
0x89: {  	s1 =	sld [smem:$0x3FFE];
	_ =	sdelay $0x3  }
0x8a: {  	s0 =	sadd.s32 s1, s0  }
0x8b: {  	[smem:$0x3FB8] =	sst s0  }
0x8c: {  	_ = 	snop  }
0x8d: {  	(tm) =	ssettm $0x1  }
0x8e: {  	s14 =	sld [smem:$0x3FFB];
	_ =	sdelay $0x3  }
0x8f: {  	_ =	strace s14  }
0x90: {  	s0 =	sld [smem:$0x3FFC];
	_ =	sdelay $0x3  }
0x91: {  	_ =	strace s0  }
0x92: {  	s0 =	sld [smem:$0x3FFD];
	_ =	sdelay $0x3  }
0x93: {  	_ =	strace s0  }
0x94: {  	_ =	strace $0x8FFFFFFF  }
0x95: {  	s15 =	sld [smem:$0x3FDB];
	_ =	sdelay $0x1  }
0x96: {  	s16 =	simm.s32 $_scs_section_size  }
0x97: {  	s2 =	simm.s32 $_size__tile_overlayer_lowered;
	s3 =	simm.s32 $_tile_overlayer_lowered  }
0x98: {  	s4 =	simm.s32 $0x1BFF;
	s17 =	sshll.u32 s3, $0x1;
	s1 =	sadd.s32 s16, s15  }
0x99: {  	s18 =	simm.s32 $0x0;
	s2 =	sshll.u32 s2, $0x1;
	s3 =	sadd.s32 s17, s1  }
0x9a: {  	[timem:s18], [sflag:s4] =	dma.local [hbm:s3], s2  }
0x9b: {  	_ =	swait.ge [sflag:s4], s2  }
0x9c: {  	s2 =	ssub.s32 $0x0, s2;
	[sflag:s4] =	ssyncset.done $0x0  }
0x9d: {  	[sflag:s4] =	ssyncadd.s32 s2;
	_ =	sdelay $0x1  }
0x9e: {  	s19 =	simm.s32 $0x1B8B  }
0x9f: {  	_ =	swait.ge [sflag:s19], $0x1  }
0xa0: {  	[sflag:s19] =	ssyncset.done $0x0  }
0xa1: {  	s21 =	simm.s32 $0x1B8E;
	s20 =	sld [smem:$0x3FFE];
	[sflag:s19] =	ssyncadd.s32 $0xFFFFFFFF  }
0xa2: {  	s22 =	simm.s32 $execute0_lowered;
	[smem:$0x3FD2] =	sst s21  }
0xa3: {  	s3 =	sshll.u32 s22, $0x1;
	_ =	strace $0x80000046;
	[dreg:$0x1] =	wrdreg $0xFFFFFFFF  }
0xa4: {  	s23 =	simm.s32 $_size_execute0_lowered;
	s3 =	sadd.s32 s1, s3;
	[dreg:$0x0] =	wrdreg $0x0  }
0xa5: {  	s4 =	sshll.u32 s23, $0x1;
	[dreg:$0x2] =	wrdreg s3  }
0xa6: {  	[dreg:$0x3] =	wrdreg s4  }
0xa7: {  	[dreg:$0x4] =	wrdreg $0xC0  }
0xa8: {  	s24 =	simm.s32 $execute1_lowered;
	_ =	task [dreg:s18], $0x5FFFF  }
0xa9: {  	s3 =	sshll.u32 s24, $0x1;
	[dreg:$0x1] =	wrdreg $0xFFFFFFFF  }
0xaa: {  	s1 =	sadd.s32 s1, s3;
	[dreg:$0x0] =	wrdreg $0x60  }
0xab: {  	[dreg:$0x2] =	wrdreg s1  }
0xac: {  	[dreg:$0x3] =	wrdreg s20  }
0xad: {  	[dreg:$0x4] =	wrdreg $0x9  }
0xae: {  	_ =	task.clear_ibuf [dreg:s18], $0x5FFFF;
	_ =	strace $0x90000046  }
0xaf: {  	s25 =	simm.s32 $0x9;
	_ =	strace $0x80000048  }
0xb0: {  	_ =	swait.ge [sflag:s25], $0x1  }
0xb1: {  	[sflag:s25] =	ssyncadd.s32 $0xFFFFFFFF  }
0xb2: {  	_ =	strace $0x90000048  }
0xb3: {  	_ =	strace $0x80000049;
	[dreg:$0x1] =	wrdreg $0xFFFFFFFF  }
0xb4: {  	[dreg:$0x0] =	wrdreg $0x2030  }
0xb5: {  	[dreg:$0x2] =	wrdreg s20  }
0xb6: {  	[dreg:$0x3] =	wrdreg $0xA  }
0xb7: {  	_ =	task.clear_ibuf [dreg:s18], $0x4FFFF;
	_ =	strace $0x90000049  }
0xb8: {  	s26 =	simm.s32 $0xA;
	_ =	strace $0x8000004B  }
0xb9: {  	_ =	swait.ge [sflag:s26], $0x1  }
0xba: {  	[sflag:s26] =	ssyncadd.s32 $0xFFFFFFFF  }
0xbb: {  	_ =	strace $0x9000004B  }
0xbc: {  	_ =	sfence  }
0xbd: {  	s28 =	sld [smem:$0x0];
	_ =	sdelay $0x1  }
0xbe: {  	s29 =	srdreg.scid  }
0xbf: {  	s30 =	sshll.u32 s29, $0xD;
	s31 =	sshrl.u32 s29, $0x2  }
0xc0: {  	s2 =	sand.u32 $0x1, s29;
	s3 =	sand.u32 $0x4000, s30;
	s1 =	sadd.s32 s31, s28  }
0xc1: {  	s2 =	sor.u32 s3, s2;
	s1 =	sshll.u32 s1, $0x11  }
0xc2: {  	s1 =	sor.u32 s1, s2  }
0xc3: {  	s1 =	sadd.s32 $0x8F2B, s1  }
0xc4: {  	[sflag:s1] =	ssyncadd.remote.s32 $0x1  }
0xc5: {  	_ =	sfence.sel $0xFFFF  }
0xc6: {  	[dreg:$0x0] =	wrdreg $0xFFFFFFFF;
	(pc) =	sbr.abs _section_cstart, $3  }
0xc7: {  	[dreg:$0x1] =	wrdreg $0xFFFFFFFF  }
0xc8: {  	_ =	task.clear_ibuf [dreg:s18], $0x2FFFF;
	_ =	strace $0x9FFFFFFF  }
0xc9: {  	(tm) =	ssettm $0x7FFFFFFF  }
tec
execute0_lowered:
.L_overlay_start_1:
0x0: {  	(tag) =	ssettag $0x1  }
0x1: {  	s2 =	rddreg [dreg:$0x0]  }
0x2: {  	s5 =	rddreg [dreg:$0x1]  }
0x3: {  	s0 =	rddreg [dreg:$0x2];
	s3 =	stileid.u32  }
0x4: {  	[bflag:$0x3] =	sbarrier.arrive $0xFFFF;
	s1 =	simm.s32 $_size_execute1_lowered;
	s31 =	simm.s32 $0x2  }
0x5: {  	s13 =	simm.s32 $0x0;
	s8 =	simm.s32 $0x20;
	s9 =	simm.s32 $0x80  }
0x6: {  	s11 =	simm.s32 $0x0;
	s12 =	simm.s32 $0x0;
	p0 =	sne.s32 s3, $0x0  }
0x7: {  	s1 =	sshll.u32 s1, $0x1;
	s3 =	sshll.u32 s3, $0x9;
	s4 =	simm.s32 @!p0 $0x1C3F  }
.Ltmp0:
0x8: {  	s6 =	simm.s32 @!p0 $0x4060;
	s7 =	ssub.s32 $0xC200, s3;
	(pc) =	sbr.rel .LBB2_1-.Ltmp0, $4  }
0x9: {  	[timem:s6], [sflag:s4] =	dma.local @!p0 [hbm:s2], s1  }
0xa: {  	s10 =	smov.u32 s3;
	s4 =	simm.s32 $0x1;
	_ =	strace $0x80000047  }
0xb: {  	s2 =	sadd.s32 $0x18A800, s5;
	s6 =	sshrl.u32 s7, $0xD;
	[sflag:s4] =	ssyncpa.u1 $0x0  }
0xc: {  	s5 =	sadd.s32 $0x24DE00, s5;
	s7 =	sadd.s32 $0x2, s6;
	[sflag:s31] =	ssyncpa.u1 $0x0  }
.LBB2_5:
0xd: {  	_ =	sdelay $0x3  }
0xe: {  	[tilespmem:v1+s16+$0x0 ss:$0x1] =	vst.idx.msk $0xffff, v2  }
.LBB2_6:
0xf: {  	s16 =	sand.u32 $0x1FFFFFF, s11  }
0x10: {  	s17 =	smulhi.u32 $0x14F8B59, s16;
	_ =	sdelay $0x1  }
0x11: {  	s17 =	sshrl.u32 s17, $0x8  }
0x12: {  	s17 =	smul.u32 $0xC350, s17;
	_ =	sdelay $0x1  }
0x13: {  	s16 =	ssub.s32 s16, s17  }
0x14: {  	s16 =	sshll.u32 s16, $0x4  }
0x15: {  	s16 =	sadd.s32 s5, s16  }
0x16: {  	[hbm4b:s16+s8] =	stream.strided.scatter [tilespmem:s15], [sflag:$0x2], s14, s9, s8, $0x38;
	[tilespmem:$0x10000] =	vst v63  }
.LBB2_7:
0x17: {  	p1 =	slt.u32 s12, $0x2  }
0x18: {  	p2 =	sgt.s32 @!p1 s13, $0xC150  }
0x19: {  	s14 =	smov.u32 s13;
	s15 =	sshra.s32 @!p1 s13, $0x1F;
	p2 =	por !p2, p1  }
0x1a: {  	s13 =	sand.u32 @!p1 s15, s13;
	s14 =	simm.s32 @p2 $0xC150  }
0x1b: {  	s13 =	ssub.s32 @!p1 s14, s13  }
0x1c: {  	s13 =	sadd.s32 @!p1 $0xFFFF3EB0, s13  }
0x1d: {  	s14 =	sshll.u32 @!p1 s13, $0x7  }
0x1e: {  	p2 =	sgt.s32 @!p1 s13, $0x1FF;
	s13 =	ssub.s32 @!p1 $0x10000, s14  }
0x1f: {  	s15 =	sadd.s32 $0x2000, s10;
	p2 =	por !p2, p1;
	s13 =	sshrl.u32 @!p1 s13, $0x2  }
0x20: {  	s13 =	simm.s32 @!p2 $0x0;
	p2 =	sgt.s32 s15, $0xC34F  }
0x21: {  	s15 =	smov.u32 @p2 s3;
	p2 =	sne.s32 s12, s7  }
.Ltmp1:
0x22: {  	_ = 	snop;
	(pc) =	sbr.rel @!p2 .LBB2_8-.Ltmp1, $4  }
0x23: {  	s14 =	simm.s32 @!p1 $0x2  }
0x24: {  	_ =	swait.ge @!p1 [sflag:s14], s13;
	s16 =	ssub.s32 @!p1 $0x0, s13  }
0x25: {  	s13 =	smov.u32 s11;
	s12 =	sadd.s32 $0x1, s12;
	[sflag:s14] =	ssyncset.done @!p1 $0x0  }
0x26: {  	s11 =	smov.u32 s10;
	s10 =	smov.u32 s15;
	[sflag:s14] =	ssyncadd.s32 @!p1 s16  }
.LBB2_1:
0x27: {  	p1 =	sgt.u32 s12, s6  }
0x28: {  	s15 =	smov.u32 s10;
	p2 =	sgt.s32 @!p1 s10, $0xC150  }
0x29: {  	s14 =	sand.u32 @!p1 $0x1FFFFFF, s10;
	s16 =	sshra.s32 @!p1 s10, $0x1F;
	p2 =	por !p2, p1  }
0x2a: {  	s17 =	smulhi.u32 @!p1 $0x14F8B59, s14;
	s16 =	sand.u32 @!p1 s16, s10;
	s15 =	simm.s32 @p2 $0xC150  }
0x2b: {  	s15 =	ssub.s32 @!p1 s15, s16  }
0x2c: {  	s16 =	sshrl.u32 @!p1 s17, $0x8;
	s15 =	sadd.s32 @!p1 $0xFFFF3EB0, s15  }
0x2d: {  	s17 =	sxor.u32 @!p1 $0xFFFFFFFF, s12;
	s16 =	smul.u32 @!p1 $0xC350, s16;
	s18 =	sshll.u32 @!p1 s15, $0x7  }
0x2e: {  	s17 =	sshll.u32 @!p1 s17, $0xE;
	p2 =	sgt.s32 @!p1 s15, $0x1FF;
	s15 =	ssub.s32 @!p1 $0x10000, s18  }
0x2f: {  	s14 =	ssub.s32 @!p1 s14, s16;
	p2 =	por !p2, p1;
	s16 =	sand.u32 @!p1 $0x4000, s17  }
0x30: {  	s17 =	simm.s32 @!p1 $0x20;
	s15 =	sshrl.u32 @!p1 s15, $0x2;
	s14 =	sshll.u32 @!p1 s14, $0x4  }
0x31: {  	s18 =	simm.s32 @!p1 $0x80;
	s15 =	simm.s32 @!p2 $0x0;
	s14 =	sadd.s32 @!p1 s2, s14  }
0x32: {  	[tilespmem:s16], [sflag:$0x1] =	stream.strided.gather @!p1 [hbm4b:s14+s17], s15, s18, s17, $0x38;
	[tilespmem:$0x10000] =	vst v63  }
0x33: {  	p1 =	seq.s32 s12, $0x0  }
0x34: {  	p2 =	sge.u32 @!p1 s12, s7  }
0x35: {  	p1 =	por p1, p2  }
.Ltmp2:
0x36: {  	_ = 	snop;
	(pc) =	sbr.rel @p1 .LBB2_7-.Ltmp2, $1  }
0x37: {  	_ =	sdelay $0x3  }
0x38: {  	p1 =	sgt.s32 s11, $0xC150;
	s14 =	smov.u32 s11;
	s15 =	sshra.s32 s11, $0x1F  }
0x39: {  	s14 =	simm.s32 @!p1 $0xC150;
	s15 =	sand.u32 s15, s11  }
0x3a: {  	s14 =	ssub.s32 s14, s15  }
0x3b: {  	s14 =	sadd.s32 $0xFFFF3EB0, s14  }
0x3c: {  	s31 =	sshll.u32 s14, $0x7  }
0x3d: {  	s15 =	ssub.s32 $0x10000, s31  }
0x3e: {  	p1 =	sgt.s32 s14, $0x1FF;
	s14 =	sshrl.u32 s15, $0x2;
	s15 =	sadd.s32 $0x200, s11  }
0x3f: {  	s14 =	simm.s32 @p1 $0x0;
	p1 =	slt.s32 s15, $0xC350  }
0x40: {  	s15 =	simm.s32 @!p1 $0xC350  }
0x41: {  	s17 =	ssub.s32 s15, s11  }
0x42: {  	p1 =	slt.s32 s17, $0x1  }
.Ltmp3:
0x43: {  	_ = 	snop;
	(pc) =	sbr.rel @p1 .LBB2_6-.Ltmp3, $4  }
0x44: {  	_ = 	snop  }
0x45: {  	s16 =	sshll.u32 s12, $0xE;
	_ =	swait.ge [sflag:s4], s14  }
0x46: {  	s16 =	sand.u32 $0x4000, s16;
	s18 =	ssub.s32 $0x0, s14;
	[sflag:s4] =	ssyncset.done $0x0  }
0x47: {  	s15 =	sor.u32 $0x8000, s16;
	[sflag:s4] =	ssyncadd.s32 s18  }
0x48: {  	v0 =	vmov s16;
	_ =	sdelay $0x2  }
0x49: {  	s31 =	simm.s32 $0x0;
	p1 =	sne.s32 s17, $0x1  }
.Ltmp4:
0x4a: {  	s16 =	sand.u32 $0x3FE0, s31;
	(pc) =	sbr.rel @!p1 .LBB2_5-.Ltmp4, $2  }
0x4b: {  	v1 =	vmov s15;
	v2 =	vld.idx.msk [tilespmem:v0+s16+$0x0 ss:$0x1], $0xffff;
	_ =	sdelay $0x2  }
0x4c: {  	s17 =	sadd.s32 $0xFFFFFFFF, s17;
	s18 =	simm.s32 $0x20  }
.LBB2_4:
0x4d: {  	s19 =	sand.u32 $0x3FE0, s18;
	p1 =	sne.s32 s17, $0x1;
	s17 =	sadd.s32 $0xFFFFFFFF, s17  }
.Ltmp5:
0x4e: {  	[tilespmem:v1+s16+$0x0 ss:$0x1] =	vst.idx.msk $0xffff, v2;
	v2 =	vld.idx.msk [tilespmem:v0+s19+$0x0 ss:$0x1], $0xffff;
	s16 =	smov.u32 s19;
	(pc) =	sbr.rel @p1 .LBB2_4-.Ltmp5, $2  }
0x4f: {  	_ =	sdelay $0x2  }
0x50: {  	s18 =	sadd.s32 $0x20, s18  }
.Ltmp6:
0x51: {  	_ = 	snop;
	(pc) =	sbr.rel .LBB2_5-.Ltmp6, $1  }
0x52: {  	_ =	sdelay $0x3  }
.LBB2_8:
0x53: {  	_ =	sfence.sel $0x180000  }
0x54: {  	s2 =	simm.s32 $0x1;
	[bflag:$0x0] =	sbarrier.arrive $0xFFFF  }
0x55: {  	s31 =	simm.s32 $0x2;
	[sflag:s2] =	ssyncpa.u1 $0x1  }
0x56: {  	[sflag:s31] =	ssyncpa.u1 $0x1  }
0x57: {  	_ =	strace $0x90000047  }
0x58: {  	s0 =	sadd.s32 @!p0 $0x100000, s0;
	[bflag:$0x2] =	sbarrier.arrive $0xFFFF  }
0x59: {  	[sflag:s0] =	ssyncadd.tile.s32 @!p0 $0x1;
	s0 =	simm.s32 @!p0 $0x3F  }
0x5a: {  	_ =	swait.ge @!p0 [sflag:s0], s1  }
0x5b: {  	s1 =	ssub.s32 @!p0 $0x0, s1;
	[sflag:s0] =	ssyncset.done @!p0 $0x0  }
0x5c: {  	[sflag:s0] =	ssyncadd.s32 @!p0 s1  }
0x5d: {  	[bflag:$0x3] =	sbarrier.arrive $0xFFFF  }
0x5e: {  	_ =	shalt  }
.Lfunc_end2:
execute1_lowered:
.L_overlay_start_2:
0x5f: {  	(tag) =	ssettag $0x2  }
0x60: {  	s8 =	rddreg [dreg:$0x0];
	_ =	strace $0x8000004A;
	s11 =	simm.s32 $0x1  }
0x61: {  	v0 =	vimm.s32 $0x0;
	[sflag:s11] =	ssyncpa.u1 $0x0  }
0x62: {  	[tilespmem:$0x28] =	vst v0  }
0x63: {  	[tilespmem:$0x38] =	vst v0  }
0x64: {  	[tilespmem:$0x48] =	vst v0  }
0x65: {  	[tilespmem:$0x58] =	vst v0  }
0x66: {  	[tilespmem:$0x68] =	vst v0  }
0x67: {  	[tilespmem:$0x78] =	vst v0  }
0x68: {  	[tilespmem:$0x88] =	vst v0  }
0x69: {  	[tilespmem:$0x98] =	vst v0  }
0x6a: {  	[tilespmem:$0xA8] =	vst v0  }
0x6b: {  	[tilespmem:$0xB8] =	vst v0  }
0x6c: {  	[tilespmem:$0xC8] =	vst v0  }
0x6d: {  	[tilespmem:$0xD8] =	vst v0  }
0x6e: {  	[tilespmem:$0xE8] =	vst v0  }
0x6f: {  	[tilespmem:$0xF8] =	vst v0  }
0x70: {  	[tilespmem:$0x108] =	vst v0  }
0x71: {  	[tilespmem:$0x118] =	vst v0  }
0x72: {  	[tilespmem:$0x128] =	vst v0  }
0x73: {  	[tilespmem:$0x138] =	vst v0  }
0x74: {  	[tilespmem:$0x148] =	vst v0  }
0x75: {  	[tilespmem:$0x158] =	vst v0  }
0x76: {  	[tilespmem:$0x168] =	vst v0  }
0x77: {  	[tilespmem:$0x178] =	vst v0  }
0x78: {  	[tilespmem:$0x188] =	vst v0  }
0x79: {  	[tilespmem:$0x198] =	vst v0  }
0x7a: {  	[tilespmem:$0x1A8] =	vst v0  }
0x7b: {  	[tilespmem:$0x1B8] =	vst v0  }
0x7c: {  	[tilespmem:$0x1C8] =	vst v0  }
0x7d: {  	[tilespmem:$0x1D8] =	vst v0  }
0x7e: {  	[tilespmem:$0x1E8] =	vst v0  }
0x7f: {  	[tilespmem:$0x1F8] =	vst v0  }
0x80: {  	[tilespmem:$0x208] =	vst v0  }
0x81: {  	[tilespmem:$0x218] =	vst v0  }
0x82: {  	[tilespmem:$0x228] =	vst v0  }
0x83: {  	[tilespmem:$0x238] =	vst v0  }
0x84: {  	[tilespmem:$0x248] =	vst v0  }
0x85: {  	[tilespmem:$0x258] =	vst v0  }
0x86: {  	[tilespmem:$0x268] =	vst v0  }
0x87: {  	[tilespmem:$0x278] =	vst v0  }
0x88: {  	[tilespmem:$0x288] =	vst v0  }
0x89: {  	[tilespmem:$0x298] =	vst v0  }
0x8a: {  	[tilespmem:$0x2A8] =	vst v0  }
0x8b: {  	[tilespmem:$0x2B8] =	vst v0  }
0x8c: {  	[tilespmem:$0x2C8] =	vst v0  }
0x8d: {  	[tilespmem:$0x2D8] =	vst v0  }
0x8e: {  	[tilespmem:$0x2E8] =	vst v0  }
0x8f: {  	[tilespmem:$0x2F8] =	vst v0  }
0x90: {  	[tilespmem:$0x308] =	vst v0  }
0x91: {  	[tilespmem:$0x318] =	vst v0  }
0x92: {  	[tilespmem:$0x328] =	vst v0  }
0x93: {  	[tilespmem:$0x338] =	vst v0  }
0x94: {  	[tilespmem:$0x348] =	vst v0  }
0x95: {  	[tilespmem:$0x358] =	vst v0  }
0x96: {  	[tilespmem:$0x368] =	vst v0  }
0x97: {  	[tilespmem:$0x378] =	vst v0  }
0x98: {  	[tilespmem:$0x388] =	vst v0  }
0x99: {  	[tilespmem:$0x398] =	vst v0  }
0x9a: {  	[tilespmem:$0x3A8] =	vst v0  }
0x9b: {  	[tilespmem:$0x3B8] =	vst v0  }
0x9c: {  	[tilespmem:$0x3C8] =	vst v0  }
0x9d: {  	[tilespmem:$0x3D8] =	vst v0  }
0x9e: {  	[tilespmem:$0x3E8] =	vst v0  }
0x9f: {  	[tilespmem:$0x3F8] =	vst v0  }
0xa0: {  	[tilespmem:$0x408] =	vst v0  }
0xa1: {  	[tilespmem:$0x418] =	vst v0  }
0xa2: {  	[tilespmem:$0x428] =	vst v0  }
0xa3: {  	[tilespmem:$0x438] =	vst v0  }
0xa4: {  	[tilespmem:$0x448] =	vst v0  }
0xa5: {  	[tilespmem:$0x458] =	vst v0  }
0xa6: {  	[tilespmem:$0x468] =	vst v0  }
0xa7: {  	[tilespmem:$0x478] =	vst v0  }
0xa8: {  	[tilespmem:$0x488] =	vst v0  }
0xa9: {  	[tilespmem:$0x498] =	vst v0  }
0xaa: {  	[tilespmem:$0x4A8] =	vst v0  }
0xab: {  	[tilespmem:$0x4B8] =	vst v0  }
0xac: {  	[tilespmem:$0x4C8] =	vst v0  }
0xad: {  	[tilespmem:$0x4D8] =	vst v0  }
0xae: {  	[tilespmem:$0x4E8] =	vst v0  }
0xaf: {  	[tilespmem:$0x4F8] =	vst v0  }
0xb0: {  	[tilespmem:$0x508] =	vst v0  }
0xb1: {  	[tilespmem:$0x518] =	vst v0  }
0xb2: {  	[tilespmem:$0x528] =	vst v0  }
0xb3: {  	[tilespmem:$0x538] =	vst v0  }
0xb4: {  	[tilespmem:$0x548] =	vst v0  }
0xb5: {  	[tilespmem:$0x558] =	vst v0  }
0xb6: {  	[tilespmem:$0x568] =	vst v0  }
0xb7: {  	[tilespmem:$0x578] =	vst v0  }
0xb8: {  	[tilespmem:$0x588] =	vst v0  }
0xb9: {  	[tilespmem:$0x598] =	vst v0  }
0xba: {  	[tilespmem:$0x5A8] =	vst v0  }
0xbb: {  	[tilespmem:$0x5B8] =	vst v0  }
0xbc: {  	[tilespmem:$0x5C8] =	vst v0  }
0xbd: {  	[tilespmem:$0x5D8] =	vst v0  }
0xbe: {  	[tilespmem:$0x5E8] =	vst v0  }
0xbf: {  	[tilespmem:$0x5F8] =	vst v0  }
0xc0: {  	[tilespmem:$0x608] =	vst v0  }
0xc1: {  	[tilespmem:$0x618] =	vst v0  }
0xc2: {  	[tilespmem:$0x628] =	vst v0  }
0xc3: {  	[tilespmem:$0x638] =	vst v0  }
0xc4: {  	[tilespmem:$0x648] =	vst v0  }
0xc5: {  	[tilespmem:$0x658] =	vst v0  }
0xc6: {  	[tilespmem:$0x668] =	vst v0  }
0xc7: {  	[tilespmem:$0x678] =	vst v0  }
0xc8: {  	[tilespmem:$0x688] =	vst v0  }
0xc9: {  	[tilespmem:$0x698] =	vst v0  }
0xca: {  	[tilespmem:$0x6A8] =	vst v0  }
0xcb: {  	[tilespmem:$0x6B8] =	vst v0  }
0xcc: {  	[tilespmem:$0x6C8] =	vst v0  }
0xcd: {  	[tilespmem:$0x6D8] =	vst v0  }
0xce: {  	[tilespmem:$0x6E8] =	vst v0  }
0xcf: {  	[tilespmem:$0x6F8] =	vst v0  }
0xd0: {  	[tilespmem:$0x708] =	vst v0  }
0xd1: {  	[tilespmem:$0x718] =	vst v0  }
0xd2: {  	[tilespmem:$0x728] =	vst v0  }
0xd3: {  	[tilespmem:$0x738] =	vst v0  }
0xd4: {  	[tilespmem:$0x748] =	vst v0  }
0xd5: {  	[tilespmem:$0x758] =	vst v0  }
0xd6: {  	[tilespmem:$0x768] =	vst v0  }
0xd7: {  	[tilespmem:$0x778] =	vst v0  }
0xd8: {  	[tilespmem:$0x788] =	vst v0  }
0xd9: {  	[tilespmem:$0x798] =	vst v0  }
0xda: {  	[tilespmem:$0x7A8] =	vst v0  }
0xdb: {  	[tilespmem:$0x7B8] =	vst v0  }
0xdc: {  	[tilespmem:$0x7C8] =	vst v0  }
0xdd: {  	[tilespmem:$0x7D8] =	vst v0  }
0xde: {  	[tilespmem:$0x7E8] =	vst v0  }
0xdf: {  	[tilespmem:$0x7F8] =	vst v0  }
0xe0: {  	[tilespmem:$0x808] =	vst v0  }
0xe1: {  	[tilespmem:$0x818] =	vst v0  }
0xe2: {  	[tilespmem:$0x828] =	vst v0  }
0xe3: {  	[tilespmem:$0x838] =	vst v0  }
0xe4: {  	[tilespmem:$0x848] =	vst v0  }
0xe5: {  	[tilespmem:$0x858] =	vst v0  }
0xe6: {  	[tilespmem:$0x868] =	vst v0  }
0xe7: {  	[tilespmem:$0x878] =	vst v0  }
0xe8: {  	[tilespmem:$0x888] =	vst v0  }
0xe9: {  	[tilespmem:$0x898] =	vst v0  }
0xea: {  	[tilespmem:$0x8A8] =	vst v0  }
0xeb: {  	[tilespmem:$0x8B8] =	vst v0  }
0xec: {  	[tilespmem:$0x8C8] =	vst v0  }
0xed: {  	[tilespmem:$0x8D8] =	vst v0  }
0xee: {  	[tilespmem:$0x8E8] =	vst v0  }
0xef: {  	[tilespmem:$0x8F8] =	vst v0  }
0xf0: {  	[tilespmem:$0x908] =	vst v0  }
0xf1: {  	[tilespmem:$0x918] =	vst v0  }
0xf2: {  	[tilespmem:$0x928] =	vst v0  }
0xf3: {  	[tilespmem:$0x938] =	vst v0  }
0xf4: {  	[tilespmem:$0x948] =	vst v0  }
0xf5: {  	[tilespmem:$0x958] =	vst v0  }
0xf6: {  	[tilespmem:$0x968] =	vst v0  }
0xf7: {  	[tilespmem:$0x978] =	vst v0  }
0xf8: {  	[tilespmem:$0x988] =	vst v0  }
0xf9: {  	[tilespmem:$0x998] =	vst v0  }
0xfa: {  	[tilespmem:$0x9A8] =	vst v0  }
0xfb: {  	[tilespmem:$0x9B8] =	vst v0  }
0xfc: {  	[tilespmem:$0x9C8] =	vst v0  }
0xfd: {  	[tilespmem:$0x9D8] =	vst v0  }
0xfe: {  	[tilespmem:$0x9E8] =	vst v0  }
0xff: {  	[tilespmem:$0x9F8] =	vst v0  }
0x100: {  	[tilespmem:$0xA08] =	vst v0  }
0x101: {  	[tilespmem:$0xA18] =	vst v0  }
0x102: {  	[tilespmem:$0xA28] =	vst v0  }
0x103: {  	[tilespmem:$0xA38] =	vst v0  }
0x104: {  	[tilespmem:$0xA48] =	vst v0  }
0x105: {  	[tilespmem:$0xA58] =	vst v0  }
0x106: {  	[tilespmem:$0xA68] =	vst v0  }
0x107: {  	[tilespmem:$0xA78] =	vst v0  }
0x108: {  	[tilespmem:$0xA88] =	vst v0  }
0x109: {  	[tilespmem:$0xA98] =	vst v0  }
0x10a: {  	[tilespmem:$0xAA8] =	vst v0  }
0x10b: {  	[tilespmem:$0xAB8] =	vst v0  }
0x10c: {  	[tilespmem:$0xAC8] =	vst v0  }
0x10d: {  	[tilespmem:$0xAD8] =	vst v0  }
0x10e: {  	[tilespmem:$0xAE8] =	vst v0  }
0x10f: {  	[tilespmem:$0xAF8] =	vst v0  }
0x110: {  	[tilespmem:$0xB08] =	vst v0  }
0x111: {  	[tilespmem:$0xB18] =	vst v0  }
0x112: {  	[tilespmem:$0xB28] =	vst v0  }
0x113: {  	[tilespmem:$0xB38] =	vst v0  }
0x114: {  	[tilespmem:$0xB48] =	vst v0  }
0x115: {  	[tilespmem:$0xB58] =	vst v0  }
0x116: {  	[tilespmem:$0xB68] =	vst v0  }
0x117: {  	[tilespmem:$0xB78] =	vst v0  }
0x118: {  	[tilespmem:$0xB88] =	vst v0  }
0x119: {  	[tilespmem:$0xB98] =	vst v0  }
0x11a: {  	[tilespmem:$0xBA8] =	vst v0  }
0x11b: {  	[tilespmem:$0xBB8] =	vst v0  }
0x11c: {  	[tilespmem:$0xBC8] =	vst v0  }
0x11d: {  	[tilespmem:$0xBD8] =	vst v0  }
0x11e: {  	[tilespmem:$0xBE8] =	vst v0  }
0x11f: {  	[tilespmem:$0xBF8] =	vst v0  }
0x120: {  	[tilespmem:$0xC08] =	vst v0  }
0x121: {  	[tilespmem:$0xC18] =	vst v0  }
0x122: {  	[tilespmem:$0xC28] =	vst v0  }
0x123: {  	[tilespmem:$0xC38] =	vst v0  }
0x124: {  	[tilespmem:$0xC48] =	vst v0  }
0x125: {  	[tilespmem:$0xC58] =	vst v0  }
0x126: {  	[tilespmem:$0xC68] =	vst v0  }
0x127: {  	[tilespmem:$0xC78] =	vst v0  }
0x128: {  	[tilespmem:$0xC88] =	vst v0  }
0x129: {  	[tilespmem:$0xC98] =	vst v0  }
0x12a: {  	[tilespmem:$0xCA8] =	vst v0  }
0x12b: {  	[tilespmem:$0xCB8] =	vst v0  }
0x12c: {  	[tilespmem:$0xCC8] =	vst v0  }
0x12d: {  	[tilespmem:$0xCD8] =	vst v0  }
0x12e: {  	[tilespmem:$0xCE8] =	vst v0  }
0x12f: {  	[tilespmem:$0xCF8] =	vst v0  }
0x130: {  	[tilespmem:$0xD08] =	vst v0  }
0x131: {  	[tilespmem:$0xD18] =	vst v0  }
0x132: {  	[tilespmem:$0xD28] =	vst v0  }
0x133: {  	[tilespmem:$0xD38] =	vst v0  }
0x134: {  	[tilespmem:$0xD48] =	vst v0  }
0x135: {  	[tilespmem:$0xD58] =	vst v0  }
0x136: {  	[tilespmem:$0xD68] =	vst v0  }
0x137: {  	[tilespmem:$0xD78] =	vst v0  }
0x138: {  	[tilespmem:$0xD88] =	vst v0  }
0x139: {  	[tilespmem:$0xD98] =	vst v0  }
0x13a: {  	[tilespmem:$0xDA8] =	vst v0  }
0x13b: {  	[tilespmem:$0xDB8] =	vst v0  }
0x13c: {  	[tilespmem:$0xDC8] =	vst v0  }
0x13d: {  	[tilespmem:$0xDD8] =	vst v0  }
0x13e: {  	[tilespmem:$0xDE8] =	vst v0  }
0x13f: {  	[tilespmem:$0xDF8] =	vst v0  }
0x140: {  	[tilespmem:$0xE08] =	vst v0  }
0x141: {  	[tilespmem:$0xE18] =	vst v0  }
0x142: {  	[tilespmem:$0xE28] =	vst v0  }
0x143: {  	[tilespmem:$0xE38] =	vst v0  }
0x144: {  	[tilespmem:$0xE48] =	vst v0  }
0x145: {  	[tilespmem:$0xE58] =	vst v0  }
0x146: {  	[tilespmem:$0xE68] =	vst v0  }
0x147: {  	[tilespmem:$0xE78] =	vst v0  }
0x148: {  	[tilespmem:$0xE88] =	vst v0  }
0x149: {  	[tilespmem:$0xE98] =	vst v0  }
0x14a: {  	[tilespmem:$0xEA8] =	vst v0  }
0x14b: {  	[tilespmem:$0xEB8] =	vst v0  }
0x14c: {  	[tilespmem:$0xEC8] =	vst v0  }
0x14d: {  	[tilespmem:$0xED8] =	vst v0  }
0x14e: {  	[tilespmem:$0xEE8] =	vst v0  }
0x14f: {  	[tilespmem:$0xEF8] =	vst v0  }
0x150: {  	[tilespmem:$0xF08] =	vst v0  }
0x151: {  	[tilespmem:$0xF18] =	vst v0  }
0x152: {  	[tilespmem:$0xF28] =	vst v0  }
0x153: {  	[tilespmem:$0xF38] =	vst v0  }
0x154: {  	[tilespmem:$0xF48] =	vst v0  }
0x155: {  	[tilespmem:$0xF58] =	vst v0  }
0x156: {  	[tilespmem:$0xF68] =	vst v0  }
0x157: {  	[tilespmem:$0xF78] =	vst v0  }
0x158: {  	[tilespmem:$0xF88] =	vst v0  }
0x159: {  	[tilespmem:$0xF98] =	vst v0  }
0x15a: {  	[tilespmem:$0xFA8] =	vst v0  }
0x15b: {  	[tilespmem:$0xFB8] =	vst v0  }
0x15c: {  	[tilespmem:$0xFC8] =	vst v0  }
0x15d: {  	[tilespmem:$0xFD8] =	vst v0  }
0x15e: {  	[tilespmem:$0xFE8] =	vst v0  }
0x15f: {  	[tilespmem:$0xFF8] =	vst v0  }
0x160: {  	[tilespmem:$0x1018] =	vst v0  }
0x161: {  	[tilespmem:$0x1098] =	vst v0  }
0x162: {  	[tilespmem:$0x1B28] =	vst v0  }
0x163: {  	[tilespmem:$0x1B18] =	vst v0  }
0x164: {  	[tilespmem:$0x1B08] =	vst v0  }
0x165: {  	[tilespmem:$0x1AF8] =	vst v0  }
0x166: {  	[tilespmem:$0x1AE8] =	vst v0  }
0x167: {  	[tilespmem:$0x1AD8] =	vst v0  }
0x168: {  	[tilespmem:$0x1AC8] =	vst v0  }
0x169: {  	[tilespmem:$0x1AB8] =	vst v0  }
0x16a: {  	[tilespmem:$0x1AA8] =	vst v0  }
0x16b: {  	[tilespmem:$0x1A98] =	vst v0  }
0x16c: {  	[tilespmem:$0x1A88] =	vst v0  }
0x16d: {  	[tilespmem:$0x1A78] =	vst v0  }
0x16e: {  	[tilespmem:$0x1A68] =	vst v0  }
0x16f: {  	[tilespmem:$0x1A58] =	vst v0  }
0x170: {  	[tilespmem:$0x1A48] =	vst v0  }
0x171: {  	[tilespmem:$0x1A38] =	vst v0  }
0x172: {  	[tilespmem:$0x1A28] =	vst v0  }
0x173: {  	[tilespmem:$0x1A18] =	vst v0  }
0x174: {  	[tilespmem:$0x1A08] =	vst v0  }
0x175: {  	[tilespmem:$0x19F8] =	vst v0  }
0x176: {  	[tilespmem:$0x19E8] =	vst v0  }
0x177: {  	[tilespmem:$0x19D8] =	vst v0  }
0x178: {  	[tilespmem:$0x19C8] =	vst v0  }
0x179: {  	[tilespmem:$0x19B8] =	vst v0  }
0x17a: {  	[tilespmem:$0x19A8] =	vst v0  }
0x17b: {  	[tilespmem:$0x1998] =	vst v0  }
0x17c: {  	[tilespmem:$0x1988] =	vst v0  }
0x17d: {  	[tilespmem:$0x1978] =	vst v0  }
0x17e: {  	[tilespmem:$0x1968] =	vst v0  }
0x17f: {  	[tilespmem:$0x1958] =	vst v0  }
0x180: {  	[tilespmem:$0x1948] =	vst v0  }
0x181: {  	[tilespmem:$0x1938] =	vst v0  }
0x182: {  	[tilespmem:$0x1928] =	vst v0  }
0x183: {  	[tilespmem:$0x1918] =	vst v0  }
0x184: {  	[tilespmem:$0x1908] =	vst v0  }
0x185: {  	[tilespmem:$0x18F8] =	vst v0  }
0x186: {  	[tilespmem:$0x18E8] =	vst v0  }
0x187: {  	[tilespmem:$0x18D8] =	vst v0  }
0x188: {  	[tilespmem:$0x18C8] =	vst v0  }
0x189: {  	[tilespmem:$0x18B8] =	vst v0  }
0x18a: {  	[tilespmem:$0x18A8] =	vst v0  }
0x18b: {  	[tilespmem:$0x1898] =	vst v0  }
0x18c: {  	[tilespmem:$0x1888] =	vst v0  }
0x18d: {  	[tilespmem:$0x1878] =	vst v0  }
0x18e: {  	[tilespmem:$0x1868] =	vst v0  }
0x18f: {  	[tilespmem:$0x1858] =	vst v0  }
0x190: {  	[tilespmem:$0x1848] =	vst v0  }
0x191: {  	[tilespmem:$0x1838] =	vst v0  }
0x192: {  	[tilespmem:$0x1828] =	vst v0  }
0x193: {  	[tilespmem:$0x1818] =	vst v0  }
0x194: {  	[tilespmem:$0x1808] =	vst v0  }
0x195: {  	[tilespmem:$0x17F8] =	vst v0  }
0x196: {  	[tilespmem:$0x17E8] =	vst v0  }
0x197: {  	[tilespmem:$0x17D8] =	vst v0  }
0x198: {  	[tilespmem:$0x17C8] =	vst v0  }
0x199: {  	[tilespmem:$0x17B8] =	vst v0  }
0x19a: {  	[tilespmem:$0x17A8] =	vst v0  }
0x19b: {  	[tilespmem:$0x1798] =	vst v0  }
0x19c: {  	[tilespmem:$0x1788] =	vst v0  }
0x19d: {  	[tilespmem:$0x1778] =	vst v0  }
0x19e: {  	[tilespmem:$0x1768] =	vst v0  }
0x19f: {  	[tilespmem:$0x1758] =	vst v0  }
0x1a0: {  	[tilespmem:$0x1748] =	vst v0  }
0x1a1: {  	[tilespmem:$0x1738] =	vst v0  }
0x1a2: {  	[tilespmem:$0x1728] =	vst v0  }
0x1a3: {  	[tilespmem:$0x1718] =	vst v0  }
0x1a4: {  	[tilespmem:$0x1708] =	vst v0  }
0x1a5: {  	[tilespmem:$0x16F8] =	vst v0  }
0x1a6: {  	[tilespmem:$0x16E8] =	vst v0  }
0x1a7: {  	[tilespmem:$0x16D8] =	vst v0  }
0x1a8: {  	[tilespmem:$0x16C8] =	vst v0  }
0x1a9: {  	[tilespmem:$0x16B8] =	vst v0  }
0x1aa: {  	[tilespmem:$0x16A8] =	vst v0  }
0x1ab: {  	[tilespmem:$0x1698] =	vst v0  }
0x1ac: {  	[tilespmem:$0x1688] =	vst v0  }
0x1ad: {  	[tilespmem:$0x1678] =	vst v0  }
0x1ae: {  	[tilespmem:$0x1668] =	vst v0  }
0x1af: {  	[tilespmem:$0x1658] =	vst v0  }
0x1b0: {  	[tilespmem:$0x1648] =	vst v0  }
0x1b1: {  	[tilespmem:$0x1638] =	vst v0  }
0x1b2: {  	[tilespmem:$0x1628] =	vst v0  }
0x1b3: {  	[tilespmem:$0x1618] =	vst v0  }
0x1b4: {  	[tilespmem:$0x1608] =	vst v0  }
0x1b5: {  	[tilespmem:$0x15F8] =	vst v0  }
0x1b6: {  	[tilespmem:$0x15E8] =	vst v0  }
0x1b7: {  	[tilespmem:$0x15D8] =	vst v0  }
0x1b8: {  	[tilespmem:$0x15C8] =	vst v0  }
0x1b9: {  	[tilespmem:$0x15B8] =	vst v0  }
0x1ba: {  	[tilespmem:$0x15A8] =	vst v0  }
0x1bb: {  	[tilespmem:$0x1598] =	vst v0  }
0x1bc: {  	[tilespmem:$0x1588] =	vst v0  }
0x1bd: {  	[tilespmem:$0x1578] =	vst v0  }
0x1be: {  	[tilespmem:$0x1568] =	vst v0  }
0x1bf: {  	[tilespmem:$0x1558] =	vst v0  }
0x1c0: {  	[tilespmem:$0x1548] =	vst v0  }
0x1c1: {  	[tilespmem:$0x1538] =	vst v0  }
0x1c2: {  	[tilespmem:$0x1528] =	vst v0  }
0x1c3: {  	[tilespmem:$0x1518] =	vst v0  }
0x1c4: {  	[tilespmem:$0x1508] =	vst v0  }
0x1c5: {  	[tilespmem:$0x14F8] =	vst v0  }
0x1c6: {  	[tilespmem:$0x14E8] =	vst v0  }
0x1c7: {  	[tilespmem:$0x14D8] =	vst v0  }
0x1c8: {  	[tilespmem:$0x14C8] =	vst v0  }
0x1c9: {  	[tilespmem:$0x14B8] =	vst v0  }
0x1ca: {  	[tilespmem:$0x14A8] =	vst v0  }
0x1cb: {  	[tilespmem:$0x1498] =	vst v0  }
0x1cc: {  	[tilespmem:$0x1488] =	vst v0  }
0x1cd: {  	[tilespmem:$0x1478] =	vst v0  }
0x1ce: {  	[tilespmem:$0x1468] =	vst v0  }
0x1cf: {  	[tilespmem:$0x1458] =	vst v0  }
0x1d0: {  	[tilespmem:$0x1448] =	vst v0  }
0x1d1: {  	[tilespmem:$0x1438] =	vst v0  }
0x1d2: {  	[tilespmem:$0x1428] =	vst v0  }
0x1d3: {  	[tilespmem:$0x1418] =	vst v0  }
0x1d4: {  	[tilespmem:$0x1408] =	vst v0  }
0x1d5: {  	[tilespmem:$0x13F8] =	vst v0  }
0x1d6: {  	[tilespmem:$0x13E8] =	vst v0  }
0x1d7: {  	[tilespmem:$0x13D8] =	vst v0  }
0x1d8: {  	[tilespmem:$0x13C8] =	vst v0  }
0x1d9: {  	[tilespmem:$0x13B8] =	vst v0  }
0x1da: {  	[tilespmem:$0x13A8] =	vst v0  }
0x1db: {  	[tilespmem:$0x1398] =	vst v0  }
0x1dc: {  	[tilespmem:$0x1388] =	vst v0  }
0x1dd: {  	[tilespmem:$0x1378] =	vst v0  }
0x1de: {  	[tilespmem:$0x1368] =	vst v0  }
0x1df: {  	[tilespmem:$0x1358] =	vst v0  }
0x1e0: {  	[tilespmem:$0x1348] =	vst v0  }
0x1e1: {  	[tilespmem:$0x1338] =	vst v0  }
0x1e2: {  	[tilespmem:$0x1328] =	vst v0  }
0x1e3: {  	[tilespmem:$0x1318] =	vst v0  }
0x1e4: {  	[tilespmem:$0x1308] =	vst v0  }
0x1e5: {  	[tilespmem:$0x12F8] =	vst v0  }
0x1e6: {  	[tilespmem:$0x12E8] =	vst v0  }
0x1e7: {  	[tilespmem:$0x12D8] =	vst v0  }
0x1e8: {  	[tilespmem:$0x12C8] =	vst v0  }
0x1e9: {  	[tilespmem:$0x12B8] =	vst v0  }
0x1ea: {  	[tilespmem:$0x12A8] =	vst v0  }
0x1eb: {  	[tilespmem:$0x1298] =	vst v0  }
0x1ec: {  	[tilespmem:$0x1288] =	vst v0  }
0x1ed: {  	[tilespmem:$0x1278] =	vst v0  }
0x1ee: {  	[tilespmem:$0x1268] =	vst v0  }
0x1ef: {  	[tilespmem:$0x1258] =	vst v0  }
0x1f0: {  	[tilespmem:$0x1248] =	vst v0  }
0x1f1: {  	[tilespmem:$0x1238] =	vst v0  }
0x1f2: {  	[tilespmem:$0x1228] =	vst v0  }
0x1f3: {  	[tilespmem:$0x1218] =	vst v0  }
0x1f4: {  	[tilespmem:$0x1208] =	vst v0  }
0x1f5: {  	[tilespmem:$0x11F8] =	vst v0  }
0x1f6: {  	[tilespmem:$0x11E8] =	vst v0  }
0x1f7: {  	[tilespmem:$0x11D8] =	vst v0  }
0x1f8: {  	[tilespmem:$0x11C8] =	vst v0  }
0x1f9: {  	[tilespmem:$0x11B8] =	vst v0  }
0x1fa: {  	[tilespmem:$0x11A8] =	vst v0  }
0x1fb: {  	[tilespmem:$0x1198] =	vst v0  }
0x1fc: {  	[tilespmem:$0x1188] =	vst v0  }
0x1fd: {  	[tilespmem:$0x1178] =	vst v0  }
0x1fe: {  	[tilespmem:$0x1168] =	vst v0  }
0x1ff: {  	[tilespmem:$0x1158] =	vst v0  }
0x200: {  	[tilespmem:$0x1148] =	vst v0  }
0x201: {  	[tilespmem:$0x1138] =	vst v0  }
0x202: {  	[tilespmem:$0x1128] =	vst v0  }
0x203: {  	[tilespmem:$0x1118] =	vst v0  }
0x204: {  	[tilespmem:$0x1108] =	vst v0  }
0x205: {  	[tilespmem:$0x10F8] =	vst v0  }
0x206: {  	s2 =	stileid.u32;
	[tilespmem:$0x10E8] =	vst v0  }
0x207: {  	s3 =	smul.u32 $0xCF90, s2;
	[tilespmem:$0x10D8] =	vst v0  }
0x208: {  	[tilespmem:$0x10C8] =	vst v0  }
0x209: {  	[tilespmem:$0x10B8] =	vst v0;
	s0 =	smin.u32 s3, $0xC28C0  }
0x20a: {  	[tilespmem:$0x10A8] =	vst v0;
	s4 =	sadd.s32 $0xCF90, s0  }
0x20b: {  	s5 =	simm.s32 $0x2;
	[tilespmem:$0x1028] =	vst v0;
	s0 =	ssub.s32 s4, s3  }
0x20c: {  	s29 =	simm.s32 $0x7;
	s13 =	simm.s32 $0x8;
	[tilespmem:$0x1088] =	vst v0;
	p0 =	sgt.s32 s0, $0x0  }
0x20d: {  	s30 =	simm.s32 $0x9;
	p4 =	por $0x0, $0x0;
	[tilespmem:$0x1078] =	vst v0;
	s0 =	simm.s32 @!p0 $0x0  }
0x20e: {  	s14 =	simm.s32 $0xA;
	s18 =	simm.s32 $0x0;
	[tilespmem:$0x1068] =	vst v0;
	s12 =	smulhi.u32 $0x97B426, s0  }
0x20f: {  	s15 =	simm.s32 $0x0;
	s17 =	simm.s32 $0x0;
	s1 =	sadd.s32 $0x24DE00, s8;
	[tilespmem:$0x1058] =	vst v0  }
0x210: {  	s6 =	sadd.s32 $0x93200, s8;
	s7 =	sadd.s32 $0xE82E00, s8;
	[tilespmem:$0x1048] =	vst v0;
	s10 =	smul.u32 $0x1B0, s12  }
.Ltmp7:
0x211: {  	s8 =	sadd.s32 $0xAD200, s8;
	s31 =	sshll.u32 s2, $0x5;
	[tilespmem:$0x1038] =	vst v0;
	(pc) =	sbr.rel .LBB3_1-.Ltmp7, $4  }
0x212: {  	[tilespmem:$0x1008] =	vst v0;
	[sflag:s5] =	ssyncpa.u1 $0x0;
	v0 =	vimm.s32 $0xFFFFFFFF;
	[dreg:$0x2] =	wrdreg s31;
	p0 =	sne.s32 s0, s10  }
0x213: {  	[tilespmem:$0x3648] =	vst v0;
	[sflag:s29] =	ssyncpa.u1 $0x0;
	s16 =	smov.u32 s3;
	s11 =	simm.s32 @!p0 $0x0  }
0x214: {  	[sflag:s13] =	ssyncpa.u1 $0x0;
	s13 =	simm.s32 $0x0;
	s11 =	sadd.s32 s11, s12  }
0x215: {  	v0 =	vlaneseq.u32;
	[sflag:s30] =	ssyncpa.u1 $0x0;
	p0 =	por $0x1, $0x1;
	s12 =	sadd.s32 $0x1, s11  }
.LBB3_18:
0x216: {  	s0 =	simm.s32 $0x2  }
0x217: {  	_ =	swait.ge [sflag:s0], $0x0  }
0x218: {  	[sflag:s0] =	ssyncset.done $0x0;
	s0 =	simm.s32 $0x0  }
.LBB3_19:
0x219: {  	_ =	swait.ge [sflag:s14], s0  }
0x21a: {  	s31 =	ssub.s32 $0x0, s0;
	v1 =	vmov s20;
	vm0 =	veq.s32 v0, $0x0;
	[sflag:s14] =	ssyncset.done $0x0  }
0x21b: {  	vm15 =	veq.s32 v0, $0x2;
	v1 =	vsel vm0, s24, v1;
	[sflag:s14] =	ssyncadd.s32 s31  }
0x21c: {  	v1 =	vsel vm15, s18, v1;
	[sflag:s14] =	ssyncpa.u1 $0x1  }
0x21d: {  	[tilespmem:$0x3648] =	vst v1  }
.LBB3_20:
0x21e: {  	s0 =	sadd.s32 $0x1B0, s16  }
0x21f: {  	s2 =	smov.u32 s3;
	p1 =	slt.s32 s0, s4  }
0x220: {  	s2 =	smov.u32 @p1 s0;
	p1 =	sne.s32 s17, s12  }
.Ltmp8:
0x221: {  	_ = 	snop;
	(pc) =	sbr.rel @!p1 .LBB3_21-.Ltmp8, $4  }
0x222: {  	_ = 	snop  }
0x223: {  	s18 =	smov.u32 s15  }
0x224: {  	s31 =	sadd.s32 $0x1, s17;
	s15 =	smov.u32 s16;
	p0 =	por !p0, !p0  }
0x225: {  	p4 =	por !p4, !p4;
	s17 =	smov.u32 s31;
	s16 =	smov.u32 s2  }
.LBB3_1:
0x226: {  	p2 =	sge.u32 s17, s11  }
0x227: {  	s0 =	smulhi.u32 @!p2 $0xAAAAAAAB, s17  }
0x228: {  	s19 =	smov.u32 s16;
	p3 =	sgt.s32 @!p2 s16, $0xCF6A0  }
0x229: {  	s20 =	sshra.s32 @!p2 s16, $0x1F;
	p3 =	por !p3, p2;
	s0 =	sshrl.u32 @!p2 s0, $0x1  }
0x22a: {  	s20 =	sand.u32 @!p2 s20, s16;
	s19 =	simm.s32 @p3 $0xCF6A0;
	s0 =	smul.u32 @!p2 $0x3, s0  }
0x22b: {  	s19 =	ssub.s32 @!p2 s19, s20  }
0x22c: {  	s19 =	sadd.s32 @!p2 $0xFFF30960, s19;
	s0 =	ssub.s32 @!p2 s17, s0  }
0x22d: {  	s20 =	sshll.u32 @!p2 s19, $0x2;
	p3 =	sgt.s32 @!p2 s19, $0x1AF;
	s0 =	smul.u32 @!p2 $0x6C0, s0  }
0x22e: {  	s21 =	sand.u32 @!p2 $0x7, s16;
	s19 =	ssub.s32 @!p2 $0x6C0, s20;
	p3 =	por !p3, p2  }
0x22f: {  	s20 =	sshrl.u32 @!p2 s16, $0x3;
	s19 =	sshrl.u32 @!p2 s19, $0x2;
	s0 =	sshrl.u32 @!p2 s0, $0x2  }
0x230: {  	s20 =	sadd.s32 @!p2 s8, s20;
	s19 =	simm.s32 @!p3 $0x0;
	s0 =	sadd.s32 @!p2 $0x3878, s0  }
0x231: {  	[tilespmem:s0], [sflag:$0x8] =	stream.linear.gather @!p2 [hbm4b:s20+s21], s19, $0x38;
	[tilespmem:$0x1F0E8] =	vst v63  }
0x232: {  	s20 =	sadd.s32 $0xFFFFFFFF, s17  }
0x233: {  	p2 =	sge.u32 s20, s11  }
0x234: {  	p3 =	sgt.s32 @!p2 s15, $0xCF6A0  }
0x235: {  	s0 =	smov.u32 s15;
	s19 =	sshra.s32 @!p2 s15, $0x1F;
	p3 =	por !p3, p2  }
0x236: {  	s19 =	sand.u32 @!p2 s19, s15;
	s0 =	simm.s32 @p3 $0xCF6A0  }
0x237: {  	s0 =	ssub.s32 @!p2 s0, s19  }
0x238: {  	s0 =	sadd.s32 @!p2 $0xFFF30960, s0  }
0x239: {  	s19 =	sshll.u32 @!p2 s0, $0x2  }
0x23a: {  	p3 =	sgt.s32 @!p2 s0, $0x1AF;
	s0 =	ssub.s32 @!p2 $0x6C0, s19  }
0x23b: {  	p3 =	por !p3, p2;
	s0 =	sshrl.u32 @!p2 s0, $0x2  }
0x23c: {  	s21 =	simm.s32 @!p2 $0x8;
	s19 =	sand.u32 @!p2 $0x1, s20;
	s0 =	simm.s32 @!p3 $0x0  }
0x23d: {  	s19 =	smul.u32 @!p2 $0x6C0, s19;
	_ =	swait.ge @!p2 [sflag:s21], s0  }
0x23e: {  	s22 =	ssub.s32 @!p2 $0x0, s0;
	[sflag:s21] =	ssyncset.done @!p2 $0x0  }
0x23f: {  	s19 =	sshrl.u32 @!p2 s19, $0x2;
	[sflag:s21] =	ssyncadd.s32 @!p2 s22;
	s21 =	sshrl.u32 @!p2 s15, $0x3  }
0x240: {  	s19 =	sadd.s32 @!p2 $0x3D88, s19;
	s22 =	sand.u32 @!p2 $0x7, s15;
	s21 =	sadd.s32 @!p2 s6, s21  }
0x241: {  	[tilespmem:s19], [sflag:$0x9] =	stream.linear.gather @!p2 [hbm4b:s21+s22], s0, $0x38;
	[tilespmem:$0x1F0E8] =	vst v63  }
0x242: {  	s19 =	ssub.s32 @!p2 $0xCF850, s15  }
0x243: {  	p3 =	slt.s32 @!p2 s19, $0x1  }
0x244: {  	p3 =	por p2, p3  }
.Ltmp9:
0x245: {  	_ = 	snop;
	(pc) =	sbr.rel @p3 .LBB3_7-.Ltmp9, $1  }
0x246: {  	_ =	sdelay $0x3  }
0x247: {  	s0 =	smulhi.u32 $0xAAAAAAAB, s20;
	_ =	sdelay $0x1  }
0x248: {  	s0 =	sshrl.u32 s0, $0x1  }
0x249: {  	s0 =	smul.u32 $0x3, s0;
	_ =	sdelay $0x1  }
0x24a: {  	s0 =	ssub.s32 s20, s0  }
0x24b: {  	s21 =	simm.s32 $0x1;
	s0 =	smul.u32 $0x6C0, s0  }
.Ltmp10:
0x24c: {  	s21 =	simm.s32 @!p0 $0x0;
	(pc) =	sbr.rel .LBB3_4-.Ltmp10, $4  }
0x24d: {  	s31 =	smul.u32 $0x36000, s21  }
0x24e: {  	p3 =	slt.s32 @!p2 s19, $0x1B0;
	s0 =	sshrl.u32 s0, $0x2  }
0x24f: {  	p2 =	por !p3, p2;
	s20 =	sshrl.u32 s31, $0x2;
	s0 =	sadd.s32 $0x3878, s0  }
0x250: {  	s19 =	simm.s32 @p2 $0x1B0;
	s21 =	simm.s32 $0x0;
	s20 =	sadd.s32 $0x40E8, s20;
	v1 =	vmov s0  }
.LBB3_3:
0x251: {  	p2 =	sge.s32 s21, s19  }
.Ltmp11:
0x252: {  	_ = 	snop;
	(pc) =	sbr.rel @p2 .LBB3_7-.Ltmp11, $2  }
0x253: {  	_ =	sdelay $0x2  }
0x254: {  	s20 =	sadd.s32 $0x800, s20  }
.LBB3_4:
0x255: {  	p2 =	sle.s32 s19, s21  }
.Ltmp12:
0x256: {  	_ = 	snop;
	(pc) =	sbr.rel @p2 .LBB3_3-.Ltmp12, $2  }
0x257: {  	_ =	sdelay $0x2  }
0x258: {  	s22 =	smov.u32 s21;
	s21 =	sadd.s32 $0x10, s21  }
0x259: {  	s0 =	ssub.s32 s19, s22  }
0x25a: {  	p2 =	slt.s32 s0, $0x10  }
0x25b: {  	s0 =	simm.s32 @!p2 $0x10  }
0x25c: {  	v2 =	vmov s0  }
0x25d: {  	vm0 =	vgt.s32 v2, v0;
	_ =	sdelay $0x5  }
0x25e: {  	v2 =	vld.idx.msk [tilespmem:v1+s22+$0x0 ss:$0x1], vm0;
	_ =	sdelay $0x2  }
0x25f: {  	s23 =	smov.u32 s19;
	p2 =	slt.s32 s21, s19  }
0x260: {  	s24 =	smov.u32 s20;
	s25 =	simm.s32 $0x0;
	s23 =	smov.u32 @p2 s21  }
.LBB3_6:
0x261: {  	(v2sf) =	vpush v2, s25;
	_ =	sdelay $0xc  }
0x262: {  	s25 =	sadd.s32 $0x1, s25  }
0x263: {  	s31 =	sadd.s32 s25, s22  }
0x264: {  	p2 =	slt.s32 s31, s23;
	s0 =	spop (v2sf)  }
.Ltmp13:
0x265: {  	s0 =	sshll.u32 s0, $0x4;
	(pc) =	sbr.rel @p2 .LBB3_6-.Ltmp13, $4  }
0x266: {  	s0 =	sand.u32 $0x1FFFFFF0, s0  }
0x267: {  	s0 =	sadd.s32 s7, s0  }
0x268: {  	[tilespmem:s24], [sflag:$0x7] =	stream.linear.gather [hbm4b:s0+s13], $0x4, $0x38;
	[tilespmem:$0x1F0E8] =	vst v63  }
0x269: {  	s24 =	sadd.s32 $0x80, s24  }
.Ltmp14:
0x26a: {  	_ = 	snop;
	(pc) =	sbr.rel .LBB3_3-.Ltmp14, $1  }
0x26b: {  	_ =	sdelay $0x3  }
.LBB3_7:
0x26c: {  	p2 =	slt.u32 s17, $0x2  }
.Ltmp15:
0x26d: {  	_ = 	snop;
	(pc) =	sbr.rel @p2 .LBB3_20-.Ltmp15, $1  }
0x26e: {  	_ =	sdelay $0x3  }
0x26f: {  	p2 =	sgt.s32 s18, $0xCF6A0;
	s0 =	smov.u32 s18  }
0x270: {  	s19 =	sshra.s32 s18, $0x1F;
	s20 =	ssub.s32 $0xCF850, s18;
	s0 =	simm.s32 @!p2 $0xCF6A0  }
0x271: {  	s19 =	sand.u32 s19, s18;
	p2 =	slt.s32 s20, $0x1B0;
	s21 =	smov.u32 s20  }
0x272: {  	s0 =	ssub.s32 s0, s19;
	s21 =	simm.s32 @!p2 $0x1B0  }
0x273: {  	s0 =	sadd.s32 $0xFFF30960, s0;
	s26 =	sshll.u32 s21, $0x2  }
0x274: {  	s2 =	simm.s32 $0x7;
	s28 =	sshll.u32 s0, $0x2;
	s19 =	sand.u32 $0x3FFFFFFC, s26  }
0x275: {  	p2 =	sgt.s32 s0, $0x1AF;
	s29 =	ssub.s32 $0x6C0, s28;
	_ =	swait.ge [sflag:s2], s19  }
0x276: {  	s19 =	ssub.s32 $0x0, s19;
	[sflag:s2] =	ssyncset.done $0x0;
	s0 =	sshrl.u32 s29, $0x2  }
0x277: {  	s30 =	simm.s32 $0x9;
	[sflag:s2] =	ssyncadd.s32 s19;
	s0 =	simm.s32 @p2 $0x0  }
0x278: {  	_ =	swait.ge [sflag:s30], s0  }
0x279: {  	s0 =	ssub.s32 $0x0, s0;
	[sflag:s30] =	ssyncset.done $0x0  }
0x27a: {  	[sflag:s30] =	ssyncadd.s32 s0  }
0x27b: {  	v1 =	vld [tilespmem:$0x3648];
	_ =	sdelay $0x4  }
0x27c: {  	(v2sf) =	vpush v1, $0x0  }
0x27d: {  	(v2sf) =	vpush v1, $0x1  }
0x27e: {  	(v2sf) =	vpush v1, $0x2;
	_ =	sdelay $0x3  }
0x27f: {  	s0 =	sadd.s32 $0x1B0, s18  }
0x280: {  	p2 =	slt.s32 s4, s0  }
0x281: {  	s0 =	smov.u32 @p2 s4;
	p2 =	sgt.s32 s20, $0x0  }
0x282: {  	s22 =	ssub.s32 s0, s18;
	s20 =	simm.s32 @!p2 $0x0  }
0x283: {  	p2 =	slt.s32 s20, s22  }
0x284: {  	s22 =	smov.u32 @p2 s20  }
0x285: {  	s21 =	simm.s32 $0x1;
	p2 =	slt.s32 s22, $0x1  }
.Ltmp16:
0x286: {  	s21 =	simm.s32 @!p4 $0x0;
	(pc) =	sbr.rel @p2 .LBB3_12-.Ltmp16, $4  }
0x287: {  	s31 =	smul.u32 $0x6C0, s21  }
0x288: {  	s23 =	spop (v2sf)  }
0x289: {  	s0 =	sshrl.u32 s31, $0x2;
	s25 =	spop (v2sf)  }
0x28a: {  	s19 =	sadd.s32 $0x3D88, s0;
	s18 =	spop (v2sf)  }
0x28b: {  	s0 =	smin.u32 s22, $0x10  }
0x28c: {  	v1 =	vmov s0  }
0x28d: {  	p3 =	sgt.s32 s22, $0x10;
	vm1 =	vgt.u32 v1, v0  }
.Ltmp17:
0x28e: {  	_ = 	snop;
	(pc) =	sbr.rel @!p3 .LBB3_11-.Ltmp17, $2  }
0x28f: {  	_ =	sdelay $0x2  }
0x290: {  	s24 =	simm.s32 $0x10;
	s26 =	sadd.s32 $0xFFFFFFF0, s22;
	s20 =	smov.u32 s19;
	vm0 =	vmmov vm1  }
.LBB3_10:
0x291: {  	s0 =	smin.u32 s26, $0x10;
	s24 =	sadd.s32 $0x10, s24;
	v1 =	vld.msk [tilespmem:s20+$0x0 ss:$0x1], vm1  }
0x292: {  	v2 =	vmov s0;
	p3 =	slt.s32 s24, s22  }
0x293: {  	vm1 =	vgt.u32 v2, v0  }
.Ltmp18:
0x294: {  	(pc) =	sbr.rel @p3 .LBB3_10-.Ltmp18, $3  }
0x295: {  	_ =	sdelay $0x1  }
0x296: {  	v1 =	vshll.u32 v1, $0x4  }
0x297: {  	s26 =	sadd.s32 $0xFFFFFFF0, s26;
	[tilespmem:s20+$0x0] =	vst.msk vm0, v1;
	s20 =	sadd.s32 $0x10, s20;
	vm0 =	vmmov vm1  }
.LBB3_11:
0x298: {  	_ =	sdelay $0x4  }
0x299: {  	v1 =	vld.msk [tilespmem:s20+$0x0 ss:$0x1], vm1;
	_ =	sdelay $0x4  }
0x29a: {  	v1 =	vshll.u32 v1, $0x4  }
0x29b: {  	[tilespmem:s20+$0x0] =	vst.msk vm0, v1  }
.LBB3_12:
0x29c: {  	s0 =	sand.u32 $0x1, s17  }
0x29d: {  	s20 =	smul.u32 $0x1B0, s0  }
0x29e: {  	p3 =	sne.s32 s25, $0xFFFFFFFF  }
0x29f: {  	v1 =	vld.msk @!p3 [tilespmem:s20+$0x3D88], $0x1;
	_ =	sdelay $0x4  }
0x2a0: {  	(v2sf) =	vpush @!p3 v1, $0x0;
	_ =	sdelay $0x9  }
0x2a1: {  	s0 =	smul.u32 $0xD800, s0;
	_ =	sdelay $0x1  }
0x2a2: {  	v1 =	vld.msk @!p3 [tilespmem:s0+$0x40E8], $0xf  }
.Ltmp19:
0x2a3: {  	_ = 	snop;
	(pc) =	sbr.rel @p2 .LBB3_18-.Ltmp19, $4  }
0x2a4: {  	_ = 	snop  }
0x2a5: {  	s24 =	spop @!p3 (v2sf)  }
0x2a6: {  	s18 =	simm.s32 @!p3 $0x0;
	s0 =	simm.s32 @!p3 $0x28;
	s20 =	smov.u32 s24  }
0x2a7: {  	[tilespmem:s0+$0x0] =	vst.msk @!p3 $0xf, v1;
	[sflag:s14] =	ssyncpa.u1 $0x0;
	s24 =	smov.u32 @p3 s23;
	s20 =	smov.u32 @p3 s25  }
0x2a8: {  	v1 =	vld.msk [tilespmem:s19+$0x0], $0x1;
	_ =	sdelay $0x4  }
0x2a9: {  	(v2sf) =	vpush v1, $0x0;
	_ =	sdelay $0xd  }
0x2aa: {  	s0 =	simm.s32 @!p4 $0x0  }
0x2ab: {  	s26 =	smul.u32 $0x36000, s21;
	s25 =	ssub.s32 $0x0, s22;
	s28 =	spop (v2sf)  }
0x2ac: {  	s0 =	simm.s32 @p4 $0x1;
	s23 =	sadd.s32 $0x1, s25;
	p2 =	seq.s32 s24, s28  }
0x2ad: {  	[smem:$0x7FD] =	sst s0;
	s0 =	sshrl.u32 s26, $0x2;
	p3 =	sgt.s32 @!p2 s24, $0x0  }
0x2ae: {  	s21 =	sadd.s32 $0x40E8, s0;
	s0 =	smov.u32 s24;
	p3 =	por !p3, p2  }
0x2af: {  	s0 =	simm.s32 @p3 $0x0;
	p3 =	seq.s32 s23, $0x0  }
.Ltmp20:
0x2b0: {  	_ = 	snop;
	(pc) =	sbr.rel @p3 .LBB3_15-.Ltmp20, $4  }
0x2b1: {  	_ = 	snop  }
0x2b2: {  	s22 =	simm.s32 $0x0;
	s29 =	simm.s32 @!p2 $0x1;
	s0 =	smin.u32 @!p2 s0, $0xC34FF  }
0x2b3: {  	s30 =	simm.s32 @!p2 $0x1B38;
	s29 =	smov.u32 @p2 s22;
	s26 =	sand.u32 @!p2 $0xFFFF8, s0  }
0x2b4: {  	s31 =	sand.u32 @!p2 $0x7, s0;
	s0 =	sadd.s32 @!p2 s1, s26;
	s26 =	sadd.s32 $0x1, s19  }
.LBB3_14:
0x2b5: {  	s2 =	smov.u32 s29  }
0x2b6: {  	[tilespmem:s30], [sflag:$0x2] =	stream.linear.gather @!p2 [hbm4b:s0+s31], $0x4, $0x38;
	[tilespmem:$0x1F0E8] =	vst v63  }
0x2b7: {  	s23 =	sadd.s32 $0x1, s23;
	s0 =	smov.u32 s28;
	v1 =	vld.msk [tilespmem:s26+$0x0], $0x1  }
0x2b8: {  	p3 =	seq.s32 s23, $0x0;
	_ =	sdelay $0x3  }
0x2b9: {  	(v2sf) =	vpush v1, $0x0;
	_ =	sdelay $0xe  }
0x2ba: {  	s28 =	spop (v2sf)  }
0x2bb: {  	p2 =	seq.s32 s0, s28  }
0x2bc: {  	p4 =	sgt.s32 @!p2 s0, $0x0;
	s30 =	sshll.u32 @!p2 s29, $0x6;
	s29 =	sadd.s32 @!p2 $0x1, s29  }
.Ltmp21:
0x2bd: {  	p4 =	por !p4, p2;
	s30 =	sshra.s32 @!p2 s30, $0x2;
	(pc) =	sbr.rel @!p3 .LBB3_14-.Ltmp21, $4  }
0x2be: {  	s29 =	smov.u32 @p2 s2;
	s0 =	simm.s32 @p4 $0x0;
	s30 =	sadd.s32 @!p2 $0x1B38, s30  }
0x2bf: {  	s0 =	smin.u32 @!p2 s0, $0xC34FF  }
0x2c0: {  	s2 =	sand.u32 @!p2 $0xFFFF8, s0;
	s31 =	sand.u32 @!p2 $0x7, s0  }
0x2c1: {  	s26 =	sadd.s32 $0x1, s26;
	s0 =	sadd.s32 @!p2 s1, s2  }
.LBB3_15:
0x2c2: {  	[tilespmem:s30], [sflag:$0x2] =	stream.linear.gather @!p2 [hbm4b:s0+s31], $0x4, $0x38;
	[tilespmem:$0x1F0E8] =	vst v63  }
0x2c3: {  	s31 =	sshll.u32 s29, $0x2  }
0x2c4: {  	s2 =	simm.s32 $0x2;
	s0 =	sand.u32 $0x3FFFFFFC, s31  }
0x2c5: {  	_ =	swait.ge [sflag:s2], s0  }
0x2c6: {  	s0 =	ssub.s32 $0x0, s0;
	[sflag:s2] =	ssyncset.done $0x0  }
0x2c7: {  	[sflag:s2] =	ssyncadd.s32 s0  }
0x2c8: {  	v1 =	vld.msk [tilespmem:s19+$0x0], $0x1;
	_ =	sdelay $0x4  }
0x2c9: {  	(v2sf) =	vpush v1, $0x0;
	_ =	sdelay $0xe  }
0x2ca: {  	s23 =	spop (v2sf)  }
0x2cb: {  	p2 =	sne.s32 s24, s23  }
0x2cc: {  	p4 =	sne.s32 @p2 s24, s20  }
0x2cd: {  	p3 =	por !p4, !p2  }
0x2ce: {  	s0 =	sshll.u32 @!p3 s18, $0x6;
	s2 =	simm.s32 @!p3 $0x0  }
0x2cf: {  	s0 =	sshra.s32 @!p3 s0, $0x2;
	v1 =	vld.msk @!p3 [tilespmem:s2+$0x1B38], $0xf  }
0x2d0: {  	v2 =	vld.msk @!p3 [tilespmem:s0+$0x28], $0xf;
	_ =	sdelay $0x1  }
0x2d1: {  	p5 =	sgt.u32 @!p3 s24, $0xC34FF  }
0x2d2: {  	p6 =	por @p2 p5, !p4  }
0x2d3: {  	p1 =	por p6, !p2;
	p6 =	por p4, !p2  }
0x2d4: {  	s26 =	sadd.s32 @!p3 $0x28, s0;
	s2 =	sand.u32 @!p1 $0xFFFF8, s24;
	s28 =	sshll.u32 @!p6 s18, $0x6;
	v1 =	vmax.f32 @!p3 v1, v2  }
0x2d5: {  	s24 =	sand.u32 @!p1 $0x7, s24;
	s2 =	sadd.s32 @!p1 s1, s2;
	[tilespmem:s0+$0x28] =	vst.msk @!p3 $0xf, v1;
	s0 =	sshra.s32 @!p6 s28, $0x2  }
0x2d6: {  	[hbm4b:s2+s24] =	stream.linear.scatter @!p1 [tilespmem:s26], [sflag:$0xA], $0x4, $0x38;
	[tilespmem:$0x1F0E8] =	vst v63  }
0x2d7: {  	s29 =	rddreg [dreg:$0x2];
	s0 =	sadd.s32 @!p6 $0x28, s0;
	s2 =	simm.s32 @!p6 $0x1  }
0x2d8: {  	[spmem:s29] =	stream.linear.scatter @!p6 [tilespmem:s0], [sflag:$0x1], $0x4, $0x38;
	[tilespmem:$0x1F0E8] =	vst v63  }
0x2d9: {  	s0 =	sadd.s32 @p2 $0x1, s18;
	_ =	swait.ge @!p6 [sflag:s2], $0x4  }
0x2da: {  	s24 =	sshrl.u32 @p2 s0, $0x4;
	[sflag:s2] =	ssyncset.done @!p6 $0x0  }
0x2db: {  	s26 =	smulhi.u32 @p2 $0x97B425F, s24;
	[sflag:s2] =	ssyncadd.s32 @!p6 $0xFFFFFFFC  }
0x2dc: {  	v1 =	vld.msk @p2 [tilespmem:s21+$0x0], $0xf  }
0x2dd: {  	p1 =	por @p2 !p5, !p4;
	s24 =	sadd.s32 $0x1, s25;
	s2 =	smul.u32 @p2 $0x1B0, s26  }
0x2de: {  	p1 =	por !p1, !p2;
	p6 =	seq.s32 s24, $0x0  }
.Ltmp22:
0x2df: {  	s26 =	simm.s32 @!p3 $0x0;
	s0 =	ssub.s32 @p2 s0, s2;
	(pc) =	sbr.rel @p6 .LBB3_17-.Ltmp22, $4  }
0x2e0: {  	s26 =	simm.s32 @!p1 $0x10;
	s28 =	sshll.u32 @p2 s0, $0x4  }
0x2e1: {  	s29 =	simm.s32 @p2 $0x1;
	s2 =	sshll.u32 @!p2 s18, $0x6;
	s26 =	sadd.s32 @!p3 $0x0, s26;
	[tilespmem:s28+$0x28] =	vst.msk @p2 $0xf, v1  }
0x2e2: {  	s25 =	simm.s32 $0x0;
	s26 =	smov.u32 @p3 s22;
	s28 =	sshra.s32 @!p2 s2, $0x2;
	v1 =	vld.msk @!p2 [tilespmem:s21+$0x0], $0xf  }
0x2e3: {  	s25 =	smov.u32 @p2 s29;
	s18 =	smov.u32 @p2 s0;
	s22 =	smov.u32 @p2 s26;
	v2 =	vld.msk @!p2 [tilespmem:s28+$0x28], $0xf  }
.LBB3_16:
0x2e4: {  	_ =	sdelay $0x3  }
0x2e5: {  	v1 =	vmax.f32 @!p2 v1, v2  }
0x2e6: {  	s19 =	sadd.s32 $0x1, s19;
	[tilespmem:s28+$0x28] =	vst.msk @!p2 $0xf, v1  }
0x2e7: {  	v1 =	vld.msk [tilespmem:s19+$0x0], $0x1;
	_ =	sdelay $0x4  }
0x2e8: {  	(v2sf) =	vpush v1, $0x0;
	_ =	sdelay $0xe  }
0x2e9: {  	s26 =	smov.u32 s23;
	s23 =	spop (v2sf)  }
0x2ea: {  	p2 =	sne.s32 s26, s23  }
0x2eb: {  	p5 =	sne.s32 @p2 s26, s20  }
0x2ec: {  	s0 =	sadd.s32 @p2 $0x1, s18;
	p4 =	por !p5, !p2  }
0x2ed: {  	s28 =	sshll.u32 @!p2 s18, $0x6;
	s29 =	sadd.s32 @p2 $0x1, s25;
	s30 =	sshll.u32 @!p4 s25, $0x6  }
0x2ee: {  	s2 =	sshrl.u32 @p2 s0, $0x4;
	s31 =	sshll.u32 @!p4 s18, $0x6;
	s30 =	sshra.s32 @!p4 s30, $0x2  }
0x2ef: {  	p1 =	sgt.u32 @!p4 s26, $0xC34FF;
	s2 =	smulhi.u32 @p2 $0x97B425F, s2;
	s31 =	sshra.s32 @!p4 s31, $0x2;
	v1 =	vld.msk @!p4 [tilespmem:s30+$0x1B38], $0xf  }
0x2f0: {  	s5 =	simm.s32 @!p4 $0x0;
	s25 =	smov.u32 @p2 s29;
	s29 =	rddreg [dreg:$0x2];
	v2 =	vld.msk @!p4 [tilespmem:s31+$0x28], $0xf  }
0x2f1: {  	p6 =	por @p2 p1, !p5;
	p1 =	por @p2 !p1, !p5;
	p5 =	por p5, !p2  }
0x2f2: {  	s30 =	sadd.s32 @!p4 $0x28, s31;
	p6 =	por p6, !p2;
	p1 =	por !p1, !p2  }
0x2f3: {  	s2 =	smul.u32 @p2 $0x1B0, s2;
	s10 =	sshll.u32 @!p5 s18, $0x6;
	s5 =	simm.s32 @!p1 $0x10  }
0x2f4: {  	s9 =	sand.u32 @!p6 $0xFFFF8, s26;
	s26 =	sand.u32 @!p6 $0x7, s26;
	s5 =	sadd.s32 @!p4 s5, s22  }
0x2f5: {  	s9 =	sadd.s32 @!p6 s1, s9;
	s0 =	ssub.s32 @p2 s0, s2;
	s5 =	smov.u32 @p4 s22;
	v1 =	vmax.f32 @!p4 v1, v2  }
0x2f6: {  	s2 =	sshll.u32 @p2 s0, $0x4;
	s22 =	smov.u32 @p2 s5;
	s5 =	sshra.s32 @!p5 s10, $0x2;
	[tilespmem:s31+$0x28] =	vst.msk @!p4 $0xf, v1  }
0x2f7: {  	[hbm4b:s9+s26] =	stream.linear.scatter @!p6 [tilespmem:s30], [sflag:$0xA], $0x4, $0x38;
	[tilespmem:$0x1F0E8] =	vst v63  }
0x2f8: {  	s18 =	smov.u32 @p2 s0;
	s0 =	sadd.s32 @!p5 $0x28, s5;
	s5 =	simm.s32 @!p5 $0x1  }
0x2f9: {  	[spmem:s29] =	stream.linear.scatter @!p5 [tilespmem:s0], [sflag:$0x1], $0x4, $0x38;
	[tilespmem:$0x1F0E8] =	vst v63  }
0x2fa: {  	_ =	swait.ge @!p5 [sflag:s5], $0x4  }
0x2fb: {  	[sflag:s5] =	ssyncset.done @!p5 $0x0  }
0x2fc: {  	s21 =	sadd.s32 $0x80, s21;
	[sflag:s5] =	ssyncadd.s32 @!p5 $0xFFFFFFFC  }
0x2fd: {  	v1 =	vld.msk @p2 [tilespmem:s21+$0x0], $0xf  }
0x2fe: {  	s24 =	sadd.s32 $0x1, s24  }
0x2ff: {  	p3 =	seq.s32 s24, $0x0  }
.Ltmp23:
0x300: {  	_ = 	snop;
	(pc) =	sbr.rel @!p3 .LBB3_16-.Ltmp23, $4  }
0x301: {  	_ = 	snop  }
0x302: {  	[tilespmem:s2+$0x28] =	vst.msk @p2 $0xf, v1  }
0x303: {  	s28 =	sshra.s32 @!p2 s28, $0x2;
	v1 =	vld.msk @!p2 [tilespmem:s21+$0x0], $0xf  }
0x304: {  	v2 =	vld.msk @!p2 [tilespmem:s28+$0x28], $0xf  }
.LBB3_17:
0x305: {  	_ = 	snop  }
.Ltmp24:
0x306: {  	_ = 	snop;
	(pc) =	sbr.rel .LBB3_19-.Ltmp24, $3  }
0x307: {  	s2 =	sld [smem:$0x7FD];
	_ =	sdelay $0x1  }
0x308: {  	v1 =	vmax.f32 @!p2 v1, v2  }
0x309: {  	s0 =	sshrl.u32 s22, $0x2;
	s24 =	smov.u32 s23;
	p4 =	seq.s32 s2, $0x1;
	[tilespmem:s28+$0x28] =	vst.msk @!p2 $0xf, v1  }
.LBB3_21:
0x30a: {  	_ =	sfence.sel $0x180000  }
0x30b: {  	s0 =	simm.s32 $0x7;
	[bflag:$0x0] =	sbarrier.arrive $0xFFFF  }
0x30c: {  	s25 =	simm.s32 $0x8;
	[sflag:s0] =	ssyncpa.u1 $0x1  }
0x30d: {  	s26 =	simm.s32 $0x9;
	[sflag:s25] =	ssyncpa.u1 $0x1  }
0x30e: {  	s28 =	simm.s32 $0x2;
	[sflag:s26] =	ssyncpa.u1 $0x1  }
0x30f: {  	[sflag:s28] =	ssyncpa.u1 $0x1  }
0x310: {  	v0 =	vld [tilespmem:$0x3648];
	_ =	sdelay $0x4  }
0x311: {  	(v2sf) =	vpush v0, $0x0  }
0x312: {  	(v2sf) =	vpush v0, $0x1;
	_ =	sdelay $0x1  }
0x313: {  	(v2sf) =	vpush v0, $0x2;
	_ =	sdelay $0xb  }
0x314: {  	s0 =	spop (v2sf)  }
0x315: {  	s2 =	spop (v2sf)  }
0x316: {  	s3 =	smov.u32 s0;
	p0 =	sne.s32 s0, s2  }
0x317: {  	s4 =	spop (v2sf);
	s3 =	simm.s32 @!p0 $0xFFFFFFFF  }
0x318: {  	v2 =	vimm.s32 $0x1;
	v3 =	vlaneseq.u32;
	p0 =	seq.s32 s4, $0xFFFFFFFF;
	v1 =	vmov s3  }
0x319: {  	s7 =	stileid.u32;
	v0 =	vperm.xlane v0, v2;
	p1 =	sne.s32 @!p0 s0, s2;
	v1 =	vperm.xlane v1, v3  }
0x31a: {  	vm0 =	vcmask $0x3F04;
	s6 =	simm.s32 $0x3648;
	s0 =	simm.s32 @!p0 $0x1;
	p1 =	por !p1, p0  }
0x31b: {  	s3 =	sshll.u32 s7, $0x1;
	s2 =	sshll.u32 @!p0 s4, $0x6;
	s0 =	simm.s32 @p1 $0x0;
	v0 =	vsel vm0, v1, v0  }
0x31c: {  	s5 =	sor.u32 $0x200, s3;
	s2 =	sshra.s32 @!p0 s2, $0x2;
	s0 =	sor.u32 @!p0 s0, s3;
	[tilespmem:$0x3648] =	vst v0  }
0x31d: {  	[spmem:s5] =	stream.linear.scatter [tilespmem:s6], [sflag:$0x1], $0x2, $0x38;
	[tilespmem:$0x1F0E8] =	vst v63  }
0x31e: {  	s2 =	sadd.s32 @!p0 $0x28, s2;
	s0 =	sshll.u32 @!p0 s0, $0x4  }
0x31f: {  	[spmem:s0] =	stream.linear.scatter @!p0 [tilespmem:s2], [sflag:$0x1], $0x10, $0x38;
	[tilespmem:$0x1F0E8] =	vst v63  }
0x320: {  	s0 =	simm.s32 @!p0 $0x12  }
0x321: {  	s3 =	simm.s32 $0x1;
	s0 =	simm.s32 @p0 $0x2  }
0x322: {  	_ =	swait.ge [sflag:s3], s0  }
0x323: {  	s0 =	ssub.s32 $0x0, s0;
	[sflag:s3] =	ssyncset.done $0x0  }
0x324: {  	[sflag:s3] =	ssyncadd.s32 s0  }
0x325: {  	_ =	sfence.stream.spmem  }
0x326: {  	s29 =	simm.s32 $0x3;
	[bflag:$0x0] =	sbarrier.arrive $0xFFFF  }
0x327: {  	s30 =	simm.s32 $0x4;
	[sflag:s29] =	ssyncpa.u1 $0x1  }
0x328: {  	s31 =	simm.s32 $0x3C;
	[sflag:s30] =	ssyncpa.u1 $0x1  }
0x329: {  	p0 =	sne.s32 s7, $0x0;
	[sflag:s31] =	ssyncpa.u1 $0x1  }
0x32a: {  	_ =	sfence @p0  }
0x32b: {  	[sflag:s3] =	ssyncpa.u1 @p0 $0x1  }
0x32c: {  	_ =	strace @p0 $0x9000004A  }
0x32d: {  	[bflag:$0x2] =	sbarrier.arrive @p0 $0xFFFF  }
0x32e: {  	_ =	shalt @p0  }
.LBB3_22:
0x32f: {  	_ =	sfence.stream.spmem;
	s0 =	simm.s32 $0x5  }
0x330: {  	s2 =	simm.s32 $0x200;
	s3 =	simm.s32 $0x3658;
	[sflag:s0] =	ssyncpa.u1 $0x0  }
0x331: {  	[tilespmem:s3], [sflag:$0x5] =	stream.linear.gather [spmem:s2], $0x20, $0x38;
	[tilespmem:$0x1F0E8] =	vst v63  }
0x332: {  	s30 =	simm.s32 $0x3678;
	s2 =	simm.s32 $0x0  }
0x333: {  	[tilespmem:s30], [sflag:$0x5] =	stream.linear.gather [spmem:s2], $0x200, $0x38;
	[tilespmem:$0x1F0E8] =	vst v63  }
.Ltmp25:
0x334: {  	_ = 	snop;
	(pc) =	sbr.rel .LBB3_23-.Ltmp25, $4  }
0x335: {  	_ =	swait.ge [sflag:s0], $0x220  }
0x336: {  	[sflag:s0] =	ssyncset.done $0x0  }
0x337: {  	s31 =	simm.s32 $0x6;
	[sflag:s0] =	ssyncadd.s32 $0xFFFFFDE0  }
0x338: {  	s3 =	simm.s32 $0x0;
	[sflag:s31] =	ssyncpa.u1 $0x0  }
.LBB3_28:
0x339: {  	p0 =	slt.u32 s4, $0xC3500  }
0x33a: {  	s0 =	sand.u32 @p0 $0xFFFF8, s4  }
0x33b: {  	s4 =	sand.u32 @p0 $0x7, s4;
	s5 =	simm.s32 @p0 $0x3638;
	s0 =	sadd.s32 @p0 s1, s0  }
0x33c: {  	[tilespmem:s5], [sflag:$0x6] =	stream.linear.gather @p0 [hbm4b:s0+s4], $0x4, $0x38;
	[tilespmem:$0x1F0E8] =	vst v63  }
0x33d: {  	s0 =	simm.s32 @p0 $0x6  }
0x33e: {  	_ =	swait.ge @p0 [sflag:s0], $0x4  }
0x33f: {  	[sflag:s0] =	ssyncset.done @p0 $0x0  }
0x340: {  	[sflag:s0] =	ssyncadd.s32 @p0 $0xFFFFFFFC;
	s0 =	sshll.u32 @p0 s3, $0x6  }
0x341: {  	v1 =	vld @p0 [tilespmem:$0x3638];
	s4 =	sshrl.u32 @p0 s0, $0x2  }
0x342: {  	v2 =	vld @p0 [tilespmem:s4+$0x3678];
	_ =	sdelay $0x4  }
0x343: {  	s5 =	sshll.u32 @!p0 s3, $0x6;
	v1 =	vmax.f32 @p0 v1, v2  }
0x344: {  	s5 =	smov.u32 @p0 s0;
	[tilespmem:s4+$0x3678] =	vst @p0 v1  }
0x345: {  	s0 =	sshrl.u32 s5, $0x2;
	[tilespmem:s2+$0x3658] =	vst.msk $0x1, v0  }
0x346: {  	v0 =	vld [tilespmem:s0+$0x3678];
	_ =	sdelay $0x2  }
0x347: {  	s31 =	sshll.u32 s2, $0x6  }
0x348: {  	s0 =	sshra.s32 s31, $0x2  }
0x349: {  	s2 =	sadd.s32 $0x1, s2;
	[tilespmem:s0+$0x3678] =	vst v0  }
.LBB3_30:
0x34a: {  	s3 =	sadd.s32 $0x1, s3  }
0x34b: {  	p0 =	sne.s32 s3, $0x20  }
.Ltmp26:
0x34c: {  	_ = 	snop;
	(pc) =	sbr.rel @!p0 .LBB3_31-.Ltmp26, $1  }
0x34d: {  	_ =	sdelay $0x3  }
.LBB3_23:
0x34e: {  	v0 =	vld.msk [tilespmem:s3+$0x3658], $0x1;
	_ =	sdelay $0x4  }
0x34f: {  	(v2sf) =	vpush v0, $0x0;
	_ =	sdelay $0xe  }
0x350: {  	s4 =	spop (v2sf)  }
0x351: {  	p0 =	seq.s32 s4, $0xFFFFFFFF  }
.Ltmp27:
0x352: {  	_ = 	snop;
	(pc) =	sbr.rel @p0 .LBB3_30-.Ltmp27, $1  }
0x353: {  	_ =	sdelay $0x3  }
0x354: {  	p0 =	slt.s32 s2, $0x1  }
.Ltmp28:
0x355: {  	_ = 	snop;
	(pc) =	sbr.rel @p0 .LBB3_28-.Ltmp28, $1  }
0x356: {  	_ =	sdelay $0x3  }
0x357: {  	s5 =	simm.s32 $0x3658;
	p0 =	por $0x0, $0x0  }
0x358: {  	v1 =	vld.msk @!p0 [tilespmem:s5+$0x0], $0x1;
	_ =	sdelay $0x4  }
0x359: {  	(v2sf) =	vpush @!p0 v1, $0x0;
	_ =	sdelay $0xd  }
0x35a: {  	p2 =	sne.s32 s2, $0x1  }
.Ltmp29:
0x35b: {  	s0 =	spop @!p0 (v2sf);
	(pc) =	sbr.rel @!p2 .LBB3_27-.Ltmp29, $4  }
0x35c: {  	p1 =	seq.s32 @!p0 s4, s0  }
0x35d: {  	s6 =	simm.s32 $0x0;
	p1 =	por !p1, p0  }
0x35e: {  	s0 =	simm.s32 $0xFFFFFFFF;
	s6 =	simm.s32 @p1 $0xFFFFFFFF  }
0x35f: {  	s7 =	simm.s32 $0x1;
	s6 =	smov.u32 @p0 s0  }
.LBB3_26:
0x360: {  	s0 =	smov.u32 s6;
	p0 =	sne.s32 s6, $0xFFFFFFFF  }
0x361: {  	s5 =	sadd.s32 $0x1, s5;
	s6 =	smov.u32 s7;
	s7 =	sadd.s32 $0x1, s7  }
0x362: {  	p1 =	sne.s32 s2, s7;
	v1 =	vld.msk @!p0 [tilespmem:s5+$0x0], $0x1;
	_ =	sdelay $0x4  }
0x363: {  	(v2sf) =	vpush @!p0 v1, $0x0;
	_ =	sdelay $0xe  }
.Ltmp30:
0x364: {  	s8 =	spop @!p0 (v2sf);
	(pc) =	sbr.rel @p1 .LBB3_26-.Ltmp30, $4  }
0x365: {  	p2 =	seq.s32 @!p0 s4, s8  }
0x366: {  	p2 =	por !p2, p0  }
0x367: {  	s6 =	simm.s32 @p2 $0xFFFFFFFF  }
0x368: {  	s6 =	smov.u32 @p0 s0  }
.LBB3_27:
0x369: {  	p0 =	sne.s32 s6, $0xFFFFFFFF  }
.Ltmp31:
0x36a: {  	_ = 	snop;
	(pc) =	sbr.rel @!p0 .LBB3_28-.Ltmp31, $1  }
0x36b: {  	_ =	sdelay $0x3  }
0x36c: {  	s0 =	sshll.u32 s3, $0x4  }
0x36d: {  	s4 =	sshll.u32 s6, $0x6;
	s0 =	sand.u32 $0x3FFFFFF0, s0  }
0x36e: {  	s31 =	sshra.s32 s4, $0x2;
	v0 =	vld [tilespmem:s0+$0x3678]  }
0x36f: {  	v1 =	vld [tilespmem:s31+$0x3678];
	_ =	sdelay $0x1  }
.Ltmp32:
0x370: {  	_ = 	snop;
	(pc) =	sbr.rel .LBB3_30-.Ltmp32, $3  }
0x371: {  	_ =	sdelay $0x1  }
0x372: {  	v0 =	vmax.f32 v0, v1  }
0x373: {  	[tilespmem:s31+$0x3678] =	vst v0  }
.LBB3_31:
0x374: {  	p0 =	slt.s32 s2, $0x1  }
.Ltmp33:
0x375: {  	_ = 	snop;
	(pc) =	sbr.rel @p0 .LBB3_35-.Ltmp33, $3  }
0x376: {  	_ =	sdelay $0x1  }
0x377: {  	s0 =	simm.s32 $0x6  }
0x378: {  	s3 =	simm.s32 $0x0;
	[sflag:s0] =	ssyncpa.u1 $0x1  }
0x379: {  	s0 =	simm.s32 $0x3658  }
0x37a: {  	v0 =	vld.msk [tilespmem:s0+$0x0], $0x1;
	_ =	sdelay $0x4  }
0x37b: {  	(v2sf) =	vpush v0, $0x0;
	_ =	sdelay $0xd  }
0x37c: {  	s2 =	sadd.s32 $0xFFFFFFFF, s2  }
0x37d: {  	p1 =	sne.s32 s2, $0x0;
	s0 =	spop (v2sf)  }
.Ltmp34:
0x37e: {  	p0 =	sgt.u32 s0, $0xC34FF;
	(pc) =	sbr.rel @!p1 .LBB3_34-.Ltmp34, $4  }
0x37f: {  	s4 =	simm.s32 $0x3678;
	s5 =	sand.u32 @!p0 $0xFFFF8, s0  }
0x380: {  	s6 =	simm.s32 $0x0;
	s0 =	sand.u32 @!p0 $0x7, s0;
	s5 =	sadd.s32 @!p0 s1, s5  }
0x381: {  	[hbm4b:s5+s0] =	stream.linear.scatter @!p0 [tilespmem:s4], [sflag:$0x5], $0x4, $0x38;
	[tilespmem:$0x1F0E8] =	vst v63  }
0x382: {  	s6 =	simm.s32 @!p0 $0x10;
	s5 =	simm.s32 $0x3659  }
.LBB3_33:
0x383: {  	v0 =	vld.msk [tilespmem:s5+$0x0], $0x1;
	s2 =	sadd.s32 $0xFFFFFFFF, s2;
	s3 =	sadd.s32 s3, s6  }
0x384: {  	p0 =	sne.s32 s2, $0x0;
	_ =	sdelay $0x3  }
0x385: {  	(v2sf) =	vpush v0, $0x0;
	_ =	sdelay $0xe  }
.Ltmp35:
0x386: {  	s0 =	spop (v2sf);
	(pc) =	sbr.rel @p0 .LBB3_33-.Ltmp35, $4  }
0x387: {  	s6 =	simm.s32 $0x0;
	p1 =	sgt.u32 s0, $0xC34FF  }
0x388: {  	s4 =	sadd.s32 $0x10, s4;
	s6 =	simm.s32 @!p1 $0x10;
	s7 =	sand.u32 @!p1 $0xFFFF8, s0  }
0x389: {  	s5 =	sadd.s32 $0x1, s5;
	s0 =	sand.u32 @!p1 $0x7, s0;
	s7 =	sadd.s32 @!p1 s1, s7  }
0x38a: {  	[hbm4b:s7+s0] =	stream.linear.scatter @!p1 [tilespmem:s4], [sflag:$0x5], $0x4, $0x38;
	[tilespmem:$0x1F0E8] =	vst v63  }
.LBB3_34:
0x38b: {  	s0 =	sadd.s32 s3, s6  }
0x38c: {  	s3 =	sshrl.u32 s0, $0x2  }
.LBB3_35:
0x38d: {  	s0 =	simm.s32 $0x5  }
0x38e: {  	_ =	swait.ge [sflag:s0], s3  }
0x38f: {  	s1 =	ssub.s32 $0x0, s3;
	[sflag:s0] =	ssyncset.done $0x0  }
0x390: {  	[sflag:s0] =	ssyncadd.s32 s1  }
0x391: {  	[sflag:s0] =	ssyncpa.u1 $0x1  }
0x392: {  	s30 =	simm.s32 $0x1;
	_ =	sfence  }
0x393: {  	[sflag:s30] =	ssyncpa.u1 $0x1  }
0x394: {  	_ =	strace $0x9000004A  }
0x395: {  	[bflag:$0x2] =	sbarrier.arrive $0xFFFF  }
0x396: {  	s31 =	rddreg [dreg:$0x1]  }
0x397: {  	s0 =	sadd.s32 $0x100000, s31  }
0x398: {  	[sflag:s0] =	ssyncadd.tile.s32 $0x1;
	_ =	shalt  }
.Lfunc_end3:
_tile_overlayer_lowered:
.L_overlay_start_3:
0x399: {  	(tag) =	ssettag $0x3  }
0x39a: {  	s0 =	rddreg [dreg:$0x0];
	s2 =	stileid.u32  }
0x39b: {  	s1 =	rddreg [dreg:$0x1];
	p0 =	sne.s32 s2, $0x0  }
0x39c: {  	s3 =	rddreg [dreg:$0x2];
	[bflag:$0x3] =	sbarrier.arrive $0xFFFF;
	s2 =	simm.s32 @!p0 $0x1C01  }
0x39d: {  	[timem:s3], [sflag:s2] =	dma.local @!p0 [hbm:s0], s1  }
0x39e: {  	s0 =	simm.s32 @!p0 $0x1  }
0x39f: {  	_ =	swait.ge @!p0 [sflag:s0], s1  }
0x3a0: {  	s1 =	ssub.s32 @!p0 $0x0, s1;
	[sflag:s0] =	ssyncset.done @!p0 $0x0  }
0x3a1: {  	[sflag:s0] =	ssyncadd.s32 @!p0 s1  }
0x3a2: {  	[bflag:$0x3] =	sbarrier.arrive $0xFFFF  }
0x3a3: {  	_ =	shalt  }

</sc_bundles>
